<compile_context>
chip_gen: v7x
topology: tpu7x:2x2x1
jax: 0.10.2.dev20260603
libtpu: 0.0.44.dev20260713+nightly
codegen_flags: <defaults>
</compile_context>

<pallas_src>
import functools

import jax
import jax.numpy as jnp
from jax import lax
from jax.experimental import pallas as pl
from jax.experimental.pallas import tpu as pltpu
from jax.experimental.pallas import tpu_sc as plsc

N = 10000
D = 128
HF = 128
E = 300000
NP = 10240
EP = 301056
CH = 147


BR = 5120
BRP = BR + 16
CQ = 6272
NF = 12


def _hist_body(idx_hbm, zero_hbm, deg_out, buf0, buf1, hist, outv, sh,
               sem0, sem1):
    c = lax.axis_index("c")
    s = lax.axis_index("s")
    a_local = s // 8
    a = c * 2 + a_local
    rng = (s % 8) // 4
    q = s % 4
    base = rng * BR
    lane_off = jax.lax.iota(jnp.int32, 16) * BRP
    zero16 = jnp.zeros((16,), jnp.float32)
    one16 = jnp.ones((16,), jnp.float32)

    @pl.when(s < 12)
    def _z():
        pltpu.sync_copy(zero_hbm, sh.at[pl.ds(s * 16, 16)])

    @pl.loop(0, 16 * BRP // 16)
    def _zv(v):
        hist[pl.ds(v * 16, 16)] = zero16

    bufs = (buf0, buf1)
    sems = (sem0, sem1)

    def fire(g, b):
        pltpu.async_copy(idx_hbm.at[a, q, pl.ds(g * CQ, CQ)], bufs[b],
                         sems[b])

    def wait(b):
        pltpu.make_async_copy(idx_hbm.at[a, q, pl.ds(0, CQ)], bufs[b],
                              sems[b]).wait()

    fire(0, 0)
    for g in range(NF):
        b = g % 2
        if g < NF - 1:
            fire(g + 1, 1 - b)
        wait(b)
        buf = bufs[b]

        @pl.loop(0, CQ // 128)
        def _row(r):
            for k in range(8):
                idx16 = buf[pl.ds(r * 128 + 16 * k, 16)]
                local = (idx16 - base).astype(jnp.uint32)
                loc = jnp.minimum(local, jnp.uint32(BR)).astype(jnp.int32)
                plsc.addupdate_scatter(hist, [loc + lane_off], one16)

    @pl.loop(0, 40)
    def _redr(row):
        @pl.loop(0, 8)
        def _redc(g):
            off = row * 128 + g * 16
            acc = hist[pl.ds(off, 16)]
            for l in range(1, 16):
                acc = acc + hist[pl.ds(l * BRP + off, 16)]
            outv[row, pl.ds(g * 16, 16)] = acc

    @pl.loop(40, 48)
    def _zd(row):
        for g in range(8):
            outv[row, pl.ds(g * 16, 16)] = zero16

    plsc.subcore_barrier()
    t = a_local * 2 + rng
    for k in range(3):
        rowsel = t * 48 + k * 16 + jax.lax.iota(jnp.int32, 16)
        pltpu.sync_copy(outv.at[pl.ds(k * 16, 16)], sh.at[rowsel], add=True)
    plsc.subcore_barrier()

    @pl.when(s < 12)
    def _wout():
        pltpu.sync_copy(sh.at[pl.ds(s * 16, 16)],
                        deg_out.at[c, pl.ds(s * 16, 16)])


_hist = pl.kernel(
    _hist_body,
    out_type=jax.ShapeDtypeStruct((2, 192, 128), jnp.float32),
    mesh=plsc.VectorSubcoreMesh(core_axis_name="c", subcore_axis_name="s"),
    compiler_params=pltpu.CompilerParams(needs_layout_passes=False),
    scratch_types=[
        pltpu.VMEM((CQ,), jnp.int32),
        pltpu.VMEM((CQ,), jnp.int32),
        pltpu.VMEM((16 * BRP,), jnp.float32),
        pltpu.VMEM((48, 128), jnp.float32),
        pltpu.VMEM_SHARED((192, 128), jnp.float32),
        pltpu.SemaphoreType.DMA,
        pltpu.SemaphoreType.DMA,
    ],
)


TEC_E = 18816
ER = 128
EC = TEC_E // ER
NPA = 10016


def _edge_body(m_hbm, sd_hbm, zero_hbm, out_hbm,
               sdb, rb, acc,
               i0, i1, i2, i3, i4, i5, g0, g1, g2, s0, s1, s2):
    c = lax.axis_index("c")
    s = lax.axis_index("s")

    @pl.when(s < 15)
    def _z0():
        pltpu.sync_copy(zero_hbm.at[pl.ds(0, 632)],
                        acc.at[pl.ds(s * 632, 632)])

    @pl.when(s == 15)
    def _z1():
        pltpu.sync_copy(zero_hbm.at[pl.ds(0, 536)],
                        acc.at[pl.ds(15 * 632, 536)])

    plsc.subcore_barrier()

    isems = (i0, i1, i2, i3, i4, i5)
    gsems = (g0, g1, g2)
    ssems = (s0, s1, s2)

    def fetch(j, q):
        pltpu.async_copy(sd_hbm.at[c, s, j], sdb.at[q], isems[q])

    def wait_fetch(q):
        pltpu.make_async_copy(sd_hbm.at[c, s, 0], sdb.at[q],
                              isems[q]).wait()

    def gather(q, b):
        pltpu.async_copy(m_hbm.at[sdb.at[q, 0]], rb.at[b], gsems[b])

    def wait_gather(q, b):
        pltpu.make_async_copy(m_hbm.at[sdb.at[q, 0]], rb.at[b],
                              gsems[b]).wait()

    def scat(q, b):
        pltpu.async_copy(rb.at[b], acc.at[sdb.at[q, 1]], ssems[b], add=True)

    def wait_scat(q, b):
        pltpu.make_async_copy(rb.at[b], acc.at[sdb.at[q, 1]],
                              ssems[b]).wait()

    fetch(0, 0)
    fetch(1, 1)
    fetch(2, 2)

    def step(j, q, b):
        @pl.when(j >= 3)
        def _w():
            wait_scat((q + 3) % 6, b)

        @pl.when(j + 3 < EC)
        def _p():
            fetch(j + 3, (q + 3) % 6)

        wait_fetch(q)
        gather(q, b)

        @pl.when(j >= 1)
        def _s():
            wait_gather((q + 5) % 6, (b + 2) % 3)
            scat((q + 5) % 6, (b + 2) % 3)

    @pl.loop(0, EC)
    def _chunk(j):
        m6 = lax.rem(j, 6)
        for q in range(6):
            @pl.when(m6 == q)
            def _s(q=q):
                step(j, q, q % 3)

    wait_gather((EC - 1) % 6, (EC - 1) % 3)
    scat((EC - 1) % 6, (EC - 1) % 3)
    for j in (EC - 3, EC - 2, EC - 1):
        wait_scat(j % 6, j % 3)
    plsc.subcore_barrier()

    @pl.when(s < 15)
    def _w0():
        pltpu.sync_copy(acc.at[pl.ds(s * 632, 632)],
                        out_hbm.at[c, pl.ds(s * 632, 632)])

    @pl.when(s == 15)
    def _w1():
        pltpu.sync_copy(acc.at[pl.ds(15 * 632, 536)],
                        out_hbm.at[c, pl.ds(15 * 632, 536)])

    plsc.subcore_barrier()


_edge = pl.kernel(
    _edge_body,
    out_type=jax.ShapeDtypeStruct((2, NP, HF), jnp.float32),
    mesh=plsc.VectorSubcoreMesh(core_axis_name="c", subcore_axis_name="s"),
    compiler_params=pltpu.CompilerParams(needs_layout_passes=False),
    scratch_types=[
        pltpu.VMEM((6, 2, ER), jnp.int32),
        pltpu.VMEM((3, ER, HF), jnp.float32),
        pltpu.VMEM_SHARED((NPA, HF), jnp.float32),
        pltpu.SemaphoreType.DMA,
        pltpu.SemaphoreType.DMA,
        pltpu.SemaphoreType.DMA,
        pltpu.SemaphoreType.DMA,
        pltpu.SemaphoreType.DMA,
        pltpu.SemaphoreType.DMA,
        pltpu.SemaphoreType.DMA,
        pltpu.SemaphoreType.DMA,
        pltpu.SemaphoreType.DMA,
        pltpu.SemaphoreType.DMA,
        pltpu.SemaphoreType.DMA,
        pltpu.SemaphoreType.DMA,
    ],
)


BM = 1024


def _mm_body(x_ref, w_ref, deg_ref, o_ref):
    isd = lax.rsqrt(jnp.maximum(deg_ref[0], 1.0))
    o_ref[0] = jnp.dot(x_ref[0], w_ref[0],
                       preferred_element_type=jnp.float32) * isd


_mm = pl.pallas_call(
    _mm_body,
    grid=(2, NP // BM),
    in_specs=[
        pl.BlockSpec((1, BM, D), lambda t, i: (t, i, 0)),
        pl.BlockSpec((1, D, HF), lambda t, i: (t, 0, 0)),
        pl.BlockSpec((1, BM, 1), lambda t, i: (t, i, 0)),
    ],
    out_specs=pl.BlockSpec((1, BM, HF), lambda t, i: (t, i, 0)),
    out_shape=jax.ShapeDtypeStruct((2, NP, HF), jnp.float32),
)


def _fin_body(p_ref, deg_ref, b_ref, o_ref):
    isd = lax.rsqrt(jnp.maximum(deg_ref[0], 1.0))
    o_ref[0] = p_ref[0] * isd + b_ref[0]


_fin = pl.pallas_call(
    _fin_body,
    grid=(2, NP // BM),
    in_specs=[
        pl.BlockSpec((1, BM, HF), lambda t, i: (t, i, 0)),
        pl.BlockSpec((1, BM, 1), lambda t, i: (t, i, 0)),
        pl.BlockSpec((1, 1, HF), lambda t, i: (t, 0, 0)),
    ],
    out_specs=pl.BlockSpec((1, BM, HF), lambda t, i: (t, i, 0)),
    out_shape=jax.ShapeDtypeStruct((2, NP, HF), jnp.float32),
)


def kernel(x_user, x_item, W_clicks, b_clicks, W_rev, b_rev,
           edge_index_clicks, edge_index_rev):
    pad = jnp.full((EP - E,), N, jnp.int32)
    src_c = jnp.concatenate([edge_index_clicks[0].astype(jnp.int32), pad])
    dst_c = jnp.concatenate([edge_index_clicks[1].astype(jnp.int32), pad])
    src_r = jnp.concatenate([edge_index_rev[0].astype(jnp.int32), pad])
    dst_r = jnp.concatenate([edge_index_rev[1].astype(jnp.int32), pad])

    idx_hist = jnp.stack([src_c, dst_c, src_r, dst_r]).reshape(4, 4, EP // 4)
    zero_deg = jnp.zeros((16, 128), jnp.float32)
    deg = _hist(idx_hist, zero_deg)
    deg = deg.reshape(2, 2, 2, 48, 128)[:, :, :, :40].reshape(4, NP)
    deg_src = jnp.stack([deg[0], deg[2]])[:, :, None]
    deg_dst = jnp.stack([deg[1], deg[3]])[:, :, None]

    xpad = ((0, NP - N), (0, 0))
    X = jnp.stack([jnp.pad(x_user, xpad), jnp.pad(x_item, xpad)])
    Wt = jnp.stack([W_clicks, W_rev])
    B = jnp.stack([b_clicks, b_rev])[:, None, :]

    M = _mm(X, Wt, deg_src)
    gsrc = jnp.stack([src_c, src_r + NP]).reshape(2, 16, EC, 1, ER)
    gdst = jnp.stack([dst_c, dst_r]).reshape(2, 16, EC, 1, ER)
    gsd = jnp.concatenate([gsrc, gdst], axis=3)
    zero_rows = jnp.zeros((NP // 16, HF), jnp.float32)
    P = _edge(M.reshape(2 * NP, HF), gsd, zero_rows)
    O = _fin(P, deg_dst, B)
    return (O[1, :N], O[0, :N])

# --- scband reference (transcript-rebuilt; emitter-appended) ---
"""Pipeline reference for scband-hetero-gnnlayer-90615220011363 (READ-ONLY COPY).

The authoritative reference and input builder live on the scoring server;
editing this copy changes nothing except your own understanding.
"""

import jax, jax.numpy as jnp
import numpy as np

N_USER = 10000
N_ITEM = 10000
D = 128
H = 128
E = 300000


def setup_inputs(seed: int = 0) -> dict:
    key = jax.random.key(seed)
    ks = jax.random.split(key, 8)
    x_user = jax.random.normal(ks[0], (N_USER, D), dtype=jnp.float32)
    x_item = jax.random.normal(ks[1], (N_ITEM, D), dtype=jnp.float32)
    edge_index_clicks = jax.random.randint(ks[2], (2, E), 0, N_ITEM, dtype=jnp.int64)  # user->item
    edge_index_rev = jax.random.randint(ks[3], (2, E), 0, N_USER, dtype=jnp.int64)  # item->user
    # Learned params: one GCNConv per edge type (lazy in_channels resolves to D)
    W_clicks = jax.random.normal(ks[4], (D, H), dtype=jnp.float32) * (1.0 / np.sqrt(D))
    b_clicks = jnp.zeros((H,), dtype=jnp.float32)
    W_rev = jax.random.normal(ks[5], (D, H), dtype=jnp.float32) * (1.0 / np.sqrt(D))
    b_rev = jnp.zeros((H,), dtype=jnp.float32)
    return {
        "x_user": x_user,
        "x_item": x_item,
        "W_clicks": W_clicks,
        "b_clicks": b_clicks,
        "W_rev": W_rev,
        "b_rev": b_rev,
        "edge_index_clicks": edge_index_clicks,
        "edge_index_rev": edge_index_rev,
    }


def _gcn_conv(x_src, num_dst, edge_index, W, b):
    # GCNConv on a bipartite edge type: symmetric degree normalization,
    # no self-loops across node types (PyG disables them for bipartite).
    src = edge_index[0]
    dst = edge_index[1]
    ones = jnp.ones((edge_index.shape[1],), dtype=jnp.float32)
    deg_src = jax.ops.segment_sum(ones, src, num_segments=x_src.shape[0])
    deg_dst = jax.ops.segment_sum(ones, dst, num_segments=num_dst)
    ds = jnp.take(deg_src, src, axis=0)
    dd = jnp.take(deg_dst, dst, axis=0)
    norm = jnp.where((ds > 0) & (dd > 0), 1.0 / jnp.sqrt(jnp.maximum(ds * dd, 1e-12)), 0.0)
    m = x_src @ W                       # [N_src, H]
    msgs = jnp.take(m, src, axis=0) * norm[:, None]  # gather over edges
    out = jax.ops.segment_sum(msgs, dst, num_segments=num_dst)  # scatter-add
    return out + b


def reference(x_user, x_item, W_clicks, b_clicks, W_rev, b_rev, edge_index_clicks, edge_index_rev):
    # HeteroConv with aggr='sum': each dst node type sums contributions over its incoming edge types.
    out_item = _gcn_conv(x_user, N_ITEM, edge_index_clicks, W_clicks, b_clicks)
    out_user = _gcn_conv(x_item, N_USER, edge_index_rev, W_rev, b_rev)
    return (out_user, out_item)

if __name__ == "__main__":
    import jax
    _d = setup_inputs()
    print(jax.jit(kernel)(*tuple(_d.values())))

</pallas_src>

<mosaic_0001>
#map = affine_map<(d0, d1) -> (0, 0)>
#map1 = affine_map<(d0, d1) -> (0, 0, 0, 0, 0)>
#map2 = affine_map<(d0, d1) -> (0, 0, 0)>
module attributes {stable_mosaic.version = 14 : i64} {
  func.func @_edge_body(%arg0: i32, %arg1: i32, %arg2: memref<20480x128xf32, #tpu.memory_space<hbm>>, %arg3: memref<2x16x147x2x128xi32, #tpu.memory_space<hbm>>, %arg4: memref<640x128xf32, #tpu.memory_space<hbm>>, %arg5: memref<2x10240x128xf32, #tpu.memory_space<hbm>>, %arg6: memref<6x2x128xi32, #tpu.memory_space<vmem>>, %arg7: memref<3x128x128xf32, #tpu.memory_space<vmem>>, %arg8: memref<10016x128xf32, #tpu.memory_space<vmem_shared>>, %arg9: memref<!tpu.dma_semaphore, #tpu.memory_space<semaphore_mem>>, %arg10: memref<!tpu.dma_semaphore, #tpu.memory_space<semaphore_mem>>, %arg11: memref<!tpu.dma_semaphore, #tpu.memory_space<semaphore_mem>>, %arg12: memref<!tpu.dma_semaphore, #tpu.memory_space<semaphore_mem>>, %arg13: memref<!tpu.dma_semaphore, #tpu.memory_space<semaphore_mem>>, %arg14: memref<!tpu.dma_semaphore, #tpu.memory_space<semaphore_mem>>, %arg15: memref<!tpu.dma_semaphore, #tpu.memory_space<semaphore_mem>>, %arg16: memref<!tpu.dma_semaphore, #tpu.memory_space<semaphore_mem>>, %arg17: memref<!tpu.dma_semaphore, #tpu.memory_space<semaphore_mem>>, %arg18: memref<!tpu.dma_semaphore, #tpu.memory_space<semaphore_mem>>, %arg19: memref<!tpu.dma_semaphore, #tpu.memory_space<semaphore_mem>>, %arg20: memref<!tpu.dma_semaphore, #tpu.memory_space<semaphore_mem>>) attributes {dimension_semantics = [#tpu.dimension_semantics<core_parallel>, #tpu.dimension_semantics<subcore_parallel>], iteration_bounds = array<i64: 2, 16>, scalar_prefetch = 0 : i64, scratch_operands = 15 : i64, tpu.core_type = #tpu.core_type<sc_vector_subcore>, window_params = [{transform_indices = #map}, {transform_indices = #map1}, {transform_indices = #map}, {transform_indices = #map2}]} {
    %lt3A = arith.constant 15 : i32
    %lt3A_0 = arith.cmpi slt, %arg1, %lt3A : i32
    %convert_element_type3A = arith.extui %lt3A_0 : i1 to i32
    %cond3A = arith.constant 0 : i32
    %cond3A_1 = arith.cmpi ne, %convert_element_type3A, %cond3A : i32
    scf.if %cond3A_1 {
      %mul3A = arith.constant 632 : i32
      %mul3A_139 = arith.muli %arg1, %mul3A : i32
      "tpu.region"() ({
        %run_scoped3A = tpu.sem_alloc : memref<!tpu.dma_semaphore, #tpu.memory_space<semaphore_mem>>
        %dma_start3A_140 = arith.constant 0 : i32
        %dma_start3A_141 = tpu.memref_slice %arg8[%mul3A_139, %dma_start3A_140] : memref<10016x128xf32, #tpu.memory_space<vmem_shared>> -> memref<632x128xf32, #tpu.memory_space<vmem_shared>>
        %dma_start3A_142 = arith.constant 0 : i32
        %dma_start3A_143 = arith.constant 0 : i32
        %dma_start3A_144 = tpu.memref_slice %arg4[%dma_start3A_142, %dma_start3A_143] : memref<640x128xf32, #tpu.memory_space<hbm>> -> memref<632x128xf32, #tpu.memory_space<hbm>>
        tpu.enqueue_dma source(%dma_start3A_144 : memref<632x128xf32, #tpu.memory_space<hbm>>) target(%dma_start3A_141 : memref<632x128xf32, #tpu.memory_space<vmem_shared>>) target_semaphore(%run_scoped3A : memref<!tpu.dma_semaphore, #tpu.memory_space<semaphore_mem>>)
        %dma_wait3A_145 = arith.constant 0 : i32
        %dma_wait3A_146 = tpu.memref_slice %arg8[%mul3A_139, %dma_wait3A_145] : memref<10016x128xf32, #tpu.memory_space<vmem_shared>> -> memref<632x128xf32, #tpu.memory_space<vmem_shared>>
        %dma_wait3A_147 = arith.constant 0 : i32
        %dma_wait3A_148 = arith.constant 0 : i32
        %dma_wait3A_149 = tpu.memref_slice %arg4[%dma_wait3A_147, %dma_wait3A_148] : memref<640x128xf32, #tpu.memory_space<hbm>> -> memref<632x128xf32, #tpu.memory_space<hbm>>
        tpu.wait_dma2 semaphore(%run_scoped3A : memref<!tpu.dma_semaphore, #tpu.memory_space<semaphore_mem>>) src(%dma_wait3A_149 : memref<632x128xf32, #tpu.memory_space<hbm>>) dst(%dma_wait3A_146 : memref<632x128xf32, #tpu.memory_space<vmem_shared>>)
        tpu.yield
      }) : () -> ()
    } else {
    }
    %eq3A = arith.constant 15 : i32
    %eq3A_2 = arith.cmpi eq, %arg1, %eq3A : i32
    %convert_element_type3A_3 = arith.extui %eq3A_2 : i1 to i32
    %cond3A_4 = arith.constant 0 : i32
    %cond3A_5 = arith.cmpi ne, %convert_element_type3A_3, %cond3A_4 : i32
    scf.if %cond3A_5 {
      "tpu.region"() ({
        %run_scoped3A = tpu.sem_alloc : memref<!tpu.dma_semaphore, #tpu.memory_space<semaphore_mem>>
        %dma_start3A_139 = arith.constant 9480 : i32
        %dma_start3A_140 = arith.constant 0 : i32
        %dma_start3A_141 = tpu.memref_slice %arg8[%dma_start3A_139, %dma_start3A_140] : memref<10016x128xf32, #tpu.memory_space<vmem_shared>> -> memref<536x128xf32, #tpu.memory_space<vmem_shared>>
        %dma_start3A_142 = arith.constant 0 : i32
        %dma_start3A_143 = arith.constant 0 : i32
        %dma_start3A_144 = tpu.memref_slice %arg4[%dma_start3A_142, %dma_start3A_143] : memref<640x128xf32, #tpu.memory_space<hbm>> -> memref<536x128xf32, #tpu.memory_space<hbm>>
        tpu.enqueue_dma source(%dma_start3A_144 : memref<536x128xf32, #tpu.memory_space<hbm>>) target(%dma_start3A_141 : memref<536x128xf32, #tpu.memory_space<vmem_shared>>) target_semaphore(%run_scoped3A : memref<!tpu.dma_semaphore, #tpu.memory_space<semaphore_mem>>)
        %dma_wait3A_145 = arith.constant 9480 : i32
        %dma_wait3A_146 = arith.constant 0 : i32
        %dma_wait3A_147 = tpu.memref_slice %arg8[%dma_wait3A_145, %dma_wait3A_146] : memref<10016x128xf32, #tpu.memory_space<vmem_shared>> -> memref<536x128xf32, #tpu.memory_space<vmem_shared>>
        %dma_wait3A_148 = arith.constant 0 : i32
        %dma_wait3A_149 = arith.constant 0 : i32
        %dma_wait3A_150 = tpu.memref_slice %arg4[%dma_wait3A_148, %dma_wait3A_149] : memref<640x128xf32, #tpu.memory_space<hbm>> -> memref<536x128xf32, #tpu.memory_space<hbm>>
        tpu.wait_dma2 semaphore(%run_scoped3A : memref<!tpu.dma_semaphore, #tpu.memory_space<semaphore_mem>>) src(%dma_wait3A_150 : memref<536x128xf32, #tpu.memory_space<hbm>>) dst(%dma_wait3A_147 : memref<536x128xf32, #tpu.memory_space<vmem_shared>>)
        tpu.yield
      }) : () -> ()
    } else {
    }
    %barrier3A = arith.constant 0 : index
    tpu.barrier barrier_id(%barrier3A)
    %dma_start3A = arith.constant 0 : i32
    %dma_start3A_6 = arith.constant 0 : i32
    %dma_start3A_7 = arith.constant 0 : i32
    %dma_start3A_8 = arith.constant 0 : i32
    %dma_start3A_9 = tpu.memref_slice %arg6[%dma_start3A_6, %dma_start3A_7, %dma_start3A_8] : memref<6x2x128xi32, #tpu.memory_space<vmem>> -> memref<1x2x128xi32, #tpu.memory_space<vmem>>
    %dma_start3A_10 = tpu.memref_squeeze %dma_start3A_9 : memref<1x2x128xi32, #tpu.memory_space<vmem>> -> memref<2x128xi32, #tpu.memory_space<vmem>>
    %dma_start3A_11 = arith.constant 0 : i32
    %dma_start3A_12 = arith.constant 0 : i32
    %dma_start3A_13 = tpu.memref_slice %arg3[%arg0, %arg1, %dma_start3A, %dma_start3A_11, %dma_start3A_12] : memref<2x16x147x2x128xi32, #tpu.memory_space<hbm>> -> memref<1x1x1x2x128xi32, #tpu.memory_space<hbm>>
    %dma_start3A_14 = tpu.memref_squeeze %dma_start3A_13 : memref<1x1x1x2x128xi32, #tpu.memory_space<hbm>> -> memref<2x128xi32, #tpu.memory_space<hbm>>
    %dma_start3A_15 = arith.constant 0 : i32
    %dma_start3A_16 = arith.constant 0 : i32
    %dma_start3A_17 = tpu.memref_slice %arg6[%dma_start3A_6, %dma_start3A_15, %dma_start3A_16] : memref<6x2x128xi32, #tpu.memory_space<vmem>> -> memref<1x2x128xi32, #tpu.memory_space<vmem>>
    %dma_start3A_18 = tpu.memref_squeeze %dma_start3A_17 : memref<1x2x128xi32, #tpu.memory_space<vmem>> -> memref<2x128xi32, #tpu.memory_space<vmem>>
    %dma_start3A_19 = arith.constant 0 : i32
    %dma_start3A_20 = arith.constant 0 : i32
    %dma_start3A_21 = tpu.memref_slice %arg3[%arg0, %arg1, %dma_start3A, %dma_start3A_19, %dma_start3A_20] : memref<2x16x147x2x128xi32, #tpu.memory_space<hbm>> -> memref<1x1x1x2x128xi32, #tpu.memory_space<hbm>>
    %dma_start3A_22 = tpu.memref_squeeze %dma_start3A_21 : memref<1x1x1x2x128xi32, #tpu.memory_space<hbm>> -> memref<2x128xi32, #tpu.memory_space<hbm>>
    tpu.enqueue_dma source(%dma_start3A_22 : memref<2x128xi32, #tpu.memory_space<hbm>>) target(%dma_start3A_18 : memref<2x128xi32, #tpu.memory_space<vmem>>) target_semaphore(%arg9 : memref<!tpu.dma_semaphore, #tpu.memory_space<semaphore_mem>>)
    %dma_start3A_23 = arith.constant 1 : i32
    %dma_start3A_24 = arith.constant 1 : i32
    %dma_start3A_25 = arith.constant 0 : i32
    %dma_start3A_26 = arith.constant 0 : i32
    %dma_start3A_27 = tpu.memref_slice %arg6[%dma_start3A_24, %dma_start3A_25, %dma_start3A_26] : memref<6x2x128xi32, #tpu.memory_space<vmem>> -> memref<1x2x128xi32, #tpu.memory_space<vmem>>
    %dma_start3A_28 = tpu.memref_squeeze %dma_start3A_27 : memref<1x2x128xi32, #tpu.memory_space<vmem>> -> memref<2x128xi32, #tpu.memory_space<vmem>>
    %dma_start3A_29 = arith.constant 0 : i32
    %dma_start3A_30 = arith.constant 0 : i32
    %dma_start3A_31 = tpu.memref_slice %arg3[%arg0, %arg1, %dma_start3A_23, %dma_start3A_29, %dma_start3A_30] : memref<2x16x147x2x128xi32, #tpu.memory_space<hbm>> -> memref<1x1x1x2x128xi32, #tpu.memory_space<hbm>>
    %dma_start3A_32 = tpu.memref_squeeze %dma_start3A_31 : memref<1x1x1x2x128xi32, #tpu.memory_space<hbm>> -> memref<2x128xi32, #tpu.memory_space<hbm>>
    %dma_start3A_33 = arith.constant 0 : i32
    %dma_start3A_34 = arith.constant 0 : i32
    %dma_start3A_35 = tpu.memref_slice %arg6[%dma_start3A_24, %dma_start3A_33, %dma_start3A_34] : memref<6x2x128xi32, #tpu.memory_space<vmem>> -> memref<1x2x128xi32, #tpu.memory_space<vmem>>
    %dma_start3A_36 = tpu.memref_squeeze %dma_start3A_35 : memref<1x2x128xi32, #tpu.memory_space<vmem>> -> memref<2x128xi32, #tpu.memory_space<vmem>>
    %dma_start3A_37 = arith.constant 0 : i32
    %dma_start3A_38 = arith.constant 0 : i32
    %dma_start3A_39 = tpu.memref_slice %arg3[%arg0, %arg1, %dma_start3A_23, %dma_start3A_37, %dma_start3A_38] : memref<2x16x147x2x128xi32, #tpu.memory_space<hbm>> -> memref<1x1x1x2x128xi32, #tpu.memory_space<hbm>>
    %dma_start3A_40 = tpu.memref_squeeze %dma_start3A_39 : memref<1x1x1x2x128xi32, #tpu.memory_space<hbm>> -> memref<2x128xi32, #tpu.memory_space<hbm>>
    tpu.enqueue_dma source(%dma_start3A_40 : memref<2x128xi32, #tpu.memory_space<hbm>>) target(%dma_start3A_36 : memref<2x128xi32, #tpu.memory_space<vmem>>) target_semaphore(%arg10 : memref<!tpu.dma_semaphore, #tpu.memory_space<semaphore_mem>>)
    %dma_start3A_41 = arith.constant 2 : i32
    %dma_start3A_42 = arith.constant 2 : i32
    %dma_start3A_43 = arith.constant 0 : i32
    %dma_start3A_44 = arith.constant 0 : i32
    %dma_start3A_45 = tpu.memref_slice %arg6[%dma_start3A_42, %dma_start3A_43, %dma_start3A_44] : memref<6x2x128xi32, #tpu.memory_space<vmem>> -> memref<1x2x128xi32, #tpu.memory_space<vmem>>
    %dma_start3A_46 = tpu.memref_squeeze %dma_start3A_45 : memref<1x2x128xi32, #tpu.memory_space<vmem>> -> memref<2x128xi32, #tpu.memory_space<vmem>>
    %dma_start3A_47 = arith.constant 0 : i32
    %dma_start3A_48 = arith.constant 0 : i32
    %dma_start3A_49 = tpu.memref_slice %arg3[%arg0, %arg1, %dma_start3A_41, %dma_start3A_47, %dma_start3A_48] : memref<2x16x147x2x128xi32, #tpu.memory_space<hbm>> -> memref<1x1x1x2x128xi32, #tpu.memory_space<hbm>>
    %dma_start3A_50 = tpu.memref_squeeze %dma_start3A_49 : memref<1x1x1x2x128xi32, #tpu.memory_space<hbm>> -> memref<2x128xi32, #tpu.memory_space<hbm>>
    %dma_start3A_51 = arith.constant 0 : i32
    %dma_start3A_52 = arith.constant 0 : i32
    %dma_start3A_53 = tpu.memref_slice %arg6[%dma_start3A_42, %dma_start3A_51, %dma_start3A_52] : memref<6x2x128xi32, #tpu.memory_space<vmem>> -> memref<1x2x128xi32, #tpu.memory_space<vmem>>
    %dma_start3A_54 = tpu.memref_squeeze %dma_start3A_53 : memref<1x2x128xi32, #tpu.memory_space<vmem>> -> memref<2x128xi32, #tpu.memory_space<vmem>>
    %dma_start3A_55 = arith.constant 0 : i32
    %dma_start3A_56 = arith.constant 0 : i32
    %dma_start3A_57 = tpu.memref_slice %arg3[%arg0, %arg1, %dma_start3A_41, %dma_start3A_55, %dma_start3A_56] : memref<2x16x147x2x128xi32, #tpu.memory_space<hbm>> -> memref<1x1x1x2x128xi32, #tpu.memory_space<hbm>>
    %dma_start3A_58 = tpu.memref_squeeze %dma_start3A_57 : memref<1x1x1x2x128xi32, #tpu.memory_space<hbm>> -> memref<2x128xi32, #tpu.memory_space<hbm>>
    tpu.enqueue_dma source(%dma_start3A_58 : memref<2x128xi32, #tpu.memory_space<hbm>>) target(%dma_start3A_54 : memref<2x128xi32, #tpu.memory_space<vmem>>) target_semaphore(%arg11 : memref<!tpu.dma_semaphore, #tpu.memory_space<semaphore_mem>>)
    %scan3A = arith.constant 0 : i32
    %scan3A_59 = arith.constant 147 : i32
    %scan3A_60 = arith.addi %scan3A, %scan3A_59 : i32
    %scan3A_61 = arith.constant 1 : i32
    scf.for %scan3A_139 = %scan3A to %scan3A_60 step %scan3A_61  : i32 {
      %mul3A = arith.constant 1 : i32
      %mul3A_140 = arith.muli %scan3A_139, %mul3A : i32
      %add3A = arith.constant 0 : i32
      %add3A_141 = arith.addi %add3A, %mul3A_140 : i32
      %rem3A = arith.constant 6 : i32
      %rem3A_142 = arith.remsi %add3A_141, %rem3A : i32
      %eq3A_143 = arith.constant 0 : i32
      %eq3A_144 = arith.cmpi eq, %rem3A_142, %eq3A_143 : i32
      %convert_element_type3A_145 = arith.extui %eq3A_144 : i1 to i32
      %cond3A_146 = arith.constant 0 : i32
      %cond3A_147 = arith.cmpi ne, %convert_element_type3A_145, %cond3A_146 : i32
      scf.if %cond3A_147 {
        %ge3A = arith.constant 3 : i32
        %ge3A_173 = arith.cmpi sge, %add3A_141, %ge3A : i32
        %convert_element_type3A_174 = arith.extui %ge3A_173 : i1 to i32
        %cond3A_175 = arith.constant 0 : i32
        %cond3A_176 = arith.cmpi ne, %convert_element_type3A_174, %cond3A_175 : i32
        scf.if %cond3A_176 {
          %dma_wait3A_220 = arith.constant 0 : i32
          %dma_wait3A_221 = arith.constant 3 : i32
          %dma_wait3A_222 = arith.constant 1 : i32
          %dma_wait3A_223 = arith.constant 0 : i32
          %dma_wait3A_224 = arith.constant 0 : i32
          %dma_wait3A_225 = tpu.memref_slice %arg7[%dma_wait3A_220, %dma_wait3A_223, %dma_wait3A_224] : memref<3x128x128xf32, #tpu.memory_space<vmem>> -> memref<1x128x128xf32, #tpu.memory_space<vmem>>
          %dma_wait3A_226 = tpu.memref_squeeze %dma_wait3A_225 : memref<1x128x128xf32, #tpu.memory_space<vmem>> -> memref<128x128xf32, #tpu.memory_space<vmem>>
          %dma_wait3A_227 = arith.constant 0 : i32
          %dma_wait3A_228 = tpu.memref_slice %arg6[%dma_wait3A_221, %dma_wait3A_222, %dma_wait3A_227] : memref<6x2x128xi32, #tpu.memory_space<vmem>> -> memref<1x1x128xi32, #tpu.memory_space<vmem>>
          %dma_wait3A_229 = tpu.memref_squeeze %dma_wait3A_228 : memref<1x1x128xi32, #tpu.memory_space<vmem>> -> memref<128xi32, #tpu.memory_space<vmem>>
          %dma_wait3A_230 = arith.constant 0 : i32
          %dma_wait3A_231 = arith.constant 0 : i32
          %dma_wait3A_232 = tpu.memref_slice %arg8[%dma_wait3A_230, %dma_wait3A_231] : memref<10016x128xf32, #tpu.memory_space<vmem_shared>> -> memref<10016x128xf32, #tpu.memory_space<vmem_shared>>
          tpu.wait_indirect_dma semaphore(%arg18 : memref<!tpu.dma_semaphore, #tpu.memory_space<semaphore_mem>>) src(%dma_wait3A_226 : memref<128x128xf32, #tpu.memory_space<vmem>>) dst(%dma_wait3A_232 : memref<10016x128xf32, #tpu.memory_space<vmem_shared>>)
        } else {
        }
        %add3A_177 = arith.constant 3 : i32
        %add3A_178 = arith.addi %add3A_141, %add3A_177 : i32
        %lt3A_179 = arith.constant 147 : i32
        %lt3A_180 = arith.cmpi slt, %add3A_178, %lt3A_179 : i32
        %convert_element_type3A_181 = arith.extui %lt3A_180 : i1 to i32
        %cond3A_182 = arith.constant 0 : i32
        %cond3A_183 = arith.cmpi ne, %convert_element_type3A_181, %cond3A_182 : i32
        scf.if %cond3A_183 {
          %add3A_220 = arith.constant 3 : i32
          %add3A_221 = arith.addi %add3A_141, %add3A_220 : i32
          %dma_start3A_222 = arith.constant 3 : i32
          %dma_start3A_223 = arith.constant 0 : i32
          %dma_start3A_224 = arith.constant 0 : i32
          %dma_start3A_225 = tpu.memref_slice %arg6[%dma_start3A_222, %dma_start3A_223, %dma_start3A_224] : memref<6x2x128xi32, #tpu.memory_space<vmem>> -> memref<1x2x128xi32, #tpu.memory_space<vmem>>
          %dma_start3A_226 = tpu.memref_squeeze %dma_start3A_225 : memref<1x2x128xi32, #tpu.memory_space<vmem>> -> memref<2x128xi32, #tpu.memory_space<vmem>>
          %dma_start3A_227 = arith.constant 0 : i32
          %dma_start3A_228 = arith.constant 0 : i32
          %dma_start3A_229 = tpu.memref_slice %arg3[%arg0, %arg1, %add3A_221, %dma_start3A_227, %dma_start3A_228] : memref<2x16x147x2x128xi32, #tpu.memory_space<hbm>> -> memref<1x1x1x2x128xi32, #tpu.memory_space<hbm>>
          %dma_start3A_230 = tpu.memref_squeeze %dma_start3A_229 : memref<1x1x1x2x128xi32, #tpu.memory_space<hbm>> -> memref<2x128xi32, #tpu.memory_space<hbm>>
          %dma_start3A_231 = arith.constant 0 : i32
          %dma_start3A_232 = arith.constant 0 : i32
          %dma_start3A_233 = tpu.memref_slice %arg6[%dma_start3A_222, %dma_start3A_231, %dma_start3A_232] : memref<6x2x128xi32, #tpu.memory_space<vmem>> -> memref<1x2x128xi32, #tpu.memory_space<vmem>>
          %dma_start3A_234 = tpu.memref_squeeze %dma_start3A_233 : memref<1x2x128xi32, #tpu.memory_space<vmem>> -> memref<2x128xi32, #tpu.memory_space<vmem>>
          %dma_start3A_235 = arith.constant 0 : i32
          %dma_start3A_236 = arith.constant 0 : i32
          %dma_start3A_237 = tpu.memref_slice %arg3[%arg0, %arg1, %add3A_221, %dma_start3A_235, %dma_start3A_236] : memref<2x16x147x2x128xi32, #tpu.memory_space<hbm>> -> memref<1x1x1x2x128xi32, #tpu.memory_space<hbm>>
          %dma_start3A_238 = tpu.memref_squeeze %dma_start3A_237 : memref<1x1x1x2x128xi32, #tpu.memory_space<hbm>> -> memref<2x128xi32, #tpu.memory_space<hbm>>
          tpu.enqueue_dma source(%dma_start3A_238 : memref<2x128xi32, #tpu.memory_space<hbm>>) target(%dma_start3A_234 : memref<2x128xi32, #tpu.memory_space<vmem>>) target_semaphore(%arg12 : memref<!tpu.dma_semaphore, #tpu.memory_space<semaphore_mem>>)
        } else {
        }
        %dma_wait3A_184 = arith.constant 0 : i32
        %dma_wait3A_185 = arith.constant 0 : i32
        %dma_wait3A_186 = arith.constant 0 : i32
        %dma_wait3A_187 = arith.constant 0 : i32
        %dma_wait3A_188 = tpu.memref_slice %arg6[%dma_wait3A_185, %dma_wait3A_186, %dma_wait3A_187] : memref<6x2x128xi32, #tpu.memory_space<vmem>> -> memref<1x2x128xi32, #tpu.memory_space<vmem>>
        %dma_wait3A_189 = tpu.memref_squeeze %dma_wait3A_188 : memref<1x2x128xi32, #tpu.memory_space<vmem>> -> memref<2x128xi32, #tpu.memory_space<vmem>>
        %dma_wait3A_190 = arith.constant 0 : i32
        %dma_wait3A_191 = arith.constant 0 : i32
        %dma_wait3A_192 = tpu.memref_slice %arg3[%arg0, %arg1, %dma_wait3A_184, %dma_wait3A_190, %dma_wait3A_191] : memref<2x16x147x2x128xi32, #tpu.memory_space<hbm>> -> memref<1x1x1x2x128xi32, #tpu.memory_space<hbm>>
        %dma_wait3A_193 = tpu.memref_squeeze %dma_wait3A_192 : memref<1x1x1x2x128xi32, #tpu.memory_space<hbm>> -> memref<2x128xi32, #tpu.memory_space<hbm>>
        %dma_wait3A_194 = arith.constant 0 : i32
        %dma_wait3A_195 = arith.constant 0 : i32
        %dma_wait3A_196 = tpu.memref_slice %arg6[%dma_wait3A_185, %dma_wait3A_194, %dma_wait3A_195] : memref<6x2x128xi32, #tpu.memory_space<vmem>> -> memref<1x2x128xi32, #tpu.memory_space<vmem>>
        %dma_wait3A_197 = tpu.memref_squeeze %dma_wait3A_196 : memref<1x2x128xi32, #tpu.memory_space<vmem>> -> memref<2x128xi32, #tpu.memory_space<vmem>>
        %dma_wait3A_198 = arith.constant 0 : i32
        %dma_wait3A_199 = arith.constant 0 : i32
        %dma_wait3A_200 = tpu.memref_slice %arg3[%arg0, %arg1, %dma_wait3A_184, %dma_wait3A_198, %dma_wait3A_199] : memref<2x16x147x2x128xi32, #tpu.memory_space<hbm>> -> memref<1x1x1x2x128xi32, #tpu.memory_space<hbm>>
        %dma_wait3A_201 = tpu.memref_squeeze %dma_wait3A_200 : memref<1x1x1x2x128xi32, #tpu.memory_space<hbm>> -> memref<2x128xi32, #tpu.memory_space<hbm>>
        tpu.wait_dma2 semaphore(%arg9 : memref<!tpu.dma_semaphore, #tpu.memory_space<semaphore_mem>>) src(%dma_wait3A_201 : memref<2x128xi32, #tpu.memory_space<hbm>>) dst(%dma_wait3A_197 : memref<2x128xi32, #tpu.memory_space<vmem>>)
        %dma_start3A_202 = arith.constant 0 : i32
        %dma_start3A_203 = arith.constant 0 : i32
        %dma_start3A_204 = arith.constant 0 : i32
        %dma_start3A_205 = arith.constant 0 : i32
        %dma_start3A_206 = arith.constant 0 : i32
        %dma_start3A_207 = tpu.memref_slice %arg7[%dma_start3A_204, %dma_start3A_205, %dma_start3A_206] : memref<3x128x128xf32, #tpu.memory_space<vmem>> -> memref<1x128x128xf32, #tpu.memory_space<vmem>>
        %dma_start3A_208 = tpu.memref_squeeze %dma_start3A_207 : memref<1x128x128xf32, #tpu.memory_space<vmem>> -> memref<128x128xf32, #tpu.memory_space<vmem>>
        %dma_start3A_209 = arith.constant 0 : i32
        %dma_start3A_210 = tpu.memref_slice %arg6[%dma_start3A_202, %dma_start3A_203, %dma_start3A_209] : memref<6x2x128xi32, #tpu.memory_space<vmem>> -> memref<1x1x128xi32, #tpu.memory_space<vmem>>
        %dma_start3A_211 = tpu.memref_squeeze %dma_start3A_210 : memref<1x1x128xi32, #tpu.memory_space<vmem>> -> memref<128xi32, #tpu.memory_space<vmem>>
        %dma_start3A_212 = arith.constant 0 : i32
        %dma_start3A_213 = arith.constant 0 : i32
        %dma_start3A_214 = tpu.memref_slice %arg2[%dma_start3A_212, %dma_start3A_213] : memref<20480x128xf32, #tpu.memory_space<hbm>> -> memref<20480x128xf32, #tpu.memory_space<hbm>>
        tpu.enqueue_indirect_dma source(%dma_start3A_214 : memref<20480x128xf32, #tpu.memory_space<hbm>>) target(%dma_start3A_208 : memref<128x128xf32, #tpu.memory_space<vmem>>) offsets(%dma_start3A_211 : memref<128xi32, #tpu.memory_space<vmem>>) semaphore(%arg15 : memref<!tpu.dma_semaphore, #tpu.memory_space<semaphore_mem>>)
        %ge3A_215 = arith.constant 1 : i32
        %ge3A_216 = arith.cmpi sge, %add3A_141, %ge3A_215 : i32
        %convert_element_type3A_217 = arith.extui %ge3A_216 : i1 to i32
        %cond3A_218 = arith.constant 0 : i32
        %cond3A_219 = arith.cmpi ne, %convert_element_type3A_217, %cond3A_218 : i32
        scf.if %cond3A_219 {
          %dma_wait3A_220 = arith.constant 5 : i32
          %dma_wait3A_221 = arith.constant 0 : i32
          %dma_wait3A_222 = arith.constant 2 : i32
          %dma_wait3A_223 = arith.constant 0 : i32
          %dma_wait3A_224 = arith.constant 0 : i32
          %dma_wait3A_225 = tpu.memref_slice %arg7[%dma_wait3A_222, %dma_wait3A_223, %dma_wait3A_224] : memref<3x128x128xf32, #tpu.memory_space<vmem>> -> memref<1x128x128xf32, #tpu.memory_space<vmem>>
          %dma_wait3A_226 = tpu.memref_squeeze %dma_wait3A_225 : memref<1x128x128xf32, #tpu.memory_space<vmem>> -> memref<128x128xf32, #tpu.memory_space<vmem>>
          %dma_wait3A_227 = arith.constant 0 : i32
          %dma_wait3A_228 = tpu.memref_slice %arg6[%dma_wait3A_220, %dma_wait3A_221, %dma_wait3A_227] : memref<6x2x128xi32, #tpu.memory_space<vmem>> -> memref<1x1x128xi32, #tpu.memory_space<vmem>>
          %dma_wait3A_229 = tpu.memref_squeeze %dma_wait3A_228 : memref<1x1x128xi32, #tpu.memory_space<vmem>> -> memref<128xi32, #tpu.memory_space<vmem>>
          %dma_wait3A_230 = arith.constant 0 : i32
          %dma_wait3A_231 = arith.constant 0 : i32
          %dma_wait3A_232 = tpu.memref_slice %arg2[%dma_wait3A_230, %dma_wait3A_231] : memref<20480x128xf32, #tpu.memory_space<hbm>> -> memref<20480x128xf32, #tpu.memory_space<hbm>>
          tpu.wait_indirect_dma semaphore(%arg17 : memref<!tpu.dma_semaphore, #tpu.memory_space<semaphore_mem>>) src(%dma_wait3A_232 : memref<20480x128xf32, #tpu.memory_space<hbm>>) dst(%dma_wait3A_226 : memref<128x128xf32, #tpu.memory_space<vmem>>)
          %dma_start3A_233 = arith.constant 2 : i32
          %dma_start3A_234 = arith.constant 5 : i32
          %dma_start3A_235 = arith.constant 1 : i32
          %dma_start3A_236 = arith.constant 0 : i32
          %dma_start3A_237 = arith.constant 0 : i32
          %dma_start3A_238 = tpu.memref_slice %arg7[%dma_start3A_233, %dma_start3A_236, %dma_start3A_237] : memref<3x128x128xf32, #tpu.memory_space<vmem>> -> memref<1x128x128xf32, #tpu.memory_space<vmem>>
          %dma_start3A_239 = tpu.memref_squeeze %dma_start3A_238 : memref<1x128x128xf32, #tpu.memory_space<vmem>> -> memref<128x128xf32, #tpu.memory_space<vmem>>
          %dma_start3A_240 = arith.constant 0 : i32
          %dma_start3A_241 = tpu.memref_slice %arg6[%dma_start3A_234, %dma_start3A_235, %dma_start3A_240] : memref<6x2x128xi32, #tpu.memory_space<vmem>> -> memref<1x1x128xi32, #tpu.memory_space<vmem>>
          %dma_start3A_242 = tpu.memref_squeeze %dma_start3A_241 : memref<1x1x128xi32, #tpu.memory_space<vmem>> -> memref<128xi32, #tpu.memory_space<vmem>>
          %dma_start3A_243 = arith.constant 0 : i32
          %dma_start3A_244 = arith.constant 0 : i32
          %dma_start3A_245 = tpu.memref_slice %arg8[%dma_start3A_243, %dma_start3A_244] : memref<10016x128xf32, #tpu.memory_space<vmem_shared>> -> memref<10016x128xf32, #tpu.memory_space<vmem_shared>>
          tpu.enqueue_indirect_dma source(%dma_start3A_239 : memref<128x128xf32, #tpu.memory_space<vmem>>) target(%dma_start3A_245 : memref<10016x128xf32, #tpu.memory_space<vmem_shared>>) offsets(%dma_start3A_242 : memref<128xi32, #tpu.memory_space<vmem>>) semaphore(%arg20 : memref<!tpu.dma_semaphore, #tpu.memory_space<semaphore_mem>>) {add = true}
        } else {
        }
      } else {
      }
      %eq3A_148 = arith.constant 1 : i32
      %eq3A_149 = arith.cmpi eq, %rem3A_142, %eq3A_148 : i32
      %convert_element_type3A_150 = arith.extui %eq3A_149 : i1 to i32
      %cond3A_151 = arith.constant 0 : i32
      %cond3A_152 = arith.cmpi ne, %convert_element_type3A_150, %cond3A_151 : i32
      scf.if %cond3A_152 {
        %ge3A = arith.constant 3 : i32
        %ge3A_173 = arith.cmpi sge, %add3A_141, %ge3A : i32
        %convert_element_type3A_174 = arith.extui %ge3A_173 : i1 to i32
        %cond3A_175 = arith.constant 0 : i32
        %cond3A_176 = arith.cmpi ne, %convert_element_type3A_174, %cond3A_175 : i32
        scf.if %cond3A_176 {
          %dma_wait3A_220 = arith.constant 1 : i32
          %dma_wait3A_221 = arith.constant 4 : i32
          %dma_wait3A_222 = arith.constant 1 : i32
          %dma_wait3A_223 = arith.constant 0 : i32
          %dma_wait3A_224 = arith.constant 0 : i32
          %dma_wait3A_225 = tpu.memref_slice %arg7[%dma_wait3A_220, %dma_wait3A_223, %dma_wait3A_224] : memref<3x128x128xf32, #tpu.memory_space<vmem>> -> memref<1x128x128xf32, #tpu.memory_space<vmem>>
          %dma_wait3A_226 = tpu.memref_squeeze %dma_wait3A_225 : memref<1x128x128xf32, #tpu.memory_space<vmem>> -> memref<128x128xf32, #tpu.memory_space<vmem>>
          %dma_wait3A_227 = arith.constant 0 : i32
          %dma_wait3A_228 = tpu.memref_slice %arg6[%dma_wait3A_221, %dma_wait3A_222, %dma_wait3A_227] : memref<6x2x128xi32, #tpu.memory_space<vmem>> -> memref<1x1x128xi32, #tpu.memory_space<vmem>>
          %dma_wait3A_229 = tpu.memref_squeeze %dma_wait3A_228 : memref<1x1x128xi32, #tpu.memory_space<vmem>> -> memref<128xi32, #tpu.memory_space<vmem>>
          %dma_wait3A_230 = arith.constant 0 : i32
          %dma_wait3A_231 = arith.constant 0 : i32
          %dma_wait3A_232 = tpu.memref_slice %arg8[%dma_wait3A_230, %dma_wait3A_231] : memref<10016x128xf32, #tpu.memory_space<vmem_shared>> -> memref<10016x128xf32, #tpu.memory_space<vmem_shared>>
          tpu.wait_indirect_dma semaphore(%arg19 : memref<!tpu.dma_semaphore, #tpu.memory_space<semaphore_mem>>) src(%dma_wait3A_226 : memref<128x128xf32, #tpu.memory_space<vmem>>) dst(%dma_wait3A_232 : memref<10016x128xf32, #tpu.memory_space<vmem_shared>>)
        } else {
        }
        %add3A_177 = arith.constant 3 : i32
        %add3A_178 = arith.addi %add3A_141, %add3A_177 : i32
        %lt3A_179 = arith.constant 147 : i32
        %lt3A_180 = arith.cmpi slt, %add3A_178, %lt3A_179 : i32
        %convert_element_type3A_181 = arith.extui %lt3A_180 : i1 to i32
        %cond3A_182 = arith.constant 0 : i32
        %cond3A_183 = arith.cmpi ne, %convert_element_type3A_181, %cond3A_182 : i32
        scf.if %cond3A_183 {
          %add3A_220 = arith.constant 3 : i32
          %add3A_221 = arith.addi %add3A_141, %add3A_220 : i32
          %dma_start3A_222 = arith.constant 4 : i32
          %dma_start3A_223 = arith.constant 0 : i32
          %dma_start3A_224 = arith.constant 0 : i32
          %dma_start3A_225 = tpu.memref_slice %arg6[%dma_start3A_222, %dma_start3A_223, %dma_start3A_224] : memref<6x2x128xi32, #tpu.memory_space<vmem>> -> memref<1x2x128xi32, #tpu.memory_space<vmem>>
          %dma_start3A_226 = tpu.memref_squeeze %dma_start3A_225 : memref<1x2x128xi32, #tpu.memory_space<vmem>> -> memref<2x128xi32, #tpu.memory_space<vmem>>
          %dma_start3A_227 = arith.constant 0 : i32
          %dma_start3A_228 = arith.constant 0 : i32
          %dma_start3A_229 = tpu.memref_slice %arg3[%arg0, %arg1, %add3A_221, %dma_start3A_227, %dma_start3A_228] : memref<2x16x147x2x128xi32, #tpu.memory_space<hbm>> -> memref<1x1x1x2x128xi32, #tpu.memory_space<hbm>>
          %dma_start3A_230 = tpu.memref_squeeze %dma_start3A_229 : memref<1x1x1x2x128xi32, #tpu.memory_space<hbm>> -> memref<2x128xi32, #tpu.memory_space<hbm>>
          %dma_start3A_231 = arith.constant 0 : i32
          %dma_start3A_232 = arith.constant 0 : i32
          %dma_start3A_233 = tpu.memref_slice %arg6[%dma_start3A_222, %dma_start3A_231, %dma_start3A_232] : memref<6x2x128xi32, #tpu.memory_space<vmem>> -> memref<1x2x128xi32, #tpu.memory_space<vmem>>
          %dma_start3A_234 = tpu.memref_squeeze %dma_start3A_233 : memref<1x2x128xi32, #tpu.memory_space<vmem>> -> memref<2x128xi32, #tpu.memory_space<vmem>>
          %dma_start3A_235 = arith.constant 0 : i32
          %dma_start3A_236 = arith.constant 0 : i32
          %dma_start3A_237 = tpu.memref_slice %arg3[%arg0, %arg1, %add3A_221, %dma_start3A_235, %dma_start3A_236] : memref<2x16x147x2x128xi32, #tpu.memory_space<hbm>> -> memref<1x1x1x2x128xi32, #tpu.memory_space<hbm>>
          %dma_start3A_238 = tpu.memref_squeeze %dma_start3A_237 : memref<1x1x1x2x128xi32, #tpu.memory_space<hbm>> -> memref<2x128xi32, #tpu.memory_space<hbm>>
          tpu.enqueue_dma source(%dma_start3A_238 : memref<2x128xi32, #tpu.memory_space<hbm>>) target(%dma_start3A_234 : memref<2x128xi32, #tpu.memory_space<vmem>>) target_semaphore(%arg13 : memref<!tpu.dma_semaphore, #tpu.memory_space<semaphore_mem>>)
        } else {
        }
        %dma_wait3A_184 = arith.constant 0 : i32
        %dma_wait3A_185 = arith.constant 1 : i32
        %dma_wait3A_186 = arith.constant 0 : i32
        %dma_wait3A_187 = arith.constant 0 : i32
        %dma_wait3A_188 = tpu.memref_slice %arg6[%dma_wait3A_185, %dma_wait3A_186, %dma_wait3A_187] : memref<6x2x128xi32, #tpu.memory_space<vmem>> -> memref<1x2x128xi32, #tpu.memory_space<vmem>>
        %dma_wait3A_189 = tpu.memref_squeeze %dma_wait3A_188 : memref<1x2x128xi32, #tpu.memory_space<vmem>> -> memref<2x128xi32, #tpu.memory_space<vmem>>
        %dma_wait3A_190 = arith.constant 0 : i32
        %dma_wait3A_191 = arith.constant 0 : i32
        %dma_wait3A_192 = tpu.memref_slice %arg3[%arg0, %arg1, %dma_wait3A_184, %dma_wait3A_190, %dma_wait3A_191] : memref<2x16x147x2x128xi32, #tpu.memory_space<hbm>> -> memref<1x1x1x2x128xi32, #tpu.memory_space<hbm>>
        %dma_wait3A_193 = tpu.memref_squeeze %dma_wait3A_192 : memref<1x1x1x2x128xi32, #tpu.memory_space<hbm>> -> memref<2x128xi32, #tpu.memory_space<hbm>>
        %dma_wait3A_194 = arith.constant 0 : i32
        %dma_wait3A_195 = arith.constant 0 : i32
        %dma_wait3A_196 = tpu.memref_slice %arg6[%dma_wait3A_185, %dma_wait3A_194, %dma_wait3A_195] : memref<6x2x128xi32, #tpu.memory_space<vmem>> -> memref<1x2x128xi32, #tpu.memory_space<vmem>>
        %dma_wait3A_197 = tpu.memref_squeeze %dma_wait3A_196 : memref<1x2x128xi32, #tpu.memory_space<vmem>> -> memref<2x128xi32, #tpu.memory_space<vmem>>
        %dma_wait3A_198 = arith.constant 0 : i32
        %dma_wait3A_199 = arith.constant 0 : i32
        %dma_wait3A_200 = tpu.memref_slice %arg3[%arg0, %arg1, %dma_wait3A_184, %dma_wait3A_198, %dma_wait3A_199] : memref<2x16x147x2x128xi32, #tpu.memory_space<hbm>> -> memref<1x1x1x2x128xi32, #tpu.memory_space<hbm>>
        %dma_wait3A_201 = tpu.memref_squeeze %dma_wait3A_200 : memref<1x1x1x2x128xi32, #tpu.memory_space<hbm>> -> memref<2x128xi32, #tpu.memory_space<hbm>>
        tpu.wait_dma2 semaphore(%arg10 : memref<!tpu.dma_semaphore, #tpu.memory_space<semaphore_mem>>) src(%dma_wait3A_201 : memref<2x128xi32, #tpu.memory_space<hbm>>) dst(%dma_wait3A_197 : memref<2x128xi32, #tpu.memory_space<vmem>>)
        %dma_start3A_202 = arith.constant 1 : i32
        %dma_start3A_203 = arith.constant 0 : i32
        %dma_start3A_204 = arith.constant 1 : i32
        %dma_start3A_205 = arith.constant 0 : i32
        %dma_start3A_206 = arith.constant 0 : i32
        %dma_start3A_207 = tpu.memref_slice %arg7[%dma_start3A_204, %dma_start3A_205, %dma_start3A_206] : memref<3x128x128xf32, #tpu.memory_space<vmem>> -> memref<1x128x128xf32, #tpu.memory_space<vmem>>
        %dma_start3A_208 = tpu.memref_squeeze %dma_start3A_207 : memref<1x128x128xf32, #tpu.memory_space<vmem>> -> memref<128x128xf32, #tpu.memory_space<vmem>>
        %dma_start3A_209 = arith.constant 0 : i32
        %dma_start3A_210 = tpu.memref_slice %arg6[%dma_start3A_202, %dma_start3A_203, %dma_start3A_209] : memref<6x2x128xi32, #tpu.memory_space<vmem>> -> memref<1x1x128xi32, #tpu.memory_space<vmem>>
        %dma_start3A_211 = tpu.memref_squeeze %dma_start3A_210 : memref<1x1x128xi32, #tpu.memory_space<vmem>> -> memref<128xi32, #tpu.memory_space<vmem>>
        %dma_start3A_212 = arith.constant 0 : i32
        %dma_start3A_213 = arith.constant 0 : i32
        %dma_start3A_214 = tpu.memref_slice %arg2[%dma_start3A_212, %dma_start3A_213] : memref<20480x128xf32, #tpu.memory_space<hbm>> -> memref<20480x128xf32, #tpu.memory_space<hbm>>
        tpu.enqueue_indirect_dma source(%dma_start3A_214 : memref<20480x128xf32, #tpu.memory_space<hbm>>) target(%dma_start3A_208 : memref<128x128xf32, #tpu.memory_space<vmem>>) offsets(%dma_start3A_211 : memref<128xi32, #tpu.memory_space<vmem>>) semaphore(%arg16 : memref<!tpu.dma_semaphore, #tpu.memory_space<semaphore_mem>>)
        %ge3A_215 = arith.constant 1 : i32
        %ge3A_216 = arith.cmpi sge, %add3A_141, %ge3A_215 : i32
        %convert_element_type3A_217 = arith.extui %ge3A_216 : i1 to i32
        %cond3A_218 = arith.constant 0 : i32
        %cond3A_219 = arith.cmpi ne, %convert_element_type3A_217, %cond3A_218 : i32
        scf.if %cond3A_219 {
          %dma_wait3A_220 = arith.constant 0 : i32
          %dma_wait3A_221 = arith.constant 0 : i32
          %dma_wait3A_222 = arith.constant 0 : i32
          %dma_wait3A_223 = arith.constant 0 : i32
          %dma_wait3A_224 = arith.constant 0 : i32
          %dma_wait3A_225 = tpu.memref_slice %arg7[%dma_wait3A_222, %dma_wait3A_223, %dma_wait3A_224] : memref<3x128x128xf32, #tpu.memory_space<vmem>> -> memref<1x128x128xf32, #tpu.memory_space<vmem>>
          %dma_wait3A_226 = tpu.memref_squeeze %dma_wait3A_225 : memref<1x128x128xf32, #tpu.memory_space<vmem>> -> memref<128x128xf32, #tpu.memory_space<vmem>>
          %dma_wait3A_227 = arith.constant 0 : i32
          %dma_wait3A_228 = tpu.memref_slice %arg6[%dma_wait3A_220, %dma_wait3A_221, %dma_wait3A_227] : memref<6x2x128xi32, #tpu.memory_space<vmem>> -> memref<1x1x128xi32, #tpu.memory_space<vmem>>
          %dma_wait3A_229 = tpu.memref_squeeze %dma_wait3A_228 : memref<1x1x128xi32, #tpu.memory_space<vmem>> -> memref<128xi32, #tpu.memory_space<vmem>>
          %dma_wait3A_230 = arith.constant 0 : i32
          %dma_wait3A_231 = arith.constant 0 : i32
          %dma_wait3A_232 = tpu.memref_slice %arg2[%dma_wait3A_230, %dma_wait3A_231] : memref<20480x128xf32, #tpu.memory_space<hbm>> -> memref<20480x128xf32, #tpu.memory_space<hbm>>
          tpu.wait_indirect_dma semaphore(%arg15 : memref<!tpu.dma_semaphore, #tpu.memory_space<semaphore_mem>>) src(%dma_wait3A_232 : memref<20480x128xf32, #tpu.memory_space<hbm>>) dst(%dma_wait3A_226 : memref<128x128xf32, #tpu.memory_space<vmem>>)
          %dma_start3A_233 = arith.constant 0 : i32
          %dma_start3A_234 = arith.constant 0 : i32
          %dma_start3A_235 = arith.constant 1 : i32
          %dma_start3A_236 = arith.constant 0 : i32
          %dma_start3A_237 = arith.constant 0 : i32
          %dma_start3A_238 = tpu.memref_slice %arg7[%dma_start3A_233, %dma_start3A_236, %dma_start3A_237] : memref<3x128x128xf32, #tpu.memory_space<vmem>> -> memref<1x128x128xf32, #tpu.memory_space<vmem>>
          %dma_start3A_239 = tpu.memref_squeeze %dma_start3A_238 : memref<1x128x128xf32, #tpu.memory_space<vmem>> -> memref<128x128xf32, #tpu.memory_space<vmem>>
          %dma_start3A_240 = arith.constant 0 : i32
          %dma_start3A_241 = tpu.memref_slice %arg6[%dma_start3A_234, %dma_start3A_235, %dma_start3A_240] : memref<6x2x128xi32, #tpu.memory_space<vmem>> -> memref<1x1x128xi32, #tpu.memory_space<vmem>>
          %dma_start3A_242 = tpu.memref_squeeze %dma_start3A_241 : memref<1x1x128xi32, #tpu.memory_space<vmem>> -> memref<128xi32, #tpu.memory_space<vmem>>
          %dma_start3A_243 = arith.constant 0 : i32
          %dma_start3A_244 = arith.constant 0 : i32
          %dma_start3A_245 = tpu.memref_slice %arg8[%dma_start3A_243, %dma_start3A_244] : memref<10016x128xf32, #tpu.memory_space<vmem_shared>> -> memref<10016x128xf32, #tpu.memory_space<vmem_shared>>
          tpu.enqueue_indirect_dma source(%dma_start3A_239 : memref<128x128xf32, #tpu.memory_space<vmem>>) target(%dma_start3A_245 : memref<10016x128xf32, #tpu.memory_space<vmem_shared>>) offsets(%dma_start3A_242 : memref<128xi32, #tpu.memory_space<vmem>>) semaphore(%arg18 : memref<!tpu.dma_semaphore, #tpu.memory_space<semaphore_mem>>) {add = true}
        } else {
        }
      } else {
      }
      %eq3A_153 = arith.constant 2 : i32
      %eq3A_154 = arith.cmpi eq, %rem3A_142, %eq3A_153 : i32
      %convert_element_type3A_155 = arith.extui %eq3A_154 : i1 to i32
      %cond3A_156 = arith.constant 0 : i32
      %cond3A_157 = arith.cmpi ne, %convert_element_type3A_155, %cond3A_156 : i32
      scf.if %cond3A_157 {
        %ge3A = arith.constant 3 : i32
        %ge3A_173 = arith.cmpi sge, %add3A_141, %ge3A : i32
        %convert_element_type3A_174 = arith.extui %ge3A_173 : i1 to i32
        %cond3A_175 = arith.constant 0 : i32
        %cond3A_176 = arith.cmpi ne, %convert_element_type3A_174, %cond3A_175 : i32
        scf.if %cond3A_176 {
          %dma_wait3A_220 = arith.constant 2 : i32
          %dma_wait3A_221 = arith.constant 5 : i32
          %dma_wait3A_222 = arith.constant 1 : i32
          %dma_wait3A_223 = arith.constant 0 : i32
          %dma_wait3A_224 = arith.constant 0 : i32
          %dma_wait3A_225 = tpu.memref_slice %arg7[%dma_wait3A_220, %dma_wait3A_223, %dma_wait3A_224] : memref<3x128x128xf32, #tpu.memory_space<vmem>> -> memref<1x128x128xf32, #tpu.memory_space<vmem>>
          %dma_wait3A_226 = tpu.memref_squeeze %dma_wait3A_225 : memref<1x128x128xf32, #tpu.memory_space<vmem>> -> memref<128x128xf32, #tpu.memory_space<vmem>>
          %dma_wait3A_227 = arith.constant 0 : i32
          %dma_wait3A_228 = tpu.memref_slice %arg6[%dma_wait3A_221, %dma_wait3A_222, %dma_wait3A_227] : memref<6x2x128xi32, #tpu.memory_space<vmem>> -> memref<1x1x128xi32, #tpu.memory_space<vmem>>
          %dma_wait3A_229 = tpu.memref_squeeze %dma_wait3A_228 : memref<1x1x128xi32, #tpu.memory_space<vmem>> -> memref<128xi32, #tpu.memory_space<vmem>>
          %dma_wait3A_230 = arith.constant 0 : i32
          %dma_wait3A_231 = arith.constant 0 : i32
          %dma_wait3A_232 = tpu.memref_slice %arg8[%dma_wait3A_230, %dma_wait3A_231] : memref<10016x128xf32, #tpu.memory_space<vmem_shared>> -> memref<10016x128xf32, #tpu.memory_space<vmem_shared>>
          tpu.wait_indirect_dma semaphore(%arg20 : memref<!tpu.dma_semaphore, #tpu.memory_space<semaphore_mem>>) src(%dma_wait3A_226 : memref<128x128xf32, #tpu.memory_space<vmem>>) dst(%dma_wait3A_232 : memref<10016x128xf32, #tpu.memory_space<vmem_shared>>)
        } else {
        }
        %add3A_177 = arith.constant 3 : i32
        %add3A_178 = arith.addi %add3A_141, %add3A_177 : i32
        %lt3A_179 = arith.constant 147 : i32
        %lt3A_180 = arith.cmpi slt, %add3A_178, %lt3A_179 : i32
        %convert_element_type3A_181 = arith.extui %lt3A_180 : i1 to i32
        %cond3A_182 = arith.constant 0 : i32
        %cond3A_183 = arith.cmpi ne, %convert_element_type3A_181, %cond3A_182 : i32
        scf.if %cond3A_183 {
          %add3A_220 = arith.constant 3 : i32
          %add3A_221 = arith.addi %add3A_141, %add3A_220 : i32
          %dma_start3A_222 = arith.constant 5 : i32
          %dma_start3A_223 = arith.constant 0 : i32
          %dma_start3A_224 = arith.constant 0 : i32
          %dma_start3A_225 = tpu.memref_slice %arg6[%dma_start3A_222, %dma_start3A_223, %dma_start3A_224] : memref<6x2x128xi32, #tpu.memory_space<vmem>> -> memref<1x2x128xi32, #tpu.memory_space<vmem>>
          %dma_start3A_226 = tpu.memref_squeeze %dma_start3A_225 : memref<1x2x128xi32, #tpu.memory_space<vmem>> -> memref<2x128xi32, #tpu.memory_space<vmem>>
          %dma_start3A_227 = arith.constant 0 : i32
          %dma_start3A_228 = arith.constant 0 : i32
          %dma_start3A_229 = tpu.memref_slice %arg3[%arg0, %arg1, %add3A_221, %dma_start3A_227, %dma_start3A_228] : memref<2x16x147x2x128xi32, #tpu.memory_space<hbm>> -> memref<1x1x1x2x128xi32, #tpu.memory_space<hbm>>
          %dma_start3A_230 = tpu.memref_squeeze %dma_start3A_229 : memref<1x1x1x2x128xi32, #tpu.memory_space<hbm>> -> memref<2x128xi32, #tpu.memory_space<hbm>>
          %dma_start3A_231 = arith.constant 0 : i32
          %dma_start3A_232 = arith.constant 0 : i32
          %dma_start3A_233 = tpu.memref_slice %arg6[%dma_start3A_222, %dma_start3A_231, %dma_start3A_232] : memref<6x2x128xi32, #tpu.memory_space<vmem>> -> memref<1x2x128xi32, #tpu.memory_space<vmem>>
          %dma_start3A_234 = tpu.memref_squeeze %dma_start3A_233 : memref<1x2x128xi32, #tpu.memory_space<vmem>> -> memref<2x128xi32, #tpu.memory_space<vmem>>
          %dma_start3A_235 = arith.constant 0 : i32
          %dma_start3A_236 = arith.constant 0 : i32
          %dma_start3A_237 = tpu.memref_slice %arg3[%arg0, %arg1, %add3A_221, %dma_start3A_235, %dma_start3A_236] : memref<2x16x147x2x128xi32, #tpu.memory_space<hbm>> -> memref<1x1x1x2x128xi32, #tpu.memory_space<hbm>>
          %dma_start3A_238 = tpu.memref_squeeze %dma_start3A_237 : memref<1x1x1x2x128xi32, #tpu.memory_space<hbm>> -> memref<2x128xi32, #tpu.memory_space<hbm>>
          tpu.enqueue_dma source(%dma_start3A_238 : memref<2x128xi32, #tpu.memory_space<hbm>>) target(%dma_start3A_234 : memref<2x128xi32, #tpu.memory_space<vmem>>) target_semaphore(%arg14 : memref<!tpu.dma_semaphore, #tpu.memory_space<semaphore_mem>>)
        } else {
        }
        %dma_wait3A_184 = arith.constant 0 : i32
        %dma_wait3A_185 = arith.constant 2 : i32
        %dma_wait3A_186 = arith.constant 0 : i32
        %dma_wait3A_187 = arith.constant 0 : i32
        %dma_wait3A_188 = tpu.memref_slice %arg6[%dma_wait3A_185, %dma_wait3A_186, %dma_wait3A_187] : memref<6x2x128xi32, #tpu.memory_space<vmem>> -> memref<1x2x128xi32, #tpu.memory_space<vmem>>
        %dma_wait3A_189 = tpu.memref_squeeze %dma_wait3A_188 : memref<1x2x128xi32, #tpu.memory_space<vmem>> -> memref<2x128xi32, #tpu.memory_space<vmem>>
        %dma_wait3A_190 = arith.constant 0 : i32
        %dma_wait3A_191 = arith.constant 0 : i32
        %dma_wait3A_192 = tpu.memref_slice %arg3[%arg0, %arg1, %dma_wait3A_184, %dma_wait3A_190, %dma_wait3A_191] : memref<2x16x147x2x128xi32, #tpu.memory_space<hbm>> -> memref<1x1x1x2x128xi32, #tpu.memory_space<hbm>>
        %dma_wait3A_193 = tpu.memref_squeeze %dma_wait3A_192 : memref<1x1x1x2x128xi32, #tpu.memory_space<hbm>> -> memref<2x128xi32, #tpu.memory_space<hbm>>
        %dma_wait3A_194 = arith.constant 0 : i32
        %dma_wait3A_195 = arith.constant 0 : i32
        %dma_wait3A_196 = tpu.memref_slice %arg6[%dma_wait3A_185, %dma_wait3A_194, %dma_wait3A_195] : memref<6x2x128xi32, #tpu.memory_space<vmem>> -> memref<1x2x128xi32, #tpu.memory_space<vmem>>
        %dma_wait3A_197 = tpu.memref_squeeze %dma_wait3A_196 : memref<1x2x128xi32, #tpu.memory_space<vmem>> -> memref<2x128xi32, #tpu.memory_space<vmem>>
        %dma_wait3A_198 = arith.constant 0 : i32
        %dma_wait3A_199 = arith.constant 0 : i32
        %dma_wait3A_200 = tpu.memref_slice %arg3[%arg0, %arg1, %dma_wait3A_184, %dma_wait3A_198, %dma_wait3A_199] : memref<2x16x147x2x128xi32, #tpu.memory_space<hbm>> -> memref<1x1x1x2x128xi32, #tpu.memory_space<hbm>>
        %dma_wait3A_201 = tpu.memref_squeeze %dma_wait3A_200 : memref<1x1x1x2x128xi32, #tpu.memory_space<hbm>> -> memref<2x128xi32, #tpu.memory_space<hbm>>
        tpu.wait_dma2 semaphore(%arg11 : memref<!tpu.dma_semaphore, #tpu.memory_space<semaphore_mem>>) src(%dma_wait3A_201 : memref<2x128xi32, #tpu.memory_space<hbm>>) dst(%dma_wait3A_197 : memref<2x128xi32, #tpu.memory_space<vmem>>)
        %dma_start3A_202 = arith.constant 2 : i32
        %dma_start3A_203 = arith.constant 0 : i32
        %dma_start3A_204 = arith.constant 2 : i32
        %dma_start3A_205 = arith.constant 0 : i32
        %dma_start3A_206 = arith.constant 0 : i32
        %dma_start3A_207 = tpu.memref_slice %arg7[%dma_start3A_204, %dma_start3A_205, %dma_start3A_206] : memref<3x128x128xf32, #tpu.memory_space<vmem>> -> memref<1x128x128xf32, #tpu.memory_space<vmem>>
        %dma_start3A_208 = tpu.memref_squeeze %dma_start3A_207 : memref<1x128x128xf32, #tpu.memory_space<vmem>> -> memref<128x128xf32, #tpu.memory_space<vmem>>
        %dma_start3A_209 = arith.constant 0 : i32
        %dma_start3A_210 = tpu.memref_slice %arg6[%dma_start3A_202, %dma_start3A_203, %dma_start3A_209] : memref<6x2x128xi32, #tpu.memory_space<vmem>> -> memref<1x1x128xi32, #tpu.memory_space<vmem>>
        %dma_start3A_211 = tpu.memref_squeeze %dma_start3A_210 : memref<1x1x128xi32, #tpu.memory_space<vmem>> -> memref<128xi32, #tpu.memory_space<vmem>>
        %dma_start3A_212 = arith.constant 0 : i32
        %dma_start3A_213 = arith.constant 0 : i32
        %dma_start3A_214 = tpu.memref_slice %arg2[%dma_start3A_212, %dma_start3A_213] : memref<20480x128xf32, #tpu.memory_space<hbm>> -> memref<20480x128xf32, #tpu.memory_space<hbm>>
        tpu.enqueue_indirect_dma source(%dma_start3A_214 : memref<20480x128xf32, #tpu.memory_space<hbm>>) target(%dma_start3A_208 : memref<128x128xf32, #tpu.memory_space<vmem>>) offsets(%dma_start3A_211 : memref<128xi32, #tpu.memory_space<vmem>>) semaphore(%arg17 : memref<!tpu.dma_semaphore, #tpu.memory_space<semaphore_mem>>)
        %ge3A_215 = arith.constant 1 : i32
        %ge3A_216 = arith.cmpi sge, %add3A_141, %ge3A_215 : i32
        %convert_element_type3A_217 = arith.extui %ge3A_216 : i1 to i32
        %cond3A_218 = arith.constant 0 : i32
        %cond3A_219 = arith.cmpi ne, %convert_element_type3A_217, %cond3A_218 : i32
        scf.if %cond3A_219 {
          %dma_wait3A_220 = arith.constant 1 : i32
          %dma_wait3A_221 = arith.constant 0 : i32
          %dma_wait3A_222 = arith.constant 1 : i32
          %dma_wait3A_223 = arith.constant 0 : i32
          %dma_wait3A_224 = arith.constant 0 : i32
          %dma_wait3A_225 = tpu.memref_slice %arg7[%dma_wait3A_222, %dma_wait3A_223, %dma_wait3A_224] : memref<3x128x128xf32, #tpu.memory_space<vmem>> -> memref<1x128x128xf32, #tpu.memory_space<vmem>>
          %dma_wait3A_226 = tpu.memref_squeeze %dma_wait3A_225 : memref<1x128x128xf32, #tpu.memory_space<vmem>> -> memref<128x128xf32, #tpu.memory_space<vmem>>
          %dma_wait3A_227 = arith.constant 0 : i32
          %dma_wait3A_228 = tpu.memref_slice %arg6[%dma_wait3A_220, %dma_wait3A_221, %dma_wait3A_227] : memref<6x2x128xi32, #tpu.memory_space<vmem>> -> memref<1x1x128xi32, #tpu.memory_space<vmem>>
          %dma_wait3A_229 = tpu.memref_squeeze %dma_wait3A_228 : memref<1x1x128xi32, #tpu.memory_space<vmem>> -> memref<128xi32, #tpu.memory_space<vmem>>
          %dma_wait3A_230 = arith.constant 0 : i32
          %dma_wait3A_231 = arith.constant 0 : i32
          %dma_wait3A_232 = tpu.memref_slice %arg2[%dma_wait3A_230, %dma_wait3A_231] : memref<20480x128xf32, #tpu.memory_space<hbm>> -> memref<20480x128xf32, #tpu.memory_space<hbm>>
          tpu.wait_indirect_dma semaphore(%arg16 : memref<!tpu.dma_semaphore, #tpu.memory_space<semaphore_mem>>) src(%dma_wait3A_232 : memref<20480x128xf32, #tpu.memory_space<hbm>>) dst(%dma_wait3A_226 : memref<128x128xf32, #tpu.memory_space<vmem>>)
          %dma_start3A_233 = arith.constant 1 : i32
          %dma_start3A_234 = arith.constant 1 : i32
          %dma_start3A_235 = arith.constant 1 : i32
          %dma_start3A_236 = arith.constant 0 : i32
          %dma_start3A_237 = arith.constant 0 : i32
          %dma_start3A_238 = tpu.memref_slice %arg7[%dma_start3A_233, %dma_start3A_236, %dma_start3A_237] : memref<3x128x128xf32, #tpu.memory_space<vmem>> -> memref<1x128x128xf32, #tpu.memory_space<vmem>>
          %dma_start3A_239 = tpu.memref_squeeze %dma_start3A_238 : memref<1x128x128xf32, #tpu.memory_space<vmem>> -> memref<128x128xf32, #tpu.memory_space<vmem>>
          %dma_start3A_240 = arith.constant 0 : i32
          %dma_start3A_241 = tpu.memref_slice %arg6[%dma_start3A_234, %dma_start3A_235, %dma_start3A_240] : memref<6x2x128xi32, #tpu.memory_space<vmem>> -> memref<1x1x128xi32, #tpu.memory_space<vmem>>
          %dma_start3A_242 = tpu.memref_squeeze %dma_start3A_241 : memref<1x1x128xi32, #tpu.memory_space<vmem>> -> memref<128xi32, #tpu.memory_space<vmem>>
          %dma_start3A_243 = arith.constant 0 : i32
          %dma_start3A_244 = arith.constant 0 : i32
          %dma_start3A_245 = tpu.memref_slice %arg8[%dma_start3A_243, %dma_start3A_244] : memref<10016x128xf32, #tpu.memory_space<vmem_shared>> -> memref<10016x128xf32, #tpu.memory_space<vmem_shared>>
          tpu.enqueue_indirect_dma source(%dma_start3A_239 : memref<128x128xf32, #tpu.memory_space<vmem>>) target(%dma_start3A_245 : memref<10016x128xf32, #tpu.memory_space<vmem_shared>>) offsets(%dma_start3A_242 : memref<128xi32, #tpu.memory_space<vmem>>) semaphore(%arg19 : memref<!tpu.dma_semaphore, #tpu.memory_space<semaphore_mem>>) {add = true}
        } else {
        }
      } else {
      }
      %eq3A_158 = arith.constant 3 : i32
      %eq3A_159 = arith.cmpi eq, %rem3A_142, %eq3A_158 : i32
      %convert_element_type3A_160 = arith.extui %eq3A_159 : i1 to i32
      %cond3A_161 = arith.constant 0 : i32
      %cond3A_162 = arith.cmpi ne, %convert_element_type3A_160, %cond3A_161 : i32
      scf.if %cond3A_162 {
        %ge3A = arith.constant 3 : i32
        %ge3A_173 = arith.cmpi sge, %add3A_141, %ge3A : i32
        %convert_element_type3A_174 = arith.extui %ge3A_173 : i1 to i32
        %cond3A_175 = arith.constant 0 : i32
        %cond3A_176 = arith.cmpi ne, %convert_element_type3A_174, %cond3A_175 : i32
        scf.if %cond3A_176 {
          %dma_wait3A_220 = arith.constant 0 : i32
          %dma_wait3A_221 = arith.constant 0 : i32
          %dma_wait3A_222 = arith.constant 1 : i32
          %dma_wait3A_223 = arith.constant 0 : i32
          %dma_wait3A_224 = arith.constant 0 : i32
          %dma_wait3A_225 = tpu.memref_slice %arg7[%dma_wait3A_220, %dma_wait3A_223, %dma_wait3A_224] : memref<3x128x128xf32, #tpu.memory_space<vmem>> -> memref<1x128x128xf32, #tpu.memory_space<vmem>>
          %dma_wait3A_226 = tpu.memref_squeeze %dma_wait3A_225 : memref<1x128x128xf32, #tpu.memory_space<vmem>> -> memref<128x128xf32, #tpu.memory_space<vmem>>
          %dma_wait3A_227 = arith.constant 0 : i32
          %dma_wait3A_228 = tpu.memref_slice %arg6[%dma_wait3A_221, %dma_wait3A_222, %dma_wait3A_227] : memref<6x2x128xi32, #tpu.memory_space<vmem>> -> memref<1x1x128xi32, #tpu.memory_space<vmem>>
          %dma_wait3A_229 = tpu.memref_squeeze %dma_wait3A_228 : memref<1x1x128xi32, #tpu.memory_space<vmem>> -> memref<128xi32, #tpu.memory_space<vmem>>
          %dma_wait3A_230 = arith.constant 0 : i32
          %dma_wait3A_231 = arith.constant 0 : i32
          %dma_wait3A_232 = tpu.memref_slice %arg8[%dma_wait3A_230, %dma_wait3A_231] : memref<10016x128xf32, #tpu.memory_space<vmem_shared>> -> memref<10016x128xf32, #tpu.memory_space<vmem_shared>>
          tpu.wait_indirect_dma semaphore(%arg18 : memref<!tpu.dma_semaphore, #tpu.memory_space<semaphore_mem>>) src(%dma_wait3A_226 : memref<128x128xf32, #tpu.memory_space<vmem>>) dst(%dma_wait3A_232 : memref<10016x128xf32, #tpu.memory_space<vmem_shared>>)
        } else {
        }
        %add3A_177 = arith.constant 3 : i32
        %add3A_178 = arith.addi %add3A_141, %add3A_177 : i32
        %lt3A_179 = arith.constant 147 : i32
        %lt3A_180 = arith.cmpi slt, %add3A_178, %lt3A_179 : i32
        %convert_element_type3A_181 = arith.extui %lt3A_180 : i1 to i32
        %cond3A_182 = arith.constant 0 : i32
        %cond3A_183 = arith.cmpi ne, %convert_element_type3A_181, %cond3A_182 : i32
        scf.if %cond3A_183 {
          %add3A_220 = arith.constant 3 : i32
          %add3A_221 = arith.addi %add3A_141, %add3A_220 : i32
          %dma_start3A_222 = arith.constant 0 : i32
          %dma_start3A_223 = arith.constant 0 : i32
          %dma_start3A_224 = arith.constant 0 : i32
          %dma_start3A_225 = tpu.memref_slice %arg6[%dma_start3A_222, %dma_start3A_223, %dma_start3A_224] : memref<6x2x128xi32, #tpu.memory_space<vmem>> -> memref<1x2x128xi32, #tpu.memory_space<vmem>>
          %dma_start3A_226 = tpu.memref_squeeze %dma_start3A_225 : memref<1x2x128xi32, #tpu.memory_space<vmem>> -> memref<2x128xi32, #tpu.memory_space<vmem>>
          %dma_start3A_227 = arith.constant 0 : i32
          %dma_start3A_228 = arith.constant 0 : i32
          %dma_start3A_229 = tpu.memref_slice %arg3[%arg0, %arg1, %add3A_221, %dma_start3A_227, %dma_start3A_228] : memref<2x16x147x2x128xi32, #tpu.memory_space<hbm>> -> memref<1x1x1x2x128xi32, #tpu.memory_space<hbm>>
          %dma_start3A_230 = tpu.memref_squeeze %dma_start3A_229 : memref<1x1x1x2x128xi32, #tpu.memory_space<hbm>> -> memref<2x128xi32, #tpu.memory_space<hbm>>
          %dma_start3A_231 = arith.constant 0 : i32
          %dma_start3A_232 = arith.constant 0 : i32
          %dma_start3A_233 = tpu.memref_slice %arg6[%dma_start3A_222, %dma_start3A_231, %dma_start3A_232] : memref<6x2x128xi32, #tpu.memory_space<vmem>> -> memref<1x2x128xi32, #tpu.memory_space<vmem>>
          %dma_start3A_234 = tpu.memref_squeeze %dma_start3A_233 : memref<1x2x128xi32, #tpu.memory_space<vmem>> -> memref<2x128xi32, #tpu.memory_space<vmem>>
          %dma_start3A_235 = arith.constant 0 : i32
          %dma_start3A_236 = arith.constant 0 : i32
          %dma_start3A_237 = tpu.memref_slice %arg3[%arg0, %arg1, %add3A_221, %dma_start3A_235, %dma_start3A_236] : memref<2x16x147x2x128xi32, #tpu.memory_space<hbm>> -> memref<1x1x1x2x128xi32, #tpu.memory_space<hbm>>
          %dma_start3A_238 = tpu.memref_squeeze %dma_start3A_237 : memref<1x1x1x2x128xi32, #tpu.memory_space<hbm>> -> memref<2x128xi32, #tpu.memory_space<hbm>>
          tpu.enqueue_dma source(%dma_start3A_238 : memref<2x128xi32, #tpu.memory_space<hbm>>) target(%dma_start3A_234 : memref<2x128xi32, #tpu.memory_space<vmem>>) target_semaphore(%arg9 : memref<!tpu.dma_semaphore, #tpu.memory_space<semaphore_mem>>)
        } else {
        }
        %dma_wait3A_184 = arith.constant 0 : i32
        %dma_wait3A_185 = arith.constant 3 : i32
        %dma_wait3A_186 = arith.constant 0 : i32
        %dma_wait3A_187 = arith.constant 0 : i32
        %dma_wait3A_188 = tpu.memref_slice %arg6[%dma_wait3A_185, %dma_wait3A_186, %dma_wait3A_187] : memref<6x2x128xi32, #tpu.memory_space<vmem>> -> memref<1x2x128xi32, #tpu.memory_space<vmem>>
        %dma_wait3A_189 = tpu.memref_squeeze %dma_wait3A_188 : memref<1x2x128xi32, #tpu.memory_space<vmem>> -> memref<2x128xi32, #tpu.memory_space<vmem>>
        %dma_wait3A_190 = arith.constant 0 : i32
        %dma_wait3A_191 = arith.constant 0 : i32
        %dma_wait3A_192 = tpu.memref_slice %arg3[%arg0, %arg1, %dma_wait3A_184, %dma_wait3A_190, %dma_wait3A_191] : memref<2x16x147x2x128xi32, #tpu.memory_space<hbm>> -> memref<1x1x1x2x128xi32, #tpu.memory_space<hbm>>
        %dma_wait3A_193 = tpu.memref_squeeze %dma_wait3A_192 : memref<1x1x1x2x128xi32, #tpu.memory_space<hbm>> -> memref<2x128xi32, #tpu.memory_space<hbm>>
        %dma_wait3A_194 = arith.constant 0 : i32
        %dma_wait3A_195 = arith.constant 0 : i32
        %dma_wait3A_196 = tpu.memref_slice %arg6[%dma_wait3A_185, %dma_wait3A_194, %dma_wait3A_195] : memref<6x2x128xi32, #tpu.memory_space<vmem>> -> memref<1x2x128xi32, #tpu.memory_space<vmem>>
        %dma_wait3A_197 = tpu.memref_squeeze %dma_wait3A_196 : memref<1x2x128xi32, #tpu.memory_space<vmem>> -> memref<2x128xi32, #tpu.memory_space<vmem>>
        %dma_wait3A_198 = arith.constant 0 : i32
        %dma_wait3A_199 = arith.constant 0 : i32
        %dma_wait3A_200 = tpu.memref_slice %arg3[%arg0, %arg1, %dma_wait3A_184, %dma_wait3A_198, %dma_wait3A_199] : memref<2x16x147x2x128xi32, #tpu.memory_space<hbm>> -> memref<1x1x1x2x128xi32, #tpu.memory_space<hbm>>
        %dma_wait3A_201 = tpu.memref_squeeze %dma_wait3A_200 : memref<1x1x1x2x128xi32, #tpu.memory_space<hbm>> -> memref<2x128xi32, #tpu.memory_space<hbm>>
        tpu.wait_dma2 semaphore(%arg12 : memref<!tpu.dma_semaphore, #tpu.memory_space<semaphore_mem>>) src(%dma_wait3A_201 : memref<2x128xi32, #tpu.memory_space<hbm>>) dst(%dma_wait3A_197 : memref<2x128xi32, #tpu.memory_space<vmem>>)
        %dma_start3A_202 = arith.constant 3 : i32
        %dma_start3A_203 = arith.constant 0 : i32
        %dma_start3A_204 = arith.constant 0 : i32
        %dma_start3A_205 = arith.constant 0 : i32
        %dma_start3A_206 = arith.constant 0 : i32
        %dma_start3A_207 = tpu.memref_slice %arg7[%dma_start3A_204, %dma_start3A_205, %dma_start3A_206] : memref<3x128x128xf32, #tpu.memory_space<vmem>> -> memref<1x128x128xf32, #tpu.memory_space<vmem>>
        %dma_start3A_208 = tpu.memref_squeeze %dma_start3A_207 : memref<1x128x128xf32, #tpu.memory_space<vmem>> -> memref<128x128xf32, #tpu.memory_space<vmem>>
        %dma_start3A_209 = arith.constant 0 : i32
        %dma_start3A_210 = tpu.memref_slice %arg6[%dma_start3A_202, %dma_start3A_203, %dma_start3A_209] : memref<6x2x128xi32, #tpu.memory_space<vmem>> -> memref<1x1x128xi32, #tpu.memory_space<vmem>>
        %dma_start3A_211 = tpu.memref_squeeze %dma_start3A_210 : memref<1x1x128xi32, #tpu.memory_space<vmem>> -> memref<128xi32, #tpu.memory_space<vmem>>
        %dma_start3A_212 = arith.constant 0 : i32
        %dma_start3A_213 = arith.constant 0 : i32
        %dma_start3A_214 = tpu.memref_slice %arg2[%dma_start3A_212, %dma_start3A_213] : memref<20480x128xf32, #tpu.memory_space<hbm>> -> memref<20480x128xf32, #tpu.memory_space<hbm>>
        tpu.enqueue_indirect_dma source(%dma_start3A_214 : memref<20480x128xf32, #tpu.memory_space<hbm>>) target(%dma_start3A_208 : memref<128x128xf32, #tpu.memory_space<vmem>>) offsets(%dma_start3A_211 : memref<128xi32, #tpu.memory_space<vmem>>) semaphore(%arg15 : memref<!tpu.dma_semaphore, #tpu.memory_space<semaphore_mem>>)
        %ge3A_215 = arith.constant 1 : i32
        %ge3A_216 = arith.cmpi sge, %add3A_141, %ge3A_215 : i32
        %convert_element_type3A_217 = arith.extui %ge3A_216 : i1 to i32
        %cond3A_218 = arith.constant 0 : i32
        %cond3A_219 = arith.cmpi ne, %convert_element_type3A_217, %cond3A_218 : i32
        scf.if %cond3A_219 {
          %dma_wait3A_220 = arith.constant 2 : i32
          %dma_wait3A_221 = arith.constant 0 : i32
          %dma_wait3A_222 = arith.constant 2 : i32
          %dma_wait3A_223 = arith.constant 0 : i32
          %dma_wait3A_224 = arith.constant 0 : i32
          %dma_wait3A_225 = tpu.memref_slice %arg7[%dma_wait3A_222, %dma_wait3A_223, %dma_wait3A_224] : memref<3x128x128xf32, #tpu.memory_space<vmem>> -> memref<1x128x128xf32, #tpu.memory_space<vmem>>
          %dma_wait3A_226 = tpu.memref_squeeze %dma_wait3A_225 : memref<1x128x128xf32, #tpu.memory_space<vmem>> -> memref<128x128xf32, #tpu.memory_space<vmem>>
          %dma_wait3A_227 = arith.constant 0 : i32
          %dma_wait3A_228 = tpu.memref_slice %arg6[%dma_wait3A_220, %dma_wait3A_221, %dma_wait3A_227] : memref<6x2x128xi32, #tpu.memory_space<vmem>> -> memref<1x1x128xi32, #tpu.memory_space<vmem>>
          %dma_wait3A_229 = tpu.memref_squeeze %dma_wait3A_228 : memref<1x1x128xi32, #tpu.memory_space<vmem>> -> memref<128xi32, #tpu.memory_space<vmem>>
          %dma_wait3A_230 = arith.constant 0 : i32
          %dma_wait3A_231 = arith.constant 0 : i32
          %dma_wait3A_232 = tpu.memref_slice %arg2[%dma_wait3A_230, %dma_wait3A_231] : memref<20480x128xf32, #tpu.memory_space<hbm>> -> memref<20480x128xf32, #tpu.memory_space<hbm>>
          tpu.wait_indirect_dma semaphore(%arg17 : memref<!tpu.dma_semaphore, #tpu.memory_space<semaphore_mem>>) src(%dma_wait3A_232 : memref<20480x128xf32, #tpu.memory_space<hbm>>) dst(%dma_wait3A_226 : memref<128x128xf32, #tpu.memory_space<vmem>>)
          %dma_start3A_233 = arith.constant 2 : i32
          %dma_start3A_234 = arith.constant 2 : i32
          %dma_start3A_235 = arith.constant 1 : i32
          %dma_start3A_236 = arith.constant 0 : i32
          %dma_start3A_237 = arith.constant 0 : i32
          %dma_start3A_238 = tpu.memref_slice %arg7[%dma_start3A_233, %dma_start3A_236, %dma_start3A_237] : memref<3x128x128xf32, #tpu.memory_space<vmem>> -> memref<1x128x128xf32, #tpu.memory_space<vmem>>
          %dma_start3A_239 = tpu.memref_squeeze %dma_start3A_238 : memref<1x128x128xf32, #tpu.memory_space<vmem>> -> memref<128x128xf32, #tpu.memory_space<vmem>>
          %dma_start3A_240 = arith.constant 0 : i32
          %dma_start3A_241 = tpu.memref_slice %arg6[%dma_start3A_234, %dma_start3A_235, %dma_start3A_240] : memref<6x2x128xi32, #tpu.memory_space<vmem>> -> memref<1x1x128xi32, #tpu.memory_space<vmem>>
          %dma_start3A_242 = tpu.memref_squeeze %dma_start3A_241 : memref<1x1x128xi32, #tpu.memory_space<vmem>> -> memref<128xi32, #tpu.memory_space<vmem>>
          %dma_start3A_243 = arith.constant 0 : i32
          %dma_start3A_244 = arith.constant 0 : i32
          %dma_start3A_245 = tpu.memref_slice %arg8[%dma_start3A_243, %dma_start3A_244] : memref<10016x128xf32, #tpu.memory_space<vmem_shared>> -> memref<10016x128xf32, #tpu.memory_space<vmem_shared>>
          tpu.enqueue_indirect_dma source(%dma_start3A_239 : memref<128x128xf32, #tpu.memory_space<vmem>>) target(%dma_start3A_245 : memref<10016x128xf32, #tpu.memory_space<vmem_shared>>) offsets(%dma_start3A_242 : memref<128xi32, #tpu.memory_space<vmem>>) semaphore(%arg20 : memref<!tpu.dma_semaphore, #tpu.memory_space<semaphore_mem>>) {add = true}
        } else {
        }
      } else {
      }
      %eq3A_163 = arith.constant 4 : i32
      %eq3A_164 = arith.cmpi eq, %rem3A_142, %eq3A_163 : i32
      %convert_element_type3A_165 = arith.extui %eq3A_164 : i1 to i32
      %cond3A_166 = arith.constant 0 : i32
      %cond3A_167 = arith.cmpi ne, %convert_element_type3A_165, %cond3A_166 : i32
      scf.if %cond3A_167 {
        %ge3A = arith.constant 3 : i32
        %ge3A_173 = arith.cmpi sge, %add3A_141, %ge3A : i32
        %convert_element_type3A_174 = arith.extui %ge3A_173 : i1 to i32
        %cond3A_175 = arith.constant 0 : i32
        %cond3A_176 = arith.cmpi ne, %convert_element_type3A_174, %cond3A_175 : i32
        scf.if %cond3A_176 {
          %dma_wait3A_220 = arith.constant 1 : i32
          %dma_wait3A_221 = arith.constant 1 : i32
          %dma_wait3A_222 = arith.constant 1 : i32
          %dma_wait3A_223 = arith.constant 0 : i32
          %dma_wait3A_224 = arith.constant 0 : i32
          %dma_wait3A_225 = tpu.memref_slice %arg7[%dma_wait3A_220, %dma_wait3A_223, %dma_wait3A_224] : memref<3x128x128xf32, #tpu.memory_space<vmem>> -> memref<1x128x128xf32, #tpu.memory_space<vmem>>
          %dma_wait3A_226 = tpu.memref_squeeze %dma_wait3A_225 : memref<1x128x128xf32, #tpu.memory_space<vmem>> -> memref<128x128xf32, #tpu.memory_space<vmem>>
          %dma_wait3A_227 = arith.constant 0 : i32
          %dma_wait3A_228 = tpu.memref_slice %arg6[%dma_wait3A_221, %dma_wait3A_222, %dma_wait3A_227] : memref<6x2x128xi32, #tpu.memory_space<vmem>> -> memref<1x1x128xi32, #tpu.memory_space<vmem>>
          %dma_wait3A_229 = tpu.memref_squeeze %dma_wait3A_228 : memref<1x1x128xi32, #tpu.memory_space<vmem>> -> memref<128xi32, #tpu.memory_space<vmem>>
          %dma_wait3A_230 = arith.constant 0 : i32
          %dma_wait3A_231 = arith.constant 0 : i32
          %dma_wait3A_232 = tpu.memref_slice %arg8[%dma_wait3A_230, %dma_wait3A_231] : memref<10016x128xf32, #tpu.memory_space<vmem_shared>> -> memref<10016x128xf32, #tpu.memory_space<vmem_shared>>
          tpu.wait_indirect_dma semaphore(%arg19 : memref<!tpu.dma_semaphore, #tpu.memory_space<semaphore_mem>>) src(%dma_wait3A_226 : memref<128x128xf32, #tpu.memory_space<vmem>>) dst(%dma_wait3A_232 : memref<10016x128xf32, #tpu.memory_space<vmem_shared>>)
        } else {
        }
        %add3A_177 = arith.constant 3 : i32
        %add3A_178 = arith.addi %add3A_141, %add3A_177 : i32
        %lt3A_179 = arith.constant 147 : i32
        %lt3A_180 = arith.cmpi slt, %add3A_178, %lt3A_179 : i32
        %convert_element_type3A_181 = arith.extui %lt3A_180 : i1 to i32
        %cond3A_182 = arith.constant 0 : i32
        %cond3A_183 = arith.cmpi ne, %convert_element_type3A_181, %cond3A_182 : i32
        scf.if %cond3A_183 {
          %add3A_220 = arith.constant 3 : i32
          %add3A_221 = arith.addi %add3A_141, %add3A_220 : i32
          %dma_start3A_222 = arith.constant 1 : i32
          %dma_start3A_223 = arith.constant 0 : i32
          %dma_start3A_224 = arith.constant 0 : i32
          %dma_start3A_225 = tpu.memref_slice %arg6[%dma_start3A_222, %dma_start3A_223, %dma_start3A_224] : memref<6x2x128xi32, #tpu.memory_space<vmem>> -> memref<1x2x128xi32, #tpu.memory_space<vmem>>
          %dma_start3A_226 = tpu.memref_squeeze %dma_start3A_225 : memref<1x2x128xi32, #tpu.memory_space<vmem>> -> memref<2x128xi32, #tpu.memory_space<vmem>>
          %dma_start3A_227 = arith.constant 0 : i32
          %dma_start3A_228 = arith.constant 0 : i32
          %dma_start3A_229 = tpu.memref_slice %arg3[%arg0, %arg1, %add3A_221, %dma_start3A_227, %dma_start3A_228] : memref<2x16x147x2x128xi32, #tpu.memory_space<hbm>> -> memref<1x1x1x2x128xi32, #tpu.memory_space<hbm>>
          %dma_start3A_230 = tpu.memref_squeeze %dma_start3A_229 : memref<1x1x1x2x128xi32, #tpu.memory_space<hbm>> -> memref<2x128xi32, #tpu.memory_space<hbm>>
          %dma_start3A_231 = arith.constant 0 : i32
          %dma_start3A_232 = arith.constant 0 : i32
          %dma_start3A_233 = tpu.memref_slice %arg6[%dma_start3A_222, %dma_start3A_231, %dma_start3A_232] : memref<6x2x128xi32, #tpu.memory_space<vmem>> -> memref<1x2x128xi32, #tpu.memory_space<vmem>>
          %dma_start3A_234 = tpu.memref_squeeze %dma_start3A_233 : memref<1x2x128xi32, #tpu.memory_space<vmem>> -> memref<2x128xi32, #tpu.memory_space<vmem>>
          %dma_start3A_235 = arith.constant 0 : i32
          %dma_start3A_236 = arith.constant 0 : i32
          %dma_start3A_237 = tpu.memref_slice %arg3[%arg0, %arg1, %add3A_221, %dma_start3A_235, %dma_start3A_236] : memref<2x16x147x2x128xi32, #tpu.memory_space<hbm>> -> memref<1x1x1x2x128xi32, #tpu.memory_space<hbm>>
          %dma_start3A_238 = tpu.memref_squeeze %dma_start3A_237 : memref<1x1x1x2x128xi32, #tpu.memory_space<hbm>> -> memref<2x128xi32, #tpu.memory_space<hbm>>
          tpu.enqueue_dma source(%dma_start3A_238 : memref<2x128xi32, #tpu.memory_space<hbm>>) target(%dma_start3A_234 : memref<2x128xi32, #tpu.memory_space<vmem>>) target_semaphore(%arg10 : memref<!tpu.dma_semaphore, #tpu.memory_space<semaphore_mem>>)
        } else {
        }
        %dma_wait3A_184 = arith.constant 0 : i32
        %dma_wait3A_185 = arith.constant 4 : i32
        %dma_wait3A_186 = arith.constant 0 : i32
        %dma_wait3A_187 = arith.constant 0 : i32
        %dma_wait3A_188 = tpu.memref_slice %arg6[%dma_wait3A_185, %dma_wait3A_186, %dma_wait3A_187] : memref<6x2x128xi32, #tpu.memory_space<vmem>> -> memref<1x2x128xi32, #tpu.memory_space<vmem>>
        %dma_wait3A_189 = tpu.memref_squeeze %dma_wait3A_188 : memref<1x2x128xi32, #tpu.memory_space<vmem>> -> memref<2x128xi32, #tpu.memory_space<vmem>>
        %dma_wait3A_190 = arith.constant 0 : i32
        %dma_wait3A_191 = arith.constant 0 : i32
        %dma_wait3A_192 = tpu.memref_slice %arg3[%arg0, %arg1, %dma_wait3A_184, %dma_wait3A_190, %dma_wait3A_191] : memref<2x16x147x2x128xi32, #tpu.memory_space<hbm>> -> memref<1x1x1x2x128xi32, #tpu.memory_space<hbm>>
        %dma_wait3A_193 = tpu.memref_squeeze %dma_wait3A_192 : memref<1x1x1x2x128xi32, #tpu.memory_space<hbm>> -> memref<2x128xi32, #tpu.memory_space<hbm>>
        %dma_wait3A_194 = arith.constant 0 : i32
        %dma_wait3A_195 = arith.constant 0 : i32
        %dma_wait3A_196 = tpu.memref_slice %arg6[%dma_wait3A_185, %dma_wait3A_194, %dma_wait3A_195] : memref<6x2x128xi32, #tpu.memory_space<vmem>> -> memref<1x2x128xi32, #tpu.memory_space<vmem>>
        %dma_wait3A_197 = tpu.memref_squeeze %dma_wait3A_196 : memref<1x2x128xi32, #tpu.memory_space<vmem>> -> memref<2x128xi32, #tpu.memory_space<vmem>>
        %dma_wait3A_198 = arith.constant 0 : i32
        %dma_wait3A_199 = arith.constant 0 : i32
        %dma_wait3A_200 = tpu.memref_slice %arg3[%arg0, %arg1, %dma_wait3A_184, %dma_wait3A_198, %dma_wait3A_199] : memref<2x16x147x2x128xi32, #tpu.memory_space<hbm>> -> memref<1x1x1x2x128xi32, #tpu.memory_space<hbm>>
        %dma_wait3A_201 = tpu.memref_squeeze %dma_wait3A_200 : memref<1x1x1x2x128xi32, #tpu.memory_space<hbm>> -> memref<2x128xi32, #tpu.memory_space<hbm>>
        tpu.wait_dma2 semaphore(%arg13 : memref<!tpu.dma_semaphore, #tpu.memory_space<semaphore_mem>>) src(%dma_wait3A_201 : memref<2x128xi32, #tpu.memory_space<hbm>>) dst(%dma_wait3A_197 : memref<2x128xi32, #tpu.memory_space<vmem>>)
        %dma_start3A_202 = arith.constant 4 : i32
        %dma_start3A_203 = arith.constant 0 : i32
        %dma_start3A_204 = arith.constant 1 : i32
        %dma_start3A_205 = arith.constant 0 : i32
        %dma_start3A_206 = arith.constant 0 : i32
        %dma_start3A_207 = tpu.memref_slice %arg7[%dma_start3A_204, %dma_start3A_205, %dma_start3A_206] : memref<3x128x128xf32, #tpu.memory_space<vmem>> -> memref<1x128x128xf32, #tpu.memory_space<vmem>>
        %dma_start3A_208 = tpu.memref_squeeze %dma_start3A_207 : memref<1x128x128xf32, #tpu.memory_space<vmem>> -> memref<128x128xf32, #tpu.memory_space<vmem>>
        %dma_start3A_209 = arith.constant 0 : i32
        %dma_start3A_210 = tpu.memref_slice %arg6[%dma_start3A_202, %dma_start3A_203, %dma_start3A_209] : memref<6x2x128xi32, #tpu.memory_space<vmem>> -> memref<1x1x128xi32, #tpu.memory_space<vmem>>
        %dma_start3A_211 = tpu.memref_squeeze %dma_start3A_210 : memref<1x1x128xi32, #tpu.memory_space<vmem>> -> memref<128xi32, #tpu.memory_space<vmem>>
        %dma_start3A_212 = arith.constant 0 : i32
        %dma_start3A_213 = arith.constant 0 : i32
        %dma_start3A_214 = tpu.memref_slice %arg2[%dma_start3A_212, %dma_start3A_213] : memref<20480x128xf32, #tpu.memory_space<hbm>> -> memref<20480x128xf32, #tpu.memory_space<hbm>>
        tpu.enqueue_indirect_dma source(%dma_start3A_214 : memref<20480x128xf32, #tpu.memory_space<hbm>>) target(%dma_start3A_208 : memref<128x128xf32, #tpu.memory_space<vmem>>) offsets(%dma_start3A_211 : memref<128xi32, #tpu.memory_space<vmem>>) semaphore(%arg16 : memref<!tpu.dma_semaphore, #tpu.memory_space<semaphore_mem>>)
        %ge3A_215 = arith.constant 1 : i32
        %ge3A_216 = arith.cmpi sge, %add3A_141, %ge3A_215 : i32
        %convert_element_type3A_217 = arith.extui %ge3A_216 : i1 to i32
        %cond3A_218 = arith.constant 0 : i32
        %cond3A_219 = arith.cmpi ne, %convert_element_type3A_217, %cond3A_218 : i32
        scf.if %cond3A_219 {
          %dma_wait3A_220 = arith.constant 3 : i32
          %dma_wait3A_221 = arith.constant 0 : i32
          %dma_wait3A_222 = arith.constant 0 : i32
          %dma_wait3A_223 = arith.constant 0 : i32
          %dma_wait3A_224 = arith.constant 0 : i32
          %dma_wait3A_225 = tpu.memref_slice %arg7[%dma_wait3A_222, %dma_wait3A_223, %dma_wait3A_224] : memref<3x128x128xf32, #tpu.memory_space<vmem>> -> memref<1x128x128xf32, #tpu.memory_space<vmem>>
          %dma_wait3A_226 = tpu.memref_squeeze %dma_wait3A_225 : memref<1x128x128xf32, #tpu.memory_space<vmem>> -> memref<128x128xf32, #tpu.memory_space<vmem>>
          %dma_wait3A_227 = arith.constant 0 : i32
          %dma_wait3A_228 = tpu.memref_slice %arg6[%dma_wait3A_220, %dma_wait3A_221, %dma_wait3A_227] : memref<6x2x128xi32, #tpu.memory_space<vmem>> -> memref<1x1x128xi32, #tpu.memory_space<vmem>>
          %dma_wait3A_229 = tpu.memref_squeeze %dma_wait3A_228 : memref<1x1x128xi32, #tpu.memory_space<vmem>> -> memref<128xi32, #tpu.memory_space<vmem>>
          %dma_wait3A_230 = arith.constant 0 : i32
          %dma_wait3A_231 = arith.constant 0 : i32
          %dma_wait3A_232 = tpu.memref_slice %arg2[%dma_wait3A_230, %dma_wait3A_231] : memref<20480x128xf32, #tpu.memory_space<hbm>> -> memref<20480x128xf32, #tpu.memory_space<hbm>>
          tpu.wait_indirect_dma semaphore(%arg15 : memref<!tpu.dma_semaphore, #tpu.memory_space<semaphore_mem>>) src(%dma_wait3A_232 : memref<20480x128xf32, #tpu.memory_space<hbm>>) dst(%dma_wait3A_226 : memref<128x128xf32, #tpu.memory_space<vmem>>)
          %dma_start3A_233 = arith.constant 0 : i32
          %dma_start3A_234 = arith.constant 3 : i32
          %dma_start3A_235 = arith.constant 1 : i32
          %dma_start3A_236 = arith.constant 0 : i32
          %dma_start3A_237 = arith.constant 0 : i32
          %dma_start3A_238 = tpu.memref_slice %arg7[%dma_start3A_233, %dma_start3A_236, %dma_start3A_237] : memref<3x128x128xf32, #tpu.memory_space<vmem>> -> memref<1x128x128xf32, #tpu.memory_space<vmem>>
          %dma_start3A_239 = tpu.memref_squeeze %dma_start3A_238 : memref<1x128x128xf32, #tpu.memory_space<vmem>> -> memref<128x128xf32, #tpu.memory_space<vmem>>
          %dma_start3A_240 = arith.constant 0 : i32
          %dma_start3A_241 = tpu.memref_slice %arg6[%dma_start3A_234, %dma_start3A_235, %dma_start3A_240] : memref<6x2x128xi32, #tpu.memory_space<vmem>> -> memref<1x1x128xi32, #tpu.memory_space<vmem>>
          %dma_start3A_242 = tpu.memref_squeeze %dma_start3A_241 : memref<1x1x128xi32, #tpu.memory_space<vmem>> -> memref<128xi32, #tpu.memory_space<vmem>>
          %dma_start3A_243 = arith.constant 0 : i32
          %dma_start3A_244 = arith.constant 0 : i32
          %dma_start3A_245 = tpu.memref_slice %arg8[%dma_start3A_243, %dma_start3A_244] : memref<10016x128xf32, #tpu.memory_space<vmem_shared>> -> memref<10016x128xf32, #tpu.memory_space<vmem_shared>>
          tpu.enqueue_indirect_dma source(%dma_start3A_239 : memref<128x128xf32, #tpu.memory_space<vmem>>) target(%dma_start3A_245 : memref<10016x128xf32, #tpu.memory_space<vmem_shared>>) offsets(%dma_start3A_242 : memref<128xi32, #tpu.memory_space<vmem>>) semaphore(%arg18 : memref<!tpu.dma_semaphore, #tpu.memory_space<semaphore_mem>>) {add = true}
        } else {
        }
      } else {
      }
      %eq3A_168 = arith.constant 5 : i32
      %eq3A_169 = arith.cmpi eq, %rem3A_142, %eq3A_168 : i32
      %convert_element_type3A_170 = arith.extui %eq3A_169 : i1 to i32
      %cond3A_171 = arith.constant 0 : i32
      %cond3A_172 = arith.cmpi ne, %convert_element_type3A_170, %cond3A_171 : i32
      scf.if %cond3A_172 {
        %ge3A = arith.constant 3 : i32
        %ge3A_173 = arith.cmpi sge, %add3A_141, %ge3A : i32
        %convert_element_type3A_174 = arith.extui %ge3A_173 : i1 to i32
        %cond3A_175 = arith.constant 0 : i32
        %cond3A_176 = arith.cmpi ne, %convert_element_type3A_174, %cond3A_175 : i32
        scf.if %cond3A_176 {
          %dma_wait3A_220 = arith.constant 2 : i32
          %dma_wait3A_221 = arith.constant 2 : i32
          %dma_wait3A_222 = arith.constant 1 : i32
          %dma_wait3A_223 = arith.constant 0 : i32
          %dma_wait3A_224 = arith.constant 0 : i32
          %dma_wait3A_225 = tpu.memref_slice %arg7[%dma_wait3A_220, %dma_wait3A_223, %dma_wait3A_224] : memref<3x128x128xf32, #tpu.memory_space<vmem>> -> memref<1x128x128xf32, #tpu.memory_space<vmem>>
          %dma_wait3A_226 = tpu.memref_squeeze %dma_wait3A_225 : memref<1x128x128xf32, #tpu.memory_space<vmem>> -> memref<128x128xf32, #tpu.memory_space<vmem>>
          %dma_wait3A_227 = arith.constant 0 : i32
          %dma_wait3A_228 = tpu.memref_slice %arg6[%dma_wait3A_221, %dma_wait3A_222, %dma_wait3A_227] : memref<6x2x128xi32, #tpu.memory_space<vmem>> -> memref<1x1x128xi32, #tpu.memory_space<vmem>>
          %dma_wait3A_229 = tpu.memref_squeeze %dma_wait3A_228 : memref<1x1x128xi32, #tpu.memory_space<vmem>> -> memref<128xi32, #tpu.memory_space<vmem>>
          %dma_wait3A_230 = arith.constant 0 : i32
          %dma_wait3A_231 = arith.constant 0 : i32
          %dma_wait3A_232 = tpu.memref_slice %arg8[%dma_wait3A_230, %dma_wait3A_231] : memref<10016x128xf32, #tpu.memory_space<vmem_shared>> -> memref<10016x128xf32, #tpu.memory_space<vmem_shared>>
          tpu.wait_indirect_dma semaphore(%arg20 : memref<!tpu.dma_semaphore, #tpu.memory_space<semaphore_mem>>) src(%dma_wait3A_226 : memref<128x128xf32, #tpu.memory_space<vmem>>) dst(%dma_wait3A_232 : memref<10016x128xf32, #tpu.memory_space<vmem_shared>>)
        } else {
        }
        %add3A_177 = arith.constant 3 : i32
        %add3A_178 = arith.addi %add3A_141, %add3A_177 : i32
        %lt3A_179 = arith.constant 147 : i32
        %lt3A_180 = arith.cmpi slt, %add3A_178, %lt3A_179 : i32
        %convert_element_type3A_181 = arith.extui %lt3A_180 : i1 to i32
        %cond3A_182 = arith.constant 0 : i32
        %cond3A_183 = arith.cmpi ne, %convert_element_type3A_181, %cond3A_182 : i32
        scf.if %cond3A_183 {
          %add3A_220 = arith.constant 3 : i32
          %add3A_221 = arith.addi %add3A_141, %add3A_220 : i32
          %dma_start3A_222 = arith.constant 2 : i32
          %dma_start3A_223 = arith.constant 0 : i32
          %dma_start3A_224 = arith.constant 0 : i32
          %dma_start3A_225 = tpu.memref_slice %arg6[%dma_start3A_222, %dma_start3A_223, %dma_start3A_224] : memref<6x2x128xi32, #tpu.memory_space<vmem>> -> memref<1x2x128xi32, #tpu.memory_space<vmem>>
          %dma_start3A_226 = tpu.memref_squeeze %dma_start3A_225 : memref<1x2x128xi32, #tpu.memory_space<vmem>> -> memref<2x128xi32, #tpu.memory_space<vmem>>
          %dma_start3A_227 = arith.constant 0 : i32
          %dma_start3A_228 = arith.constant 0 : i32
          %dma_start3A_229 = tpu.memref_slice %arg3[%arg0, %arg1, %add3A_221, %dma_start3A_227, %dma_start3A_228] : memref<2x16x147x2x128xi32, #tpu.memory_space<hbm>> -> memref<1x1x1x2x128xi32, #tpu.memory_space<hbm>>
          %dma_start3A_230 = tpu.memref_squeeze %dma_start3A_229 : memref<1x1x1x2x128xi32, #tpu.memory_space<hbm>> -> memref<2x128xi32, #tpu.memory_space<hbm>>
          %dma_start3A_231 = arith.constant 0 : i32
          %dma_start3A_232 = arith.constant 0 : i32
          %dma_start3A_233 = tpu.memref_slice %arg6[%dma_start3A_222, %dma_start3A_231, %dma_start3A_232] : memref<6x2x128xi32, #tpu.memory_space<vmem>> -> memref<1x2x128xi32, #tpu.memory_space<vmem>>
          %dma_start3A_234 = tpu.memref_squeeze %dma_start3A_233 : memref<1x2x128xi32, #tpu.memory_space<vmem>> -> memref<2x128xi32, #tpu.memory_space<vmem>>
          %dma_start3A_235 = arith.constant 0 : i32
          %dma_start3A_236 = arith.constant 0 : i32
          %dma_start3A_237 = tpu.memref_slice %arg3[%arg0, %arg1, %add3A_221, %dma_start3A_235, %dma_start3A_236] : memref<2x16x147x2x128xi32, #tpu.memory_space<hbm>> -> memref<1x1x1x2x128xi32, #tpu.memory_space<hbm>>
          %dma_start3A_238 = tpu.memref_squeeze %dma_start3A_237 : memref<1x1x1x2x128xi32, #tpu.memory_space<hbm>> -> memref<2x128xi32, #tpu.memory_space<hbm>>
          tpu.enqueue_dma source(%dma_start3A_238 : memref<2x128xi32, #tpu.memory_space<hbm>>) target(%dma_start3A_234 : memref<2x128xi32, #tpu.memory_space<vmem>>) target_semaphore(%arg11 : memref<!tpu.dma_semaphore, #tpu.memory_space<semaphore_mem>>)
        } else {
        }
        %dma_wait3A_184 = arith.constant 0 : i32
        %dma_wait3A_185 = arith.constant 5 : i32
        %dma_wait3A_186 = arith.constant 0 : i32
        %dma_wait3A_187 = arith.constant 0 : i32
        %dma_wait3A_188 = tpu.memref_slice %arg6[%dma_wait3A_185, %dma_wait3A_186, %dma_wait3A_187] : memref<6x2x128xi32, #tpu.memory_space<vmem>> -> memref<1x2x128xi32, #tpu.memory_space<vmem>>
        %dma_wait3A_189 = tpu.memref_squeeze %dma_wait3A_188 : memref<1x2x128xi32, #tpu.memory_space<vmem>> -> memref<2x128xi32, #tpu.memory_space<vmem>>
        %dma_wait3A_190 = arith.constant 0 : i32
        %dma_wait3A_191 = arith.constant 0 : i32
        %dma_wait3A_192 = tpu.memref_slice %arg3[%arg0, %arg1, %dma_wait3A_184, %dma_wait3A_190, %dma_wait3A_191] : memref<2x16x147x2x128xi32, #tpu.memory_space<hbm>> -> memref<1x1x1x2x128xi32, #tpu.memory_space<hbm>>
        %dma_wait3A_193 = tpu.memref_squeeze %dma_wait3A_192 : memref<1x1x1x2x128xi32, #tpu.memory_space<hbm>> -> memref<2x128xi32, #tpu.memory_space<hbm>>
        %dma_wait3A_194 = arith.constant 0 : i32
        %dma_wait3A_195 = arith.constant 0 : i32
        %dma_wait3A_196 = tpu.memref_slice %arg6[%dma_wait3A_185, %dma_wait3A_194, %dma_wait3A_195] : memref<6x2x128xi32, #tpu.memory_space<vmem>> -> memref<1x2x128xi32, #tpu.memory_space<vmem>>
        %dma_wait3A_197 = tpu.memref_squeeze %dma_wait3A_196 : memref<1x2x128xi32, #tpu.memory_space<vmem>> -> memref<2x128xi32, #tpu.memory_space<vmem>>
        %dma_wait3A_198 = arith.constant 0 : i32
        %dma_wait3A_199 = arith.constant 0 : i32
        %dma_wait3A_200 = tpu.memref_slice %arg3[%arg0, %arg1, %dma_wait3A_184, %dma_wait3A_198, %dma_wait3A_199] : memref<2x16x147x2x128xi32, #tpu.memory_space<hbm>> -> memref<1x1x1x2x128xi32, #tpu.memory_space<hbm>>
        %dma_wait3A_201 = tpu.memref_squeeze %dma_wait3A_200 : memref<1x1x1x2x128xi32, #tpu.memory_space<hbm>> -> memref<2x128xi32, #tpu.memory_space<hbm>>
        tpu.wait_dma2 semaphore(%arg14 : memref<!tpu.dma_semaphore, #tpu.memory_space<semaphore_mem>>) src(%dma_wait3A_201 : memref<2x128xi32, #tpu.memory_space<hbm>>) dst(%dma_wait3A_197 : memref<2x128xi32, #tpu.memory_space<vmem>>)
        %dma_start3A_202 = arith.constant 5 : i32
        %dma_start3A_203 = arith.constant 0 : i32
        %dma_start3A_204 = arith.constant 2 : i32
        %dma_start3A_205 = arith.constant 0 : i32
        %dma_start3A_206 = arith.constant 0 : i32
        %dma_start3A_207 = tpu.memref_slice %arg7[%dma_start3A_204, %dma_start3A_205, %dma_start3A_206] : memref<3x128x128xf32, #tpu.memory_space<vmem>> -> memref<1x128x128xf32, #tpu.memory_space<vmem>>
        %dma_start3A_208 = tpu.memref_squeeze %dma_start3A_207 : memref<1x128x128xf32, #tpu.memory_space<vmem>> -> memref<128x128xf32, #tpu.memory_space<vmem>>
        %dma_start3A_209 = arith.constant 0 : i32
        %dma_start3A_210 = tpu.memref_slice %arg6[%dma_start3A_202, %dma_start3A_203, %dma_start3A_209] : memref<6x2x128xi32, #tpu.memory_space<vmem>> -> memref<1x1x128xi32, #tpu.memory_space<vmem>>
        %dma_start3A_211 = tpu.memref_squeeze %dma_start3A_210 : memref<1x1x128xi32, #tpu.memory_space<vmem>> -> memref<128xi32, #tpu.memory_space<vmem>>
        %dma_start3A_212 = arith.constant 0 : i32
        %dma_start3A_213 = arith.constant 0 : i32
        %dma_start3A_214 = tpu.memref_slice %arg2[%dma_start3A_212, %dma_start3A_213] : memref<20480x128xf32, #tpu.memory_space<hbm>> -> memref<20480x128xf32, #tpu.memory_space<hbm>>
        tpu.enqueue_indirect_dma source(%dma_start3A_214 : memref<20480x128xf32, #tpu.memory_space<hbm>>) target(%dma_start3A_208 : memref<128x128xf32, #tpu.memory_space<vmem>>) offsets(%dma_start3A_211 : memref<128xi32, #tpu.memory_space<vmem>>) semaphore(%arg17 : memref<!tpu.dma_semaphore, #tpu.memory_space<semaphore_mem>>)
        %ge3A_215 = arith.constant 1 : i32
        %ge3A_216 = arith.cmpi sge, %add3A_141, %ge3A_215 : i32
        %convert_element_type3A_217 = arith.extui %ge3A_216 : i1 to i32
        %cond3A_218 = arith.constant 0 : i32
        %cond3A_219 = arith.cmpi ne, %convert_element_type3A_217, %cond3A_218 : i32
        scf.if %cond3A_219 {
          %dma_wait3A_220 = arith.constant 4 : i32
          %dma_wait3A_221 = arith.constant 0 : i32
          %dma_wait3A_222 = arith.constant 1 : i32
          %dma_wait3A_223 = arith.constant 0 : i32
          %dma_wait3A_224 = arith.constant 0 : i32
          %dma_wait3A_225 = tpu.memref_slice %arg7[%dma_wait3A_222, %dma_wait3A_223, %dma_wait3A_224] : memref<3x128x128xf32, #tpu.memory_space<vmem>> -> memref<1x128x128xf32, #tpu.memory_space<vmem>>
          %dma_wait3A_226 = tpu.memref_squeeze %dma_wait3A_225 : memref<1x128x128xf32, #tpu.memory_space<vmem>> -> memref<128x128xf32, #tpu.memory_space<vmem>>
          %dma_wait3A_227 = arith.constant 0 : i32
          %dma_wait3A_228 = tpu.memref_slice %arg6[%dma_wait3A_220, %dma_wait3A_221, %dma_wait3A_227] : memref<6x2x128xi32, #tpu.memory_space<vmem>> -> memref<1x1x128xi32, #tpu.memory_space<vmem>>
          %dma_wait3A_229 = tpu.memref_squeeze %dma_wait3A_228 : memref<1x1x128xi32, #tpu.memory_space<vmem>> -> memref<128xi32, #tpu.memory_space<vmem>>
          %dma_wait3A_230 = arith.constant 0 : i32
          %dma_wait3A_231 = arith.constant 0 : i32
          %dma_wait3A_232 = tpu.memref_slice %arg2[%dma_wait3A_230, %dma_wait3A_231] : memref<20480x128xf32, #tpu.memory_space<hbm>> -> memref<20480x128xf32, #tpu.memory_space<hbm>>
          tpu.wait_indirect_dma semaphore(%arg16 : memref<!tpu.dma_semaphore, #tpu.memory_space<semaphore_mem>>) src(%dma_wait3A_232 : memref<20480x128xf32, #tpu.memory_space<hbm>>) dst(%dma_wait3A_226 : memref<128x128xf32, #tpu.memory_space<vmem>>)
          %dma_start3A_233 = arith.constant 1 : i32
          %dma_start3A_234 = arith.constant 4 : i32
          %dma_start3A_235 = arith.constant 1 : i32
          %dma_start3A_236 = arith.constant 0 : i32
          %dma_start3A_237 = arith.constant 0 : i32
          %dma_start3A_238 = tpu.memref_slice %arg7[%dma_start3A_233, %dma_start3A_236, %dma_start3A_237] : memref<3x128x128xf32, #tpu.memory_space<vmem>> -> memref<1x128x128xf32, #tpu.memory_space<vmem>>
          %dma_start3A_239 = tpu.memref_squeeze %dma_start3A_238 : memref<1x128x128xf32, #tpu.memory_space<vmem>> -> memref<128x128xf32, #tpu.memory_space<vmem>>
          %dma_start3A_240 = arith.constant 0 : i32
          %dma_start3A_241 = tpu.memref_slice %arg6[%dma_start3A_234, %dma_start3A_235, %dma_start3A_240] : memref<6x2x128xi32, #tpu.memory_space<vmem>> -> memref<1x1x128xi32, #tpu.memory_space<vmem>>
          %dma_start3A_242 = tpu.memref_squeeze %dma_start3A_241 : memref<1x1x128xi32, #tpu.memory_space<vmem>> -> memref<128xi32, #tpu.memory_space<vmem>>
          %dma_start3A_243 = arith.constant 0 : i32
          %dma_start3A_244 = arith.constant 0 : i32
          %dma_start3A_245 = tpu.memref_slice %arg8[%dma_start3A_243, %dma_start3A_244] : memref<10016x128xf32, #tpu.memory_space<vmem_shared>> -> memref<10016x128xf32, #tpu.memory_space<vmem_shared>>
          tpu.enqueue_indirect_dma source(%dma_start3A_239 : memref<128x128xf32, #tpu.memory_space<vmem>>) target(%dma_start3A_245 : memref<10016x128xf32, #tpu.memory_space<vmem_shared>>) offsets(%dma_start3A_242 : memref<128xi32, #tpu.memory_space<vmem>>) semaphore(%arg19 : memref<!tpu.dma_semaphore, #tpu.memory_space<semaphore_mem>>) {add = true}
        } else {
        }
      } else {
      }
    }
    %scan3A_62 = arith.constant 147 : i32
    %dma_wait3A = arith.constant 2 : i32
    %dma_wait3A_63 = arith.constant 0 : i32
    %dma_wait3A_64 = arith.constant 2 : i32
    %dma_wait3A_65 = arith.constant 0 : i32
    %dma_wait3A_66 = arith.constant 0 : i32
    %dma_wait3A_67 = tpu.memref_slice %arg7[%dma_wait3A_64, %dma_wait3A_65, %dma_wait3A_66] : memref<3x128x128xf32, #tpu.memory_space<vmem>> -> memref<1x128x128xf32, #tpu.memory_space<vmem>>
    %dma_wait3A_68 = tpu.memref_squeeze %dma_wait3A_67 : memref<1x128x128xf32, #tpu.memory_space<vmem>> -> memref<128x128xf32, #tpu.memory_space<vmem>>
    %dma_wait3A_69 = arith.constant 0 : i32
    %dma_wait3A_70 = tpu.memref_slice %arg6[%dma_wait3A, %dma_wait3A_63, %dma_wait3A_69] : memref<6x2x128xi32, #tpu.memory_space<vmem>> -> memref<1x1x128xi32, #tpu.memory_space<vmem>>
    %dma_wait3A_71 = tpu.memref_squeeze %dma_wait3A_70 : memref<1x1x128xi32, #tpu.memory_space<vmem>> -> memref<128xi32, #tpu.memory_space<vmem>>
    %dma_wait3A_72 = arith.constant 0 : i32
    %dma_wait3A_73 = arith.constant 0 : i32
    %dma_wait3A_74 = tpu.memref_slice %arg2[%dma_wait3A_72, %dma_wait3A_73] : memref<20480x128xf32, #tpu.memory_space<hbm>> -> memref<20480x128xf32, #tpu.memory_space<hbm>>
    tpu.wait_indirect_dma semaphore(%arg17 : memref<!tpu.dma_semaphore, #tpu.memory_space<semaphore_mem>>) src(%dma_wait3A_74 : memref<20480x128xf32, #tpu.memory_space<hbm>>) dst(%dma_wait3A_68 : memref<128x128xf32, #tpu.memory_space<vmem>>)
    %dma_start3A_75 = arith.constant 2 : i32
    %dma_start3A_76 = arith.constant 2 : i32
    %dma_start3A_77 = arith.constant 1 : i32
    %dma_start3A_78 = arith.constant 0 : i32
    %dma_start3A_79 = arith.constant 0 : i32
    %dma_start3A_80 = tpu.memref_slice %arg7[%dma_start3A_75, %dma_start3A_78, %dma_start3A_79] : memref<3x128x128xf32, #tpu.memory_space<vmem>> -> memref<1x128x128xf32, #tpu.memory_space<vmem>>
    %dma_start3A_81 = tpu.memref_squeeze %dma_start3A_80 : memref<1x128x128xf32, #tpu.memory_space<vmem>> -> memref<128x128xf32, #tpu.memory_space<vmem>>
    %dma_start3A_82 = arith.constant 0 : i32
    %dma_start3A_83 = tpu.memref_slice %arg6[%dma_start3A_76, %dma_start3A_77, %dma_start3A_82] : memref<6x2x128xi32, #tpu.memory_space<vmem>> -> memref<1x1x128xi32, #tpu.memory_space<vmem>>
    %dma_start3A_84 = tpu.memref_squeeze %dma_start3A_83 : memref<1x1x128xi32, #tpu.memory_space<vmem>> -> memref<128xi32, #tpu.memory_space<vmem>>
    %dma_start3A_85 = arith.constant 0 : i32
    %dma_start3A_86 = arith.constant 0 : i32
    %dma_start3A_87 = tpu.memref_slice %arg8[%dma_start3A_85, %dma_start3A_86] : memref<10016x128xf32, #tpu.memory_space<vmem_shared>> -> memref<10016x128xf32, #tpu.memory_space<vmem_shared>>
    tpu.enqueue_indirect_dma source(%dma_start3A_81 : memref<128x128xf32, #tpu.memory_space<vmem>>) target(%dma_start3A_87 : memref<10016x128xf32, #tpu.memory_space<vmem_shared>>) offsets(%dma_start3A_84 : memref<128xi32, #tpu.memory_space<vmem>>) semaphore(%arg20 : memref<!tpu.dma_semaphore, #tpu.memory_space<semaphore_mem>>) {add = true}
    %dma_wait3A_88 = arith.constant 0 : i32
    %dma_wait3A_89 = arith.constant 0 : i32
    %dma_wait3A_90 = arith.constant 1 : i32
    %dma_wait3A_91 = arith.constant 0 : i32
    %dma_wait3A_92 = arith.constant 0 : i32
    %dma_wait3A_93 = tpu.memref_slice %arg7[%dma_wait3A_88, %dma_wait3A_91, %dma_wait3A_92] : memref<3x128x128xf32, #tpu.memory_space<vmem>> -> memref<1x128x128xf32, #tpu.memory_space<vmem>>
    %dma_wait3A_94 = tpu.memref_squeeze %dma_wait3A_93 : memref<1x128x128xf32, #tpu.memory_space<vmem>> -> memref<128x128xf32, #tpu.memory_space<vmem>>
    %dma_wait3A_95 = arith.constant 0 : i32
    %dma_wait3A_96 = tpu.memref_slice %arg6[%dma_wait3A_89, %dma_wait3A_90, %dma_wait3A_95] : memref<6x2x128xi32, #tpu.memory_space<vmem>> -> memref<1x1x128xi32, #tpu.memory_space<vmem>>
    %dma_wait3A_97 = tpu.memref_squeeze %dma_wait3A_96 : memref<1x1x128xi32, #tpu.memory_space<vmem>> -> memref<128xi32, #tpu.memory_space<vmem>>
    %dma_wait3A_98 = arith.constant 0 : i32
    %dma_wait3A_99 = arith.constant 0 : i32
    %dma_wait3A_100 = tpu.memref_slice %arg8[%dma_wait3A_98, %dma_wait3A_99] : memref<10016x128xf32, #tpu.memory_space<vmem_shared>> -> memref<10016x128xf32, #tpu.memory_space<vmem_shared>>
    tpu.wait_indirect_dma semaphore(%arg18 : memref<!tpu.dma_semaphore, #tpu.memory_space<semaphore_mem>>) src(%dma_wait3A_94 : memref<128x128xf32, #tpu.memory_space<vmem>>) dst(%dma_wait3A_100 : memref<10016x128xf32, #tpu.memory_space<vmem_shared>>)
    %dma_wait3A_101 = arith.constant 1 : i32
    %dma_wait3A_102 = arith.constant 1 : i32
    %dma_wait3A_103 = arith.constant 1 : i32
    %dma_wait3A_104 = arith.constant 0 : i32
    %dma_wait3A_105 = arith.constant 0 : i32
    %dma_wait3A_106 = tpu.memref_slice %arg7[%dma_wait3A_101, %dma_wait3A_104, %dma_wait3A_105] : memref<3x128x128xf32, #tpu.memory_space<vmem>> -> memref<1x128x128xf32, #tpu.memory_space<vmem>>
    %dma_wait3A_107 = tpu.memref_squeeze %dma_wait3A_106 : memref<1x128x128xf32, #tpu.memory_space<vmem>> -> memref<128x128xf32, #tpu.memory_space<vmem>>
    %dma_wait3A_108 = arith.constant 0 : i32
    %dma_wait3A_109 = tpu.memref_slice %arg6[%dma_wait3A_102, %dma_wait3A_103, %dma_wait3A_108] : memref<6x2x128xi32, #tpu.memory_space<vmem>> -> memref<1x1x128xi32, #tpu.memory_space<vmem>>
    %dma_wait3A_110 = tpu.memref_squeeze %dma_wait3A_109 : memref<1x1x128xi32, #tpu.memory_space<vmem>> -> memref<128xi32, #tpu.memory_space<vmem>>
    %dma_wait3A_111 = arith.constant 0 : i32
    %dma_wait3A_112 = arith.constant 0 : i32
    %dma_wait3A_113 = tpu.memref_slice %arg8[%dma_wait3A_111, %dma_wait3A_112] : memref<10016x128xf32, #tpu.memory_space<vmem_shared>> -> memref<10016x128xf32, #tpu.memory_space<vmem_shared>>
    tpu.wait_indirect_dma semaphore(%arg19 : memref<!tpu.dma_semaphore, #tpu.memory_space<semaphore_mem>>) src(%dma_wait3A_107 : memref<128x128xf32, #tpu.memory_space<vmem>>) dst(%dma_wait3A_113 : memref<10016x128xf32, #tpu.memory_space<vmem_shared>>)
    %dma_wait3A_114 = arith.constant 2 : i32
    %dma_wait3A_115 = arith.constant 2 : i32
    %dma_wait3A_116 = arith.constant 1 : i32
    %dma_wait3A_117 = arith.constant 0 : i32
    %dma_wait3A_118 = arith.constant 0 : i32
    %dma_wait3A_119 = tpu.memref_slice %arg7[%dma_wait3A_114, %dma_wait3A_117, %dma_wait3A_118] : memref<3x128x128xf32, #tpu.memory_space<vmem>> -> memref<1x128x128xf32, #tpu.memory_space<vmem>>
    %dma_wait3A_120 = tpu.memref_squeeze %dma_wait3A_119 : memref<1x128x128xf32, #tpu.memory_space<vmem>> -> memref<128x128xf32, #tpu.memory_space<vmem>>
    %dma_wait3A_121 = arith.constant 0 : i32
    %dma_wait3A_122 = tpu.memref_slice %arg6[%dma_wait3A_115, %dma_wait3A_116, %dma_wait3A_121] : memref<6x2x128xi32, #tpu.memory_space<vmem>> -> memref<1x1x128xi32, #tpu.memory_space<vmem>>
    %dma_wait3A_123 = tpu.memref_squeeze %dma_wait3A_122 : memref<1x1x128xi32, #tpu.memory_space<vmem>> -> memref<128xi32, #tpu.memory_space<vmem>>
    %dma_wait3A_124 = arith.constant 0 : i32
    %dma_wait3A_125 = arith.constant 0 : i32
    %dma_wait3A_126 = tpu.memref_slice %arg8[%dma_wait3A_124, %dma_wait3A_125] : memref<10016x128xf32, #tpu.memory_space<vmem_shared>> -> memref<10016x128xf32, #tpu.memory_space<vmem_shared>>
    tpu.wait_indirect_dma semaphore(%arg20 : memref<!tpu.dma_semaphore, #tpu.memory_space<semaphore_mem>>) src(%dma_wait3A_120 : memref<128x128xf32, #tpu.memory_space<vmem>>) dst(%dma_wait3A_126 : memref<10016x128xf32, #tpu.memory_space<vmem_shared>>)
    %barrier3A_127 = arith.constant 0 : index
    tpu.barrier barrier_id(%barrier3A_127)
    %lt3A_128 = arith.constant 15 : i32
    %lt3A_129 = arith.cmpi slt, %arg1, %lt3A_128 : i32
    %convert_element_type3A_130 = arith.extui %lt3A_129 : i1 to i32
    %cond3A_131 = arith.constant 0 : i32
    %cond3A_132 = arith.cmpi ne, %convert_element_type3A_130, %cond3A_131 : i32
    scf.if %cond3A_132 {
      %mul3A = arith.constant 632 : i32
      %mul3A_139 = arith.muli %arg1, %mul3A : i32
      %mul3A_140 = arith.constant 632 : i32
      %mul3A_141 = arith.muli %arg1, %mul3A_140 : i32
      "tpu.region"() ({
        %run_scoped3A = tpu.sem_alloc : memref<!tpu.dma_semaphore, #tpu.memory_space<semaphore_mem>>
        %dma_start3A_142 = arith.constant 0 : i32
        %dma_start3A_143 = tpu.memref_slice %arg5[%arg0, %mul3A_141, %dma_start3A_142] : memref<2x10240x128xf32, #tpu.memory_space<hbm>> -> memref<1x632x128xf32, #tpu.memory_space<hbm>>
        %dma_start3A_144 = tpu.memref_squeeze %dma_start3A_143 : memref<1x632x128xf32, #tpu.memory_space<hbm>> -> memref<632x128xf32, #tpu.memory_space<hbm>>
        %dma_start3A_145 = arith.constant 0 : i32
        %dma_start3A_146 = tpu.memref_slice %arg8[%mul3A_139, %dma_start3A_145] : memref<10016x128xf32, #tpu.memory_space<vmem_shared>> -> memref<632x128xf32, #tpu.memory_space<vmem_shared>>
        tpu.enqueue_dma source(%dma_start3A_146 : memref<632x128xf32, #tpu.memory_space<vmem_shared>>) target(%dma_start3A_144 : memref<632x128xf32, #tpu.memory_space<hbm>>) target_semaphore(%run_scoped3A : memref<!tpu.dma_semaphore, #tpu.memory_space<semaphore_mem>>)
        %dma_wait3A_147 = arith.constant 0 : i32
        %dma_wait3A_148 = tpu.memref_slice %arg5[%arg0, %mul3A_141, %dma_wait3A_147] : memref<2x10240x128xf32, #tpu.memory_space<hbm>> -> memref<1x632x128xf32, #tpu.memory_space<hbm>>
        %dma_wait3A_149 = tpu.memref_squeeze %dma_wait3A_148 : memref<1x632x128xf32, #tpu.memory_space<hbm>> -> memref<632x128xf32, #tpu.memory_space<hbm>>
        %dma_wait3A_150 = arith.constant 0 : i32
        %dma_wait3A_151 = tpu.memref_slice %arg8[%mul3A_139, %dma_wait3A_150] : memref<10016x128xf32, #tpu.memory_space<vmem_shared>> -> memref<632x128xf32, #tpu.memory_space<vmem_shared>>
        tpu.wait_dma2 semaphore(%run_scoped3A : memref<!tpu.dma_semaphore, #tpu.memory_space<semaphore_mem>>) src(%dma_wait3A_151 : memref<632x128xf32, #tpu.memory_space<vmem_shared>>) dst(%dma_wait3A_149 : memref<632x128xf32, #tpu.memory_space<hbm>>)
        tpu.yield
      }) : () -> ()
    } else {
    }
    %eq3A_133 = arith.constant 15 : i32
    %eq3A_134 = arith.cmpi eq, %arg1, %eq3A_133 : i32
    %convert_element_type3A_135 = arith.extui %eq3A_134 : i1 to i32
    %cond3A_136 = arith.constant 0 : i32
    %cond3A_137 = arith.cmpi ne, %convert_element_type3A_135, %cond3A_136 : i32
    scf.if %cond3A_137 {
      "tpu.region"() ({
        %run_scoped3A = tpu.sem_alloc : memref<!tpu.dma_semaphore, #tpu.memory_space<semaphore_mem>>
        %dma_start3A_139 = arith.constant 9480 : i32
        %dma_start3A_140 = arith.constant 0 : i32
        %dma_start3A_141 = tpu.memref_slice %arg5[%arg0, %dma_start3A_139, %dma_start3A_140] : memref<2x10240x128xf32, #tpu.memory_space<hbm>> -> memref<1x536x128xf32, #tpu.memory_space<hbm>>
        %dma_start3A_142 = tpu.memref_squeeze %dma_start3A_141 : memref<1x536x128xf32, #tpu.memory_space<hbm>> -> memref<536x128xf32, #tpu.memory_space<hbm>>
        %dma_start3A_143 = arith.constant 9480 : i32
        %dma_start3A_144 = arith.constant 0 : i32
        %dma_start3A_145 = tpu.memref_slice %arg8[%dma_start3A_143, %dma_start3A_144] : memref<10016x128xf32, #tpu.memory_space<vmem_shared>> -> memref<536x128xf32, #tpu.memory_space<vmem_shared>>
        tpu.enqueue_dma source(%dma_start3A_145 : memref<536x128xf32, #tpu.memory_space<vmem_shared>>) target(%dma_start3A_142 : memref<536x128xf32, #tpu.memory_space<hbm>>) target_semaphore(%run_scoped3A : memref<!tpu.dma_semaphore, #tpu.memory_space<semaphore_mem>>)
        %dma_wait3A_146 = arith.constant 9480 : i32
        %dma_wait3A_147 = arith.constant 0 : i32
        %dma_wait3A_148 = tpu.memref_slice %arg5[%arg0, %dma_wait3A_146, %dma_wait3A_147] : memref<2x10240x128xf32, #tpu.memory_space<hbm>> -> memref<1x536x128xf32, #tpu.memory_space<hbm>>
        %dma_wait3A_149 = tpu.memref_squeeze %dma_wait3A_148 : memref<1x536x128xf32, #tpu.memory_space<hbm>> -> memref<536x128xf32, #tpu.memory_space<hbm>>
        %dma_wait3A_150 = arith.constant 9480 : i32
        %dma_wait3A_151 = arith.constant 0 : i32
        %dma_wait3A_152 = tpu.memref_slice %arg8[%dma_wait3A_150, %dma_wait3A_151] : memref<10016x128xf32, #tpu.memory_space<vmem_shared>> -> memref<536x128xf32, #tpu.memory_space<vmem_shared>>
        tpu.wait_dma2 semaphore(%run_scoped3A : memref<!tpu.dma_semaphore, #tpu.memory_space<semaphore_mem>>) src(%dma_wait3A_152 : memref<536x128xf32, #tpu.memory_space<vmem_shared>>) dst(%dma_wait3A_149 : memref<536x128xf32, #tpu.memory_space<hbm>>)
        tpu.yield
      }) : () -> ()
    } else {
    }
    %barrier3A_138 = arith.constant 0 : index
    tpu.barrier barrier_id(%barrier3A_138)
    return
  }
}

#map = affine_map<(d0, d1) -> (0, 0, 0)>
#map1 = affine_map<(d0, d1) -> (0, 0)>
module attributes {stable_mosaic.version = 14 : i64} {
  func.func @_hist_body(%arg0: i32, %arg1: i32, %arg2: memref<4x4x75264xi32, #tpu.memory_space<hbm>>, %arg3: memref<16x128xf32, #tpu.memory_space<hbm>>, %arg4: memref<2x192x128xf32, #tpu.memory_space<hbm>>, %arg5: memref<6272xi32, #tpu.memory_space<vmem>>, %arg6: memref<6272xi32, #tpu.memory_space<vmem>>, %arg7: memref<82176xf32, #tpu.memory_space<vmem>>, %arg8: memref<48x128xf32, #tpu.memory_space<vmem>>, %arg9: memref<192x128xf32, #tpu.memory_space<vmem_shared>>, %arg10: memref<!tpu.dma_semaphore, #tpu.memory_space<semaphore_mem>>, %arg11: memref<!tpu.dma_semaphore, #tpu.memory_space<semaphore_mem>>) attributes {dimension_semantics = [#tpu.dimension_semantics<core_parallel>, #tpu.dimension_semantics<subcore_parallel>], iteration_bounds = array<i64: 2, 16>, scalar_prefetch = 0 : i64, scratch_operands = 7 : i64, tpu.core_type = #tpu.core_type<sc_vector_subcore>, window_params = [{transform_indices = #map}, {transform_indices = #map1}, {transform_indices = #map}]} {
    %jit3A = arith.constant 8 : i32
    %div3A = arith.divsi %arg1, %jit3A : i32
    %sign3A = arith.constant 0 : i32
    %sign3A_0 = arith.cmpi sgt, %arg1, %sign3A : i32
    %sign3A_1 = arith.extui %sign3A_0 : i1 to i32
    %sign3A_2 = arith.constant 0 : i32
    %sign3A_3 = arith.cmpi slt, %arg1, %sign3A_2 : i32
    %sign3A_4 = arith.extui %sign3A_3 : i1 to i32
    %sign3A_5 = arith.subi %sign3A_1, %sign3A_4 : i32
    %sign3A_6 = arith.constant 0 : i32
    %sign3A_7 = arith.cmpi sgt, %jit3A, %sign3A_6 : i32
    %sign3A_8 = arith.extui %sign3A_7 : i1 to i32
    %sign3A_9 = arith.constant 0 : i32
    %sign3A_10 = arith.cmpi slt, %jit3A, %sign3A_9 : i32
    %sign3A_11 = arith.extui %sign3A_10 : i1 to i32
    %sign3A_12 = arith.subi %sign3A_8, %sign3A_11 : i32
    %ne3A = arith.cmpi ne, %sign3A_5, %sign3A_12 : i32
    %rem3A = arith.remsi %arg1, %jit3A : i32
    %ne3A_13 = arith.constant 0 : i32
    %ne3A_14 = arith.cmpi ne, %rem3A, %ne3A_13 : i32
    %and3A = arith.andi %ne3A, %ne3A_14 : i1
    %sub3A = arith.constant 1 : i32
    %sub3A_15 = arith.subi %div3A, %sub3A : i32
    %select_n3A = arith.select %and3A, %sub3A_15, %div3A : i32
    %mul3A = arith.constant 2 : i32
    %mul3A_16 = arith.muli %arg0, %mul3A : i32
    %add3A = arith.addi %mul3A_16, %select_n3A : i32
    %jit3A_17 = arith.constant 8 : i32
    %eq3A = arith.constant 0 : i32
    %eq3A_18 = arith.cmpi eq, %jit3A_17, %eq3A : i32
    %jit3A_19 = arith.constant 1 : i32
    %select_n3A_20 = arith.select %eq3A_18, %jit3A_19, %jit3A_17 : i32
    %rem3A_21 = arith.remsi %arg1, %select_n3A_20 : i32
    %ne3A_22 = arith.constant 0 : i32
    %ne3A_23 = arith.cmpi ne, %rem3A_21, %ne3A_22 : i32
    %lt3A = arith.constant 0 : i32
    %lt3A_24 = arith.cmpi slt, %rem3A_21, %lt3A : i32
    %lt3A_25 = arith.constant 0 : i32
    %lt3A_26 = arith.cmpi slt, %select_n3A_20, %lt3A_25 : i32
    %ne3A_27 = arith.xori %lt3A_24, %lt3A_26 : i1
    %and3A_28 = arith.andi %ne3A_27, %ne3A_23 : i1
    %add3A_29 = arith.addi %rem3A_21, %select_n3A_20 : i32
    %select_n3A_30 = arith.select %and3A_28, %add3A_29, %rem3A_21 : i32
    %jit3A_31 = arith.constant 4 : i32
    %div3A_32 = arith.divsi %select_n3A_30, %jit3A_31 : i32
    %sign3A_33 = arith.constant 0 : i32
    %sign3A_34 = arith.cmpi sgt, %select_n3A_30, %sign3A_33 : i32
    %sign3A_35 = arith.extui %sign3A_34 : i1 to i32
    %sign3A_36 = arith.constant 0 : i32
    %sign3A_37 = arith.cmpi slt, %select_n3A_30, %sign3A_36 : i32
    %sign3A_38 = arith.extui %sign3A_37 : i1 to i32
    %sign3A_39 = arith.subi %sign3A_35, %sign3A_38 : i32
    %sign3A_40 = arith.constant 0 : i32
    %sign3A_41 = arith.cmpi sgt, %jit3A_31, %sign3A_40 : i32
    %sign3A_42 = arith.extui %sign3A_41 : i1 to i32
    %sign3A_43 = arith.constant 0 : i32
    %sign3A_44 = arith.cmpi slt, %jit3A_31, %sign3A_43 : i32
    %sign3A_45 = arith.extui %sign3A_44 : i1 to i32
    %sign3A_46 = arith.subi %sign3A_42, %sign3A_45 : i32
    %ne3A_47 = arith.cmpi ne, %sign3A_39, %sign3A_46 : i32
    %rem3A_48 = arith.remsi %select_n3A_30, %jit3A_31 : i32
    %ne3A_49 = arith.constant 0 : i32
    %ne3A_50 = arith.cmpi ne, %rem3A_48, %ne3A_49 : i32
    %and3A_51 = arith.andi %ne3A_47, %ne3A_50 : i1
    %sub3A_52 = arith.constant 1 : i32
    %sub3A_53 = arith.subi %div3A_32, %sub3A_52 : i32
    %select_n3A_54 = arith.select %and3A_51, %sub3A_53, %div3A_32 : i32
    %jit3A_55 = arith.constant 4 : i32
    %eq3A_56 = arith.constant 0 : i32
    %eq3A_57 = arith.cmpi eq, %jit3A_55, %eq3A_56 : i32
    %jit3A_58 = arith.constant 1 : i32
    %select_n3A_59 = arith.select %eq3A_57, %jit3A_58, %jit3A_55 : i32
    %rem3A_60 = arith.remsi %arg1, %select_n3A_59 : i32
    %ne3A_61 = arith.constant 0 : i32
    %ne3A_62 = arith.cmpi ne, %rem3A_60, %ne3A_61 : i32
    %lt3A_63 = arith.constant 0 : i32
    %lt3A_64 = arith.cmpi slt, %rem3A_60, %lt3A_63 : i32
    %lt3A_65 = arith.constant 0 : i32
    %lt3A_66 = arith.cmpi slt, %select_n3A_59, %lt3A_65 : i32
    %ne3A_67 = arith.xori %lt3A_64, %lt3A_66 : i1
    %and3A_68 = arith.andi %ne3A_67, %ne3A_62 : i1
    %add3A_69 = arith.addi %rem3A_60, %select_n3A_59 : i32
    %select_n3A_70 = arith.select %and3A_68, %add3A_69, %rem3A_60 : i32
    %mul3A_71 = arith.constant 5120 : i32
    %mul3A_72 = arith.muli %select_n3A_54, %mul3A_71 : i32
    %iota3A = tpu.iota {dimensions = array<i32: 0>} : vector<16xi32>
    %mul3A_73 = arith.constant 5136 : i32
    %mul3A_74 = vector.broadcast %mul3A_73 : i32 to vector<16xi32>
    %mul3A_75 = arith.muli %iota3A, %mul3A_74 : vector<16xi32>
    %broadcast_in_dim3A = arith.constant 0.000000e+00 : f32
    %broadcast_in_dim3A_76 = vector.broadcast %broadcast_in_dim3A : f32 to vector<16xf32>
    %broadcast_in_dim3A_77 = arith.constant 1.000000e+00 : f32
    %broadcast_in_dim3A_78 = vector.broadcast %broadcast_in_dim3A_77 : f32 to vector<16xf32>
    %lt3A_79 = arith.constant 12 : i32
    %lt3A_80 = arith.cmpi slt, %arg1, %lt3A_79 : i32
    %convert_element_type3A = arith.extui %lt3A_80 : i1 to i32
    %cond3A = arith.constant 0 : i32
    %cond3A_81 = arith.cmpi ne, %convert_element_type3A, %cond3A : i32
    scf.if %cond3A_81 {
      %mul3A_328 = arith.constant 16 : i32
      %mul3A_329 = arith.muli %arg1, %mul3A_328 : i32
      "tpu.region"() ({
        %run_scoped3A = tpu.sem_alloc : memref<!tpu.dma_semaphore, #tpu.memory_space<semaphore_mem>>
        %dma_start3A_330 = arith.constant 0 : i32
        %dma_start3A_331 = tpu.memref_slice %arg9[%mul3A_329, %dma_start3A_330] : memref<192x128xf32, #tpu.memory_space<vmem_shared>> -> memref<16x128xf32, #tpu.memory_space<vmem_shared>>
        tpu.enqueue_dma source(%arg3 : memref<16x128xf32, #tpu.memory_space<hbm>>) target(%dma_start3A_331 : memref<16x128xf32, #tpu.memory_space<vmem_shared>>) target_semaphore(%run_scoped3A : memref<!tpu.dma_semaphore, #tpu.memory_space<semaphore_mem>>)
        %dma_wait3A_332 = arith.constant 0 : i32
        %dma_wait3A_333 = tpu.memref_slice %arg9[%mul3A_329, %dma_wait3A_332] : memref<192x128xf32, #tpu.memory_space<vmem_shared>> -> memref<16x128xf32, #tpu.memory_space<vmem_shared>>
        tpu.wait_dma2 semaphore(%run_scoped3A : memref<!tpu.dma_semaphore, #tpu.memory_space<semaphore_mem>>) src(%arg3 : memref<16x128xf32, #tpu.memory_space<hbm>>) dst(%dma_wait3A_333 : memref<16x128xf32, #tpu.memory_space<vmem_shared>>)
        tpu.yield
      }) : () -> ()
    } else {
    }
    %scan3A = arith.constant 0 : i32
    %scan3A_82 = arith.constant 5136 : i32
    %scan3A_83 = arith.addi %scan3A, %scan3A_82 : i32
    %scan3A_84 = arith.constant 1 : i32
    scf.for %scan3A_328 = %scan3A to %scan3A_83 step %scan3A_84  : i32 {
      %mul3A_329 = arith.constant 1 : i32
      %mul3A_330 = arith.muli %scan3A_328, %mul3A_329 : i32
      %add3A_331 = arith.constant 0 : i32
      %add3A_332 = arith.addi %add3A_331, %mul3A_330 : i32
      %mul3A_333 = arith.constant 16 : i32
      %mul3A_334 = arith.muli %add3A_332, %mul3A_333 : i32
      %swap3A = arith.index_cast %mul3A_334 : i32 to index
      %swap3A_335 = tpu.vector_load %arg7[%swap3A] {strides = array<i32>} : memref<82176xf32, #tpu.memory_space<vmem>>, vector<16xf32>,
      tpu.vector_store %arg7[%swap3A], %broadcast_in_dim3A_76 {strides = array<i32>} : memref<82176xf32, #tpu.memory_space<vmem>>, vector<16xf32>,
    }
    %scan3A_85 = arith.constant 5136 : i32
    %dma_start3A = arith.constant 0 : i32
    %dma_start3A_86 = tpu.memref_slice %arg2[%add3A, %select_n3A_70, %dma_start3A] : memref<4x4x75264xi32, #tpu.memory_space<hbm>> -> memref<1x1x6272xi32, #tpu.memory_space<hbm>>
    %dma_start3A_87 = tpu.memref_squeeze %dma_start3A_86 : memref<1x1x6272xi32, #tpu.memory_space<hbm>> -> memref<6272xi32, #tpu.memory_space<hbm>>
    %dma_start3A_88 = arith.constant 0 : i32
    %dma_start3A_89 = tpu.memref_slice %arg2[%add3A, %select_n3A_70, %dma_start3A_88] : memref<4x4x75264xi32, #tpu.memory_space<hbm>> -> memref<1x1x6272xi32, #tpu.memory_space<hbm>>
    %dma_start3A_90 = tpu.memref_squeeze %dma_start3A_89 : memref<1x1x6272xi32, #tpu.memory_space<hbm>> -> memref<6272xi32, #tpu.memory_space<hbm>>
    tpu.enqueue_dma source(%dma_start3A_90 : memref<6272xi32, #tpu.memory_space<hbm>>) target(%arg5 : memref<6272xi32, #tpu.memory_space<vmem>>) target_semaphore(%arg10 : memref<!tpu.dma_semaphore, #tpu.memory_space<semaphore_mem>>)
    %dma_start3A_91 = arith.constant 6272 : i32
    %dma_start3A_92 = tpu.memref_slice %arg2[%add3A, %select_n3A_70, %dma_start3A_91] : memref<4x4x75264xi32, #tpu.memory_space<hbm>> -> memref<1x1x6272xi32, #tpu.memory_space<hbm>>
    %dma_start3A_93 = tpu.memref_squeeze %dma_start3A_92 : memref<1x1x6272xi32, #tpu.memory_space<hbm>> -> memref<6272xi32, #tpu.memory_space<hbm>>
    %dma_start3A_94 = arith.constant 6272 : i32
    %dma_start3A_95 = tpu.memref_slice %arg2[%add3A, %select_n3A_70, %dma_start3A_94] : memref<4x4x75264xi32, #tpu.memory_space<hbm>> -> memref<1x1x6272xi32, #tpu.memory_space<hbm>>
    %dma_start3A_96 = tpu.memref_squeeze %dma_start3A_95 : memref<1x1x6272xi32, #tpu.memory_space<hbm>> -> memref<6272xi32, #tpu.memory_space<hbm>>
    tpu.enqueue_dma source(%dma_start3A_96 : memref<6272xi32, #tpu.memory_space<hbm>>) target(%arg6 : memref<6272xi32, #tpu.memory_space<vmem>>) target_semaphore(%arg11 : memref<!tpu.dma_semaphore, #tpu.memory_space<semaphore_mem>>)
    %dma_wait3A = arith.constant 0 : i32
    %dma_wait3A_97 = tpu.memref_slice %arg2[%add3A, %select_n3A_70, %dma_wait3A] : memref<4x4x75264xi32, #tpu.memory_space<hbm>> -> memref<1x1x6272xi32, #tpu.memory_space<hbm>>
    %dma_wait3A_98 = tpu.memref_squeeze %dma_wait3A_97 : memref<1x1x6272xi32, #tpu.memory_space<hbm>> -> memref<6272xi32, #tpu.memory_space<hbm>>
    %dma_wait3A_99 = arith.constant 0 : i32
    %dma_wait3A_100 = tpu.memref_slice %arg2[%add3A, %select_n3A_70, %dma_wait3A_99] : memref<4x4x75264xi32, #tpu.memory_space<hbm>> -> memref<1x1x6272xi32, #tpu.memory_space<hbm>>
    %dma_wait3A_101 = tpu.memref_squeeze %dma_wait3A_100 : memref<1x1x6272xi32, #tpu.memory_space<hbm>> -> memref<6272xi32, #tpu.memory_space<hbm>>
    tpu.wait_dma2 semaphore(%arg10 : memref<!tpu.dma_semaphore, #tpu.memory_space<semaphore_mem>>) src(%dma_wait3A_101 : memref<6272xi32, #tpu.memory_space<hbm>>) dst(%arg5 : memref<6272xi32, #tpu.memory_space<vmem>>)
    %scan3A_102 = arith.constant 0 : i32
    %scan3A_103 = arith.constant 49 : i32
    %scan3A_104 = arith.addi %scan3A_102, %scan3A_103 : i32
    %scan3A_105 = arith.constant 1 : i32
    scf.for %scan3A_328 = %scan3A_102 to %scan3A_104 step %scan3A_105  : i32 {
      %mul3A_329 = arith.constant 1 : i32
      %mul3A_330 = arith.muli %scan3A_328, %mul3A_329 : i32
      %add3A_331 = arith.constant 0 : i32
      %add3A_332 = arith.addi %add3A_331, %mul3A_330 : i32
      %mul3A_333 = arith.constant 128 : i32
      %mul3A_334 = arith.muli %add3A_332, %mul3A_333 : i32
      %add3A_335 = arith.constant 0 : i32
      %add3A_336 = arith.addi %mul3A_334, %add3A_335 : i32
      %get3A = arith.index_cast %add3A_336 : i32 to index
      %get3A_337 = tpu.vector_load %arg5[%get3A] {strides = array<i32>} : memref<6272xi32, #tpu.memory_space<vmem>>, vector<16xi32>,
      %sub3A_338 = vector.broadcast %mul3A_72 : i32 to vector<16xi32>
      %sub3A_339 = arith.subi %get3A_337, %sub3A_338 : vector<16xi32>
      %min3A = arith.constant 5120 : i32
      %min3A_340 = vector.broadcast %min3A : i32 to vector<16xi32>
      %min3A_341 = arith.minui %sub3A_339, %min3A_340 : vector<16xi32>
      %add3A_342 = arith.addi %min3A_341, %mul3A_75 : vector<16xi32>
      tpu.vector_store_idx %arg7[%add3A_342], %broadcast_in_dim3A_78 {add = true} : memref<82176xf32, #tpu.memory_space<vmem>>[vector<16xi32>], vector<16xf32>,
      %mul3A_343 = arith.constant 128 : i32
      %mul3A_344 = arith.muli %add3A_332, %mul3A_343 : i32
      %add3A_345 = arith.constant 16 : i32
      %add3A_346 = arith.addi %mul3A_344, %add3A_345 : i32
      %get3A_347 = arith.index_cast %add3A_346 : i32 to index
      %get3A_348 = tpu.vector_load %arg5[%get3A_347] {strides = array<i32>} : memref<6272xi32, #tpu.memory_space<vmem>>, vector<16xi32>,
      %sub3A_349 = vector.broadcast %mul3A_72 : i32 to vector<16xi32>
      %sub3A_350 = arith.subi %get3A_348, %sub3A_349 : vector<16xi32>
      %min3A_351 = arith.constant 5120 : i32
      %min3A_352 = vector.broadcast %min3A_351 : i32 to vector<16xi32>
      %min3A_353 = arith.minui %sub3A_350, %min3A_352 : vector<16xi32>
      %add3A_354 = arith.addi %min3A_353, %mul3A_75 : vector<16xi32>
      tpu.vector_store_idx %arg7[%add3A_354], %broadcast_in_dim3A_78 {add = true} : memref<82176xf32, #tpu.memory_space<vmem>>[vector<16xi32>], vector<16xf32>,
      %mul3A_355 = arith.constant 128 : i32
      %mul3A_356 = arith.muli %add3A_332, %mul3A_355 : i32
      %add3A_357 = arith.constant 32 : i32
      %add3A_358 = arith.addi %mul3A_356, %add3A_357 : i32
      %get3A_359 = arith.index_cast %add3A_358 : i32 to index
      %get3A_360 = tpu.vector_load %arg5[%get3A_359] {strides = array<i32>} : memref<6272xi32, #tpu.memory_space<vmem>>, vector<16xi32>,
      %sub3A_361 = vector.broadcast %mul3A_72 : i32 to vector<16xi32>
      %sub3A_362 = arith.subi %get3A_360, %sub3A_361 : vector<16xi32>
      %min3A_363 = arith.constant 5120 : i32
      %min3A_364 = vector.broadcast %min3A_363 : i32 to vector<16xi32>
      %min3A_365 = arith.minui %sub3A_362, %min3A_364 : vector<16xi32>
      %add3A_366 = arith.addi %min3A_365, %mul3A_75 : vector<16xi32>
      tpu.vector_store_idx %arg7[%add3A_366], %broadcast_in_dim3A_78 {add = true} : memref<82176xf32, #tpu.memory_space<vmem>>[vector<16xi32>], vector<16xf32>,
      %mul3A_367 = arith.constant 128 : i32
      %mul3A_368 = arith.muli %add3A_332, %mul3A_367 : i32
      %add3A_369 = arith.constant 48 : i32
      %add3A_370 = arith.addi %mul3A_368, %add3A_369 : i32
      %get3A_371 = arith.index_cast %add3A_370 : i32 to index
      %get3A_372 = tpu.vector_load %arg5[%get3A_371] {strides = array<i32>} : memref<6272xi32, #tpu.memory_space<vmem>>, vector<16xi32>,
      %sub3A_373 = vector.broadcast %mul3A_72 : i32 to vector<16xi32>
      %sub3A_374 = arith.subi %get3A_372, %sub3A_373 : vector<16xi32>
      %min3A_375 = arith.constant 5120 : i32
      %min3A_376 = vector.broadcast %min3A_375 : i32 to vector<16xi32>
      %min3A_377 = arith.minui %sub3A_374, %min3A_376 : vector<16xi32>
      %add3A_378 = arith.addi %min3A_377, %mul3A_75 : vector<16xi32>
      tpu.vector_store_idx %arg7[%add3A_378], %broadcast_in_dim3A_78 {add = true} : memref<82176xf32, #tpu.memory_space<vmem>>[vector<16xi32>], vector<16xf32>,
      %mul3A_379 = arith.constant 128 : i32
      %mul3A_380 = arith.muli %add3A_332, %mul3A_379 : i32
      %add3A_381 = arith.constant 64 : i32
      %add3A_382 = arith.addi %mul3A_380, %add3A_381 : i32
      %get3A_383 = arith.index_cast %add3A_382 : i32 to index
      %get3A_384 = tpu.vector_load %arg5[%get3A_383] {strides = array<i32>} : memref<6272xi32, #tpu.memory_space<vmem>>, vector<16xi32>,
      %sub3A_385 = vector.broadcast %mul3A_72 : i32 to vector<16xi32>
      %sub3A_386 = arith.subi %get3A_384, %sub3A_385 : vector<16xi32>
      %min3A_387 = arith.constant 5120 : i32
      %min3A_388 = vector.broadcast %min3A_387 : i32 to vector<16xi32>
      %min3A_389 = arith.minui %sub3A_386, %min3A_388 : vector<16xi32>
      %add3A_390 = arith.addi %min3A_389, %mul3A_75 : vector<16xi32>
      tpu.vector_store_idx %arg7[%add3A_390], %broadcast_in_dim3A_78 {add = true} : memref<82176xf32, #tpu.memory_space<vmem>>[vector<16xi32>], vector<16xf32>,
      %mul3A_391 = arith.constant 128 : i32
      %mul3A_392 = arith.muli %add3A_332, %mul3A_391 : i32
      %add3A_393 = arith.constant 80 : i32
      %add3A_394 = arith.addi %mul3A_392, %add3A_393 : i32
      %get3A_395 = arith.index_cast %add3A_394 : i32 to index
      %get3A_396 = tpu.vector_load %arg5[%get3A_395] {strides = array<i32>} : memref<6272xi32, #tpu.memory_space<vmem>>, vector<16xi32>,
      %sub3A_397 = vector.broadcast %mul3A_72 : i32 to vector<16xi32>
      %sub3A_398 = arith.subi %get3A_396, %sub3A_397 : vector<16xi32>
      %min3A_399 = arith.constant 5120 : i32
      %min3A_400 = vector.broadcast %min3A_399 : i32 to vector<16xi32>
      %min3A_401 = arith.minui %sub3A_398, %min3A_400 : vector<16xi32>
      %add3A_402 = arith.addi %min3A_401, %mul3A_75 : vector<16xi32>
      tpu.vector_store_idx %arg7[%add3A_402], %broadcast_in_dim3A_78 {add = true} : memref<82176xf32, #tpu.memory_space<vmem>>[vector<16xi32>], vector<16xf32>,
      %mul3A_403 = arith.constant 128 : i32
      %mul3A_404 = arith.muli %add3A_332, %mul3A_403 : i32
      %add3A_405 = arith.constant 96 : i32
      %add3A_406 = arith.addi %mul3A_404, %add3A_405 : i32
      %get3A_407 = arith.index_cast %add3A_406 : i32 to index
      %get3A_408 = tpu.vector_load %arg5[%get3A_407] {strides = array<i32>} : memref<6272xi32, #tpu.memory_space<vmem>>, vector<16xi32>,
      %sub3A_409 = vector.broadcast %mul3A_72 : i32 to vector<16xi32>
      %sub3A_410 = arith.subi %get3A_408, %sub3A_409 : vector<16xi32>
      %min3A_411 = arith.constant 5120 : i32
      %min3A_412 = vector.broadcast %min3A_411 : i32 to vector<16xi32>
      %min3A_413 = arith.minui %sub3A_410, %min3A_412 : vector<16xi32>
      %add3A_414 = arith.addi %min3A_413, %mul3A_75 : vector<16xi32>
      tpu.vector_store_idx %arg7[%add3A_414], %broadcast_in_dim3A_78 {add = true} : memref<82176xf32, #tpu.memory_space<vmem>>[vector<16xi32>], vector<16xf32>,
      %mul3A_415 = arith.constant 128 : i32
      %mul3A_416 = arith.muli %add3A_332, %mul3A_415 : i32
      %add3A_417 = arith.constant 112 : i32
      %add3A_418 = arith.addi %mul3A_416, %add3A_417 : i32
      %get3A_419 = arith.index_cast %add3A_418 : i32 to index
      %get3A_420 = tpu.vector_load %arg5[%get3A_419] {strides = array<i32>} : memref<6272xi32, #tpu.memory_space<vmem>>, vector<16xi32>,
      %sub3A_421 = vector.broadcast %mul3A_72 : i32 to vector<16xi32>
      %sub3A_422 = arith.subi %get3A_420, %sub3A_421 : vector<16xi32>
      %min3A_423 = arith.constant 5120 : i32
      %min3A_424 = vector.broadcast %min3A_423 : i32 to vector<16xi32>
      %min3A_425 = arith.minui %sub3A_422, %min3A_424 : vector<16xi32>
      %add3A_426 = arith.addi %min3A_425, %mul3A_75 : vector<16xi32>
      tpu.vector_store_idx %arg7[%add3A_426], %broadcast_in_dim3A_78 {add = true} : memref<82176xf32, #tpu.memory_space<vmem>>[vector<16xi32>], vector<16xf32>,
    }
    %scan3A_106 = arith.constant 49 : i32
    %dma_start3A_107 = arith.constant 12544 : i32
    %dma_start3A_108 = tpu.memref_slice %arg2[%add3A, %select_n3A_70, %dma_start3A_107] : memref<4x4x75264xi32, #tpu.memory_space<hbm>> -> memref<1x1x6272xi32, #tpu.memory_space<hbm>>
    %dma_start3A_109 = tpu.memref_squeeze %dma_start3A_108 : memref<1x1x6272xi32, #tpu.memory_space<hbm>> -> memref<6272xi32, #tpu.memory_space<hbm>>
    %dma_start3A_110 = arith.constant 12544 : i32
    %dma_start3A_111 = tpu.memref_slice %arg2[%add3A, %select_n3A_70, %dma_start3A_110] : memref<4x4x75264xi32, #tpu.memory_space<hbm>> -> memref<1x1x6272xi32, #tpu.memory_space<hbm>>
    %dma_start3A_112 = tpu.memref_squeeze %dma_start3A_111 : memref<1x1x6272xi32, #tpu.memory_space<hbm>> -> memref<6272xi32, #tpu.memory_space<hbm>>
    tpu.enqueue_dma source(%dma_start3A_112 : memref<6272xi32, #tpu.memory_space<hbm>>) target(%arg5 : memref<6272xi32, #tpu.memory_space<vmem>>) target_semaphore(%arg10 : memref<!tpu.dma_semaphore, #tpu.memory_space<semaphore_mem>>)
    %dma_wait3A_113 = arith.constant 0 : i32
    %dma_wait3A_114 = tpu.memref_slice %arg2[%add3A, %select_n3A_70, %dma_wait3A_113] : memref<4x4x75264xi32, #tpu.memory_space<hbm>> -> memref<1x1x6272xi32, #tpu.memory_space<hbm>>
    %dma_wait3A_115 = tpu.memref_squeeze %dma_wait3A_114 : memref<1x1x6272xi32, #tpu.memory_space<hbm>> -> memref<6272xi32, #tpu.memory_space<hbm>>
    %dma_wait3A_116 = arith.constant 0 : i32
    %dma_wait3A_117 = tpu.memref_slice %arg2[%add3A, %select_n3A_70, %dma_wait3A_116] : memref<4x4x75264xi32, #tpu.memory_space<hbm>> -> memref<1x1x6272xi32, #tpu.memory_space<hbm>>
    %dma_wait3A_118 = tpu.memref_squeeze %dma_wait3A_117 : memref<1x1x6272xi32, #tpu.memory_space<hbm>> -> memref<6272xi32, #tpu.memory_space<hbm>>
    tpu.wait_dma2 semaphore(%arg11 : memref<!tpu.dma_semaphore, #tpu.memory_space<semaphore_mem>>) src(%dma_wait3A_118 : memref<6272xi32, #tpu.memory_space<hbm>>) dst(%arg6 : memref<6272xi32, #tpu.memory_space<vmem>>)
    %scan3A_119 = arith.constant 0 : i32
    %scan3A_120 = arith.constant 49 : i32
    %scan3A_121 = arith.addi %scan3A_119, %scan3A_120 : i32
    %scan3A_122 = arith.constant 1 : i32
    scf.for %scan3A_328 = %scan3A_119 to %scan3A_121 step %scan3A_122  : i32 {
      %mul3A_329 = arith.constant 1 : i32
      %mul3A_330 = arith.muli %scan3A_328, %mul3A_329 : i32
      %add3A_331 = arith.constant 0 : i32
      %add3A_332 = arith.addi %add3A_331, %mul3A_330 : i32
      %mul3A_333 = arith.constant 128 : i32
      %mul3A_334 = arith.muli %add3A_332, %mul3A_333 : i32
      %add3A_335 = arith.constant 0 : i32
      %add3A_336 = arith.addi %mul3A_334, %add3A_335 : i32
      %get3A = arith.index_cast %add3A_336 : i32 to index
      %get3A_337 = tpu.vector_load %arg6[%get3A] {strides = array<i32>} : memref<6272xi32, #tpu.memory_space<vmem>>, vector<16xi32>,
      %sub3A_338 = vector.broadcast %mul3A_72 : i32 to vector<16xi32>
      %sub3A_339 = arith.subi %get3A_337, %sub3A_338 : vector<16xi32>
      %min3A = arith.constant 5120 : i32
      %min3A_340 = vector.broadcast %min3A : i32 to vector<16xi32>
      %min3A_341 = arith.minui %sub3A_339, %min3A_340 : vector<16xi32>
      %add3A_342 = arith.addi %min3A_341, %mul3A_75 : vector<16xi32>
      tpu.vector_store_idx %arg7[%add3A_342], %broadcast_in_dim3A_78 {add = true} : memref<82176xf32, #tpu.memory_space<vmem>>[vector<16xi32>], vector<16xf32>,
      %mul3A_343 = arith.constant 128 : i32
      %mul3A_344 = arith.muli %add3A_332, %mul3A_343 : i32
      %add3A_345 = arith.constant 16 : i32
      %add3A_346 = arith.addi %mul3A_344, %add3A_345 : i32
      %get3A_347 = arith.index_cast %add3A_346 : i32 to index
      %get3A_348 = tpu.vector_load %arg6[%get3A_347] {strides = array<i32>} : memref<6272xi32, #tpu.memory_space<vmem>>, vector<16xi32>,
      %sub3A_349 = vector.broadcast %mul3A_72 : i32 to vector<16xi32>
      %sub3A_350 = arith.subi %get3A_348, %sub3A_349 : vector<16xi32>
      %min3A_351 = arith.constant 5120 : i32
      %min3A_352 = vector.broadcast %min3A_351 : i32 to vector<16xi32>
      %min3A_353 = arith.minui %sub3A_350, %min3A_352 : vector<16xi32>
      %add3A_354 = arith.addi %min3A_353, %mul3A_75 : vector<16xi32>
      tpu.vector_store_idx %arg7[%add3A_354], %broadcast_in_dim3A_78 {add = true} : memref<82176xf32, #tpu.memory_space<vmem>>[vector<16xi32>], vector<16xf32>,
      %mul3A_355 = arith.constant 128 : i32
      %mul3A_356 = arith.muli %add3A_332, %mul3A_355 : i32
      %add3A_357 = arith.constant 32 : i32
      %add3A_358 = arith.addi %mul3A_356, %add3A_357 : i32
      %get3A_359 = arith.index_cast %add3A_358 : i32 to index
      %get3A_360 = tpu.vector_load %arg6[%get3A_359] {strides = array<i32>} : memref<6272xi32, #tpu.memory_space<vmem>>, vector<16xi32>,
      %sub3A_361 = vector.broadcast %mul3A_72 : i32 to vector<16xi32>
      %sub3A_362 = arith.subi %get3A_360, %sub3A_361 : vector<16xi32>
      %min3A_363 = arith.constant 5120 : i32
      %min3A_364 = vector.broadcast %min3A_363 : i32 to vector<16xi32>
      %min3A_365 = arith.minui %sub3A_362, %min3A_364 : vector<16xi32>
      %add3A_366 = arith.addi %min3A_365, %mul3A_75 : vector<16xi32>
      tpu.vector_store_idx %arg7[%add3A_366], %broadcast_in_dim3A_78 {add = true} : memref<82176xf32, #tpu.memory_space<vmem>>[vector<16xi32>], vector<16xf32>,
      %mul3A_367 = arith.constant 128 : i32
      %mul3A_368 = arith.muli %add3A_332, %mul3A_367 : i32
      %add3A_369 = arith.constant 48 : i32
      %add3A_370 = arith.addi %mul3A_368, %add3A_369 : i32
      %get3A_371 = arith.index_cast %add3A_370 : i32 to index
      %get3A_372 = tpu.vector_load %arg6[%get3A_371] {strides = array<i32>} : memref<6272xi32, #tpu.memory_space<vmem>>, vector<16xi32>,
      %sub3A_373 = vector.broadcast %mul3A_72 : i32 to vector<16xi32>
      %sub3A_374 = arith.subi %get3A_372, %sub3A_373 : vector<16xi32>
      %min3A_375 = arith.constant 5120 : i32
      %min3A_376 = vector.broadcast %min3A_375 : i32 to vector<16xi32>
      %min3A_377 = arith.minui %sub3A_374, %min3A_376 : vector<16xi32>
      %add3A_378 = arith.addi %min3A_377, %mul3A_75 : vector<16xi32>
      tpu.vector_store_idx %arg7[%add3A_378], %broadcast_in_dim3A_78 {add = true} : memref<82176xf32, #tpu.memory_space<vmem>>[vector<16xi32>], vector<16xf32>,
      %mul3A_379 = arith.constant 128 : i32
      %mul3A_380 = arith.muli %add3A_332, %mul3A_379 : i32
      %add3A_381 = arith.constant 64 : i32
      %add3A_382 = arith.addi %mul3A_380, %add3A_381 : i32
      %get3A_383 = arith.index_cast %add3A_382 : i32 to index
      %get3A_384 = tpu.vector_load %arg6[%get3A_383] {strides = array<i32>} : memref<6272xi32, #tpu.memory_space<vmem>>, vector<16xi32>,
      %sub3A_385 = vector.broadcast %mul3A_72 : i32 to vector<16xi32>
      %sub3A_386 = arith.subi %get3A_384, %sub3A_385 : vector<16xi32>
      %min3A_387 = arith.constant 5120 : i32
      %min3A_388 = vector.broadcast %min3A_387 : i32 to vector<16xi32>
      %min3A_389 = arith.minui %sub3A_386, %min3A_388 : vector<16xi32>
      %add3A_390 = arith.addi %min3A_389, %mul3A_75 : vector<16xi32>
      tpu.vector_store_idx %arg7[%add3A_390], %broadcast_in_dim3A_78 {add = true} : memref<82176xf32, #tpu.memory_space<vmem>>[vector<16xi32>], vector<16xf32>,
      %mul3A_391 = arith.constant 128 : i32
      %mul3A_392 = arith.muli %add3A_332, %mul3A_391 : i32
      %add3A_393 = arith.constant 80 : i32
      %add3A_394 = arith.addi %mul3A_392, %add3A_393 : i32
      %get3A_395 = arith.index_cast %add3A_394 : i32 to index
      %get3A_396 = tpu.vector_load %arg6[%get3A_395] {strides = array<i32>} : memref<6272xi32, #tpu.memory_space<vmem>>, vector<16xi32>,
      %sub3A_397 = vector.broadcast %mul3A_72 : i32 to vector<16xi32>
      %sub3A_398 = arith.subi %get3A_396, %sub3A_397 : vector<16xi32>
      %min3A_399 = arith.constant 5120 : i32
      %min3A_400 = vector.broadcast %min3A_399 : i32 to vector<16xi32>
      %min3A_401 = arith.minui %sub3A_398, %min3A_400 : vector<16xi32>
      %add3A_402 = arith.addi %min3A_401, %mul3A_75 : vector<16xi32>
      tpu.vector_store_idx %arg7[%add3A_402], %broadcast_in_dim3A_78 {add = true} : memref<82176xf32, #tpu.memory_space<vmem>>[vector<16xi32>], vector<16xf32>,
      %mul3A_403 = arith.constant 128 : i32
      %mul3A_404 = arith.muli %add3A_332, %mul3A_403 : i32
      %add3A_405 = arith.constant 96 : i32
      %add3A_406 = arith.addi %mul3A_404, %add3A_405 : i32
      %get3A_407 = arith.index_cast %add3A_406 : i32 to index
      %get3A_408 = tpu.vector_load %arg6[%get3A_407] {strides = array<i32>} : memref<6272xi32, #tpu.memory_space<vmem>>, vector<16xi32>,
      %sub3A_409 = vector.broadcast %mul3A_72 : i32 to vector<16xi32>
      %sub3A_410 = arith.subi %get3A_408, %sub3A_409 : vector<16xi32>
      %min3A_411 = arith.constant 5120 : i32
      %min3A_412 = vector.broadcast %min3A_411 : i32 to vector<16xi32>
      %min3A_413 = arith.minui %sub3A_410, %min3A_412 : vector<16xi32>
      %add3A_414 = arith.addi %min3A_413, %mul3A_75 : vector<16xi32>
      tpu.vector_store_idx %arg7[%add3A_414], %broadcast_in_dim3A_78 {add = true} : memref<82176xf32, #tpu.memory_space<vmem>>[vector<16xi32>], vector<16xf32>,
      %mul3A_415 = arith.constant 128 : i32
      %mul3A_416 = arith.muli %add3A_332, %mul3A_415 : i32
      %add3A_417 = arith.constant 112 : i32
      %add3A_418 = arith.addi %mul3A_416, %add3A_417 : i32
      %get3A_419 = arith.index_cast %add3A_418 : i32 to index
      %get3A_420 = tpu.vector_load %arg6[%get3A_419] {strides = array<i32>} : memref<6272xi32, #tpu.memory_space<vmem>>, vector<16xi32>,
      %sub3A_421 = vector.broadcast %mul3A_72 : i32 to vector<16xi32>
      %sub3A_422 = arith.subi %get3A_420, %sub3A_421 : vector<16xi32>
      %min3A_423 = arith.constant 5120 : i32
      %min3A_424 = vector.broadcast %min3A_423 : i32 to vector<16xi32>
      %min3A_425 = arith.minui %sub3A_422, %min3A_424 : vector<16xi32>
      %add3A_426 = arith.addi %min3A_425, %mul3A_75 : vector<16xi32>
      tpu.vector_store_idx %arg7[%add3A_426], %broadcast_in_dim3A_78 {add = true} : memref<82176xf32, #tpu.memory_space<vmem>>[vector<16xi32>], vector<16xf32>,
    }
    %scan3A_123 = arith.constant 49 : i32
    %dma_start3A_124 = arith.constant 18816 : i32
    %dma_start3A_125 = tpu.memref_slice %arg2[%add3A, %select_n3A_70, %dma_start3A_124] : memref<4x4x75264xi32, #tpu.memory_space<hbm>> -> memref<1x1x6272xi32, #tpu.memory_space<hbm>>
    %dma_start3A_126 = tpu.memref_squeeze %dma_start3A_125 : memref<1x1x6272xi32, #tpu.memory_space<hbm>> -> memref<6272xi32, #tpu.memory_space<hbm>>
    %dma_start3A_127 = arith.constant 18816 : i32
    %dma_start3A_128 = tpu.memref_slice %arg2[%add3A, %select_n3A_70, %dma_start3A_127] : memref<4x4x75264xi32, #tpu.memory_space<hbm>> -> memref<1x1x6272xi32, #tpu.memory_space<hbm>>
    %dma_start3A_129 = tpu.memref_squeeze %dma_start3A_128 : memref<1x1x6272xi32, #tpu.memory_space<hbm>> -> memref<6272xi32, #tpu.memory_space<hbm>>
    tpu.enqueue_dma source(%dma_start3A_129 : memref<6272xi32, #tpu.memory_space<hbm>>) target(%arg6 : memref<6272xi32, #tpu.memory_space<vmem>>) target_semaphore(%arg11 : memref<!tpu.dma_semaphore, #tpu.memory_space<semaphore_mem>>)
    %dma_wait3A_130 = arith.constant 0 : i32
    %dma_wait3A_131 = tpu.memref_slice %arg2[%add3A, %select_n3A_70, %dma_wait3A_130] : memref<4x4x75264xi32, #tpu.memory_space<hbm>> -> memref<1x1x6272xi32, #tpu.memory_space<hbm>>
    %dma_wait3A_132 = tpu.memref_squeeze %dma_wait3A_131 : memref<1x1x6272xi32, #tpu.memory_space<hbm>> -> memref<6272xi32, #tpu.memory_space<hbm>>
    %dma_wait3A_133 = arith.constant 0 : i32
    %dma_wait3A_134 = tpu.memref_slice %arg2[%add3A, %select_n3A_70, %dma_wait3A_133] : memref<4x4x75264xi32, #tpu.memory_space<hbm>> -> memref<1x1x6272xi32, #tpu.memory_space<hbm>>
    %dma_wait3A_135 = tpu.memref_squeeze %dma_wait3A_134 : memref<1x1x6272xi32, #tpu.memory_space<hbm>> -> memref<6272xi32, #tpu.memory_space<hbm>>
    tpu.wait_dma2 semaphore(%arg10 : memref<!tpu.dma_semaphore, #tpu.memory_space<semaphore_mem>>) src(%dma_wait3A_135 : memref<6272xi32, #tpu.memory_space<hbm>>) dst(%arg5 : memref<6272xi32, #tpu.memory_space<vmem>>)
    %scan3A_136 = arith.constant 0 : i32
    %scan3A_137 = arith.constant 49 : i32
    %scan3A_138 = arith.addi %scan3A_136, %scan3A_137 : i32
    %scan3A_139 = arith.constant 1 : i32
    scf.for %scan3A_328 = %scan3A_136 to %scan3A_138 step %scan3A_139  : i32 {
      %mul3A_329 = arith.constant 1 : i32
      %mul3A_330 = arith.muli %scan3A_328, %mul3A_329 : i32
      %add3A_331 = arith.constant 0 : i32
      %add3A_332 = arith.addi %add3A_331, %mul3A_330 : i32
      %mul3A_333 = arith.constant 128 : i32
      %mul3A_334 = arith.muli %add3A_332, %mul3A_333 : i32
      %add3A_335 = arith.constant 0 : i32
      %add3A_336 = arith.addi %mul3A_334, %add3A_335 : i32
      %get3A = arith.index_cast %add3A_336 : i32 to index
      %get3A_337 = tpu.vector_load %arg5[%get3A] {strides = array<i32>} : memref<6272xi32, #tpu.memory_space<vmem>>, vector<16xi32>,
      %sub3A_338 = vector.broadcast %mul3A_72 : i32 to vector<16xi32>
      %sub3A_339 = arith.subi %get3A_337, %sub3A_338 : vector<16xi32>
      %min3A = arith.constant 5120 : i32
      %min3A_340 = vector.broadcast %min3A : i32 to vector<16xi32>
      %min3A_341 = arith.minui %sub3A_339, %min3A_340 : vector<16xi32>
      %add3A_342 = arith.addi %min3A_341, %mul3A_75 : vector<16xi32>
      tpu.vector_store_idx %arg7[%add3A_342], %broadcast_in_dim3A_78 {add = true} : memref<82176xf32, #tpu.memory_space<vmem>>[vector<16xi32>], vector<16xf32>,
      %mul3A_343 = arith.constant 128 : i32
      %mul3A_344 = arith.muli %add3A_332, %mul3A_343 : i32
      %add3A_345 = arith.constant 16 : i32
      %add3A_346 = arith.addi %mul3A_344, %add3A_345 : i32
      %get3A_347 = arith.index_cast %add3A_346 : i32 to index
      %get3A_348 = tpu.vector_load %arg5[%get3A_347] {strides = array<i32>} : memref<6272xi32, #tpu.memory_space<vmem>>, vector<16xi32>,
      %sub3A_349 = vector.broadcast %mul3A_72 : i32 to vector<16xi32>
      %sub3A_350 = arith.subi %get3A_348, %sub3A_349 : vector<16xi32>
      %min3A_351 = arith.constant 5120 : i32
      %min3A_352 = vector.broadcast %min3A_351 : i32 to vector<16xi32>
      %min3A_353 = arith.minui %sub3A_350, %min3A_352 : vector<16xi32>
      %add3A_354 = arith.addi %min3A_353, %mul3A_75 : vector<16xi32>
      tpu.vector_store_idx %arg7[%add3A_354], %broadcast_in_dim3A_78 {add = true} : memref<82176xf32, #tpu.memory_space<vmem>>[vector<16xi32>], vector<16xf32>,
      %mul3A_355 = arith.constant 128 : i32
      %mul3A_356 = arith.muli %add3A_332, %mul3A_355 : i32
      %add3A_357 = arith.constant 32 : i32
      %add3A_358 = arith.addi %mul3A_356, %add3A_357 : i32
      %get3A_359 = arith.index_cast %add3A_358 : i32 to index
      %get3A_360 = tpu.vector_load %arg5[%get3A_359] {strides = array<i32>} : memref<6272xi32, #tpu.memory_space<vmem>>, vector<16xi32>,
      %sub3A_361 = vector.broadcast %mul3A_72 : i32 to vector<16xi32>
      %sub3A_362 = arith.subi %get3A_360, %sub3A_361 : vector<16xi32>
      %min3A_363 = arith.constant 5120 : i32
      %min3A_364 = vector.broadcast %min3A_363 : i32 to vector<16xi32>
      %min3A_365 = arith.minui %sub3A_362, %min3A_364 : vector<16xi32>
      %add3A_366 = arith.addi %min3A_365, %mul3A_75 : vector<16xi32>
      tpu.vector_store_idx %arg7[%add3A_366], %broadcast_in_dim3A_78 {add = true} : memref<82176xf32, #tpu.memory_space<vmem>>[vector<16xi32>], vector<16xf32>,
      %mul3A_367 = arith.constant 128 : i32
      %mul3A_368 = arith.muli %add3A_332, %mul3A_367 : i32
      %add3A_369 = arith.constant 48 : i32
      %add3A_370 = arith.addi %mul3A_368, %add3A_369 : i32
      %get3A_371 = arith.index_cast %add3A_370 : i32 to index
      %get3A_372 = tpu.vector_load %arg5[%get3A_371] {strides = array<i32>} : memref<6272xi32, #tpu.memory_space<vmem>>, vector<16xi32>,
      %sub3A_373 = vector.broadcast %mul3A_72 : i32 to vector<16xi32>
      %sub3A_374 = arith.subi %get3A_372, %sub3A_373 : vector<16xi32>
      %min3A_375 = arith.constant 5120 : i32
      %min3A_376 = vector.broadcast %min3A_375 : i32 to vector<16xi32>
      %min3A_377 = arith.minui %sub3A_374, %min3A_376 : vector<16xi32>
      %add3A_378 = arith.addi %min3A_377, %mul3A_75 : vector<16xi32>
      tpu.vector_store_idx %arg7[%add3A_378], %broadcast_in_dim3A_78 {add = true} : memref<82176xf32, #tpu.memory_space<vmem>>[vector<16xi32>], vector<16xf32>,
      %mul3A_379 = arith.constant 128 : i32
      %mul3A_380 = arith.muli %add3A_332, %mul3A_379 : i32
      %add3A_381 = arith.constant 64 : i32
      %add3A_382 = arith.addi %mul3A_380, %add3A_381 : i32
      %get3A_383 = arith.index_cast %add3A_382 : i32 to index
      %get3A_384 = tpu.vector_load %arg5[%get3A_383] {strides = array<i32>} : memref<6272xi32, #tpu.memory_space<vmem>>, vector<16xi32>,
      %sub3A_385 = vector.broadcast %mul3A_72 : i32 to vector<16xi32>
      %sub3A_386 = arith.subi %get3A_384, %sub3A_385 : vector<16xi32>
      %min3A_387 = arith.constant 5120 : i32
      %min3A_388 = vector.broadcast %min3A_387 : i32 to vector<16xi32>
      %min3A_389 = arith.minui %sub3A_386, %min3A_388 : vector<16xi32>
      %add3A_390 = arith.addi %min3A_389, %mul3A_75 : vector<16xi32>
      tpu.vector_store_idx %arg7[%add3A_390], %broadcast_in_dim3A_78 {add = true} : memref<82176xf32, #tpu.memory_space<vmem>>[vector<16xi32>], vector<16xf32>,
      %mul3A_391 = arith.constant 128 : i32
      %mul3A_392 = arith.muli %add3A_332, %mul3A_391 : i32
      %add3A_393 = arith.constant 80 : i32
      %add3A_394 = arith.addi %mul3A_392, %add3A_393 : i32
      %get3A_395 = arith.index_cast %add3A_394 : i32 to index
      %get3A_396 = tpu.vector_load %arg5[%get3A_395] {strides = array<i32>} : memref<6272xi32, #tpu.memory_space<vmem>>, vector<16xi32>,
      %sub3A_397 = vector.broadcast %mul3A_72 : i32 to vector<16xi32>
      %sub3A_398 = arith.subi %get3A_396, %sub3A_397 : vector<16xi32>
      %min3A_399 = arith.constant 5120 : i32
      %min3A_400 = vector.broadcast %min3A_399 : i32 to vector<16xi32>
      %min3A_401 = arith.minui %sub3A_398, %min3A_400 : vector<16xi32>
      %add3A_402 = arith.addi %min3A_401, %mul3A_75 : vector<16xi32>
      tpu.vector_store_idx %arg7[%add3A_402], %broadcast_in_dim3A_78 {add = true} : memref<82176xf32, #tpu.memory_space<vmem>>[vector<16xi32>], vector<16xf32>,
      %mul3A_403 = arith.constant 128 : i32
      %mul3A_404 = arith.muli %add3A_332, %mul3A_403 : i32
      %add3A_405 = arith.constant 96 : i32
      %add3A_406 = arith.addi %mul3A_404, %add3A_405 : i32
      %get3A_407 = arith.index_cast %add3A_406 : i32 to index
      %get3A_408 = tpu.vector_load %arg5[%get3A_407] {strides = array<i32>} : memref<6272xi32, #tpu.memory_space<vmem>>, vector<16xi32>,
      %sub3A_409 = vector.broadcast %mul3A_72 : i32 to vector<16xi32>
      %sub3A_410 = arith.subi %get3A_408, %sub3A_409 : vector<16xi32>
      %min3A_411 = arith.constant 5120 : i32
      %min3A_412 = vector.broadcast %min3A_411 : i32 to vector<16xi32>
      %min3A_413 = arith.minui %sub3A_410, %min3A_412 : vector<16xi32>
      %add3A_414 = arith.addi %min3A_413, %mul3A_75 : vector<16xi32>
      tpu.vector_store_idx %arg7[%add3A_414], %broadcast_in_dim3A_78 {add = true} : memref<82176xf32, #tpu.memory_space<vmem>>[vector<16xi32>], vector<16xf32>,
      %mul3A_415 = arith.constant 128 : i32
      %mul3A_416 = arith.muli %add3A_332, %mul3A_415 : i32
      %add3A_417 = arith.constant 112 : i32
      %add3A_418 = arith.addi %mul3A_416, %add3A_417 : i32
      %get3A_419 = arith.index_cast %add3A_418 : i32 to index
      %get3A_420 = tpu.vector_load %arg5[%get3A_419] {strides = array<i32>} : memref<6272xi32, #tpu.memory_space<vmem>>, vector<16xi32>,
      %sub3A_421 = vector.broadcast %mul3A_72 : i32 to vector<16xi32>
      %sub3A_422 = arith.subi %get3A_420, %sub3A_421 : vector<16xi32>
      %min3A_423 = arith.constant 5120 : i32
      %min3A_424 = vector.broadcast %min3A_423 : i32 to vector<16xi32>
      %min3A_425 = arith.minui %sub3A_422, %min3A_424 : vector<16xi32>
      %add3A_426 = arith.addi %min3A_425, %mul3A_75 : vector<16xi32>
      tpu.vector_store_idx %arg7[%add3A_426], %broadcast_in_dim3A_78 {add = true} : memref<82176xf32, #tpu.memory_space<vmem>>[vector<16xi32>], vector<16xf32>,
    }
    %scan3A_140 = arith.constant 49 : i32
    %dma_start3A_141 = arith.constant 25088 : i32
    %dma_start3A_142 = tpu.memref_slice %arg2[%add3A, %select_n3A_70, %dma_start3A_141] : memref<4x4x75264xi32, #tpu.memory_space<hbm>> -> memref<1x1x6272xi32, #tpu.memory_space<hbm>>
    %dma_start3A_143 = tpu.memref_squeeze %dma_start3A_142 : memref<1x1x6272xi32, #tpu.memory_space<hbm>> -> memref<6272xi32, #tpu.memory_space<hbm>>
    %dma_start3A_144 = arith.constant 25088 : i32
    %dma_start3A_145 = tpu.memref_slice %arg2[%add3A, %select_n3A_70, %dma_start3A_144] : memref<4x4x75264xi32, #tpu.memory_space<hbm>> -> memref<1x1x6272xi32, #tpu.memory_space<hbm>>
    %dma_start3A_146 = tpu.memref_squeeze %dma_start3A_145 : memref<1x1x6272xi32, #tpu.memory_space<hbm>> -> memref<6272xi32, #tpu.memory_space<hbm>>
    tpu.enqueue_dma source(%dma_start3A_146 : memref<6272xi32, #tpu.memory_space<hbm>>) target(%arg5 : memref<6272xi32, #tpu.memory_space<vmem>>) target_semaphore(%arg10 : memref<!tpu.dma_semaphore, #tpu.memory_space<semaphore_mem>>)
    %dma_wait3A_147 = arith.constant 0 : i32
    %dma_wait3A_148 = tpu.memref_slice %arg2[%add3A, %select_n3A_70, %dma_wait3A_147] : memref<4x4x75264xi32, #tpu.memory_space<hbm>> -> memref<1x1x6272xi32, #tpu.memory_space<hbm>>
    %dma_wait3A_149 = tpu.memref_squeeze %dma_wait3A_148 : memref<1x1x6272xi32, #tpu.memory_space<hbm>> -> memref<6272xi32, #tpu.memory_space<hbm>>
    %dma_wait3A_150 = arith.constant 0 : i32
    %dma_wait3A_151 = tpu.memref_slice %arg2[%add3A, %select_n3A_70, %dma_wait3A_150] : memref<4x4x75264xi32, #tpu.memory_space<hbm>> -> memref<1x1x6272xi32, #tpu.memory_space<hbm>>
    %dma_wait3A_152 = tpu.memref_squeeze %dma_wait3A_151 : memref<1x1x6272xi32, #tpu.memory_space<hbm>> -> memref<6272xi32, #tpu.memory_space<hbm>>
    tpu.wait_dma2 semaphore(%arg11 : memref<!tpu.dma_semaphore, #tpu.memory_space<semaphore_mem>>) src(%dma_wait3A_152 : memref<6272xi32, #tpu.memory_space<hbm>>) dst(%arg6 : memref<6272xi32, #tpu.memory_space<vmem>>)
    %scan3A_153 = arith.constant 0 : i32
    %scan3A_154 = arith.constant 49 : i32
    %scan3A_155 = arith.addi %scan3A_153, %scan3A_154 : i32
    %scan3A_156 = arith.constant 1 : i32
    scf.for %scan3A_328 = %scan3A_153 to %scan3A_155 step %scan3A_156  : i32 {
      %mul3A_329 = arith.constant 1 : i32
      %mul3A_330 = arith.muli %scan3A_328, %mul3A_329 : i32
      %add3A_331 = arith.constant 0 : i32
      %add3A_332 = arith.addi %add3A_331, %mul3A_330 : i32
      %mul3A_333 = arith.constant 128 : i32
      %mul3A_334 = arith.muli %add3A_332, %mul3A_333 : i32
      %add3A_335 = arith.constant 0 : i32
      %add3A_336 = arith.addi %mul3A_334, %add3A_335 : i32
      %get3A = arith.index_cast %add3A_336 : i32 to index
      %get3A_337 = tpu.vector_load %arg6[%get3A] {strides = array<i32>} : memref<6272xi32, #tpu.memory_space<vmem>>, vector<16xi32>,
      %sub3A_338 = vector.broadcast %mul3A_72 : i32 to vector<16xi32>
      %sub3A_339 = arith.subi %get3A_337, %sub3A_338 : vector<16xi32>
      %min3A = arith.constant 5120 : i32
      %min3A_340 = vector.broadcast %min3A : i32 to vector<16xi32>
      %min3A_341 = arith.minui %sub3A_339, %min3A_340 : vector<16xi32>
      %add3A_342 = arith.addi %min3A_341, %mul3A_75 : vector<16xi32>
      tpu.vector_store_idx %arg7[%add3A_342], %broadcast_in_dim3A_78 {add = true} : memref<82176xf32, #tpu.memory_space<vmem>>[vector<16xi32>], vector<16xf32>,
      %mul3A_343 = arith.constant 128 : i32
      %mul3A_344 = arith.muli %add3A_332, %mul3A_343 : i32
      %add3A_345 = arith.constant 16 : i32
      %add3A_346 = arith.addi %mul3A_344, %add3A_345 : i32
      %get3A_347 = arith.index_cast %add3A_346 : i32 to index
      %get3A_348 = tpu.vector_load %arg6[%get3A_347] {strides = array<i32>} : memref<6272xi32, #tpu.memory_space<vmem>>, vector<16xi32>,
      %sub3A_349 = vector.broadcast %mul3A_72 : i32 to vector<16xi32>
      %sub3A_350 = arith.subi %get3A_348, %sub3A_349 : vector<16xi32>
      %min3A_351 = arith.constant 5120 : i32
      %min3A_352 = vector.broadcast %min3A_351 : i32 to vector<16xi32>
      %min3A_353 = arith.minui %sub3A_350, %min3A_352 : vector<16xi32>
      %add3A_354 = arith.addi %min3A_353, %mul3A_75 : vector<16xi32>
      tpu.vector_store_idx %arg7[%add3A_354], %broadcast_in_dim3A_78 {add = true} : memref<82176xf32, #tpu.memory_space<vmem>>[vector<16xi32>], vector<16xf32>,
      %mul3A_355 = arith.constant 128 : i32
      %mul3A_356 = arith.muli %add3A_332, %mul3A_355 : i32
      %add3A_357 = arith.constant 32 : i32
      %add3A_358 = arith.addi %mul3A_356, %add3A_357 : i32
      %get3A_359 = arith.index_cast %add3A_358 : i32 to index
      %get3A_360 = tpu.vector_load %arg6[%get3A_359] {strides = array<i32>} : memref<6272xi32, #tpu.memory_space<vmem>>, vector<16xi32>,
      %sub3A_361 = vector.broadcast %mul3A_72 : i32 to vector<16xi32>
      %sub3A_362 = arith.subi %get3A_360, %sub3A_361 : vector<16xi32>
      %min3A_363 = arith.constant 5120 : i32
      %min3A_364 = vector.broadcast %min3A_363 : i32 to vector<16xi32>
      %min3A_365 = arith.minui %sub3A_362, %min3A_364 : vector<16xi32>
      %add3A_366 = arith.addi %min3A_365, %mul3A_75 : vector<16xi32>
      tpu.vector_store_idx %arg7[%add3A_366], %broadcast_in_dim3A_78 {add = true} : memref<82176xf32, #tpu.memory_space<vmem>>[vector<16xi32>], vector<16xf32>,
      %mul3A_367 = arith.constant 128 : i32
      %mul3A_368 = arith.muli %add3A_332, %mul3A_367 : i32
      %add3A_369 = arith.constant 48 : i32
      %add3A_370 = arith.addi %mul3A_368, %add3A_369 : i32
      %get3A_371 = arith.index_cast %add3A_370 : i32 to index
      %get3A_372 = tpu.vector_load %arg6[%get3A_371] {strides = array<i32>} : memref<6272xi32, #tpu.memory_space<vmem>>, vector<16xi32>,
      %sub3A_373 = vector.broadcast %mul3A_72 : i32 to vector<16xi32>
      %sub3A_374 = arith.subi %get3A_372, %sub3A_373 : vector<16xi32>
      %min3A_375 = arith.constant 5120 : i32
      %min3A_376 = vector.broadcast %min3A_375 : i32 to vector<16xi32>
      %min3A_377 = arith.minui %sub3A_374, %min3A_376 : vector<16xi32>
      %add3A_378 = arith.addi %min3A_377, %mul3A_75 : vector<16xi32>
      tpu.vector_store_idx %arg7[%add3A_378], %broadcast_in_dim3A_78 {add = true} : memref<82176xf32, #tpu.memory_space<vmem>>[vector<16xi32>], vector<16xf32>,
      %mul3A_379 = arith.constant 128 : i32
      %mul3A_380 = arith.muli %add3A_332, %mul3A_379 : i32
      %add3A_381 = arith.constant 64 : i32
      %add3A_382 = arith.addi %mul3A_380, %add3A_381 : i32
      %get3A_383 = arith.index_cast %add3A_382 : i32 to index
      %get3A_384 = tpu.vector_load %arg6[%get3A_383] {strides = array<i32>} : memref<6272xi32, #tpu.memory_space<vmem>>, vector<16xi32>,
      %sub3A_385 = vector.broadcast %mul3A_72 : i32 to vector<16xi32>
      %sub3A_386 = arith.subi %get3A_384, %sub3A_385 : vector<16xi32>
      %min3A_387 = arith.constant 5120 : i32
      %min3A_388 = vector.broadcast %min3A_387 : i32 to vector<16xi32>
      %min3A_389 = arith.minui %sub3A_386, %min3A_388 : vector<16xi32>
      %add3A_390 = arith.addi %min3A_389, %mul3A_75 : vector<16xi32>
      tpu.vector_store_idx %arg7[%add3A_390], %broadcast_in_dim3A_78 {add = true} : memref<82176xf32, #tpu.memory_space<vmem>>[vector<16xi32>], vector<16xf32>,
      %mul3A_391 = arith.constant 128 : i32
      %mul3A_392 = arith.muli %add3A_332, %mul3A_391 : i32
      %add3A_393 = arith.constant 80 : i32
      %add3A_394 = arith.addi %mul3A_392, %add3A_393 : i32
      %get3A_395 = arith.index_cast %add3A_394 : i32 to index
      %get3A_396 = tpu.vector_load %arg6[%get3A_395] {strides = array<i32>} : memref<6272xi32, #tpu.memory_space<vmem>>, vector<16xi32>,
      %sub3A_397 = vector.broadcast %mul3A_72 : i32 to vector<16xi32>
      %sub3A_398 = arith.subi %get3A_396, %sub3A_397 : vector<16xi32>
      %min3A_399 = arith.constant 5120 : i32
      %min3A_400 = vector.broadcast %min3A_399 : i32 to vector<16xi32>
      %min3A_401 = arith.minui %sub3A_398, %min3A_400 : vector<16xi32>
      %add3A_402 = arith.addi %min3A_401, %mul3A_75 : vector<16xi32>
      tpu.vector_store_idx %arg7[%add3A_402], %broadcast_in_dim3A_78 {add = true} : memref<82176xf32, #tpu.memory_space<vmem>>[vector<16xi32>], vector<16xf32>,
      %mul3A_403 = arith.constant 128 : i32
      %mul3A_404 = arith.muli %add3A_332, %mul3A_403 : i32
      %add3A_405 = arith.constant 96 : i32
      %add3A_406 = arith.addi %mul3A_404, %add3A_405 : i32
      %get3A_407 = arith.index_cast %add3A_406 : i32 to index
      %get3A_408 = tpu.vector_load %arg6[%get3A_407] {strides = array<i32>} : memref<6272xi32, #tpu.memory_space<vmem>>, vector<16xi32>,
      %sub3A_409 = vector.broadcast %mul3A_72 : i32 to vector<16xi32>
      %sub3A_410 = arith.subi %get3A_408, %sub3A_409 : vector<16xi32>
      %min3A_411 = arith.constant 5120 : i32
      %min3A_412 = vector.broadcast %min3A_411 : i32 to vector<16xi32>
      %min3A_413 = arith.minui %sub3A_410, %min3A_412 : vector<16xi32>
      %add3A_414 = arith.addi %min3A_413, %mul3A_75 : vector<16xi32>
      tpu.vector_store_idx %arg7[%add3A_414], %broadcast_in_dim3A_78 {add = true} : memref<82176xf32, #tpu.memory_space<vmem>>[vector<16xi32>], vector<16xf32>,
      %mul3A_415 = arith.constant 128 : i32
      %mul3A_416 = arith.muli %add3A_332, %mul3A_415 : i32
      %add3A_417 = arith.constant 112 : i32
      %add3A_418 = arith.addi %mul3A_416, %add3A_417 : i32
      %get3A_419 = arith.index_cast %add3A_418 : i32 to index
      %get3A_420 = tpu.vector_load %arg6[%get3A_419] {strides = array<i32>} : memref<6272xi32, #tpu.memory_space<vmem>>, vector<16xi32>,
      %sub3A_421 = vector.broadcast %mul3A_72 : i32 to vector<16xi32>
      %sub3A_422 = arith.subi %get3A_420, %sub3A_421 : vector<16xi32>
      %min3A_423 = arith.constant 5120 : i32
      %min3A_424 = vector.broadcast %min3A_423 : i32 to vector<16xi32>
      %min3A_425 = arith.minui %sub3A_422, %min3A_424 : vector<16xi32>
      %add3A_426 = arith.addi %min3A_425, %mul3A_75 : vector<16xi32>
      tpu.vector_store_idx %arg7[%add3A_426], %broadcast_in_dim3A_78 {add = true} : memref<82176xf32, #tpu.memory_space<vmem>>[vector<16xi32>], vector<16xf32>,
    }
    %scan3A_157 = arith.constant 49 : i32
    %dma_start3A_158 = arith.constant 31360 : i32
    %dma_start3A_159 = tpu.memref_slice %arg2[%add3A, %select_n3A_70, %dma_start3A_158] : memref<4x4x75264xi32, #tpu.memory_space<hbm>> -> memref<1x1x6272xi32, #tpu.memory_space<hbm>>
    %dma_start3A_160 = tpu.memref_squeeze %dma_start3A_159 : memref<1x1x6272xi32, #tpu.memory_space<hbm>> -> memref<6272xi32, #tpu.memory_space<hbm>>
    %dma_start3A_161 = arith.constant 31360 : i32
    %dma_start3A_162 = tpu.memref_slice %arg2[%add3A, %select_n3A_70, %dma_start3A_161] : memref<4x4x75264xi32, #tpu.memory_space<hbm>> -> memref<1x1x6272xi32, #tpu.memory_space<hbm>>
    %dma_start3A_163 = tpu.memref_squeeze %dma_start3A_162 : memref<1x1x6272xi32, #tpu.memory_space<hbm>> -> memref<6272xi32, #tpu.memory_space<hbm>>
    tpu.enqueue_dma source(%dma_start3A_163 : memref<6272xi32, #tpu.memory_space<hbm>>) target(%arg6 : memref<6272xi32, #tpu.memory_space<vmem>>) target_semaphore(%arg11 : memref<!tpu.dma_semaphore, #tpu.memory_space<semaphore_mem>>)
    %dma_wait3A_164 = arith.constant 0 : i32
    %dma_wait3A_165 = tpu.memref_slice %arg2[%add3A, %select_n3A_70, %dma_wait3A_164] : memref<4x4x75264xi32, #tpu.memory_space<hbm>> -> memref<1x1x6272xi32, #tpu.memory_space<hbm>>
    %dma_wait3A_166 = tpu.memref_squeeze %dma_wait3A_165 : memref<1x1x6272xi32, #tpu.memory_space<hbm>> -> memref<6272xi32, #tpu.memory_space<hbm>>
    %dma_wait3A_167 = arith.constant 0 : i32
    %dma_wait3A_168 = tpu.memref_slice %arg2[%add3A, %select_n3A_70, %dma_wait3A_167] : memref<4x4x75264xi32, #tpu.memory_space<hbm>> -> memref<1x1x6272xi32, #tpu.memory_space<hbm>>
    %dma_wait3A_169 = tpu.memref_squeeze %dma_wait3A_168 : memref<1x1x6272xi32, #tpu.memory_space<hbm>> -> memref<6272xi32, #tpu.memory_space<hbm>>
    tpu.wait_dma2 semaphore(%arg10 : memref<!tpu.dma_semaphore, #tpu.memory_space<semaphore_mem>>) src(%dma_wait3A_169 : memref<6272xi32, #tpu.memory_space<hbm>>) dst(%arg5 : memref<6272xi32, #tpu.memory_space<vmem>>)
    %scan3A_170 = arith.constant 0 : i32
    %scan3A_171 = arith.constant 49 : i32
    %scan3A_172 = arith.addi %scan3A_170, %scan3A_171 : i32
    %scan3A_173 = arith.constant 1 : i32
    scf.for %scan3A_328 = %scan3A_170 to %scan3A_172 step %scan3A_173  : i32 {
      %mul3A_329 = arith.constant 1 : i32
      %mul3A_330 = arith.muli %scan3A_328, %mul3A_329 : i32
      %add3A_331 = arith.constant 0 : i32
      %add3A_332 = arith.addi %add3A_331, %mul3A_330 : i32
      %mul3A_333 = arith.constant 128 : i32
      %mul3A_334 = arith.muli %add3A_332, %mul3A_333 : i32
      %add3A_335 = arith.constant 0 : i32
      %add3A_336 = arith.addi %mul3A_334, %add3A_335 : i32
      %get3A = arith.index_cast %add3A_336 : i32 to index
      %get3A_337 = tpu.vector_load %arg5[%get3A] {strides = array<i32>} : memref<6272xi32, #tpu.memory_space<vmem>>, vector<16xi32>,
      %sub3A_338 = vector.broadcast %mul3A_72 : i32 to vector<16xi32>
      %sub3A_339 = arith.subi %get3A_337, %sub3A_338 : vector<16xi32>
      %min3A = arith.constant 5120 : i32
      %min3A_340 = vector.broadcast %min3A : i32 to vector<16xi32>
      %min3A_341 = arith.minui %sub3A_339, %min3A_340 : vector<16xi32>
      %add3A_342 = arith.addi %min3A_341, %mul3A_75 : vector<16xi32>
      tpu.vector_store_idx %arg7[%add3A_342], %broadcast_in_dim3A_78 {add = true} : memref<82176xf32, #tpu.memory_space<vmem>>[vector<16xi32>], vector<16xf32>,
      %mul3A_343 = arith.constant 128 : i32
      %mul3A_344 = arith.muli %add3A_332, %mul3A_343 : i32
      %add3A_345 = arith.constant 16 : i32
      %add3A_346 = arith.addi %mul3A_344, %add3A_345 : i32
      %get3A_347 = arith.index_cast %add3A_346 : i32 to index
      %get3A_348 = tpu.vector_load %arg5[%get3A_347] {strides = array<i32>} : memref<6272xi32, #tpu.memory_space<vmem>>, vector<16xi32>,
      %sub3A_349 = vector.broadcast %mul3A_72 : i32 to vector<16xi32>
      %sub3A_350 = arith.subi %get3A_348, %sub3A_349 : vector<16xi32>
      %min3A_351 = arith.constant 5120 : i32
      %min3A_352 = vector.broadcast %min3A_351 : i32 to vector<16xi32>
      %min3A_353 = arith.minui %sub3A_350, %min3A_352 : vector<16xi32>
      %add3A_354 = arith.addi %min3A_353, %mul3A_75 : vector<16xi32>
      tpu.vector_store_idx %arg7[%add3A_354], %broadcast_in_dim3A_78 {add = true} : memref<82176xf32, #tpu.memory_space<vmem>>[vector<16xi32>], vector<16xf32>,
      %mul3A_355 = arith.constant 128 : i32
      %mul3A_356 = arith.muli %add3A_332, %mul3A_355 : i32
      %add3A_357 = arith.constant 32 : i32
      %add3A_358 = arith.addi %mul3A_356, %add3A_357 : i32
      %get3A_359 = arith.index_cast %add3A_358 : i32 to index
      %get3A_360 = tpu.vector_load %arg5[%get3A_359] {strides = array<i32>} : memref<6272xi32, #tpu.memory_space<vmem>>, vector<16xi32>,
      %sub3A_361 = vector.broadcast %mul3A_72 : i32 to vector<16xi32>
      %sub3A_362 = arith.subi %get3A_360, %sub3A_361 : vector<16xi32>
      %min3A_363 = arith.constant 5120 : i32
      %min3A_364 = vector.broadcast %min3A_363 : i32 to vector<16xi32>
      %min3A_365 = arith.minui %sub3A_362, %min3A_364 : vector<16xi32>
      %add3A_366 = arith.addi %min3A_365, %mul3A_75 : vector<16xi32>
      tpu.vector_store_idx %arg7[%add3A_366], %broadcast_in_dim3A_78 {add = true} : memref<82176xf32, #tpu.memory_space<vmem>>[vector<16xi32>], vector<16xf32>,
      %mul3A_367 = arith.constant 128 : i32
      %mul3A_368 = arith.muli %add3A_332, %mul3A_367 : i32
      %add3A_369 = arith.constant 48 : i32
      %add3A_370 = arith.addi %mul3A_368, %add3A_369 : i32
      %get3A_371 = arith.index_cast %add3A_370 : i32 to index
      %get3A_372 = tpu.vector_load %arg5[%get3A_371] {strides = array<i32>} : memref<6272xi32, #tpu.memory_space<vmem>>, vector<16xi32>,
      %sub3A_373 = vector.broadcast %mul3A_72 : i32 to vector<16xi32>
      %sub3A_374 = arith.subi %get3A_372, %sub3A_373 : vector<16xi32>
      %min3A_375 = arith.constant 5120 : i32
      %min3A_376 = vector.broadcast %min3A_375 : i32 to vector<16xi32>
      %min3A_377 = arith.minui %sub3A_374, %min3A_376 : vector<16xi32>
      %add3A_378 = arith.addi %min3A_377, %mul3A_75 : vector<16xi32>
      tpu.vector_store_idx %arg7[%add3A_378], %broadcast_in_dim3A_78 {add = true} : memref<82176xf32, #tpu.memory_space<vmem>>[vector<16xi32>], vector<16xf32>,
      %mul3A_379 = arith.constant 128 : i32
      %mul3A_380 = arith.muli %add3A_332, %mul3A_379 : i32
      %add3A_381 = arith.constant 64 : i32
      %add3A_382 = arith.addi %mul3A_380, %add3A_381 : i32
      %get3A_383 = arith.index_cast %add3A_382 : i32 to index
      %get3A_384 = tpu.vector_load %arg5[%get3A_383] {strides = array<i32>} : memref<6272xi32, #tpu.memory_space<vmem>>, vector<16xi32>,
      %sub3A_385 = vector.broadcast %mul3A_72 : i32 to vector<16xi32>
      %sub3A_386 = arith.subi %get3A_384, %sub3A_385 : vector<16xi32>
      %min3A_387 = arith.constant 5120 : i32
      %min3A_388 = vector.broadcast %min3A_387 : i32 to vector<16xi32>
      %min3A_389 = arith.minui %sub3A_386, %min3A_388 : vector<16xi32>
      %add3A_390 = arith.addi %min3A_389, %mul3A_75 : vector<16xi32>
      tpu.vector_store_idx %arg7[%add3A_390], %broadcast_in_dim3A_78 {add = true} : memref<82176xf32, #tpu.memory_space<vmem>>[vector<16xi32>], vector<16xf32>,
      %mul3A_391 = arith.constant 128 : i32
      %mul3A_392 = arith.muli %add3A_332, %mul3A_391 : i32
      %add3A_393 = arith.constant 80 : i32
      %add3A_394 = arith.addi %mul3A_392, %add3A_393 : i32
      %get3A_395 = arith.index_cast %add3A_394 : i32 to index
      %get3A_396 = tpu.vector_load %arg5[%get3A_395] {strides = array<i32>} : memref<6272xi32, #tpu.memory_space<vmem>>, vector<16xi32>,
      %sub3A_397 = vector.broadcast %mul3A_72 : i32 to vector<16xi32>
      %sub3A_398 = arith.subi %get3A_396, %sub3A_397 : vector<16xi32>
      %min3A_399 = arith.constant 5120 : i32
      %min3A_400 = vector.broadcast %min3A_399 : i32 to vector<16xi32>
      %min3A_401 = arith.minui %sub3A_398, %min3A_400 : vector<16xi32>
      %add3A_402 = arith.addi %min3A_401, %mul3A_75 : vector<16xi32>
      tpu.vector_store_idx %arg7[%add3A_402], %broadcast_in_dim3A_78 {add = true} : memref<82176xf32, #tpu.memory_space<vmem>>[vector<16xi32>], vector<16xf32>,
      %mul3A_403 = arith.constant 128 : i32
      %mul3A_404 = arith.muli %add3A_332, %mul3A_403 : i32
      %add3A_405 = arith.constant 96 : i32
      %add3A_406 = arith.addi %mul3A_404, %add3A_405 : i32
      %get3A_407 = arith.index_cast %add3A_406 : i32 to index
      %get3A_408 = tpu.vector_load %arg5[%get3A_407] {strides = array<i32>} : memref<6272xi32, #tpu.memory_space<vmem>>, vector<16xi32>,
      %sub3A_409 = vector.broadcast %mul3A_72 : i32 to vector<16xi32>
      %sub3A_410 = arith.subi %get3A_408, %sub3A_409 : vector<16xi32>
      %min3A_411 = arith.constant 5120 : i32
      %min3A_412 = vector.broadcast %min3A_411 : i32 to vector<16xi32>
      %min3A_413 = arith.minui %sub3A_410, %min3A_412 : vector<16xi32>
      %add3A_414 = arith.addi %min3A_413, %mul3A_75 : vector<16xi32>
      tpu.vector_store_idx %arg7[%add3A_414], %broadcast_in_dim3A_78 {add = true} : memref<82176xf32, #tpu.memory_space<vmem>>[vector<16xi32>], vector<16xf32>,
      %mul3A_415 = arith.constant 128 : i32
      %mul3A_416 = arith.muli %add3A_332, %mul3A_415 : i32
      %add3A_417 = arith.constant 112 : i32
      %add3A_418 = arith.addi %mul3A_416, %add3A_417 : i32
      %get3A_419 = arith.index_cast %add3A_418 : i32 to index
      %get3A_420 = tpu.vector_load %arg5[%get3A_419] {strides = array<i32>} : memref<6272xi32, #tpu.memory_space<vmem>>, vector<16xi32>,
      %sub3A_421 = vector.broadcast %mul3A_72 : i32 to vector<16xi32>
      %sub3A_422 = arith.subi %get3A_420, %sub3A_421 : vector<16xi32>
      %min3A_423 = arith.constant 5120 : i32
      %min3A_424 = vector.broadcast %min3A_423 : i32 to vector<16xi32>
      %min3A_425 = arith.minui %sub3A_422, %min3A_424 : vector<16xi32>
      %add3A_426 = arith.addi %min3A_425, %mul3A_75 : vector<16xi32>
      tpu.vector_store_idx %arg7[%add3A_426], %broadcast_in_dim3A_78 {add = true} : memref<82176xf32, #tpu.memory_space<vmem>>[vector<16xi32>], vector<16xf32>,
    }
    %scan3A_174 = arith.constant 49 : i32
    %dma_start3A_175 = arith.constant 37632 : i32
    %dma_start3A_176 = tpu.memref_slice %arg2[%add3A, %select_n3A_70, %dma_start3A_175] : memref<4x4x75264xi32, #tpu.memory_space<hbm>> -> memref<1x1x6272xi32, #tpu.memory_space<hbm>>
    %dma_start3A_177 = tpu.memref_squeeze %dma_start3A_176 : memref<1x1x6272xi32, #tpu.memory_space<hbm>> -> memref<6272xi32, #tpu.memory_space<hbm>>
    %dma_start3A_178 = arith.constant 37632 : i32
    %dma_start3A_179 = tpu.memref_slice %arg2[%add3A, %select_n3A_70, %dma_start3A_178] : memref<4x4x75264xi32, #tpu.memory_space<hbm>> -> memref<1x1x6272xi32, #tpu.memory_space<hbm>>
    %dma_start3A_180 = tpu.memref_squeeze %dma_start3A_179 : memref<1x1x6272xi32, #tpu.memory_space<hbm>> -> memref<6272xi32, #tpu.memory_space<hbm>>
    tpu.enqueue_dma source(%dma_start3A_180 : memref<6272xi32, #tpu.memory_space<hbm>>) target(%arg5 : memref<6272xi32, #tpu.memory_space<vmem>>) target_semaphore(%arg10 : memref<!tpu.dma_semaphore, #tpu.memory_space<semaphore_mem>>)
    %dma_wait3A_181 = arith.constant 0 : i32
    %dma_wait3A_182 = tpu.memref_slice %arg2[%add3A, %select_n3A_70, %dma_wait3A_181] : memref<4x4x75264xi32, #tpu.memory_space<hbm>> -> memref<1x1x6272xi32, #tpu.memory_space<hbm>>
    %dma_wait3A_183 = tpu.memref_squeeze %dma_wait3A_182 : memref<1x1x6272xi32, #tpu.memory_space<hbm>> -> memref<6272xi32, #tpu.memory_space<hbm>>
    %dma_wait3A_184 = arith.constant 0 : i32
    %dma_wait3A_185 = tpu.memref_slice %arg2[%add3A, %select_n3A_70, %dma_wait3A_184] : memref<4x4x75264xi32, #tpu.memory_space<hbm>> -> memref<1x1x6272xi32, #tpu.memory_space<hbm>>
    %dma_wait3A_186 = tpu.memref_squeeze %dma_wait3A_185 : memref<1x1x6272xi32, #tpu.memory_space<hbm>> -> memref<6272xi32, #tpu.memory_space<hbm>>
    tpu.wait_dma2 semaphore(%arg11 : memref<!tpu.dma_semaphore, #tpu.memory_space<semaphore_mem>>) src(%dma_wait3A_186 : memref<6272xi32, #tpu.memory_space<hbm>>) dst(%arg6 : memref<6272xi32, #tpu.memory_space<vmem>>)
    %scan3A_187 = arith.constant 0 : i32
    %scan3A_188 = arith.constant 49 : i32
    %scan3A_189 = arith.addi %scan3A_187, %scan3A_188 : i32
    %scan3A_190 = arith.constant 1 : i32
    scf.for %scan3A_328 = %scan3A_187 to %scan3A_189 step %scan3A_190  : i32 {
      %mul3A_329 = arith.constant 1 : i32
      %mul3A_330 = arith.muli %scan3A_328, %mul3A_329 : i32
      %add3A_331 = arith.constant 0 : i32
      %add3A_332 = arith.addi %add3A_331, %mul3A_330 : i32
      %mul3A_333 = arith.constant 128 : i32
      %mul3A_334 = arith.muli %add3A_332, %mul3A_333 : i32
      %add3A_335 = arith.constant 0 : i32
      %add3A_336 = arith.addi %mul3A_334, %add3A_335 : i32
      %get3A = arith.index_cast %add3A_336 : i32 to index
      %get3A_337 = tpu.vector_load %arg6[%get3A] {strides = array<i32>} : memref<6272xi32, #tpu.memory_space<vmem>>, vector<16xi32>,
      %sub3A_338 = vector.broadcast %mul3A_72 : i32 to vector<16xi32>
      %sub3A_339 = arith.subi %get3A_337, %sub3A_338 : vector<16xi32>
      %min3A = arith.constant 5120 : i32
      %min3A_340 = vector.broadcast %min3A : i32 to vector<16xi32>
      %min3A_341 = arith.minui %sub3A_339, %min3A_340 : vector<16xi32>
      %add3A_342 = arith.addi %min3A_341, %mul3A_75 : vector<16xi32>
      tpu.vector_store_idx %arg7[%add3A_342], %broadcast_in_dim3A_78 {add = true} : memref<82176xf32, #tpu.memory_space<vmem>>[vector<16xi32>], vector<16xf32>,
      %mul3A_343 = arith.constant 128 : i32
      %mul3A_344 = arith.muli %add3A_332, %mul3A_343 : i32
      %add3A_345 = arith.constant 16 : i32
      %add3A_346 = arith.addi %mul3A_344, %add3A_345 : i32
      %get3A_347 = arith.index_cast %add3A_346 : i32 to index
      %get3A_348 = tpu.vector_load %arg6[%get3A_347] {strides = array<i32>} : memref<6272xi32, #tpu.memory_space<vmem>>, vector<16xi32>,
      %sub3A_349 = vector.broadcast %mul3A_72 : i32 to vector<16xi32>
      %sub3A_350 = arith.subi %get3A_348, %sub3A_349 : vector<16xi32>
      %min3A_351 = arith.constant 5120 : i32
      %min3A_352 = vector.broadcast %min3A_351 : i32 to vector<16xi32>
      %min3A_353 = arith.minui %sub3A_350, %min3A_352 : vector<16xi32>
      %add3A_354 = arith.addi %min3A_353, %mul3A_75 : vector<16xi32>
      tpu.vector_store_idx %arg7[%add3A_354], %broadcast_in_dim3A_78 {add = true} : memref<82176xf32, #tpu.memory_space<vmem>>[vector<16xi32>], vector<16xf32>,
      %mul3A_355 = arith.constant 128 : i32
      %mul3A_356 = arith.muli %add3A_332, %mul3A_355 : i32
      %add3A_357 = arith.constant 32 : i32
      %add3A_358 = arith.addi %mul3A_356, %add3A_357 : i32
      %get3A_359 = arith.index_cast %add3A_358 : i32 to index
      %get3A_360 = tpu.vector_load %arg6[%get3A_359] {strides = array<i32>} : memref<6272xi32, #tpu.memory_space<vmem>>, vector<16xi32>,
      %sub3A_361 = vector.broadcast %mul3A_72 : i32 to vector<16xi32>
      %sub3A_362 = arith.subi %get3A_360, %sub3A_361 : vector<16xi32>
      %min3A_363 = arith.constant 5120 : i32
      %min3A_364 = vector.broadcast %min3A_363 : i32 to vector<16xi32>
      %min3A_365 = arith.minui %sub3A_362, %min3A_364 : vector<16xi32>
      %add3A_366 = arith.addi %min3A_365, %mul3A_75 : vector<16xi32>
      tpu.vector_store_idx %arg7[%add3A_366], %broadcast_in_dim3A_78 {add = true} : memref<82176xf32, #tpu.memory_space<vmem>>[vector<16xi32>], vector<16xf32>,
      %mul3A_367 = arith.constant 128 : i32
      %mul3A_368 = arith.muli %add3A_332, %mul3A_367 : i32
      %add3A_369 = arith.constant 48 : i32
      %add3A_370 = arith.addi %mul3A_368, %add3A_369 : i32
      %get3A_371 = arith.index_cast %add3A_370 : i32 to index
      %get3A_372 = tpu.vector_load %arg6[%get3A_371] {strides = array<i32>} : memref<6272xi32, #tpu.memory_space<vmem>>, vector<16xi32>,
      %sub3A_373 = vector.broadcast %mul3A_72 : i32 to vector<16xi32>
      %sub3A_374 = arith.subi %get3A_372, %sub3A_373 : vector<16xi32>
      %min3A_375 = arith.constant 5120 : i32
      %min3A_376 = vector.broadcast %min3A_375 : i32 to vector<16xi32>
      %min3A_377 = arith.minui %sub3A_374, %min3A_376 : vector<16xi32>
      %add3A_378 = arith.addi %min3A_377, %mul3A_75 : vector<16xi32>
      tpu.vector_store_idx %arg7[%add3A_378], %broadcast_in_dim3A_78 {add = true} : memref<82176xf32, #tpu.memory_space<vmem>>[vector<16xi32>], vector<16xf32>,
      %mul3A_379 = arith.constant 128 : i32
      %mul3A_380 = arith.muli %add3A_332, %mul3A_379 : i32
      %add3A_381 = arith.constant 64 : i32
      %add3A_382 = arith.addi %mul3A_380, %add3A_381 : i32
      %get3A_383 = arith.index_cast %add3A_382 : i32 to index
      %get3A_384 = tpu.vector_load %arg6[%get3A_383] {strides = array<i32>} : memref<6272xi32, #tpu.memory_space<vmem>>, vector<16xi32>,
      %sub3A_385 = vector.broadcast %mul3A_72 : i32 to vector<16xi32>
      %sub3A_386 = arith.subi %get3A_384, %sub3A_385 : vector<16xi32>
      %min3A_387 = arith.constant 5120 : i32
      %min3A_388 = vector.broadcast %min3A_387 : i32 to vector<16xi32>
      %min3A_389 = arith.minui %sub3A_386, %min3A_388 : vector<16xi32>
      %add3A_390 = arith.addi %min3A_389, %mul3A_75 : vector<16xi32>
      tpu.vector_store_idx %arg7[%add3A_390], %broadcast_in_dim3A_78 {add = true} : memref<82176xf32, #tpu.memory_space<vmem>>[vector<16xi32>], vector<16xf32>,
      %mul3A_391 = arith.constant 128 : i32
      %mul3A_392 = arith.muli %add3A_332, %mul3A_391 : i32
      %add3A_393 = arith.constant 80 : i32
      %add3A_394 = arith.addi %mul3A_392, %add3A_393 : i32
      %get3A_395 = arith.index_cast %add3A_394 : i32 to index
      %get3A_396 = tpu.vector_load %arg6[%get3A_395] {strides = array<i32>} : memref<6272xi32, #tpu.memory_space<vmem>>, vector<16xi32>,
      %sub3A_397 = vector.broadcast %mul3A_72 : i32 to vector<16xi32>
      %sub3A_398 = arith.subi %get3A_396, %sub3A_397 : vector<16xi32>
      %min3A_399 = arith.constant 5120 : i32
      %min3A_400 = vector.broadcast %min3A_399 : i32 to vector<16xi32>
      %min3A_401 = arith.minui %sub3A_398, %min3A_400 : vector<16xi32>
      %add3A_402 = arith.addi %min3A_401, %mul3A_75 : vector<16xi32>
      tpu.vector_store_idx %arg7[%add3A_402], %broadcast_in_dim3A_78 {add = true} : memref<82176xf32, #tpu.memory_space<vmem>>[vector<16xi32>], vector<16xf32>,
      %mul3A_403 = arith.constant 128 : i32
      %mul3A_404 = arith.muli %add3A_332, %mul3A_403 : i32
      %add3A_405 = arith.constant 96 : i32
      %add3A_406 = arith.addi %mul3A_404, %add3A_405 : i32
      %get3A_407 = arith.index_cast %add3A_406 : i32 to index
      %get3A_408 = tpu.vector_load %arg6[%get3A_407] {strides = array<i32>} : memref<6272xi32, #tpu.memory_space<vmem>>, vector<16xi32>,
      %sub3A_409 = vector.broadcast %mul3A_72 : i32 to vector<16xi32>
      %sub3A_410 = arith.subi %get3A_408, %sub3A_409 : vector<16xi32>
      %min3A_411 = arith.constant 5120 : i32
      %min3A_412 = vector.broadcast %min3A_411 : i32 to vector<16xi32>
      %min3A_413 = arith.minui %sub3A_410, %min3A_412 : vector<16xi32>
      %add3A_414 = arith.addi %min3A_413, %mul3A_75 : vector<16xi32>
      tpu.vector_store_idx %arg7[%add3A_414], %broadcast_in_dim3A_78 {add = true} : memref<82176xf32, #tpu.memory_space<vmem>>[vector<16xi32>], vector<16xf32>,
      %mul3A_415 = arith.constant 128 : i32
      %mul3A_416 = arith.muli %add3A_332, %mul3A_415 : i32
      %add3A_417 = arith.constant 112 : i32
      %add3A_418 = arith.addi %mul3A_416, %add3A_417 : i32
      %get3A_419 = arith.index_cast %add3A_418 : i32 to index
      %get3A_420 = tpu.vector_load %arg6[%get3A_419] {strides = array<i32>} : memref<6272xi32, #tpu.memory_space<vmem>>, vector<16xi32>,
      %sub3A_421 = vector.broadcast %mul3A_72 : i32 to vector<16xi32>
      %sub3A_422 = arith.subi %get3A_420, %sub3A_421 : vector<16xi32>
      %min3A_423 = arith.constant 5120 : i32
      %min3A_424 = vector.broadcast %min3A_423 : i32 to vector<16xi32>
      %min3A_425 = arith.minui %sub3A_422, %min3A_424 : vector<16xi32>
      %add3A_426 = arith.addi %min3A_425, %mul3A_75 : vector<16xi32>
      tpu.vector_store_idx %arg7[%add3A_426], %broadcast_in_dim3A_78 {add = true} : memref<82176xf32, #tpu.memory_space<vmem>>[vector<16xi32>], vector<16xf32>,
    }
    %scan3A_191 = arith.constant 49 : i32
    %dma_start3A_192 = arith.constant 43904 : i32
    %dma_start3A_193 = tpu.memref_slice %arg2[%add3A, %select_n3A_70, %dma_start3A_192] : memref<4x4x75264xi32, #tpu.memory_space<hbm>> -> memref<1x1x6272xi32, #tpu.memory_space<hbm>>
    %dma_start3A_194 = tpu.memref_squeeze %dma_start3A_193 : memref<1x1x6272xi32, #tpu.memory_space<hbm>> -> memref<6272xi32, #tpu.memory_space<hbm>>
    %dma_start3A_195 = arith.constant 43904 : i32
    %dma_start3A_196 = tpu.memref_slice %arg2[%add3A, %select_n3A_70, %dma_start3A_195] : memref<4x4x75264xi32, #tpu.memory_space<hbm>> -> memref<1x1x6272xi32, #tpu.memory_space<hbm>>
    %dma_start3A_197 = tpu.memref_squeeze %dma_start3A_196 : memref<1x1x6272xi32, #tpu.memory_space<hbm>> -> memref<6272xi32, #tpu.memory_space<hbm>>
    tpu.enqueue_dma source(%dma_start3A_197 : memref<6272xi32, #tpu.memory_space<hbm>>) target(%arg6 : memref<6272xi32, #tpu.memory_space<vmem>>) target_semaphore(%arg11 : memref<!tpu.dma_semaphore, #tpu.memory_space<semaphore_mem>>)
    %dma_wait3A_198 = arith.constant 0 : i32
    %dma_wait3A_199 = tpu.memref_slice %arg2[%add3A, %select_n3A_70, %dma_wait3A_198] : memref<4x4x75264xi32, #tpu.memory_space<hbm>> -> memref<1x1x6272xi32, #tpu.memory_space<hbm>>
    %dma_wait3A_200 = tpu.memref_squeeze %dma_wait3A_199 : memref<1x1x6272xi32, #tpu.memory_space<hbm>> -> memref<6272xi32, #tpu.memory_space<hbm>>
    %dma_wait3A_201 = arith.constant 0 : i32
    %dma_wait3A_202 = tpu.memref_slice %arg2[%add3A, %select_n3A_70, %dma_wait3A_201] : memref<4x4x75264xi32, #tpu.memory_space<hbm>> -> memref<1x1x6272xi32, #tpu.memory_space<hbm>>
    %dma_wait3A_203 = tpu.memref_squeeze %dma_wait3A_202 : memref<1x1x6272xi32, #tpu.memory_space<hbm>> -> memref<6272xi32, #tpu.memory_space<hbm>>
    tpu.wait_dma2 semaphore(%arg10 : memref<!tpu.dma_semaphore, #tpu.memory_space<semaphore_mem>>) src(%dma_wait3A_203 : memref<6272xi32, #tpu.memory_space<hbm>>) dst(%arg5 : memref<6272xi32, #tpu.memory_space<vmem>>)
    %scan3A_204 = arith.constant 0 : i32
    %scan3A_205 = arith.constant 49 : i32
    %scan3A_206 = arith.addi %scan3A_204, %scan3A_205 : i32
    %scan3A_207 = arith.constant 1 : i32
    scf.for %scan3A_328 = %scan3A_204 to %scan3A_206 step %scan3A_207  : i32 {
      %mul3A_329 = arith.constant 1 : i32
      %mul3A_330 = arith.muli %scan3A_328, %mul3A_329 : i32
      %add3A_331 = arith.constant 0 : i32
      %add3A_332 = arith.addi %add3A_331, %mul3A_330 : i32
      %mul3A_333 = arith.constant 128 : i32
      %mul3A_334 = arith.muli %add3A_332, %mul3A_333 : i32
      %add3A_335 = arith.constant 0 : i32
      %add3A_336 = arith.addi %mul3A_334, %add3A_335 : i32
      %get3A = arith.index_cast %add3A_336 : i32 to index
      %get3A_337 = tpu.vector_load %arg5[%get3A] {strides = array<i32>} : memref<6272xi32, #tpu.memory_space<vmem>>, vector<16xi32>,
      %sub3A_338 = vector.broadcast %mul3A_72 : i32 to vector<16xi32>
      %sub3A_339 = arith.subi %get3A_337, %sub3A_338 : vector<16xi32>
      %min3A = arith.constant 5120 : i32
      %min3A_340 = vector.broadcast %min3A : i32 to vector<16xi32>
      %min3A_341 = arith.minui %sub3A_339, %min3A_340 : vector<16xi32>
      %add3A_342 = arith.addi %min3A_341, %mul3A_75 : vector<16xi32>
      tpu.vector_store_idx %arg7[%add3A_342], %broadcast_in_dim3A_78 {add = true} : memref<82176xf32, #tpu.memory_space<vmem>>[vector<16xi32>], vector<16xf32>,
      %mul3A_343 = arith.constant 128 : i32
      %mul3A_344 = arith.muli %add3A_332, %mul3A_343 : i32
      %add3A_345 = arith.constant 16 : i32
      %add3A_346 = arith.addi %mul3A_344, %add3A_345 : i32
      %get3A_347 = arith.index_cast %add3A_346 : i32 to index
      %get3A_348 = tpu.vector_load %arg5[%get3A_347] {strides = array<i32>} : memref<6272xi32, #tpu.memory_space<vmem>>, vector<16xi32>,
      %sub3A_349 = vector.broadcast %mul3A_72 : i32 to vector<16xi32>
      %sub3A_350 = arith.subi %get3A_348, %sub3A_349 : vector<16xi32>
      %min3A_351 = arith.constant 5120 : i32
      %min3A_352 = vector.broadcast %min3A_351 : i32 to vector<16xi32>
      %min3A_353 = arith.minui %sub3A_350, %min3A_352 : vector<16xi32>
      %add3A_354 = arith.addi %min3A_353, %mul3A_75 : vector<16xi32>
      tpu.vector_store_idx %arg7[%add3A_354], %broadcast_in_dim3A_78 {add = true} : memref<82176xf32, #tpu.memory_space<vmem>>[vector<16xi32>], vector<16xf32>,
      %mul3A_355 = arith.constant 128 : i32
      %mul3A_356 = arith.muli %add3A_332, %mul3A_355 : i32
      %add3A_357 = arith.constant 32 : i32
      %add3A_358 = arith.addi %mul3A_356, %add3A_357 : i32
      %get3A_359 = arith.index_cast %add3A_358 : i32 to index
      %get3A_360 = tpu.vector_load %arg5[%get3A_359] {strides = array<i32>} : memref<6272xi32, #tpu.memory_space<vmem>>, vector<16xi32>,
      %sub3A_361 = vector.broadcast %mul3A_72 : i32 to vector<16xi32>
      %sub3A_362 = arith.subi %get3A_360, %sub3A_361 : vector<16xi32>
      %min3A_363 = arith.constant 5120 : i32
      %min3A_364 = vector.broadcast %min3A_363 : i32 to vector<16xi32>
      %min3A_365 = arith.minui %sub3A_362, %min3A_364 : vector<16xi32>
      %add3A_366 = arith.addi %min3A_365, %mul3A_75 : vector<16xi32>
      tpu.vector_store_idx %arg7[%add3A_366], %broadcast_in_dim3A_78 {add = true} : memref<82176xf32, #tpu.memory_space<vmem>>[vector<16xi32>], vector<16xf32>,
      %mul3A_367 = arith.constant 128 : i32
      %mul3A_368 = arith.muli %add3A_332, %mul3A_367 : i32
      %add3A_369 = arith.constant 48 : i32
      %add3A_370 = arith.addi %mul3A_368, %add3A_369 : i32
      %get3A_371 = arith.index_cast %add3A_370 : i32 to index
      %get3A_372 = tpu.vector_load %arg5[%get3A_371] {strides = array<i32>} : memref<6272xi32, #tpu.memory_space<vmem>>, vector<16xi32>,
      %sub3A_373 = vector.broadcast %mul3A_72 : i32 to vector<16xi32>
      %sub3A_374 = arith.subi %get3A_372, %sub3A_373 : vector<16xi32>
      %min3A_375 = arith.constant 5120 : i32
      %min3A_376 = vector.broadcast %min3A_375 : i32 to vector<16xi32>
      %min3A_377 = arith.minui %sub3A_374, %min3A_376 : vector<16xi32>
      %add3A_378 = arith.addi %min3A_377, %mul3A_75 : vector<16xi32>
      tpu.vector_store_idx %arg7[%add3A_378], %broadcast_in_dim3A_78 {add = true} : memref<82176xf32, #tpu.memory_space<vmem>>[vector<16xi32>], vector<16xf32>,
      %mul3A_379 = arith.constant 128 : i32
      %mul3A_380 = arith.muli %add3A_332, %mul3A_379 : i32
      %add3A_381 = arith.constant 64 : i32
      %add3A_382 = arith.addi %mul3A_380, %add3A_381 : i32
      %get3A_383 = arith.index_cast %add3A_382 : i32 to index
      %get3A_384 = tpu.vector_load %arg5[%get3A_383] {strides = array<i32>} : memref<6272xi32, #tpu.memory_space<vmem>>, vector<16xi32>,
      %sub3A_385 = vector.broadcast %mul3A_72 : i32 to vector<16xi32>
      %sub3A_386 = arith.subi %get3A_384, %sub3A_385 : vector<16xi32>
      %min3A_387 = arith.constant 5120 : i32
      %min3A_388 = vector.broadcast %min3A_387 : i32 to vector<16xi32>
      %min3A_389 = arith.minui %sub3A_386, %min3A_388 : vector<16xi32>
      %add3A_390 = arith.addi %min3A_389, %mul3A_75 : vector<16xi32>
      tpu.vector_store_idx %arg7[%add3A_390], %broadcast_in_dim3A_78 {add = true} : memref<82176xf32, #tpu.memory_space<vmem>>[vector<16xi32>], vector<16xf32>,
      %mul3A_391 = arith.constant 128 : i32
      %mul3A_392 = arith.muli %add3A_332, %mul3A_391 : i32
      %add3A_393 = arith.constant 80 : i32
      %add3A_394 = arith.addi %mul3A_392, %add3A_393 : i32
      %get3A_395 = arith.index_cast %add3A_394 : i32 to index
      %get3A_396 = tpu.vector_load %arg5[%get3A_395] {strides = array<i32>} : memref<6272xi32, #tpu.memory_space<vmem>>, vector<16xi32>,
      %sub3A_397 = vector.broadcast %mul3A_72 : i32 to vector<16xi32>
      %sub3A_398 = arith.subi %get3A_396, %sub3A_397 : vector<16xi32>
      %min3A_399 = arith.constant 5120 : i32
      %min3A_400 = vector.broadcast %min3A_399 : i32 to vector<16xi32>
      %min3A_401 = arith.minui %sub3A_398, %min3A_400 : vector<16xi32>
      %add3A_402 = arith.addi %min3A_401, %mul3A_75 : vector<16xi32>
      tpu.vector_store_idx %arg7[%add3A_402], %broadcast_in_dim3A_78 {add = true} : memref<82176xf32, #tpu.memory_space<vmem>>[vector<16xi32>], vector<16xf32>,
      %mul3A_403 = arith.constant 128 : i32
      %mul3A_404 = arith.muli %add3A_332, %mul3A_403 : i32
      %add3A_405 = arith.constant 96 : i32
      %add3A_406 = arith.addi %mul3A_404, %add3A_405 : i32
      %get3A_407 = arith.index_cast %add3A_406 : i32 to index
      %get3A_408 = tpu.vector_load %arg5[%get3A_407] {strides = array<i32>} : memref<6272xi32, #tpu.memory_space<vmem>>, vector<16xi32>,
      %sub3A_409 = vector.broadcast %mul3A_72 : i32 to vector<16xi32>
      %sub3A_410 = arith.subi %get3A_408, %sub3A_409 : vector<16xi32>
      %min3A_411 = arith.constant 5120 : i32
      %min3A_412 = vector.broadcast %min3A_411 : i32 to vector<16xi32>
      %min3A_413 = arith.minui %sub3A_410, %min3A_412 : vector<16xi32>
      %add3A_414 = arith.addi %min3A_413, %mul3A_75 : vector<16xi32>
      tpu.vector_store_idx %arg7[%add3A_414], %broadcast_in_dim3A_78 {add = true} : memref<82176xf32, #tpu.memory_space<vmem>>[vector<16xi32>], vector<16xf32>,
      %mul3A_415 = arith.constant 128 : i32
      %mul3A_416 = arith.muli %add3A_332, %mul3A_415 : i32
      %add3A_417 = arith.constant 112 : i32
      %add3A_418 = arith.addi %mul3A_416, %add3A_417 : i32
      %get3A_419 = arith.index_cast %add3A_418 : i32 to index
      %get3A_420 = tpu.vector_load %arg5[%get3A_419] {strides = array<i32>} : memref<6272xi32, #tpu.memory_space<vmem>>, vector<16xi32>,
      %sub3A_421 = vector.broadcast %mul3A_72 : i32 to vector<16xi32>
      %sub3A_422 = arith.subi %get3A_420, %sub3A_421 : vector<16xi32>
      %min3A_423 = arith.constant 5120 : i32
      %min3A_424 = vector.broadcast %min3A_423 : i32 to vector<16xi32>
      %min3A_425 = arith.minui %sub3A_422, %min3A_424 : vector<16xi32>
      %add3A_426 = arith.addi %min3A_425, %mul3A_75 : vector<16xi32>
      tpu.vector_store_idx %arg7[%add3A_426], %broadcast_in_dim3A_78 {add = true} : memref<82176xf32, #tpu.memory_space<vmem>>[vector<16xi32>], vector<16xf32>,
    }
    %scan3A_208 = arith.constant 49 : i32
    %dma_start3A_209 = arith.constant 50176 : i32
    %dma_start3A_210 = tpu.memref_slice %arg2[%add3A, %select_n3A_70, %dma_start3A_209] : memref<4x4x75264xi32, #tpu.memory_space<hbm>> -> memref<1x1x6272xi32, #tpu.memory_space<hbm>>
    %dma_start3A_211 = tpu.memref_squeeze %dma_start3A_210 : memref<1x1x6272xi32, #tpu.memory_space<hbm>> -> memref<6272xi32, #tpu.memory_space<hbm>>
    %dma_start3A_212 = arith.constant 50176 : i32
    %dma_start3A_213 = tpu.memref_slice %arg2[%add3A, %select_n3A_70, %dma_start3A_212] : memref<4x4x75264xi32, #tpu.memory_space<hbm>> -> memref<1x1x6272xi32, #tpu.memory_space<hbm>>
    %dma_start3A_214 = tpu.memref_squeeze %dma_start3A_213 : memref<1x1x6272xi32, #tpu.memory_space<hbm>> -> memref<6272xi32, #tpu.memory_space<hbm>>
    tpu.enqueue_dma source(%dma_start3A_214 : memref<6272xi32, #tpu.memory_space<hbm>>) target(%arg5 : memref<6272xi32, #tpu.memory_space<vmem>>) target_semaphore(%arg10 : memref<!tpu.dma_semaphore, #tpu.memory_space<semaphore_mem>>)
    %dma_wait3A_215 = arith.constant 0 : i32
    %dma_wait3A_216 = tpu.memref_slice %arg2[%add3A, %select_n3A_70, %dma_wait3A_215] : memref<4x4x75264xi32, #tpu.memory_space<hbm>> -> memref<1x1x6272xi32, #tpu.memory_space<hbm>>
    %dma_wait3A_217 = tpu.memref_squeeze %dma_wait3A_216 : memref<1x1x6272xi32, #tpu.memory_space<hbm>> -> memref<6272xi32, #tpu.memory_space<hbm>>
    %dma_wait3A_218 = arith.constant 0 : i32
    %dma_wait3A_219 = tpu.memref_slice %arg2[%add3A, %select_n3A_70, %dma_wait3A_218] : memref<4x4x75264xi32, #tpu.memory_space<hbm>> -> memref<1x1x6272xi32, #tpu.memory_space<hbm>>
    %dma_wait3A_220 = tpu.memref_squeeze %dma_wait3A_219 : memref<1x1x6272xi32, #tpu.memory_space<hbm>> -> memref<6272xi32, #tpu.memory_space<hbm>>
    tpu.wait_dma2 semaphore(%arg11 : memref<!tpu.dma_semaphore, #tpu.memory_space<semaphore_mem>>) src(%dma_wait3A_220 : memref<6272xi32, #tpu.memory_space<hbm>>) dst(%arg6 : memref<6272xi32, #tpu.memory_space<vmem>>)
    %scan3A_221 = arith.constant 0 : i32
    %scan3A_222 = arith.constant 49 : i32
    %scan3A_223 = arith.addi %scan3A_221, %scan3A_222 : i32
    %scan3A_224 = arith.constant 1 : i32
    scf.for %scan3A_328 = %scan3A_221 to %scan3A_223 step %scan3A_224  : i32 {
      %mul3A_329 = arith.constant 1 : i32
      %mul3A_330 = arith.muli %scan3A_328, %mul3A_329 : i32
      %add3A_331 = arith.constant 0 : i32
      %add3A_332 = arith.addi %add3A_331, %mul3A_330 : i32
      %mul3A_333 = arith.constant 128 : i32
      %mul3A_334 = arith.muli %add3A_332, %mul3A_333 : i32
      %add3A_335 = arith.constant 0 : i32
      %add3A_336 = arith.addi %mul3A_334, %add3A_335 : i32
      %get3A = arith.index_cast %add3A_336 : i32 to index
      %get3A_337 = tpu.vector_load %arg6[%get3A] {strides = array<i32>} : memref<6272xi32, #tpu.memory_space<vmem>>, vector<16xi32>,
      %sub3A_338 = vector.broadcast %mul3A_72 : i32 to vector<16xi32>
      %sub3A_339 = arith.subi %get3A_337, %sub3A_338 : vector<16xi32>
      %min3A = arith.constant 5120 : i32
      %min3A_340 = vector.broadcast %min3A : i32 to vector<16xi32>
      %min3A_341 = arith.minui %sub3A_339, %min3A_340 : vector<16xi32>
      %add3A_342 = arith.addi %min3A_341, %mul3A_75 : vector<16xi32>
      tpu.vector_store_idx %arg7[%add3A_342], %broadcast_in_dim3A_78 {add = true} : memref<82176xf32, #tpu.memory_space<vmem>>[vector<16xi32>], vector<16xf32>,
      %mul3A_343 = arith.constant 128 : i32
      %mul3A_344 = arith.muli %add3A_332, %mul3A_343 : i32
      %add3A_345 = arith.constant 16 : i32
      %add3A_346 = arith.addi %mul3A_344, %add3A_345 : i32
      %get3A_347 = arith.index_cast %add3A_346 : i32 to index
      %get3A_348 = tpu.vector_load %arg6[%get3A_347] {strides = array<i32>} : memref<6272xi32, #tpu.memory_space<vmem>>, vector<16xi32>,
      %sub3A_349 = vector.broadcast %mul3A_72 : i32 to vector<16xi32>
      %sub3A_350 = arith.subi %get3A_348, %sub3A_349 : vector<16xi32>
      %min3A_351 = arith.constant 5120 : i32
      %min3A_352 = vector.broadcast %min3A_351 : i32 to vector<16xi32>
      %min3A_353 = arith.minui %sub3A_350, %min3A_352 : vector<16xi32>
      %add3A_354 = arith.addi %min3A_353, %mul3A_75 : vector<16xi32>
      tpu.vector_store_idx %arg7[%add3A_354], %broadcast_in_dim3A_78 {add = true} : memref<82176xf32, #tpu.memory_space<vmem>>[vector<16xi32>], vector<16xf32>,
      %mul3A_355 = arith.constant 128 : i32
      %mul3A_356 = arith.muli %add3A_332, %mul3A_355 : i32
      %add3A_357 = arith.constant 32 : i32
      %add3A_358 = arith.addi %mul3A_356, %add3A_357 : i32
      %get3A_359 = arith.index_cast %add3A_358 : i32 to index
      %get3A_360 = tpu.vector_load %arg6[%get3A_359] {strides = array<i32>} : memref<6272xi32, #tpu.memory_space<vmem>>, vector<16xi32>,
      %sub3A_361 = vector.broadcast %mul3A_72 : i32 to vector<16xi32>
      %sub3A_362 = arith.subi %get3A_360, %sub3A_361 : vector<16xi32>
      %min3A_363 = arith.constant 5120 : i32
      %min3A_364 = vector.broadcast %min3A_363 : i32 to vector<16xi32>
      %min3A_365 = arith.minui %sub3A_362, %min3A_364 : vector<16xi32>
      %add3A_366 = arith.addi %min3A_365, %mul3A_75 : vector<16xi32>
      tpu.vector_store_idx %arg7[%add3A_366], %broadcast_in_dim3A_78 {add = true} : memref<82176xf32, #tpu.memory_space<vmem>>[vector<16xi32>], vector<16xf32>,
      %mul3A_367 = arith.constant 128 : i32
      %mul3A_368 = arith.muli %add3A_332, %mul3A_367 : i32
      %add3A_369 = arith.constant 48 : i32
      %add3A_370 = arith.addi %mul3A_368, %add3A_369 : i32
      %get3A_371 = arith.index_cast %add3A_370 : i32 to index
      %get3A_372 = tpu.vector_load %arg6[%get3A_371] {strides = array<i32>} : memref<6272xi32, #tpu.memory_space<vmem>>, vector<16xi32>,
      %sub3A_373 = vector.broadcast %mul3A_72 : i32 to vector<16xi32>
      %sub3A_374 = arith.subi %get3A_372, %sub3A_373 : vector<16xi32>
      %min3A_375 = arith.constant 5120 : i32
      %min3A_376 = vector.broadcast %min3A_375 : i32 to vector<16xi32>
      %min3A_377 = arith.minui %sub3A_374, %min3A_376 : vector<16xi32>
      %add3A_378 = arith.addi %min3A_377, %mul3A_75 : vector<16xi32>
      tpu.vector_store_idx %arg7[%add3A_378], %broadcast_in_dim3A_78 {add = true} : memref<82176xf32, #tpu.memory_space<vmem>>[vector<16xi32>], vector<16xf32>,
      %mul3A_379 = arith.constant 128 : i32
      %mul3A_380 = arith.muli %add3A_332, %mul3A_379 : i32
      %add3A_381 = arith.constant 64 : i32
      %add3A_382 = arith.addi %mul3A_380, %add3A_381 : i32
      %get3A_383 = arith.index_cast %add3A_382 : i32 to index
      %get3A_384 = tpu.vector_load %arg6[%get3A_383] {strides = array<i32>} : memref<6272xi32, #tpu.memory_space<vmem>>, vector<16xi32>,
      %sub3A_385 = vector.broadcast %mul3A_72 : i32 to vector<16xi32>
      %sub3A_386 = arith.subi %get3A_384, %sub3A_385 : vector<16xi32>
      %min3A_387 = arith.constant 5120 : i32
      %min3A_388 = vector.broadcast %min3A_387 : i32 to vector<16xi32>
      %min3A_389 = arith.minui %sub3A_386, %min3A_388 : vector<16xi32>
      %add3A_390 = arith.addi %min3A_389, %mul3A_75 : vector<16xi32>
      tpu.vector_store_idx %arg7[%add3A_390], %broadcast_in_dim3A_78 {add = true} : memref<82176xf32, #tpu.memory_space<vmem>>[vector<16xi32>], vector<16xf32>,
      %mul3A_391 = arith.constant 128 : i32
      %mul3A_392 = arith.muli %add3A_332, %mul3A_391 : i32
      %add3A_393 = arith.constant 80 : i32
      %add3A_394 = arith.addi %mul3A_392, %add3A_393 : i32
      %get3A_395 = arith.index_cast %add3A_394 : i32 to index
      %get3A_396 = tpu.vector_load %arg6[%get3A_395] {strides = array<i32>} : memref<6272xi32, #tpu.memory_space<vmem>>, vector<16xi32>,
      %sub3A_397 = vector.broadcast %mul3A_72 : i32 to vector<16xi32>
      %sub3A_398 = arith.subi %get3A_396, %sub3A_397 : vector<16xi32>
      %min3A_399 = arith.constant 5120 : i32
      %min3A_400 = vector.broadcast %min3A_399 : i32 to vector<16xi32>
      %min3A_401 = arith.minui %sub3A_398, %min3A_400 : vector<16xi32>
      %add3A_402 = arith.addi %min3A_401, %mul3A_75 : vector<16xi32>
      tpu.vector_store_idx %arg7[%add3A_402], %broadcast_in_dim3A_78 {add = true} : memref<82176xf32, #tpu.memory_space<vmem>>[vector<16xi32>], vector<16xf32>,
      %mul3A_403 = arith.constant 128 : i32
      %mul3A_404 = arith.muli %add3A_332, %mul3A_403 : i32
      %add3A_405 = arith.constant 96 : i32
      %add3A_406 = arith.addi %mul3A_404, %add3A_405 : i32
      %get3A_407 = arith.index_cast %add3A_406 : i32 to index
      %get3A_408 = tpu.vector_load %arg6[%get3A_407] {strides = array<i32>} : memref<6272xi32, #tpu.memory_space<vmem>>, vector<16xi32>,
      %sub3A_409 = vector.broadcast %mul3A_72 : i32 to vector<16xi32>
      %sub3A_410 = arith.subi %get3A_408, %sub3A_409 : vector<16xi32>
      %min3A_411 = arith.constant 5120 : i32
      %min3A_412 = vector.broadcast %min3A_411 : i32 to vector<16xi32>
      %min3A_413 = arith.minui %sub3A_410, %min3A_412 : vector<16xi32>
      %add3A_414 = arith.addi %min3A_413, %mul3A_75 : vector<16xi32>
      tpu.vector_store_idx %arg7[%add3A_414], %broadcast_in_dim3A_78 {add = true} : memref<82176xf32, #tpu.memory_space<vmem>>[vector<16xi32>], vector<16xf32>,
      %mul3A_415 = arith.constant 128 : i32
      %mul3A_416 = arith.muli %add3A_332, %mul3A_415 : i32
      %add3A_417 = arith.constant 112 : i32
      %add3A_418 = arith.addi %mul3A_416, %add3A_417 : i32
      %get3A_419 = arith.index_cast %add3A_418 : i32 to index
      %get3A_420 = tpu.vector_load %arg6[%get3A_419] {strides = array<i32>} : memref<6272xi32, #tpu.memory_space<vmem>>, vector<16xi32>,
      %sub3A_421 = vector.broadcast %mul3A_72 : i32 to vector<16xi32>
      %sub3A_422 = arith.subi %get3A_420, %sub3A_421 : vector<16xi32>
      %min3A_423 = arith.constant 5120 : i32
      %min3A_424 = vector.broadcast %min3A_423 : i32 to vector<16xi32>
      %min3A_425 = arith.minui %sub3A_422, %min3A_424 : vector<16xi32>
      %add3A_426 = arith.addi %min3A_425, %mul3A_75 : vector<16xi32>
      tpu.vector_store_idx %arg7[%add3A_426], %broadcast_in_dim3A_78 {add = true} : memref<82176xf32, #tpu.memory_space<vmem>>[vector<16xi32>], vector<16xf32>,
    }
    %scan3A_225 = arith.constant 49 : i32
    %dma_start3A_226 = arith.constant 56448 : i32
    %dma_start3A_227 = tpu.memref_slice %arg2[%add3A, %select_n3A_70, %dma_start3A_226] : memref<4x4x75264xi32, #tpu.memory_space<hbm>> -> memref<1x1x6272xi32, #tpu.memory_space<hbm>>
    %dma_start3A_228 = tpu.memref_squeeze %dma_start3A_227 : memref<1x1x6272xi32, #tpu.memory_space<hbm>> -> memref<6272xi32, #tpu.memory_space<hbm>>
    %dma_start3A_229 = arith.constant 56448 : i32
    %dma_start3A_230 = tpu.memref_slice %arg2[%add3A, %select_n3A_70, %dma_start3A_229] : memref<4x4x75264xi32, #tpu.memory_space<hbm>> -> memref<1x1x6272xi32, #tpu.memory_space<hbm>>
    %dma_start3A_231 = tpu.memref_squeeze %dma_start3A_230 : memref<1x1x6272xi32, #tpu.memory_space<hbm>> -> memref<6272xi32, #tpu.memory_space<hbm>>
    tpu.enqueue_dma source(%dma_start3A_231 : memref<6272xi32, #tpu.memory_space<hbm>>) target(%arg6 : memref<6272xi32, #tpu.memory_space<vmem>>) target_semaphore(%arg11 : memref<!tpu.dma_semaphore, #tpu.memory_space<semaphore_mem>>)
    %dma_wait3A_232 = arith.constant 0 : i32
    %dma_wait3A_233 = tpu.memref_slice %arg2[%add3A, %select_n3A_70, %dma_wait3A_232] : memref<4x4x75264xi32, #tpu.memory_space<hbm>> -> memref<1x1x6272xi32, #tpu.memory_space<hbm>>
    %dma_wait3A_234 = tpu.memref_squeeze %dma_wait3A_233 : memref<1x1x6272xi32, #tpu.memory_space<hbm>> -> memref<6272xi32, #tpu.memory_space<hbm>>
    %dma_wait3A_235 = arith.constant 0 : i32
    %dma_wait3A_236 = tpu.memref_slice %arg2[%add3A, %select_n3A_70, %dma_wait3A_235] : memref<4x4x75264xi32, #tpu.memory_space<hbm>> -> memref<1x1x6272xi32, #tpu.memory_space<hbm>>
    %dma_wait3A_237 = tpu.memref_squeeze %dma_wait3A_236 : memref<1x1x6272xi32, #tpu.memory_space<hbm>> -> memref<6272xi32, #tpu.memory_space<hbm>>
    tpu.wait_dma2 semaphore(%arg10 : memref<!tpu.dma_semaphore, #tpu.memory_space<semaphore_mem>>) src(%dma_wait3A_237 : memref<6272xi32, #tpu.memory_space<hbm>>) dst(%arg5 : memref<6272xi32, #tpu.memory_space<vmem>>)
    %scan3A_238 = arith.constant 0 : i32
    %scan3A_239 = arith.constant 49 : i32
    %scan3A_240 = arith.addi %scan3A_238, %scan3A_239 : i32
    %scan3A_241 = arith.constant 1 : i32
    scf.for %scan3A_328 = %scan3A_238 to %scan3A_240 step %scan3A_241  : i32 {
      %mul3A_329 = arith.constant 1 : i32
      %mul3A_330 = arith.muli %scan3A_328, %mul3A_329 : i32
      %add3A_331 = arith.constant 0 : i32
      %add3A_332 = arith.addi %add3A_331, %mul3A_330 : i32
      %mul3A_333 = arith.constant 128 : i32
      %mul3A_334 = arith.muli %add3A_332, %mul3A_333 : i32
      %add3A_335 = arith.constant 0 : i32
      %add3A_336 = arith.addi %mul3A_334, %add3A_335 : i32
      %get3A = arith.index_cast %add3A_336 : i32 to index
      %get3A_337 = tpu.vector_load %arg5[%get3A] {strides = array<i32>} : memref<6272xi32, #tpu.memory_space<vmem>>, vector<16xi32>,
      %sub3A_338 = vector.broadcast %mul3A_72 : i32 to vector<16xi32>
      %sub3A_339 = arith.subi %get3A_337, %sub3A_338 : vector<16xi32>
      %min3A = arith.constant 5120 : i32
      %min3A_340 = vector.broadcast %min3A : i32 to vector<16xi32>
      %min3A_341 = arith.minui %sub3A_339, %min3A_340 : vector<16xi32>
      %add3A_342 = arith.addi %min3A_341, %mul3A_75 : vector<16xi32>
      tpu.vector_store_idx %arg7[%add3A_342], %broadcast_in_dim3A_78 {add = true} : memref<82176xf32, #tpu.memory_space<vmem>>[vector<16xi32>], vector<16xf32>,
      %mul3A_343 = arith.constant 128 : i32
      %mul3A_344 = arith.muli %add3A_332, %mul3A_343 : i32
      %add3A_345 = arith.constant 16 : i32
      %add3A_346 = arith.addi %mul3A_344, %add3A_345 : i32
      %get3A_347 = arith.index_cast %add3A_346 : i32 to index
      %get3A_348 = tpu.vector_load %arg5[%get3A_347] {strides = array<i32>} : memref<6272xi32, #tpu.memory_space<vmem>>, vector<16xi32>,
      %sub3A_349 = vector.broadcast %mul3A_72 : i32 to vector<16xi32>
      %sub3A_350 = arith.subi %get3A_348, %sub3A_349 : vector<16xi32>
      %min3A_351 = arith.constant 5120 : i32
      %min3A_352 = vector.broadcast %min3A_351 : i32 to vector<16xi32>
      %min3A_353 = arith.minui %sub3A_350, %min3A_352 : vector<16xi32>
      %add3A_354 = arith.addi %min3A_353, %mul3A_75 : vector<16xi32>
      tpu.vector_store_idx %arg7[%add3A_354], %broadcast_in_dim3A_78 {add = true} : memref<82176xf32, #tpu.memory_space<vmem>>[vector<16xi32>], vector<16xf32>,
      %mul3A_355 = arith.constant 128 : i32
      %mul3A_356 = arith.muli %add3A_332, %mul3A_355 : i32
      %add3A_357 = arith.constant 32 : i32
      %add3A_358 = arith.addi %mul3A_356, %add3A_357 : i32
      %get3A_359 = arith.index_cast %add3A_358 : i32 to index
      %get3A_360 = tpu.vector_load %arg5[%get3A_359] {strides = array<i32>} : memref<6272xi32, #tpu.memory_space<vmem>>, vector<16xi32>,
      %sub3A_361 = vector.broadcast %mul3A_72 : i32 to vector<16xi32>
      %sub3A_362 = arith.subi %get3A_360, %sub3A_361 : vector<16xi32>
      %min3A_363 = arith.constant 5120 : i32
      %min3A_364 = vector.broadcast %min3A_363 : i32 to vector<16xi32>
      %min3A_365 = arith.minui %sub3A_362, %min3A_364 : vector<16xi32>
      %add3A_366 = arith.addi %min3A_365, %mul3A_75 : vector<16xi32>
      tpu.vector_store_idx %arg7[%add3A_366], %broadcast_in_dim3A_78 {add = true} : memref<82176xf32, #tpu.memory_space<vmem>>[vector<16xi32>], vector<16xf32>,
      %mul3A_367 = arith.constant 128 : i32
      %mul3A_368 = arith.muli %add3A_332, %mul3A_367 : i32
      %add3A_369 = arith.constant 48 : i32
      %add3A_370 = arith.addi %mul3A_368, %add3A_369 : i32
      %get3A_371 = arith.index_cast %add3A_370 : i32 to index
      %get3A_372 = tpu.vector_load %arg5[%get3A_371] {strides = array<i32>} : memref<6272xi32, #tpu.memory_space<vmem>>, vector<16xi32>,
      %sub3A_373 = vector.broadcast %mul3A_72 : i32 to vector<16xi32>
      %sub3A_374 = arith.subi %get3A_372, %sub3A_373 : vector<16xi32>
      %min3A_375 = arith.constant 5120 : i32
      %min3A_376 = vector.broadcast %min3A_375 : i32 to vector<16xi32>
      %min3A_377 = arith.minui %sub3A_374, %min3A_376 : vector<16xi32>
      %add3A_378 = arith.addi %min3A_377, %mul3A_75 : vector<16xi32>
      tpu.vector_store_idx %arg7[%add3A_378], %broadcast_in_dim3A_78 {add = true} : memref<82176xf32, #tpu.memory_space<vmem>>[vector<16xi32>], vector<16xf32>,
      %mul3A_379 = arith.constant 128 : i32
      %mul3A_380 = arith.muli %add3A_332, %mul3A_379 : i32
      %add3A_381 = arith.constant 64 : i32
      %add3A_382 = arith.addi %mul3A_380, %add3A_381 : i32
      %get3A_383 = arith.index_cast %add3A_382 : i32 to index
      %get3A_384 = tpu.vector_load %arg5[%get3A_383] {strides = array<i32>} : memref<6272xi32, #tpu.memory_space<vmem>>, vector<16xi32>,
      %sub3A_385 = vector.broadcast %mul3A_72 : i32 to vector<16xi32>
      %sub3A_386 = arith.subi %get3A_384, %sub3A_385 : vector<16xi32>
      %min3A_387 = arith.constant 5120 : i32
      %min3A_388 = vector.broadcast %min3A_387 : i32 to vector<16xi32>
      %min3A_389 = arith.minui %sub3A_386, %min3A_388 : vector<16xi32>
      %add3A_390 = arith.addi %min3A_389, %mul3A_75 : vector<16xi32>
      tpu.vector_store_idx %arg7[%add3A_390], %broadcast_in_dim3A_78 {add = true} : memref<82176xf32, #tpu.memory_space<vmem>>[vector<16xi32>], vector<16xf32>,
      %mul3A_391 = arith.constant 128 : i32
      %mul3A_392 = arith.muli %add3A_332, %mul3A_391 : i32
      %add3A_393 = arith.constant 80 : i32
      %add3A_394 = arith.addi %mul3A_392, %add3A_393 : i32
      %get3A_395 = arith.index_cast %add3A_394 : i32 to index
      %get3A_396 = tpu.vector_load %arg5[%get3A_395] {strides = array<i32>} : memref<6272xi32, #tpu.memory_space<vmem>>, vector<16xi32>,
      %sub3A_397 = vector.broadcast %mul3A_72 : i32 to vector<16xi32>
      %sub3A_398 = arith.subi %get3A_396, %sub3A_397 : vector<16xi32>
      %min3A_399 = arith.constant 5120 : i32
      %min3A_400 = vector.broadcast %min3A_399 : i32 to vector<16xi32>
      %min3A_401 = arith.minui %sub3A_398, %min3A_400 : vector<16xi32>
      %add3A_402 = arith.addi %min3A_401, %mul3A_75 : vector<16xi32>
      tpu.vector_store_idx %arg7[%add3A_402], %broadcast_in_dim3A_78 {add = true} : memref<82176xf32, #tpu.memory_space<vmem>>[vector<16xi32>], vector<16xf32>,
      %mul3A_403 = arith.constant 128 : i32
      %mul3A_404 = arith.muli %add3A_332, %mul3A_403 : i32
      %add3A_405 = arith.constant 96 : i32
      %add3A_406 = arith.addi %mul3A_404, %add3A_405 : i32
      %get3A_407 = arith.index_cast %add3A_406 : i32 to index
      %get3A_408 = tpu.vector_load %arg5[%get3A_407] {strides = array<i32>} : memref<6272xi32, #tpu.memory_space<vmem>>, vector<16xi32>,
      %sub3A_409 = vector.broadcast %mul3A_72 : i32 to vector<16xi32>
      %sub3A_410 = arith.subi %get3A_408, %sub3A_409 : vector<16xi32>
      %min3A_411 = arith.constant 5120 : i32
      %min3A_412 = vector.broadcast %min3A_411 : i32 to vector<16xi32>
      %min3A_413 = arith.minui %sub3A_410, %min3A_412 : vector<16xi32>
      %add3A_414 = arith.addi %min3A_413, %mul3A_75 : vector<16xi32>
      tpu.vector_store_idx %arg7[%add3A_414], %broadcast_in_dim3A_78 {add = true} : memref<82176xf32, #tpu.memory_space<vmem>>[vector<16xi32>], vector<16xf32>,
      %mul3A_415 = arith.constant 128 : i32
      %mul3A_416 = arith.muli %add3A_332, %mul3A_415 : i32
      %add3A_417 = arith.constant 112 : i32
      %add3A_418 = arith.addi %mul3A_416, %add3A_417 : i32
      %get3A_419 = arith.index_cast %add3A_418 : i32 to index
      %get3A_420 = tpu.vector_load %arg5[%get3A_419] {strides = array<i32>} : memref<6272xi32, #tpu.memory_space<vmem>>, vector<16xi32>,
      %sub3A_421 = vector.broadcast %mul3A_72 : i32 to vector<16xi32>
      %sub3A_422 = arith.subi %get3A_420, %sub3A_421 : vector<16xi32>
      %min3A_423 = arith.constant 5120 : i32
      %min3A_424 = vector.broadcast %min3A_423 : i32 to vector<16xi32>
      %min3A_425 = arith.minui %sub3A_422, %min3A_424 : vector<16xi32>
      %add3A_426 = arith.addi %min3A_425, %mul3A_75 : vector<16xi32>
      tpu.vector_store_idx %arg7[%add3A_426], %broadcast_in_dim3A_78 {add = true} : memref<82176xf32, #tpu.memory_space<vmem>>[vector<16xi32>], vector<16xf32>,
    }
    %scan3A_242 = arith.constant 49 : i32
    %dma_start3A_243 = arith.constant 62720 : i32
    %dma_start3A_244 = tpu.memref_slice %arg2[%add3A, %select_n3A_70, %dma_start3A_243] : memref<4x4x75264xi32, #tpu.memory_space<hbm>> -> memref<1x1x6272xi32, #tpu.memory_space<hbm>>
    %dma_start3A_245 = tpu.memref_squeeze %dma_start3A_244 : memref<1x1x6272xi32, #tpu.memory_space<hbm>> -> memref<6272xi32, #tpu.memory_space<hbm>>
    %dma_start3A_246 = arith.constant 62720 : i32
    %dma_start3A_247 = tpu.memref_slice %arg2[%add3A, %select_n3A_70, %dma_start3A_246] : memref<4x4x75264xi32, #tpu.memory_space<hbm>> -> memref<1x1x6272xi32, #tpu.memory_space<hbm>>
    %dma_start3A_248 = tpu.memref_squeeze %dma_start3A_247 : memref<1x1x6272xi32, #tpu.memory_space<hbm>> -> memref<6272xi32, #tpu.memory_space<hbm>>
    tpu.enqueue_dma source(%dma_start3A_248 : memref<6272xi32, #tpu.memory_space<hbm>>) target(%arg5 : memref<6272xi32, #tpu.memory_space<vmem>>) target_semaphore(%arg10 : memref<!tpu.dma_semaphore, #tpu.memory_space<semaphore_mem>>)
    %dma_wait3A_249 = arith.constant 0 : i32
    %dma_wait3A_250 = tpu.memref_slice %arg2[%add3A, %select_n3A_70, %dma_wait3A_249] : memref<4x4x75264xi32, #tpu.memory_space<hbm>> -> memref<1x1x6272xi32, #tpu.memory_space<hbm>>
    %dma_wait3A_251 = tpu.memref_squeeze %dma_wait3A_250 : memref<1x1x6272xi32, #tpu.memory_space<hbm>> -> memref<6272xi32, #tpu.memory_space<hbm>>
    %dma_wait3A_252 = arith.constant 0 : i32
    %dma_wait3A_253 = tpu.memref_slice %arg2[%add3A, %select_n3A_70, %dma_wait3A_252] : memref<4x4x75264xi32, #tpu.memory_space<hbm>> -> memref<1x1x6272xi32, #tpu.memory_space<hbm>>
    %dma_wait3A_254 = tpu.memref_squeeze %dma_wait3A_253 : memref<1x1x6272xi32, #tpu.memory_space<hbm>> -> memref<6272xi32, #tpu.memory_space<hbm>>
    tpu.wait_dma2 semaphore(%arg11 : memref<!tpu.dma_semaphore, #tpu.memory_space<semaphore_mem>>) src(%dma_wait3A_254 : memref<6272xi32, #tpu.memory_space<hbm>>) dst(%arg6 : memref<6272xi32, #tpu.memory_space<vmem>>)
    %scan3A_255 = arith.constant 0 : i32
    %scan3A_256 = arith.constant 49 : i32
    %scan3A_257 = arith.addi %scan3A_255, %scan3A_256 : i32
    %scan3A_258 = arith.constant 1 : i32
    scf.for %scan3A_328 = %scan3A_255 to %scan3A_257 step %scan3A_258  : i32 {
      %mul3A_329 = arith.constant 1 : i32
      %mul3A_330 = arith.muli %scan3A_328, %mul3A_329 : i32
      %add3A_331 = arith.constant 0 : i32
      %add3A_332 = arith.addi %add3A_331, %mul3A_330 : i32
      %mul3A_333 = arith.constant 128 : i32
      %mul3A_334 = arith.muli %add3A_332, %mul3A_333 : i32
      %add3A_335 = arith.constant 0 : i32
      %add3A_336 = arith.addi %mul3A_334, %add3A_335 : i32
      %get3A = arith.index_cast %add3A_336 : i32 to index
      %get3A_337 = tpu.vector_load %arg6[%get3A] {strides = array<i32>} : memref<6272xi32, #tpu.memory_space<vmem>>, vector<16xi32>,
      %sub3A_338 = vector.broadcast %mul3A_72 : i32 to vector<16xi32>
      %sub3A_339 = arith.subi %get3A_337, %sub3A_338 : vector<16xi32>
      %min3A = arith.constant 5120 : i32
      %min3A_340 = vector.broadcast %min3A : i32 to vector<16xi32>
      %min3A_341 = arith.minui %sub3A_339, %min3A_340 : vector<16xi32>
      %add3A_342 = arith.addi %min3A_341, %mul3A_75 : vector<16xi32>
      tpu.vector_store_idx %arg7[%add3A_342], %broadcast_in_dim3A_78 {add = true} : memref<82176xf32, #tpu.memory_space<vmem>>[vector<16xi32>], vector<16xf32>,
      %mul3A_343 = arith.constant 128 : i32
      %mul3A_344 = arith.muli %add3A_332, %mul3A_343 : i32
      %add3A_345 = arith.constant 16 : i32
      %add3A_346 = arith.addi %mul3A_344, %add3A_345 : i32
      %get3A_347 = arith.index_cast %add3A_346 : i32 to index
      %get3A_348 = tpu.vector_load %arg6[%get3A_347] {strides = array<i32>} : memref<6272xi32, #tpu.memory_space<vmem>>, vector<16xi32>,
      %sub3A_349 = vector.broadcast %mul3A_72 : i32 to vector<16xi32>
      %sub3A_350 = arith.subi %get3A_348, %sub3A_349 : vector<16xi32>
      %min3A_351 = arith.constant 5120 : i32
      %min3A_352 = vector.broadcast %min3A_351 : i32 to vector<16xi32>
      %min3A_353 = arith.minui %sub3A_350, %min3A_352 : vector<16xi32>
      %add3A_354 = arith.addi %min3A_353, %mul3A_75 : vector<16xi32>
      tpu.vector_store_idx %arg7[%add3A_354], %broadcast_in_dim3A_78 {add = true} : memref<82176xf32, #tpu.memory_space<vmem>>[vector<16xi32>], vector<16xf32>,
      %mul3A_355 = arith.constant 128 : i32
      %mul3A_356 = arith.muli %add3A_332, %mul3A_355 : i32
      %add3A_357 = arith.constant 32 : i32
      %add3A_358 = arith.addi %mul3A_356, %add3A_357 : i32
      %get3A_359 = arith.index_cast %add3A_358 : i32 to index
      %get3A_360 = tpu.vector_load %arg6[%get3A_359] {strides = array<i32>} : memref<6272xi32, #tpu.memory_space<vmem>>, vector<16xi32>,
      %sub3A_361 = vector.broadcast %mul3A_72 : i32 to vector<16xi32>
      %sub3A_362 = arith.subi %get3A_360, %sub3A_361 : vector<16xi32>
      %min3A_363 = arith.constant 5120 : i32
      %min3A_364 = vector.broadcast %min3A_363 : i32 to vector<16xi32>
      %min3A_365 = arith.minui %sub3A_362, %min3A_364 : vector<16xi32>
      %add3A_366 = arith.addi %min3A_365, %mul3A_75 : vector<16xi32>
      tpu.vector_store_idx %arg7[%add3A_366], %broadcast_in_dim3A_78 {add = true} : memref<82176xf32, #tpu.memory_space<vmem>>[vector<16xi32>], vector<16xf32>,
      %mul3A_367 = arith.constant 128 : i32
      %mul3A_368 = arith.muli %add3A_332, %mul3A_367 : i32
      %add3A_369 = arith.constant 48 : i32
      %add3A_370 = arith.addi %mul3A_368, %add3A_369 : i32
      %get3A_371 = arith.index_cast %add3A_370 : i32 to index
      %get3A_372 = tpu.vector_load %arg6[%get3A_371] {strides = array<i32>} : memref<6272xi32, #tpu.memory_space<vmem>>, vector<16xi32>,
      %sub3A_373 = vector.broadcast %mul3A_72 : i32 to vector<16xi32>
      %sub3A_374 = arith.subi %get3A_372, %sub3A_373 : vector<16xi32>
      %min3A_375 = arith.constant 5120 : i32
      %min3A_376 = vector.broadcast %min3A_375 : i32 to vector<16xi32>
      %min3A_377 = arith.minui %sub3A_374, %min3A_376 : vector<16xi32>
      %add3A_378 = arith.addi %min3A_377, %mul3A_75 : vector<16xi32>
      tpu.vector_store_idx %arg7[%add3A_378], %broadcast_in_dim3A_78 {add = true} : memref<82176xf32, #tpu.memory_space<vmem>>[vector<16xi32>], vector<16xf32>,
      %mul3A_379 = arith.constant 128 : i32
      %mul3A_380 = arith.muli %add3A_332, %mul3A_379 : i32
      %add3A_381 = arith.constant 64 : i32
      %add3A_382 = arith.addi %mul3A_380, %add3A_381 : i32
      %get3A_383 = arith.index_cast %add3A_382 : i32 to index
      %get3A_384 = tpu.vector_load %arg6[%get3A_383] {strides = array<i32>} : memref<6272xi32, #tpu.memory_space<vmem>>, vector<16xi32>,
      %sub3A_385 = vector.broadcast %mul3A_72 : i32 to vector<16xi32>
      %sub3A_386 = arith.subi %get3A_384, %sub3A_385 : vector<16xi32>
      %min3A_387 = arith.constant 5120 : i32
      %min3A_388 = vector.broadcast %min3A_387 : i32 to vector<16xi32>
      %min3A_389 = arith.minui %sub3A_386, %min3A_388 : vector<16xi32>
      %add3A_390 = arith.addi %min3A_389, %mul3A_75 : vector<16xi32>
      tpu.vector_store_idx %arg7[%add3A_390], %broadcast_in_dim3A_78 {add = true} : memref<82176xf32, #tpu.memory_space<vmem>>[vector<16xi32>], vector<16xf32>,
      %mul3A_391 = arith.constant 128 : i32
      %mul3A_392 = arith.muli %add3A_332, %mul3A_391 : i32
      %add3A_393 = arith.constant 80 : i32
      %add3A_394 = arith.addi %mul3A_392, %add3A_393 : i32
      %get3A_395 = arith.index_cast %add3A_394 : i32 to index
      %get3A_396 = tpu.vector_load %arg6[%get3A_395] {strides = array<i32>} : memref<6272xi32, #tpu.memory_space<vmem>>, vector<16xi32>,
      %sub3A_397 = vector.broadcast %mul3A_72 : i32 to vector<16xi32>
      %sub3A_398 = arith.subi %get3A_396, %sub3A_397 : vector<16xi32>
      %min3A_399 = arith.constant 5120 : i32
      %min3A_400 = vector.broadcast %min3A_399 : i32 to vector<16xi32>
      %min3A_401 = arith.minui %sub3A_398, %min3A_400 : vector<16xi32>
      %add3A_402 = arith.addi %min3A_401, %mul3A_75 : vector<16xi32>
      tpu.vector_store_idx %arg7[%add3A_402], %broadcast_in_dim3A_78 {add = true} : memref<82176xf32, #tpu.memory_space<vmem>>[vector<16xi32>], vector<16xf32>,
      %mul3A_403 = arith.constant 128 : i32
      %mul3A_404 = arith.muli %add3A_332, %mul3A_403 : i32
      %add3A_405 = arith.constant 96 : i32
      %add3A_406 = arith.addi %mul3A_404, %add3A_405 : i32
      %get3A_407 = arith.index_cast %add3A_406 : i32 to index
      %get3A_408 = tpu.vector_load %arg6[%get3A_407] {strides = array<i32>} : memref<6272xi32, #tpu.memory_space<vmem>>, vector<16xi32>,
      %sub3A_409 = vector.broadcast %mul3A_72 : i32 to vector<16xi32>
      %sub3A_410 = arith.subi %get3A_408, %sub3A_409 : vector<16xi32>
      %min3A_411 = arith.constant 5120 : i32
      %min3A_412 = vector.broadcast %min3A_411 : i32 to vector<16xi32>
      %min3A_413 = arith.minui %sub3A_410, %min3A_412 : vector<16xi32>
      %add3A_414 = arith.addi %min3A_413, %mul3A_75 : vector<16xi32>
      tpu.vector_store_idx %arg7[%add3A_414], %broadcast_in_dim3A_78 {add = true} : memref<82176xf32, #tpu.memory_space<vmem>>[vector<16xi32>], vector<16xf32>,
      %mul3A_415 = arith.constant 128 : i32
      %mul3A_416 = arith.muli %add3A_332, %mul3A_415 : i32
      %add3A_417 = arith.constant 112 : i32
      %add3A_418 = arith.addi %mul3A_416, %add3A_417 : i32
      %get3A_419 = arith.index_cast %add3A_418 : i32 to index
      %get3A_420 = tpu.vector_load %arg6[%get3A_419] {strides = array<i32>} : memref<6272xi32, #tpu.memory_space<vmem>>, vector<16xi32>,
      %sub3A_421 = vector.broadcast %mul3A_72 : i32 to vector<16xi32>
      %sub3A_422 = arith.subi %get3A_420, %sub3A_421 : vector<16xi32>
      %min3A_423 = arith.constant 5120 : i32
      %min3A_424 = vector.broadcast %min3A_423 : i32 to vector<16xi32>
      %min3A_425 = arith.minui %sub3A_422, %min3A_424 : vector<16xi32>
      %add3A_426 = arith.addi %min3A_425, %mul3A_75 : vector<16xi32>
      tpu.vector_store_idx %arg7[%add3A_426], %broadcast_in_dim3A_78 {add = true} : memref<82176xf32, #tpu.memory_space<vmem>>[vector<16xi32>], vector<16xf32>,
    }
    %scan3A_259 = arith.constant 49 : i32
    %dma_start3A_260 = arith.constant 68992 : i32
    %dma_start3A_261 = tpu.memref_slice %arg2[%add3A, %select_n3A_70, %dma_start3A_260] : memref<4x4x75264xi32, #tpu.memory_space<hbm>> -> memref<1x1x6272xi32, #tpu.memory_space<hbm>>
    %dma_start3A_262 = tpu.memref_squeeze %dma_start3A_261 : memref<1x1x6272xi32, #tpu.memory_space<hbm>> -> memref<6272xi32, #tpu.memory_space<hbm>>
    %dma_start3A_263 = arith.constant 68992 : i32
    %dma_start3A_264 = tpu.memref_slice %arg2[%add3A, %select_n3A_70, %dma_start3A_263] : memref<4x4x75264xi32, #tpu.memory_space<hbm>> -> memref<1x1x6272xi32, #tpu.memory_space<hbm>>
    %dma_start3A_265 = tpu.memref_squeeze %dma_start3A_264 : memref<1x1x6272xi32, #tpu.memory_space<hbm>> -> memref<6272xi32, #tpu.memory_space<hbm>>
    tpu.enqueue_dma source(%dma_start3A_265 : memref<6272xi32, #tpu.memory_space<hbm>>) target(%arg6 : memref<6272xi32, #tpu.memory_space<vmem>>) target_semaphore(%arg11 : memref<!tpu.dma_semaphore, #tpu.memory_space<semaphore_mem>>)
    %dma_wait3A_266 = arith.constant 0 : i32
    %dma_wait3A_267 = tpu.memref_slice %arg2[%add3A, %select_n3A_70, %dma_wait3A_266] : memref<4x4x75264xi32, #tpu.memory_space<hbm>> -> memref<1x1x6272xi32, #tpu.memory_space<hbm>>
    %dma_wait3A_268 = tpu.memref_squeeze %dma_wait3A_267 : memref<1x1x6272xi32, #tpu.memory_space<hbm>> -> memref<6272xi32, #tpu.memory_space<hbm>>
    %dma_wait3A_269 = arith.constant 0 : i32
    %dma_wait3A_270 = tpu.memref_slice %arg2[%add3A, %select_n3A_70, %dma_wait3A_269] : memref<4x4x75264xi32, #tpu.memory_space<hbm>> -> memref<1x1x6272xi32, #tpu.memory_space<hbm>>
    %dma_wait3A_271 = tpu.memref_squeeze %dma_wait3A_270 : memref<1x1x6272xi32, #tpu.memory_space<hbm>> -> memref<6272xi32, #tpu.memory_space<hbm>>
    tpu.wait_dma2 semaphore(%arg10 : memref<!tpu.dma_semaphore, #tpu.memory_space<semaphore_mem>>) src(%dma_wait3A_271 : memref<6272xi32, #tpu.memory_space<hbm>>) dst(%arg5 : memref<6272xi32, #tpu.memory_space<vmem>>)
    %scan3A_272 = arith.constant 0 : i32
    %scan3A_273 = arith.constant 49 : i32
    %scan3A_274 = arith.addi %scan3A_272, %scan3A_273 : i32
    %scan3A_275 = arith.constant 1 : i32
    scf.for %scan3A_328 = %scan3A_272 to %scan3A_274 step %scan3A_275  : i32 {
      %mul3A_329 = arith.constant 1 : i32
      %mul3A_330 = arith.muli %scan3A_328, %mul3A_329 : i32
      %add3A_331 = arith.constant 0 : i32
      %add3A_332 = arith.addi %add3A_331, %mul3A_330 : i32
      %mul3A_333 = arith.constant 128 : i32
      %mul3A_334 = arith.muli %add3A_332, %mul3A_333 : i32
      %add3A_335 = arith.constant 0 : i32
      %add3A_336 = arith.addi %mul3A_334, %add3A_335 : i32
      %get3A = arith.index_cast %add3A_336 : i32 to index
      %get3A_337 = tpu.vector_load %arg5[%get3A] {strides = array<i32>} : memref<6272xi32, #tpu.memory_space<vmem>>, vector<16xi32>,
      %sub3A_338 = vector.broadcast %mul3A_72 : i32 to vector<16xi32>
      %sub3A_339 = arith.subi %get3A_337, %sub3A_338 : vector<16xi32>
      %min3A = arith.constant 5120 : i32
      %min3A_340 = vector.broadcast %min3A : i32 to vector<16xi32>
      %min3A_341 = arith.minui %sub3A_339, %min3A_340 : vector<16xi32>
      %add3A_342 = arith.addi %min3A_341, %mul3A_75 : vector<16xi32>
      tpu.vector_store_idx %arg7[%add3A_342], %broadcast_in_dim3A_78 {add = true} : memref<82176xf32, #tpu.memory_space<vmem>>[vector<16xi32>], vector<16xf32>,
      %mul3A_343 = arith.constant 128 : i32
      %mul3A_344 = arith.muli %add3A_332, %mul3A_343 : i32
      %add3A_345 = arith.constant 16 : i32
      %add3A_346 = arith.addi %mul3A_344, %add3A_345 : i32
      %get3A_347 = arith.index_cast %add3A_346 : i32 to index
      %get3A_348 = tpu.vector_load %arg5[%get3A_347] {strides = array<i32>} : memref<6272xi32, #tpu.memory_space<vmem>>, vector<16xi32>,
      %sub3A_349 = vector.broadcast %mul3A_72 : i32 to vector<16xi32>
      %sub3A_350 = arith.subi %get3A_348, %sub3A_349 : vector<16xi32>
      %min3A_351 = arith.constant 5120 : i32
      %min3A_352 = vector.broadcast %min3A_351 : i32 to vector<16xi32>
      %min3A_353 = arith.minui %sub3A_350, %min3A_352 : vector<16xi32>
      %add3A_354 = arith.addi %min3A_353, %mul3A_75 : vector<16xi32>
      tpu.vector_store_idx %arg7[%add3A_354], %broadcast_in_dim3A_78 {add = true} : memref<82176xf32, #tpu.memory_space<vmem>>[vector<16xi32>], vector<16xf32>,
      %mul3A_355 = arith.constant 128 : i32
      %mul3A_356 = arith.muli %add3A_332, %mul3A_355 : i32
      %add3A_357 = arith.constant 32 : i32
      %add3A_358 = arith.addi %mul3A_356, %add3A_357 : i32
      %get3A_359 = arith.index_cast %add3A_358 : i32 to index
      %get3A_360 = tpu.vector_load %arg5[%get3A_359] {strides = array<i32>} : memref<6272xi32, #tpu.memory_space<vmem>>, vector<16xi32>,
      %sub3A_361 = vector.broadcast %mul3A_72 : i32 to vector<16xi32>
      %sub3A_362 = arith.subi %get3A_360, %sub3A_361 : vector<16xi32>
      %min3A_363 = arith.constant 5120 : i32
      %min3A_364 = vector.broadcast %min3A_363 : i32 to vector<16xi32>
      %min3A_365 = arith.minui %sub3A_362, %min3A_364 : vector<16xi32>
      %add3A_366 = arith.addi %min3A_365, %mul3A_75 : vector<16xi32>
      tpu.vector_store_idx %arg7[%add3A_366], %broadcast_in_dim3A_78 {add = true} : memref<82176xf32, #tpu.memory_space<vmem>>[vector<16xi32>], vector<16xf32>,
      %mul3A_367 = arith.constant 128 : i32
      %mul3A_368 = arith.muli %add3A_332, %mul3A_367 : i32
      %add3A_369 = arith.constant 48 : i32
      %add3A_370 = arith.addi %mul3A_368, %add3A_369 : i32
      %get3A_371 = arith.index_cast %add3A_370 : i32 to index
      %get3A_372 = tpu.vector_load %arg5[%get3A_371] {strides = array<i32>} : memref<6272xi32, #tpu.memory_space<vmem>>, vector<16xi32>,
      %sub3A_373 = vector.broadcast %mul3A_72 : i32 to vector<16xi32>
      %sub3A_374 = arith.subi %get3A_372, %sub3A_373 : vector<16xi32>
      %min3A_375 = arith.constant 5120 : i32
      %min3A_376 = vector.broadcast %min3A_375 : i32 to vector<16xi32>
      %min3A_377 = arith.minui %sub3A_374, %min3A_376 : vector<16xi32>
      %add3A_378 = arith.addi %min3A_377, %mul3A_75 : vector<16xi32>
      tpu.vector_store_idx %arg7[%add3A_378], %broadcast_in_dim3A_78 {add = true} : memref<82176xf32, #tpu.memory_space<vmem>>[vector<16xi32>], vector<16xf32>,
      %mul3A_379 = arith.constant 128 : i32
      %mul3A_380 = arith.muli %add3A_332, %mul3A_379 : i32
      %add3A_381 = arith.constant 64 : i32
      %add3A_382 = arith.addi %mul3A_380, %add3A_381 : i32
      %get3A_383 = arith.index_cast %add3A_382 : i32 to index
      %get3A_384 = tpu.vector_load %arg5[%get3A_383] {strides = array<i32>} : memref<6272xi32, #tpu.memory_space<vmem>>, vector<16xi32>,
      %sub3A_385 = vector.broadcast %mul3A_72 : i32 to vector<16xi32>
      %sub3A_386 = arith.subi %get3A_384, %sub3A_385 : vector<16xi32>
      %min3A_387 = arith.constant 5120 : i32
      %min3A_388 = vector.broadcast %min3A_387 : i32 to vector<16xi32>
      %min3A_389 = arith.minui %sub3A_386, %min3A_388 : vector<16xi32>
      %add3A_390 = arith.addi %min3A_389, %mul3A_75 : vector<16xi32>
      tpu.vector_store_idx %arg7[%add3A_390], %broadcast_in_dim3A_78 {add = true} : memref<82176xf32, #tpu.memory_space<vmem>>[vector<16xi32>], vector<16xf32>,
      %mul3A_391 = arith.constant 128 : i32
      %mul3A_392 = arith.muli %add3A_332, %mul3A_391 : i32
      %add3A_393 = arith.constant 80 : i32
      %add3A_394 = arith.addi %mul3A_392, %add3A_393 : i32
      %get3A_395 = arith.index_cast %add3A_394 : i32 to index
      %get3A_396 = tpu.vector_load %arg5[%get3A_395] {strides = array<i32>} : memref<6272xi32, #tpu.memory_space<vmem>>, vector<16xi32>,
      %sub3A_397 = vector.broadcast %mul3A_72 : i32 to vector<16xi32>
      %sub3A_398 = arith.subi %get3A_396, %sub3A_397 : vector<16xi32>
      %min3A_399 = arith.constant 5120 : i32
      %min3A_400 = vector.broadcast %min3A_399 : i32 to vector<16xi32>
      %min3A_401 = arith.minui %sub3A_398, %min3A_400 : vector<16xi32>
      %add3A_402 = arith.addi %min3A_401, %mul3A_75 : vector<16xi32>
      tpu.vector_store_idx %arg7[%add3A_402], %broadcast_in_dim3A_78 {add = true} : memref<82176xf32, #tpu.memory_space<vmem>>[vector<16xi32>], vector<16xf32>,
      %mul3A_403 = arith.constant 128 : i32
      %mul3A_404 = arith.muli %add3A_332, %mul3A_403 : i32
      %add3A_405 = arith.constant 96 : i32
      %add3A_406 = arith.addi %mul3A_404, %add3A_405 : i32
      %get3A_407 = arith.index_cast %add3A_406 : i32 to index
      %get3A_408 = tpu.vector_load %arg5[%get3A_407] {strides = array<i32>} : memref<6272xi32, #tpu.memory_space<vmem>>, vector<16xi32>,
      %sub3A_409 = vector.broadcast %mul3A_72 : i32 to vector<16xi32>
      %sub3A_410 = arith.subi %get3A_408, %sub3A_409 : vector<16xi32>
      %min3A_411 = arith.constant 5120 : i32
      %min3A_412 = vector.broadcast %min3A_411 : i32 to vector<16xi32>
      %min3A_413 = arith.minui %sub3A_410, %min3A_412 : vector<16xi32>
      %add3A_414 = arith.addi %min3A_413, %mul3A_75 : vector<16xi32>
      tpu.vector_store_idx %arg7[%add3A_414], %broadcast_in_dim3A_78 {add = true} : memref<82176xf32, #tpu.memory_space<vmem>>[vector<16xi32>], vector<16xf32>,
      %mul3A_415 = arith.constant 128 : i32
      %mul3A_416 = arith.muli %add3A_332, %mul3A_415 : i32
      %add3A_417 = arith.constant 112 : i32
      %add3A_418 = arith.addi %mul3A_416, %add3A_417 : i32
      %get3A_419 = arith.index_cast %add3A_418 : i32 to index
      %get3A_420 = tpu.vector_load %arg5[%get3A_419] {strides = array<i32>} : memref<6272xi32, #tpu.memory_space<vmem>>, vector<16xi32>,
      %sub3A_421 = vector.broadcast %mul3A_72 : i32 to vector<16xi32>
      %sub3A_422 = arith.subi %get3A_420, %sub3A_421 : vector<16xi32>
      %min3A_423 = arith.constant 5120 : i32
      %min3A_424 = vector.broadcast %min3A_423 : i32 to vector<16xi32>
      %min3A_425 = arith.minui %sub3A_422, %min3A_424 : vector<16xi32>
      %add3A_426 = arith.addi %min3A_425, %mul3A_75 : vector<16xi32>
      tpu.vector_store_idx %arg7[%add3A_426], %broadcast_in_dim3A_78 {add = true} : memref<82176xf32, #tpu.memory_space<vmem>>[vector<16xi32>], vector<16xf32>,
    }
    %scan3A_276 = arith.constant 49 : i32
    %dma_wait3A_277 = arith.constant 0 : i32
    %dma_wait3A_278 = tpu.memref_slice %arg2[%add3A, %select_n3A_70, %dma_wait3A_277] : memref<4x4x75264xi32, #tpu.memory_space<hbm>> -> memref<1x1x6272xi32, #tpu.memory_space<hbm>>
    %dma_wait3A_279 = tpu.memref_squeeze %dma_wait3A_278 : memref<1x1x6272xi32, #tpu.memory_space<hbm>> -> memref<6272xi32, #tpu.memory_space<hbm>>
    %dma_wait3A_280 = arith.constant 0 : i32
    %dma_wait3A_281 = tpu.memref_slice %arg2[%add3A, %select_n3A_70, %dma_wait3A_280] : memref<4x4x75264xi32, #tpu.memory_space<hbm>> -> memref<1x1x6272xi32, #tpu.memory_space<hbm>>
    %dma_wait3A_282 = tpu.memref_squeeze %dma_wait3A_281 : memref<1x1x6272xi32, #tpu.memory_space<hbm>> -> memref<6272xi32, #tpu.memory_space<hbm>>
    tpu.wait_dma2 semaphore(%arg11 : memref<!tpu.dma_semaphore, #tpu.memory_space<semaphore_mem>>) src(%dma_wait3A_282 : memref<6272xi32, #tpu.memory_space<hbm>>) dst(%arg6 : memref<6272xi32, #tpu.memory_space<vmem>>)
    %scan3A_283 = arith.constant 0 : i32
    %scan3A_284 = arith.constant 49 : i32
    %scan3A_285 = arith.addi %scan3A_283, %scan3A_284 : i32
    %scan3A_286 = arith.constant 1 : i32
    scf.for %scan3A_328 = %scan3A_283 to %scan3A_285 step %scan3A_286  : i32 {
      %mul3A_329 = arith.constant 1 : i32
      %mul3A_330 = arith.muli %scan3A_328, %mul3A_329 : i32
      %add3A_331 = arith.constant 0 : i32
      %add3A_332 = arith.addi %add3A_331, %mul3A_330 : i32
      %mul3A_333 = arith.constant 128 : i32
      %mul3A_334 = arith.muli %add3A_332, %mul3A_333 : i32
      %add3A_335 = arith.constant 0 : i32
      %add3A_336 = arith.addi %mul3A_334, %add3A_335 : i32
      %get3A = arith.index_cast %add3A_336 : i32 to index
      %get3A_337 = tpu.vector_load %arg6[%get3A] {strides = array<i32>} : memref<6272xi32, #tpu.memory_space<vmem>>, vector<16xi32>,
      %sub3A_338 = vector.broadcast %mul3A_72 : i32 to vector<16xi32>
      %sub3A_339 = arith.subi %get3A_337, %sub3A_338 : vector<16xi32>
      %min3A = arith.constant 5120 : i32
      %min3A_340 = vector.broadcast %min3A : i32 to vector<16xi32>
      %min3A_341 = arith.minui %sub3A_339, %min3A_340 : vector<16xi32>
      %add3A_342 = arith.addi %min3A_341, %mul3A_75 : vector<16xi32>
      tpu.vector_store_idx %arg7[%add3A_342], %broadcast_in_dim3A_78 {add = true} : memref<82176xf32, #tpu.memory_space<vmem>>[vector<16xi32>], vector<16xf32>,
      %mul3A_343 = arith.constant 128 : i32
      %mul3A_344 = arith.muli %add3A_332, %mul3A_343 : i32
      %add3A_345 = arith.constant 16 : i32
      %add3A_346 = arith.addi %mul3A_344, %add3A_345 : i32
      %get3A_347 = arith.index_cast %add3A_346 : i32 to index
      %get3A_348 = tpu.vector_load %arg6[%get3A_347] {strides = array<i32>} : memref<6272xi32, #tpu.memory_space<vmem>>, vector<16xi32>,
      %sub3A_349 = vector.broadcast %mul3A_72 : i32 to vector<16xi32>
      %sub3A_350 = arith.subi %get3A_348, %sub3A_349 : vector<16xi32>
      %min3A_351 = arith.constant 5120 : i32
      %min3A_352 = vector.broadcast %min3A_351 : i32 to vector<16xi32>
      %min3A_353 = arith.minui %sub3A_350, %min3A_352 : vector<16xi32>
      %add3A_354 = arith.addi %min3A_353, %mul3A_75 : vector<16xi32>
      tpu.vector_store_idx %arg7[%add3A_354], %broadcast_in_dim3A_78 {add = true} : memref<82176xf32, #tpu.memory_space<vmem>>[vector<16xi32>], vector<16xf32>,
      %mul3A_355 = arith.constant 128 : i32
      %mul3A_356 = arith.muli %add3A_332, %mul3A_355 : i32
      %add3A_357 = arith.constant 32 : i32
      %add3A_358 = arith.addi %mul3A_356, %add3A_357 : i32
      %get3A_359 = arith.index_cast %add3A_358 : i32 to index
      %get3A_360 = tpu.vector_load %arg6[%get3A_359] {strides = array<i32>} : memref<6272xi32, #tpu.memory_space<vmem>>, vector<16xi32>,
      %sub3A_361 = vector.broadcast %mul3A_72 : i32 to vector<16xi32>
      %sub3A_362 = arith.subi %get3A_360, %sub3A_361 : vector<16xi32>
      %min3A_363 = arith.constant 5120 : i32
      %min3A_364 = vector.broadcast %min3A_363 : i32 to vector<16xi32>
      %min3A_365 = arith.minui %sub3A_362, %min3A_364 : vector<16xi32>
      %add3A_366 = arith.addi %min3A_365, %mul3A_75 : vector<16xi32>
      tpu.vector_store_idx %arg7[%add3A_366], %broadcast_in_dim3A_78 {add = true} : memref<82176xf32, #tpu.memory_space<vmem>>[vector<16xi32>], vector<16xf32>,
      %mul3A_367 = arith.constant 128 : i32
      %mul3A_368 = arith.muli %add3A_332, %mul3A_367 : i32
      %add3A_369 = arith.constant 48 : i32
      %add3A_370 = arith.addi %mul3A_368, %add3A_369 : i32
      %get3A_371 = arith.index_cast %add3A_370 : i32 to index
      %get3A_372 = tpu.vector_load %arg6[%get3A_371] {strides = array<i32>} : memref<6272xi32, #tpu.memory_space<vmem>>, vector<16xi32>,
      %sub3A_373 = vector.broadcast %mul3A_72 : i32 to vector<16xi32>
      %sub3A_374 = arith.subi %get3A_372, %sub3A_373 : vector<16xi32>
      %min3A_375 = arith.constant 5120 : i32
      %min3A_376 = vector.broadcast %min3A_375 : i32 to vector<16xi32>
      %min3A_377 = arith.minui %sub3A_374, %min3A_376 : vector<16xi32>
      %add3A_378 = arith.addi %min3A_377, %mul3A_75 : vector<16xi32>
      tpu.vector_store_idx %arg7[%add3A_378], %broadcast_in_dim3A_78 {add = true} : memref<82176xf32, #tpu.memory_space<vmem>>[vector<16xi32>], vector<16xf32>,
      %mul3A_379 = arith.constant 128 : i32
      %mul3A_380 = arith.muli %add3A_332, %mul3A_379 : i32
      %add3A_381 = arith.constant 64 : i32
      %add3A_382 = arith.addi %mul3A_380, %add3A_381 : i32
      %get3A_383 = arith.index_cast %add3A_382 : i32 to index
      %get3A_384 = tpu.vector_load %arg6[%get3A_383] {strides = array<i32>} : memref<6272xi32, #tpu.memory_space<vmem>>, vector<16xi32>,
      %sub3A_385 = vector.broadcast %mul3A_72 : i32 to vector<16xi32>
      %sub3A_386 = arith.subi %get3A_384, %sub3A_385 : vector<16xi32>
      %min3A_387 = arith.constant 5120 : i32
      %min3A_388 = vector.broadcast %min3A_387 : i32 to vector<16xi32>
      %min3A_389 = arith.minui %sub3A_386, %min3A_388 : vector<16xi32>
      %add3A_390 = arith.addi %min3A_389, %mul3A_75 : vector<16xi32>
      tpu.vector_store_idx %arg7[%add3A_390], %broadcast_in_dim3A_78 {add = true} : memref<82176xf32, #tpu.memory_space<vmem>>[vector<16xi32>], vector<16xf32>,
      %mul3A_391 = arith.constant 128 : i32
      %mul3A_392 = arith.muli %add3A_332, %mul3A_391 : i32
      %add3A_393 = arith.constant 80 : i32
      %add3A_394 = arith.addi %mul3A_392, %add3A_393 : i32
      %get3A_395 = arith.index_cast %add3A_394 : i32 to index
      %get3A_396 = tpu.vector_load %arg6[%get3A_395] {strides = array<i32>} : memref<6272xi32, #tpu.memory_space<vmem>>, vector<16xi32>,
      %sub3A_397 = vector.broadcast %mul3A_72 : i32 to vector<16xi32>
      %sub3A_398 = arith.subi %get3A_396, %sub3A_397 : vector<16xi32>
      %min3A_399 = arith.constant 5120 : i32
      %min3A_400 = vector.broadcast %min3A_399 : i32 to vector<16xi32>
      %min3A_401 = arith.minui %sub3A_398, %min3A_400 : vector<16xi32>
      %add3A_402 = arith.addi %min3A_401, %mul3A_75 : vector<16xi32>
      tpu.vector_store_idx %arg7[%add3A_402], %broadcast_in_dim3A_78 {add = true} : memref<82176xf32, #tpu.memory_space<vmem>>[vector<16xi32>], vector<16xf32>,
      %mul3A_403 = arith.constant 128 : i32
      %mul3A_404 = arith.muli %add3A_332, %mul3A_403 : i32
      %add3A_405 = arith.constant 96 : i32
      %add3A_406 = arith.addi %mul3A_404, %add3A_405 : i32
      %get3A_407 = arith.index_cast %add3A_406 : i32 to index
      %get3A_408 = tpu.vector_load %arg6[%get3A_407] {strides = array<i32>} : memref<6272xi32, #tpu.memory_space<vmem>>, vector<16xi32>,
      %sub3A_409 = vector.broadcast %mul3A_72 : i32 to vector<16xi32>
      %sub3A_410 = arith.subi %get3A_408, %sub3A_409 : vector<16xi32>
      %min3A_411 = arith.constant 5120 : i32
      %min3A_412 = vector.broadcast %min3A_411 : i32 to vector<16xi32>
      %min3A_413 = arith.minui %sub3A_410, %min3A_412 : vector<16xi32>
      %add3A_414 = arith.addi %min3A_413, %mul3A_75 : vector<16xi32>
      tpu.vector_store_idx %arg7[%add3A_414], %broadcast_in_dim3A_78 {add = true} : memref<82176xf32, #tpu.memory_space<vmem>>[vector<16xi32>], vector<16xf32>,
      %mul3A_415 = arith.constant 128 : i32
      %mul3A_416 = arith.muli %add3A_332, %mul3A_415 : i32
      %add3A_417 = arith.constant 112 : i32
      %add3A_418 = arith.addi %mul3A_416, %add3A_417 : i32
      %get3A_419 = arith.index_cast %add3A_418 : i32 to index
      %get3A_420 = tpu.vector_load %arg6[%get3A_419] {strides = array<i32>} : memref<6272xi32, #tpu.memory_space<vmem>>, vector<16xi32>,
      %sub3A_421 = vector.broadcast %mul3A_72 : i32 to vector<16xi32>
      %sub3A_422 = arith.subi %get3A_420, %sub3A_421 : vector<16xi32>
      %min3A_423 = arith.constant 5120 : i32
      %min3A_424 = vector.broadcast %min3A_423 : i32 to vector<16xi32>
      %min3A_425 = arith.minui %sub3A_422, %min3A_424 : vector<16xi32>
      %add3A_426 = arith.addi %min3A_425, %mul3A_75 : vector<16xi32>
      tpu.vector_store_idx %arg7[%add3A_426], %broadcast_in_dim3A_78 {add = true} : memref<82176xf32, #tpu.memory_space<vmem>>[vector<16xi32>], vector<16xf32>,
    }
    %scan3A_287 = arith.constant 49 : i32
    %scan3A_288 = arith.constant 0 : i32
    %scan3A_289 = arith.constant 40 : i32
    %scan3A_290 = arith.addi %scan3A_288, %scan3A_289 : i32
    %scan3A_291 = arith.constant 1 : i32
    scf.for %scan3A_328 = %scan3A_288 to %scan3A_290 step %scan3A_291  : i32 {
      %mul3A_329 = arith.constant 1 : i32
      %mul3A_330 = arith.muli %scan3A_328, %mul3A_329 : i32
      %add3A_331 = arith.constant 0 : i32
      %add3A_332 = arith.addi %add3A_331, %mul3A_330 : i32
      %scan3A_333 = arith.constant 0 : i32
      %scan3A_334 = arith.constant 8 : i32
      %scan3A_335 = arith.addi %scan3A_333, %scan3A_334 : i32
      %scan3A_336 = arith.constant 1 : i32
      scf.for %scan3A_338 = %scan3A_333 to %scan3A_335 step %scan3A_336  : i32 {
        %mul3A_339 = arith.constant 1 : i32
        %mul3A_340 = arith.muli %scan3A_338, %mul3A_339 : i32
        %add3A_341 = arith.constant 0 : i32
        %add3A_342 = arith.addi %add3A_341, %mul3A_340 : i32
        %mul3A_343 = arith.constant 128 : i32
        %mul3A_344 = arith.muli %add3A_332, %mul3A_343 : i32
        %mul3A_345 = arith.constant 16 : i32
        %mul3A_346 = arith.muli %add3A_342, %mul3A_345 : i32
        %add3A_347 = arith.addi %mul3A_344, %mul3A_346 : i32
        %get3A = arith.index_cast %add3A_347 : i32 to index
        %get3A_348 = tpu.vector_load %arg7[%get3A] {strides = array<i32>} : memref<82176xf32, #tpu.memory_space<vmem>>, vector<16xf32>,
        %add3A_349 = arith.constant 5136 : i32
        %add3A_350 = arith.addi %add3A_349, %add3A_347 : i32
        %get3A_351 = arith.index_cast %add3A_350 : i32 to index
        %get3A_352 = tpu.vector_load %arg7[%get3A_351] {strides = array<i32>} : memref<82176xf32, #tpu.memory_space<vmem>>, vector<16xf32>,
        %add3A_353 = arith.addf %get3A_348, %get3A_352 : vector<16xf32>
        %add3A_354 = arith.constant 10272 : i32
        %add3A_355 = arith.addi %add3A_354, %add3A_347 : i32
        %get3A_356 = arith.index_cast %add3A_355 : i32 to index
        %get3A_357 = tpu.vector_load %arg7[%get3A_356] {strides = array<i32>} : memref<82176xf32, #tpu.memory_space<vmem>>, vector<16xf32>,
        %add3A_358 = arith.addf %add3A_353, %get3A_357 : vector<16xf32>
        %add3A_359 = arith.constant 15408 : i32
        %add3A_360 = arith.addi %add3A_359, %add3A_347 : i32
        %get3A_361 = arith.index_cast %add3A_360 : i32 to index
        %get3A_362 = tpu.vector_load %arg7[%get3A_361] {strides = array<i32>} : memref<82176xf32, #tpu.memory_space<vmem>>, vector<16xf32>,
        %add3A_363 = arith.addf %add3A_358, %get3A_362 : vector<16xf32>
        %add3A_364 = arith.constant 20544 : i32
        %add3A_365 = arith.addi %add3A_364, %add3A_347 : i32
        %get3A_366 = arith.index_cast %add3A_365 : i32 to index
        %get3A_367 = tpu.vector_load %arg7[%get3A_366] {strides = array<i32>} : memref<82176xf32, #tpu.memory_space<vmem>>, vector<16xf32>,
        %add3A_368 = arith.addf %add3A_363, %get3A_367 : vector<16xf32>
        %add3A_369 = arith.constant 25680 : i32
        %add3A_370 = arith.addi %add3A_369, %add3A_347 : i32
        %get3A_371 = arith.index_cast %add3A_370 : i32 to index
        %get3A_372 = tpu.vector_load %arg7[%get3A_371] {strides = array<i32>} : memref<82176xf32, #tpu.memory_space<vmem>>, vector<16xf32>,
        %add3A_373 = arith.addf %add3A_368, %get3A_372 : vector<16xf32>
        %add3A_374 = arith.constant 30816 : i32
        %add3A_375 = arith.addi %add3A_374, %add3A_347 : i32
        %get3A_376 = arith.index_cast %add3A_375 : i32 to index
        %get3A_377 = tpu.vector_load %arg7[%get3A_376] {strides = array<i32>} : memref<82176xf32, #tpu.memory_space<vmem>>, vector<16xf32>,
        %add3A_378 = arith.addf %add3A_373, %get3A_377 : vector<16xf32>
        %add3A_379 = arith.constant 35952 : i32
        %add3A_380 = arith.addi %add3A_379, %add3A_347 : i32
        %get3A_381 = arith.index_cast %add3A_380 : i32 to index
        %get3A_382 = tpu.vector_load %arg7[%get3A_381] {strides = array<i32>} : memref<82176xf32, #tpu.memory_space<vmem>>, vector<16xf32>,
        %add3A_383 = arith.addf %add3A_378, %get3A_382 : vector<16xf32>
        %add3A_384 = arith.constant 41088 : i32
        %add3A_385 = arith.addi %add3A_384, %add3A_347 : i32
        %get3A_386 = arith.index_cast %add3A_385 : i32 to index
        %get3A_387 = tpu.vector_load %arg7[%get3A_386] {strides = array<i32>} : memref<82176xf32, #tpu.memory_space<vmem>>, vector<16xf32>,
        %add3A_388 = arith.addf %add3A_383, %get3A_387 : vector<16xf32>
        %add3A_389 = arith.constant 46224 : i32
        %add3A_390 = arith.addi %add3A_389, %add3A_347 : i32
        %get3A_391 = arith.index_cast %add3A_390 : i32 to index
        %get3A_392 = tpu.vector_load %arg7[%get3A_391] {strides = array<i32>} : memref<82176xf32, #tpu.memory_space<vmem>>, vector<16xf32>,
        %add3A_393 = arith.addf %add3A_388, %get3A_392 : vector<16xf32>
        %add3A_394 = arith.constant 51360 : i32
        %add3A_395 = arith.addi %add3A_394, %add3A_347 : i32
        %get3A_396 = arith.index_cast %add3A_395 : i32 to index
        %get3A_397 = tpu.vector_load %arg7[%get3A_396] {strides = array<i32>} : memref<82176xf32, #tpu.memory_space<vmem>>, vector<16xf32>,
        %add3A_398 = arith.addf %add3A_393, %get3A_397 : vector<16xf32>
        %add3A_399 = arith.constant 56496 : i32
        %add3A_400 = arith.addi %add3A_399, %add3A_347 : i32
        %get3A_401 = arith.index_cast %add3A_400 : i32 to index
        %get3A_402 = tpu.vector_load %arg7[%get3A_401] {strides = array<i32>} : memref<82176xf32, #tpu.memory_space<vmem>>, vector<16xf32>,
        %add3A_403 = arith.addf %add3A_398, %get3A_402 : vector<16xf32>
        %add3A_404 = arith.constant 61632 : i32
        %add3A_405 = arith.addi %add3A_404, %add3A_347 : i32
        %get3A_406 = arith.index_cast %add3A_405 : i32 to index
        %get3A_407 = tpu.vector_load %arg7[%get3A_406] {strides = array<i32>} : memref<82176xf32, #tpu.memory_space<vmem>>, vector<16xf32>,
        %add3A_408 = arith.addf %add3A_403, %get3A_407 : vector<16xf32>
        %add3A_409 = arith.constant 66768 : i32
        %add3A_410 = arith.addi %add3A_409, %add3A_347 : i32
        %get3A_411 = arith.index_cast %add3A_410 : i32 to index
        %get3A_412 = tpu.vector_load %arg7[%get3A_411] {strides = array<i32>} : memref<82176xf32, #tpu.memory_space<vmem>>, vector<16xf32>,
        %add3A_413 = arith.addf %add3A_408, %get3A_412 : vector<16xf32>
        %add3A_414 = arith.constant 71904 : i32
        %add3A_415 = arith.addi %add3A_414, %add3A_347 : i32
        %get3A_416 = arith.index_cast %add3A_415 : i32 to index
        %get3A_417 = tpu.vector_load %arg7[%get3A_416] {strides = array<i32>} : memref<82176xf32, #tpu.memory_space<vmem>>, vector<16xf32>,
        %add3A_418 = arith.addf %add3A_413, %get3A_417 : vector<16xf32>
        %add3A_419 = arith.constant 77040 : i32
        %add3A_420 = arith.addi %add3A_419, %add3A_347 : i32
        %get3A_421 = arith.index_cast %add3A_420 : i32 to index
        %get3A_422 = tpu.vector_load %arg7[%get3A_421] {strides = array<i32>} : memref<82176xf32, #tpu.memory_space<vmem>>, vector<16xf32>,
        %add3A_423 = arith.addf %add3A_418, %get3A_422 : vector<16xf32>
        %mul3A_424 = arith.constant 16 : i32
        %mul3A_425 = arith.muli %add3A_342, %mul3A_424 : i32
        %swap3A = arith.index_cast %add3A_332 : i32 to index
        %swap3A_426 = arith.index_cast %mul3A_425 : i32 to index
        %swap3A_427 = tpu.vector_load %arg8[%swap3A, %swap3A_426] {strides = array<i32>} : memref<48x128xf32, #tpu.memory_space<vmem>>, vector<16xf32>,
        tpu.vector_store %arg8[%swap3A, %swap3A_426], %add3A_423 {strides = array<i32>} : memref<48x128xf32, #tpu.memory_space<vmem>>, vector<16xf32>,
      }
      %scan3A_337 = arith.constant 8 : i32
    }
    %scan3A_292 = arith.constant 40 : i32
    %scan3A_293 = arith.constant 0 : i32
    %scan3A_294 = arith.constant 8 : i32
    %scan3A_295 = arith.addi %scan3A_293, %scan3A_294 : i32
    %scan3A_296 = arith.constant 1 : i32
    scf.for %scan3A_328 = %scan3A_293 to %scan3A_295 step %scan3A_296  : i32 {
      %mul3A_329 = arith.constant 1 : i32
      %mul3A_330 = arith.muli %scan3A_328, %mul3A_329 : i32
      %add3A_331 = arith.constant 40 : i32
      %add3A_332 = arith.addi %add3A_331, %mul3A_330 : i32
      %swap3A = arith.index_cast %add3A_332 : i32 to index
      %swap3A_333 = arith.constant 0 : index
      %swap3A_334 = tpu.vector_load %arg8[%swap3A, %swap3A_333] {strides = array<i32>} : memref<48x128xf32, #tpu.memory_space<vmem>>, vector<16xf32>,
      tpu.vector_store %arg8[%swap3A, %swap3A_333], %broadcast_in_dim3A_76 {strides = array<i32>} : memref<48x128xf32, #tpu.memory_space<vmem>>, vector<16xf32>,
      %swap3A_335 = arith.index_cast %add3A_332 : i32 to index
      %swap3A_336 = arith.constant 16 : index
      %swap3A_337 = tpu.vector_load %arg8[%swap3A_335, %swap3A_336] {strides = array<i32>} : memref<48x128xf32, #tpu.memory_space<vmem>>, vector<16xf32>,
      tpu.vector_store %arg8[%swap3A_335, %swap3A_336], %broadcast_in_dim3A_76 {strides = array<i32>} : memref<48x128xf32, #tpu.memory_space<vmem>>, vector<16xf32>,
      %swap3A_338 = arith.index_cast %add3A_332 : i32 to index
      %swap3A_339 = arith.constant 32 : index
      %swap3A_340 = tpu.vector_load %arg8[%swap3A_338, %swap3A_339] {strides = array<i32>} : memref<48x128xf32, #tpu.memory_space<vmem>>, vector<16xf32>,
      tpu.vector_store %arg8[%swap3A_338, %swap3A_339], %broadcast_in_dim3A_76 {strides = array<i32>} : memref<48x128xf32, #tpu.memory_space<vmem>>, vector<16xf32>,
      %swap3A_341 = arith.index_cast %add3A_332 : i32 to index
      %swap3A_342 = arith.constant 48 : index
      %swap3A_343 = tpu.vector_load %arg8[%swap3A_341, %swap3A_342] {strides = array<i32>} : memref<48x128xf32, #tpu.memory_space<vmem>>, vector<16xf32>,
      tpu.vector_store %arg8[%swap3A_341, %swap3A_342], %broadcast_in_dim3A_76 {strides = array<i32>} : memref<48x128xf32, #tpu.memory_space<vmem>>, vector<16xf32>,
      %swap3A_344 = arith.index_cast %add3A_332 : i32 to index
      %swap3A_345 = arith.constant 64 : index
      %swap3A_346 = tpu.vector_load %arg8[%swap3A_344, %swap3A_345] {strides = array<i32>} : memref<48x128xf32, #tpu.memory_space<vmem>>, vector<16xf32>,
      tpu.vector_store %arg8[%swap3A_344, %swap3A_345], %broadcast_in_dim3A_76 {strides = array<i32>} : memref<48x128xf32, #tpu.memory_space<vmem>>, vector<16xf32>,
      %swap3A_347 = arith.index_cast %add3A_332 : i32 to index
      %swap3A_348 = arith.constant 80 : index
      %swap3A_349 = tpu.vector_load %arg8[%swap3A_347, %swap3A_348] {strides = array<i32>} : memref<48x128xf32, #tpu.memory_space<vmem>>, vector<16xf32>,
      tpu.vector_store %arg8[%swap3A_347, %swap3A_348], %broadcast_in_dim3A_76 {strides = array<i32>} : memref<48x128xf32, #tpu.memory_space<vmem>>, vector<16xf32>,
      %swap3A_350 = arith.index_cast %add3A_332 : i32 to index
      %swap3A_351 = arith.constant 96 : index
      %swap3A_352 = tpu.vector_load %arg8[%swap3A_350, %swap3A_351] {strides = array<i32>} : memref<48x128xf32, #tpu.memory_space<vmem>>, vector<16xf32>,
      tpu.vector_store %arg8[%swap3A_350, %swap3A_351], %broadcast_in_dim3A_76 {strides = array<i32>} : memref<48x128xf32, #tpu.memory_space<vmem>>, vector<16xf32>,
      %swap3A_353 = arith.index_cast %add3A_332 : i32 to index
      %swap3A_354 = arith.constant 112 : index
      %swap3A_355 = tpu.vector_load %arg8[%swap3A_353, %swap3A_354] {strides = array<i32>} : memref<48x128xf32, #tpu.memory_space<vmem>>, vector<16xf32>,
      tpu.vector_store %arg8[%swap3A_353, %swap3A_354], %broadcast_in_dim3A_76 {strides = array<i32>} : memref<48x128xf32, #tpu.memory_space<vmem>>, vector<16xf32>,
    }
    %scan3A_297 = arith.constant 8 : i32
    %barrier3A = arith.constant 0 : index
    tpu.barrier barrier_id(%barrier3A)
    %mul3A_298 = arith.constant 2 : i32
    %mul3A_299 = arith.muli %select_n3A, %mul3A_298 : i32
    %add3A_300 = arith.addi %mul3A_299, %select_n3A_54 : i32
    %mul3A_301 = arith.constant 48 : i32
    %mul3A_302 = arith.muli %add3A_300, %mul3A_301 : i32
    %add3A_303 = arith.constant 0 : i32
    %add3A_304 = arith.addi %mul3A_302, %add3A_303 : i32
    %iota3A_305 = tpu.iota {dimensions = array<i32: 0>} : vector<16xi32>
    %add3A_306 = vector.broadcast %add3A_304 : i32 to vector<16xi32>
    %add3A_307 = arith.addi %add3A_306, %iota3A_305 : vector<16xi32>
    "tpu.region"() ({
      %run_scoped3A = tpu.sem_alloc : memref<!tpu.dma_semaphore, #tpu.memory_space<semaphore_mem>>
      %dma_start3A_328 = arith.constant 0 : i32
      %dma_start3A_329 = arith.constant 0 : i32
      %dma_start3A_330 = tpu.memref_slice %arg8[%dma_start3A_328, %dma_start3A_329] : memref<48x128xf32, #tpu.memory_space<vmem>> -> memref<16x128xf32, #tpu.memory_space<vmem>>
      %dma_start3A_331 = arith.constant 0 : i32
      %dma_start3A_332 = arith.constant 0 : i32
      %dma_start3A_333 = tpu.memref_slice %arg9[%dma_start3A_331, %dma_start3A_332] : memref<192x128xf32, #tpu.memory_space<vmem_shared>> -> memref<192x128xf32, #tpu.memory_space<vmem_shared>>
      tpu.enqueue_indirect_dma source(%dma_start3A_330 : memref<16x128xf32, #tpu.memory_space<vmem>>) target(%dma_start3A_333 : memref<192x128xf32, #tpu.memory_space<vmem_shared>>) offsets(%add3A_307 : vector<16xi32>) semaphore(%run_scoped3A : memref<!tpu.dma_semaphore, #tpu.memory_space<semaphore_mem>>) {add = true}
      %dma_wait3A_334 = arith.constant 0 : i32
      %dma_wait3A_335 = arith.constant 0 : i32
      %dma_wait3A_336 = tpu.memref_slice %arg8[%dma_wait3A_334, %dma_wait3A_335] : memref<48x128xf32, #tpu.memory_space<vmem>> -> memref<16x128xf32, #tpu.memory_space<vmem>>
      %dma_wait3A_337 = arith.constant 0 : i32
      %dma_wait3A_338 = arith.constant 0 : i32
      %dma_wait3A_339 = tpu.memref_slice %arg9[%dma_wait3A_337, %dma_wait3A_338] : memref<192x128xf32, #tpu.memory_space<vmem_shared>> -> memref<192x128xf32, #tpu.memory_space<vmem_shared>>
      tpu.wait_indirect_dma semaphore(%run_scoped3A : memref<!tpu.dma_semaphore, #tpu.memory_space<semaphore_mem>>) src(%dma_wait3A_336 : memref<16x128xf32, #tpu.memory_space<vmem>>) dst(%dma_wait3A_339 : memref<192x128xf32, #tpu.memory_space<vmem_shared>>)
      tpu.yield
    }) : () -> ()
    %mul3A_308 = arith.constant 48 : i32
    %mul3A_309 = arith.muli %add3A_300, %mul3A_308 : i32
    %add3A_310 = arith.constant 16 : i32
    %add3A_311 = arith.addi %mul3A_309, %add3A_310 : i32
    %iota3A_312 = tpu.iota {dimensions = array<i32: 0>} : vector<16xi32>
    %add3A_313 = vector.broadcast %add3A_311 : i32 to vector<16xi32>
    %add3A_314 = arith.addi %add3A_313, %iota3A_312 : vector<16xi32>
    "tpu.region"() ({
      %run_scoped3A = tpu.sem_alloc : memref<!tpu.dma_semaphore, #tpu.memory_space<semaphore_mem>>
      %dma_start3A_328 = arith.constant 16 : i32
      %dma_start3A_329 = arith.constant 0 : i32
      %dma_start3A_330 = tpu.memref_slice %arg8[%dma_start3A_328, %dma_start3A_329] : memref<48x128xf32, #tpu.memory_space<vmem>> -> memref<16x128xf32, #tpu.memory_space<vmem>>
      %dma_start3A_331 = arith.constant 0 : i32
      %dma_start3A_332 = arith.constant 0 : i32
      %dma_start3A_333 = tpu.memref_slice %arg9[%dma_start3A_331, %dma_start3A_332] : memref<192x128xf32, #tpu.memory_space<vmem_shared>> -> memref<192x128xf32, #tpu.memory_space<vmem_shared>>
      tpu.enqueue_indirect_dma source(%dma_start3A_330 : memref<16x128xf32, #tpu.memory_space<vmem>>) target(%dma_start3A_333 : memref<192x128xf32, #tpu.memory_space<vmem_shared>>) offsets(%add3A_314 : vector<16xi32>) semaphore(%run_scoped3A : memref<!tpu.dma_semaphore, #tpu.memory_space<semaphore_mem>>) {add = true}
      %dma_wait3A_334 = arith.constant 16 : i32
      %dma_wait3A_335 = arith.constant 0 : i32
      %dma_wait3A_336 = tpu.memref_slice %arg8[%dma_wait3A_334, %dma_wait3A_335] : memref<48x128xf32, #tpu.memory_space<vmem>> -> memref<16x128xf32, #tpu.memory_space<vmem>>
      %dma_wait3A_337 = arith.constant 0 : i32
      %dma_wait3A_338 = arith.constant 0 : i32
      %dma_wait3A_339 = tpu.memref_slice %arg9[%dma_wait3A_337, %dma_wait3A_338] : memref<192x128xf32, #tpu.memory_space<vmem_shared>> -> memref<192x128xf32, #tpu.memory_space<vmem_shared>>
      tpu.wait_indirect_dma semaphore(%run_scoped3A : memref<!tpu.dma_semaphore, #tpu.memory_space<semaphore_mem>>) src(%dma_wait3A_336 : memref<16x128xf32, #tpu.memory_space<vmem>>) dst(%dma_wait3A_339 : memref<192x128xf32, #tpu.memory_space<vmem_shared>>)
      tpu.yield
    }) : () -> ()
    %mul3A_315 = arith.constant 48 : i32
    %mul3A_316 = arith.muli %add3A_300, %mul3A_315 : i32
    %add3A_317 = arith.constant 32 : i32
    %add3A_318 = arith.addi %mul3A_316, %add3A_317 : i32
    %iota3A_319 = tpu.iota {dimensions = array<i32: 0>} : vector<16xi32>
    %add3A_320 = vector.broadcast %add3A_318 : i32 to vector<16xi32>
    %add3A_321 = arith.addi %add3A_320, %iota3A_319 : vector<16xi32>
    "tpu.region"() ({
      %run_scoped3A = tpu.sem_alloc : memref<!tpu.dma_semaphore, #tpu.memory_space<semaphore_mem>>
      %dma_start3A_328 = arith.constant 32 : i32
      %dma_start3A_329 = arith.constant 0 : i32
      %dma_start3A_330 = tpu.memref_slice %arg8[%dma_start3A_328, %dma_start3A_329] : memref<48x128xf32, #tpu.memory_space<vmem>> -> memref<16x128xf32, #tpu.memory_space<vmem>>
      %dma_start3A_331 = arith.constant 0 : i32
      %dma_start3A_332 = arith.constant 0 : i32
      %dma_start3A_333 = tpu.memref_slice %arg9[%dma_start3A_331, %dma_start3A_332] : memref<192x128xf32, #tpu.memory_space<vmem_shared>> -> memref<192x128xf32, #tpu.memory_space<vmem_shared>>
      tpu.enqueue_indirect_dma source(%dma_start3A_330 : memref<16x128xf32, #tpu.memory_space<vmem>>) target(%dma_start3A_333 : memref<192x128xf32, #tpu.memory_space<vmem_shared>>) offsets(%add3A_321 : vector<16xi32>) semaphore(%run_scoped3A : memref<!tpu.dma_semaphore, #tpu.memory_space<semaphore_mem>>) {add = true}
      %dma_wait3A_334 = arith.constant 32 : i32
      %dma_wait3A_335 = arith.constant 0 : i32
      %dma_wait3A_336 = tpu.memref_slice %arg8[%dma_wait3A_334, %dma_wait3A_335] : memref<48x128xf32, #tpu.memory_space<vmem>> -> memref<16x128xf32, #tpu.memory_space<vmem>>
      %dma_wait3A_337 = arith.constant 0 : i32
      %dma_wait3A_338 = arith.constant 0 : i32
      %dma_wait3A_339 = tpu.memref_slice %arg9[%dma_wait3A_337, %dma_wait3A_338] : memref<192x128xf32, #tpu.memory_space<vmem_shared>> -> memref<192x128xf32, #tpu.memory_space<vmem_shared>>
      tpu.wait_indirect_dma semaphore(%run_scoped3A : memref<!tpu.dma_semaphore, #tpu.memory_space<semaphore_mem>>) src(%dma_wait3A_336 : memref<16x128xf32, #tpu.memory_space<vmem>>) dst(%dma_wait3A_339 : memref<192x128xf32, #tpu.memory_space<vmem_shared>>)
      tpu.yield
    }) : () -> ()
    %barrier3A_322 = arith.constant 0 : index
    tpu.barrier barrier_id(%barrier3A_322)
    %lt3A_323 = arith.constant 12 : i32
    %lt3A_324 = arith.cmpi slt, %arg1, %lt3A_323 : i32
    %convert_element_type3A_325 = arith.extui %lt3A_324 : i1 to i32
    %cond3A_326 = arith.constant 0 : i32
    %cond3A_327 = arith.cmpi ne, %convert_element_type3A_325, %cond3A_326 : i32
    scf.if %cond3A_327 {
      %mul3A_328 = arith.constant 16 : i32
      %mul3A_329 = arith.muli %arg1, %mul3A_328 : i32
      %mul3A_330 = arith.constant 16 : i32
      %mul3A_331 = arith.muli %arg1, %mul3A_330 : i32
      "tpu.region"() ({
        %run_scoped3A = tpu.sem_alloc : memref<!tpu.dma_semaphore, #tpu.memory_space<semaphore_mem>>
        %dma_start3A_332 = arith.constant 0 : i32
        %dma_start3A_333 = tpu.memref_slice %arg4[%arg0, %mul3A_331, %dma_start3A_332] : memref<2x192x128xf32, #tpu.memory_space<hbm>> -> memref<1x16x128xf32, #tpu.memory_space<hbm>>
        %dma_start3A_334 = tpu.memref_squeeze %dma_start3A_333 : memref<1x16x128xf32, #tpu.memory_space<hbm>> -> memref<16x128xf32, #tpu.memory_space<hbm>>
        %dma_start3A_335 = arith.constant 0 : i32
        %dma_start3A_336 = tpu.memref_slice %arg9[%mul3A_329, %dma_start3A_335] : memref<192x128xf32, #tpu.memory_space<vmem_shared>> -> memref<16x128xf32, #tpu.memory_space<vmem_shared>>
        tpu.enqueue_dma source(%dma_start3A_336 : memref<16x128xf32, #tpu.memory_space<vmem_shared>>) target(%dma_start3A_334 : memref<16x128xf32, #tpu.memory_space<hbm>>) target_semaphore(%run_scoped3A : memref<!tpu.dma_semaphore, #tpu.memory_space<semaphore_mem>>)
        %dma_wait3A_337 = arith.constant 0 : i32
        %dma_wait3A_338 = tpu.memref_slice %arg4[%arg0, %mul3A_331, %dma_wait3A_337] : memref<2x192x128xf32, #tpu.memory_space<hbm>> -> memref<1x16x128xf32, #tpu.memory_space<hbm>>
        %dma_wait3A_339 = tpu.memref_squeeze %dma_wait3A_338 : memref<1x16x128xf32, #tpu.memory_space<hbm>> -> memref<16x128xf32, #tpu.memory_space<hbm>>
        %dma_wait3A_340 = arith.constant 0 : i32
        %dma_wait3A_341 = tpu.memref_slice %arg9[%mul3A_329, %dma_wait3A_340] : memref<192x128xf32, #tpu.memory_space<vmem_shared>> -> memref<16x128xf32, #tpu.memory_space<vmem_shared>>
        tpu.wait_dma2 semaphore(%run_scoped3A : memref<!tpu.dma_semaphore, #tpu.memory_space<semaphore_mem>>) src(%dma_wait3A_341 : memref<16x128xf32, #tpu.memory_space<vmem_shared>>) dst(%dma_wait3A_339 : memref<16x128xf32, #tpu.memory_space<hbm>>)
        tpu.yield
      }) : () -> ()
    } else {
    }
    return
  }
}

module attributes {stable_mosaic.version = 14 : i64} {
  func.func @_mm_body(%arg0: i32, %arg1: i32, %arg2: memref<1x1024x128xf32, #tpu.memory_space<vmem>>, %arg3: memref<1x128x128xf32, #tpu.memory_space<vmem>>, %arg4: memref<1x1024x1xf32, #tpu.memory_space<vmem>>, %arg5: memref<1x1024x128xf32, #tpu.memory_space<vmem>>) attributes {dimension_semantics = [#tpu.dimension_semantics<arbitrary>, #tpu.dimension_semantics<arbitrary>], iteration_bounds = array<i64: 2, 10>, scalar_prefetch = 0 : i64, scratch_operands = 0 : i64, tpu.core_type = #tpu.core_type<tc>, window_params = [{transform_indices = @transform_0, window_bounds = array<i64: 1, 1024, 128>}, {transform_indices = @transform_1, window_bounds = array<i64: 1, 128, 128>}, {transform_indices = @transform_2, window_bounds = array<i64: 1, 1024, 1>}, {transform_indices = @transform_3, window_bounds = array<i64: 1, 1024, 128>}]} {
    %get3A = arith.constant 0 : index
    %get3A_0 = arith.constant 0 : index
    %get3A_1 = arith.constant 0 : index
    %get3A_2 = vector.load %arg4[%get3A, %get3A_0, %get3A_1] : memref<1x1024x1xf32, #tpu.memory_space<vmem>>, vector<1x1024x1xf32>
    %get3A_3 = vector.shape_cast %get3A_2 : vector<1x1024x1xf32> to vector<1024x1xf32>
    %max3A = arith.constant 1.000000e+00 : f32
    %max3A_4 = vector.broadcast %max3A : f32 to vector<1024x1xf32>
    %max3A_5 = arith.maximumf %get3A_3, %max3A_4 : vector<1024x1xf32>
    %rsqrt3A = math.rsqrt %max3A_5 : vector<1024x1xf32>
    %get3A_6 = arith.constant 0 : index
    %get3A_7 = arith.constant 0 : index
    %get3A_8 = arith.constant 0 : index
    %get3A_9 = vector.load %arg2[%get3A_6, %get3A_7, %get3A_8] : memref<1x1024x128xf32, #tpu.memory_space<vmem>>, vector<1x1024x128xf32>
    %get3A_10 = vector.shape_cast %get3A_9 : vector<1x1024x128xf32> to vector<1024x128xf32>
    %get3A_11 = arith.constant 0 : index
    %get3A_12 = arith.constant 0 : index
    %get3A_13 = arith.constant 0 : index
    %get3A_14 = vector.load %arg3[%get3A_11, %get3A_12, %get3A_13] : memref<1x128x128xf32, #tpu.memory_space<vmem>>, vector<1x128x128xf32>
    %get3A_15 = vector.shape_cast %get3A_14 : vector<1x128x128xf32> to vector<128x128xf32>
    %dot_general3A = arith.constant dense<0.000000e+00> : vector<1024x128xf32>
    %dot_general3A_16 = tpu.matmul %get3A_10, %get3A_15, %dot_general3A {dimension_numbers = #tpu.dot_dimension_numbers<[1], [0], [0], [1], [0, 0, 1, 1], [], []>, transpose_lhs_hint = false} : vector<1024x128xf32>, vector<128x128xf32>, vector<1024x128xf32> -> vector<1024x128xf32>
    %mul3A = vector.broadcast %rsqrt3A : vector<1024x1xf32> to vector<1024x128xf32>
    %mul3A_17 = arith.mulf %dot_general3A_16, %mul3A : vector<1024x128xf32>
    %swap3A = arith.constant 0 : index
    %swap3A_18 = arith.constant 0 : index
    %swap3A_19 = arith.constant 0 : index
    %swap3A_20 = vector.load %arg5[%swap3A, %swap3A_18, %swap3A_19] : memref<1x1024x128xf32, #tpu.memory_space<vmem>>, vector<1x1024x128xf32>
    %swap3A_21 = vector.shape_cast %swap3A_20 : vector<1x1024x128xf32> to vector<1024x128xf32>
    %swap3A_22 = vector.shape_cast %mul3A_17 : vector<1024x128xf32> to vector<1x1024x128xf32>
    tpu.vector_store %arg5[%swap3A, %swap3A_18, %swap3A_19], %swap3A_22 {strides = array<i32>} : memref<1x1024x128xf32, #tpu.memory_space<vmem>>, vector<1x1024x128xf32>,
    return
  }
  func.func @transform_0(%arg0: i32, %arg1: i32) -> (i32, i32, i32) {
    %c0_i32 = arith.constant 0 : i32
    %c0_i32_0 = arith.constant 0 : i32
    return %arg0, %arg1, %c0_i32 : i32, i32, i32
  }
  func.func @transform_1(%arg0: i32, %arg1: i32) -> (i32, i32, i32) {
    %c0_i32 = arith.constant 0 : i32
    %c0_i32_0 = arith.constant 0 : i32
    %c0_i32_1 = arith.constant 0 : i32
    return %arg0, %c0_i32, %c0_i32_0 : i32, i32, i32
  }
  func.func @transform_2(%arg0: i32, %arg1: i32) -> (i32, i32, i32) {
    %c0_i32 = arith.constant 0 : i32
    %c0_i32_0 = arith.constant 0 : i32
    return %arg0, %arg1, %c0_i32 : i32, i32, i32
  }
  func.func @transform_3(%arg0: i32, %arg1: i32) -> (i32, i32, i32) {
    %c0_i32 = arith.constant 0 : i32
    %c0_i32_0 = arith.constant 0 : i32
    return %arg0, %arg1, %c0_i32 : i32, i32, i32
  }
}

module attributes {stable_mosaic.version = 14 : i64} {
  func.func @_fin_body(%arg0: i32, %arg1: i32, %arg2: memref<1x1024x128xf32, #tpu.memory_space<vmem>>, %arg3: memref<1x1024x1xf32, #tpu.memory_space<vmem>>, %arg4: memref<1x1x128xf32, #tpu.memory_space<vmem>>, %arg5: memref<1x1024x128xf32, #tpu.memory_space<vmem>>) attributes {dimension_semantics = [#tpu.dimension_semantics<arbitrary>, #tpu.dimension_semantics<arbitrary>], iteration_bounds = array<i64: 2, 10>, scalar_prefetch = 0 : i64, scratch_operands = 0 : i64, tpu.core_type = #tpu.core_type<tc>, window_params = [{transform_indices = @transform_0, window_bounds = array<i64: 1, 1024, 128>}, {transform_indices = @transform_1, window_bounds = array<i64: 1, 1024, 1>}, {transform_indices = @transform_2, window_bounds = array<i64: 1, 1, 128>}, {transform_indices = @transform_3, window_bounds = array<i64: 1, 1024, 128>}]} {
    %get3A = arith.constant 0 : index
    %get3A_0 = arith.constant 0 : index
    %get3A_1 = arith.constant 0 : index
    %get3A_2 = vector.load %arg3[%get3A, %get3A_0, %get3A_1] : memref<1x1024x1xf32, #tpu.memory_space<vmem>>, vector<1x1024x1xf32>
    %get3A_3 = vector.shape_cast %get3A_2 : vector<1x1024x1xf32> to vector<1024x1xf32>
    %max3A = arith.constant 1.000000e+00 : f32
    %max3A_4 = vector.broadcast %max3A : f32 to vector<1024x1xf32>
    %max3A_5 = arith.maximumf %get3A_3, %max3A_4 : vector<1024x1xf32>
    %rsqrt3A = math.rsqrt %max3A_5 : vector<1024x1xf32>
    %get3A_6 = arith.constant 0 : index
    %get3A_7 = arith.constant 0 : index
    %get3A_8 = arith.constant 0 : index
    %get3A_9 = vector.load %arg2[%get3A_6, %get3A_7, %get3A_8] : memref<1x1024x128xf32, #tpu.memory_space<vmem>>, vector<1x1024x128xf32>
    %get3A_10 = vector.shape_cast %get3A_9 : vector<1x1024x128xf32> to vector<1024x128xf32>
    %mul3A = vector.broadcast %rsqrt3A : vector<1024x1xf32> to vector<1024x128xf32>
    %mul3A_11 = arith.mulf %get3A_10, %mul3A : vector<1024x128xf32>
    %get3A_12 = arith.constant 0 : index
    %get3A_13 = arith.constant 0 : index
    %get3A_14 = arith.constant 0 : index
    %get3A_15 = vector.load %arg4[%get3A_12, %get3A_13, %get3A_14] : memref<1x1x128xf32, #tpu.memory_space<vmem>>, vector<1x1x128xf32>
    %get3A_16 = vector.shape_cast %get3A_15 : vector<1x1x128xf32> to vector<1x128xf32>
    %add3A = vector.broadcast %get3A_16 : vector<1x128xf32> to vector<1024x128xf32>
    %add3A_17 = arith.addf %mul3A_11, %add3A : vector<1024x128xf32>
    %swap3A = arith.constant 0 : index
    %swap3A_18 = arith.constant 0 : index
    %swap3A_19 = arith.constant 0 : index
    %swap3A_20 = vector.load %arg5[%swap3A, %swap3A_18, %swap3A_19] : memref<1x1024x128xf32, #tpu.memory_space<vmem>>, vector<1x1024x128xf32>
    %swap3A_21 = vector.shape_cast %swap3A_20 : vector<1x1024x128xf32> to vector<1024x128xf32>
    %swap3A_22 = vector.shape_cast %add3A_17 : vector<1024x128xf32> to vector<1x1024x128xf32>
    tpu.vector_store %arg5[%swap3A, %swap3A_18, %swap3A_19], %swap3A_22 {strides = array<i32>} : memref<1x1024x128xf32, #tpu.memory_space<vmem>>, vector<1x1024x128xf32>,
    return
  }
  func.func @transform_0(%arg0: i32, %arg1: i32) -> (i32, i32, i32) {
    %c0_i32 = arith.constant 0 : i32
    %c0_i32_0 = arith.constant 0 : i32
    return %arg0, %arg1, %c0_i32 : i32, i32, i32
  }
  func.func @transform_1(%arg0: i32, %arg1: i32) -> (i32, i32, i32) {
    %c0_i32 = arith.constant 0 : i32
    %c0_i32_0 = arith.constant 0 : i32
    return %arg0, %arg1, %c0_i32 : i32, i32, i32
  }
  func.func @transform_2(%arg0: i32, %arg1: i32) -> (i32, i32, i32) {
    %c0_i32 = arith.constant 0 : i32
    %c0_i32_0 = arith.constant 0 : i32
    %c0_i32_1 = arith.constant 0 : i32
    return %arg0, %c0_i32, %c0_i32_0 : i32, i32, i32
  }
  func.func @transform_3(%arg0: i32, %arg1: i32) -> (i32, i32, i32) {
    %c0_i32 = arith.constant 0 : i32
    %c0_i32_0 = arith.constant 0 : i32
    return %arg0, %arg1, %c0_i32 : i32, i32, i32
  }
}

</mosaic_0001>

<sc_bundles>
// kernel: kernel.6.cloned.1.call-start
scs
__scs_entry_jumppad:
0x0: {  	(pc) =	sbr.rel $0x88, $3  }
0x1: {  	(tag) =	ssettag $0x0;
	lr =	simm.s32 $0x1  }
0x2: {  	[smem:$0x3F99] =	sst lr;
	_ =	strace $0xD0000000  }
0x3: {  	_ = 	snop  }
0x4: {  	_ = 	snop  }
0x5: {  	_ = 	snop  }
0x6: {  	_ = 	snop  }
0x7: {  	_ = 	snop  }
__scs_overlays_trampoline_lowered:
0x8: {  	[smem:$0x3FA8] =	sst s0  }
0x9: {  	[smem:$0x3FA9] =	sst s1  }
0xa: {  	[smem:$0x3FAA] =	sst s2  }
0xb: {  	[smem:$0x3FAB] =	sst s3  }
0xc: {  	[smem:$0x3FAC] =	sst s4  }
0xd: {  	[smem:$0x3FAD] =	sst s5  }
0xe: {  	[smem:$0x3FAE] =	sst s6  }
0xf: {  	[smem:$0x3FAF] =	sst s7  }
0x10: {  	[smem:$0x3FB0] =	sst s8  }
0x11: {  	[smem:$0x3FB1] =	sst s9;
	s0 =	simm.s32 @!p0 $0x0  }
0x12: {  	s1 =	sld [smem:$0x3F97];
	s0 =	simm.s32 @p0 $0x1  }
0x13: {  	[smem:$0x3FB2] =	sst s0;
	s0 =	simm.s32 @!p1 $0x0  }
0x14: {  	s2 =	sld [smem:$0x3F96];
	s0 =	simm.s32 @p1 $0x1  }
0x15: {  	[smem:$0x3FB3] =	sst s0;
	s0 =	simm.s32 @!p2 $0x0  }
0x16: {  	s3 =	sld [smem:$0x3FDB];
	s0 =	simm.s32 @p2 $0x1  }
0x17: {  	s4 =	simm.s32 $0x1BF5;
	[smem:$0x3FB5] =	sst s0  }
0x18: {  	s0 =	sld [smem:$0x3F98];
	_ =	swait.ge [sflag:s4], $0x0  }
0x19: {  	s7 =	sld [smem:$0x3F99]  }
0x1a: {  	s8 =	sadd.s32 $0xFFFFE003, lr  }
0x1b: {  	s9 =	sadd.s32 $0xFFFFFEF7, lr;
	s5 =	simm.s32 $0xFFFFFFFF;
	p2 =	slt.u32 s8, $0xFFFFF086  }
0x1c: {  	p1 =	slt.u32 s9, $0xF7A;
	s5 =	simm.s32 @!p2 $0x0  }
0x1d: {  	s5 =	simm.s32 @p1 $0x1;
	p0 =	seq.s32 s7, s2  }
0x1e: {  	s7 =	smul.u32 @!p0 $0xF7A, s2;
	p2 =	seq.s32 @!p0 s5, $0x0  }
0x1f: {  	s9 =	smul.u32 $0xF7A, s1;
	s8 =	simm.s32 @!p0 $0x1BF5;
	p2 =	por !p2, p0  }
0x20: {  	[sflag:s8] =	ssyncset.s32 @!p0 $0xFFFFF086;
	s6 =	sadd.s32 @!p0 s3, s7;
	s7 =	simm.s32 @!p0 $0x108  }
0x21: {  	s3 =	sadd.s32 s3, s9;
	s6 =	sadd.s32 @!p0 $0x88, s6;
	s7 =	simm.s32 @p2 $0x1082  }
0x22: {  	[simem:s7], [sflag:s8] =	dma.local @!p0 [hbm:s6], $0xF7A  }
0x23: {  	s9 =	sor.u32 $0xD0000000, s2;
	s6 =	simm.s32 $0x108;
	_ =	swait.ge @!p0 [sflag:s8], $0x0  }
0x24: {  	s3 =	sadd.s32 $0x88, s3;
	s6 =	simm.s32 @!p1 $0x1082;
	[sflag:s4] =	ssyncset.s32 $0xFFFFF086  }
0x25: {  	[simem:s6], [sflag:s4] =	dma.local [hbm:s3], $0xF7A  }
0x26: {  	[smem:$0x3F99] =	sst s1;
	(tag) =	ssettag s2;
	_ =	strace s9  }
0x27: {  	s1 =	sld [smem:$0x3FA9]  }
0x28: {  	s2 =	sld [smem:$0x3FAA]  }
0x29: {  	s4 =	sld [smem:$0x3FAC]  }
0x2a: {  	p0 =	seq.s32 s5, $0x0;
	s5 =	sld [smem:$0x3FAD]  }
0x2b: {  	s6 =	sld [smem:$0x3FAE]  }
0x2c: {  	s7 =	sld [smem:$0x3FAF]  }
0x2d: {  	s3 =	simm.s32 $0x108;
	s8 =	sld [smem:$0x3FB0]  }
0x2e: {  	s3 =	simm.s32 @!p0 $0x1082;
	s9 =	sld [smem:$0x3FB1]  }
0x2f: {  	lr =	sadd.s32 s0, s3;
	s0 =	sld [smem:$0x3FA8]  }
0x30: {  	s3 =	sld [smem:$0x3FAB]  }
0x31: {  	[smem:$0x3FB4] =	sst s10  }
0x32: {  	s10 =	sld [smem:$0x3FB2];
	_ =	sdelay $0x3  }
0x33: {  	p0 =	seq.s32 s10, $0x1;
	s10 =	sld [smem:$0x3FB4];
	_ =	sdelay $0x3  }
0x34: {  	[smem:$0x3FB4] =	sst s10  }
0x35: {  	s10 =	sld [smem:$0x3FB3];
	_ =	sdelay $0x3  }
0x36: {  	p1 =	seq.s32 s10, $0x1;
	s10 =	sld [smem:$0x3FB4];
	_ =	sdelay $0x3  }
0x37: {  	[smem:$0x3FB4] =	sst s10  }
0x38: {  	s10 =	sld [smem:$0x3FB5]  }
0x39: {  	_ = 	snop;
	(pc) =	sbr.ind lr, $3  }
0x3a: {  	_ = 	snop  }
0x3b: {  	_ = 	snop  }
0x3c: {  	p2 =	seq.s32 s10, $0x1;
	s10 =	sld [smem:$0x3FB4]  }
0x3d: {  	_ =	shalt  }
0x3e: {  	_ =	shalt  }
0x3f: {  	_ =	shalt  }
0x40: {  	_ =	shalt  }
0x41: {  	_ =	shalt  }
0x42: {  	_ =	shalt  }
0x43: {  	_ =	shalt  }
0x44: {  	_ =	shalt  }
0x45: {  	_ =	shalt  }
0x46: {  	_ =	shalt  }
0x47: {  	_ =	shalt  }
0x48: {  	_ =	shalt  }
0x49: {  	_ =	shalt  }
0x4a: {  	_ =	shalt  }
0x4b: {  	_ =	shalt  }
0x4c: {  	_ =	shalt  }
0x4d: {  	_ =	shalt  }
0x4e: {  	_ =	shalt  }
0x4f: {  	_ =	shalt  }
0x50: {  	_ =	shalt  }
0x51: {  	_ =	shalt  }
0x52: {  	_ =	shalt  }
0x53: {  	_ =	shalt  }
0x54: {  	_ =	shalt  }
0x55: {  	_ =	shalt  }
0x56: {  	_ =	shalt  }
0x57: {  	_ =	shalt  }
0x58: {  	_ =	shalt  }
0x59: {  	_ =	shalt  }
0x5a: {  	_ =	shalt  }
0x5b: {  	_ =	shalt  }
0x5c: {  	_ =	shalt  }
0x5d: {  	_ =	shalt  }
0x5e: {  	_ =	shalt  }
0x5f: {  	_ =	shalt  }
0x60: {  	_ =	shalt  }
0x61: {  	_ =	shalt  }
0x62: {  	_ =	shalt  }
0x63: {  	_ =	shalt  }
0x64: {  	_ =	shalt  }
0x65: {  	_ =	shalt  }
0x66: {  	_ =	shalt  }
0x67: {  	_ =	shalt  }
0x68: {  	_ =	shalt  }
0x69: {  	_ =	shalt  }
0x6a: {  	_ =	shalt  }
0x6b: {  	_ =	shalt  }
0x6c: {  	_ =	shalt  }
0x6d: {  	_ =	shalt  }
0x6e: {  	_ =	shalt  }
0x6f: {  	_ =	shalt  }
0x70: {  	_ =	shalt  }
0x71: {  	_ =	shalt  }
0x72: {  	_ =	shalt  }
0x73: {  	_ =	shalt  }
0x74: {  	_ =	shalt  }
0x75: {  	_ =	shalt  }
0x76: {  	_ =	shalt  }
0x77: {  	_ =	shalt  }
0x78: {  	_ =	shalt  }
0x79: {  	_ =	shalt  }
0x7a: {  	_ =	shalt  }
0x7b: {  	_ =	shalt  }
0x7c: {  	_ =	shalt  }
0x7d: {  	_ =	shalt  }
0x7e: {  	_ =	shalt  }
0x7f: {  	_ =	shalt  }
0x80: {  	_ =	shalt  }
0x81: {  	_ =	shalt  }
0x82: {  	_ =	shalt  }
0x83: {  	_ =	shalt  }
0x84: {  	_ =	shalt  }
0x85: {  	_ =	shalt  }
0x86: {  	_ =	shalt  }
0x87: {  	_ =	shalt  }
.Lfunc_end0:
.L_simem_size_0:
called_computation_lowered:
.L_overlay_start_0:
0x88: {  	s2 =	sld [smem:$0x3FD9]  }
0x89: {  	s3 =	sld [smem:$0x3FFE];
	_ =	sdelay $0x1  }
0x8a: {  	s1 =	srdreg.scid  }
0x8b: {  	s0 =	sand.u32 $0x1, s1  }
0x8c: {  	s14 =	sshll.u32 s0, $0xA;
	s2 =	sadd.s32 s3, s2  }
0x8d: {  	s2 =	sadd.s32 s2, s14  }
0x8e: {  	[smem:$0x3FC0] =	sst s2  }
0x8f: {  	_ = 	snop  }
0x90: {  	s2 =	sld [smem:$0x3FD0];
	_ =	sdelay $0x2  }
0x91: {  	s15 =	simm.s32 $0xA;
	s4 =	simm.s32 $0x10  }
0x92: {  	[smem:s4], [sflag:s15] =	dma.local [hbm:s2], $0x1  }
0x93: {  	_ =	swait.eq [sflag:s15], $0x1  }
0x94: {  	[sflag:s15] =	ssyncset.done $0x0  }
0x95: {  	[sflag:s15] =	ssyncadd.s32 $0xFFFFFFFF  }
0x96: {  	s16 =	sld [smem:$0x10];
	(tm) =	ssettm $0x1  }
0x97: {  	s17 =	sld [smem:$0x3FFB];
	_ =	sdelay $0x3  }
0x98: {  	_ =	strace s17  }
0x99: {  	s3 =	sld [smem:$0x3FFC];
	_ =	sdelay $0x3  }
0x9a: {  	_ =	strace s3  }
0x9b: {  	s3 =	sld [smem:$0x3FFD];
	_ =	sdelay $0x3  }
0x9c: {  	_ =	strace s3  }
0x9d: {  	_ =	strace $0x8FFFFFFF  }
0x9e: {  	s18 =	sld [smem:$0x3FDB];
	_ =	sdelay $0x1  }
0x9f: {  	s19 =	simm.s32 $_scs_section_size  }
0xa0: {  	s5 =	simm.s32 $_size__tile_overlayer_lowered;
	s6 =	simm.s32 $_tile_overlayer_lowered  }
0xa1: {  	s22 =	simm.s32 $0x1BFF;
	s21 =	sshll.u32 s6, $0x1;
	s3 =	sadd.s32 s19, s18  }
0xa2: {  	s7 =	simm.s32 $0x0;
	s20 =	sshll.u32 s5, $0x1;
	s5 =	sadd.s32 s21, s3  }
0xa3: {  	[timem:s7], [sflag:s22] =	dma.local [hbm:s5], s20  }
0xa4: {  	_ =	swait.ge [sflag:s22], s20  }
0xa5: {  	s4 =	ssub.s32 $0x0, s20;
	[sflag:s22] =	ssyncset.done $0x0  }
0xa6: {  	[sflag:s22] =	ssyncadd.s32 s4;
	_ =	sdelay $0x1  }
0xa7: {  	s23 =	simm.s32 $0x1B8B  }
0xa8: {  	_ =	swait.ge [sflag:s23], $0x1  }
0xa9: {  	[sflag:s23] =	ssyncset.done $0x0  }
0xaa: {  	s25 =	simm.s32 $0x1B8E;
	s24 =	sld [smem:$0x3FFE];
	[sflag:s23] =	ssyncadd.s32 $0xFFFFFFFF  }
0xab: {  	s26 =	simm.s32 $execute0_lowered;
	[smem:$0x3FD2] =	sst s25  }
0xac: {  	s5 =	sshll.u32 s26, $0x1;
	_ =	strace $0x80000046;
	[dreg:$0x1] =	wrdreg $0xFFFFFFFF  }
0xad: {  	s28 =	simm.s32 $_size_execute0_lowered;
	s3 =	sadd.s32 s3, s5;
	[dreg:$0x0] =	wrdreg $0x0  }
0xae: {  	s5 =	sshll.u32 s28, $0x1;
	[dreg:$0x2] =	wrdreg s3  }
0xaf: {  	[dreg:$0x3] =	wrdreg s5  }
0xb0: {  	[dreg:$0x4] =	wrdreg $0xC0  }
0xb1: {  	_ =	task [dreg:s7], $0x5FFFF  }
0xb2: {  	[dreg:$0x1] =	wrdreg $0xFFFFFFFF  }
0xb3: {  	[dreg:$0x0] =	wrdreg $0x60  }
0xb4: {  	[dreg:$0x2] =	wrdreg s16  }
0xb5: {  	[dreg:$0x3] =	wrdreg s24  }
0xb6: {  	[dreg:$0x4] =	wrdreg $0x18A000  }
0xb7: {  	[dreg:$0x5] =	wrdreg $0x9  }
0xb8: {  	_ =	task.clear_ibuf [dreg:s7], $0x6FFFF;
	_ =	strace $0x90000046  }
0xb9: {  	s29 =	simm.s32 $0x9;
	_ =	strace $0x80000048  }
0xba: {  	_ =	swait.ge [sflag:s29], $0x1  }
0xbb: {  	[sflag:s29] =	ssyncadd.s32 $0xFFFFFFFF  }
0xbc: {  	_ =	strace $0x90000048  }
0xbd: {  	_ =	sfence  }
0xbe: {  	s30 =	sld [smem:$0x0];
	_ =	sdelay $0x2  }
0xbf: {  	s31 =	sshll.u32 s1, $0xD;
	s1 =	sshrl.u32 s1, $0x2  }
0xc0: {  	s3 =	sand.u32 $0x4000, s31;
	s1 =	sadd.s32 s1, s30  }
0xc1: {  	s0 =	sor.u32 s3, s0;
	s1 =	sshll.u32 s1, $0x11  }
0xc2: {  	s0 =	sor.u32 s1, s0  }
0xc3: {  	s0 =	sadd.s32 $0x8F2B, s0  }
0xc4: {  	[sflag:s0] =	ssyncadd.remote.s32 $0x1  }
0xc5: {  	_ =	sfence.sel $0xFFFF  }
0xc6: {  	[dreg:$0x0] =	wrdreg $0xFFFFFFFF;
	(pc) =	sbr.abs _section_cstart, $3  }
0xc7: {  	[dreg:$0x1] =	wrdreg $0xFFFFFFFF  }
0xc8: {  	_ =	task.clear_ibuf [dreg:s7], $0x2FFFF;
	_ =	strace $0x9FFFFFFF  }
0xc9: {  	(tm) =	ssettm $0x7FFFFFFF  }
tec
execute0_lowered:
.L_overlay_start_1:
0x0: {  	(tag) =	ssettag $0x1  }
0x1: {  	s0 =	rddreg [dreg:$0x0]  }
0x2: {  	s2 =	rddreg [dreg:$0x1]  }
0x3: {  	s1 =	rddreg [dreg:$0x2];
	s3 =	srdreg.scid  }
0x4: {  	s21 =	stileid.u32;
	s29 =	simm.s32 $0x3;
	s5 =	sand.u32 $0x1, s3  }
0x5: {  	s3 =	simm.s32 $0x0;
	s7 =	sshll.u32 s21, $0xB;
	s4 =	sadd.s32 $0x3400, s2  }
0x6: {  	s14 =	sshrl.u32 s21, $0x3;
	s22 =	sshrl.u32 s21, $0x2;
	s9 =	sshll.u32 s21, $0x7  }
0x7: {  	p0 =	sgt.u32 s21, $0xB;
	s6 =	smul.u32 $0x6000, s5;
	[smem:$0x7FF] =	sst s3  }
0x8: {  	s8 =	sshll.u32 s5, $0x1;
	s5 =	ssub.s32 $0x2, s5;
	s15 =	sand.u32 $0x1, s22  }
0x9: {  	s23 =	sand.u32 $0x180, s9;
	_ =	strace $0x80000047;
	s20 =	sor.u32 s14, s8  }
0xa: {  	s10 =	sshrl.u32 s5, $0x1;
	s22 =	smul.u32 $0x1400, s15;
	s6 =	sadd.s32 s7, s6  }
0xb: {  	s14 =	sshll.u32 s14, $0x1;
	s18 =	ssub.s32 s5, s10;
	s6 =	sshrl.u32 s6, $0x3  }
0xc: {  	s14 =	sor.u32 s15, s14;
	s2 =	sadd.s32 s6, s2;
	s6 =	smul.u32 $0x49800, s20  }
0xd: {  	s18 =	smax.u32 s18, $0x1;
	v0 =	vmov s22;
	s22 =	simm.s32 $0x200;
	s20 =	sadd.s32 s7, s1  }
0xe: {  	s20 =	sshrl.u32 @!p0 s20, $0x3;
	s16 =	sor.u32 s23, s6;
	s23 =	smul.u32 $0x30, s14  }
0xf: {  	s24 =	sshrl.u32 s16, $0x3;
	s6 =	sadd.s32 $0x6200, s16;
	s25 =	sadd.s32 $0xC400, s16  }
0x10: {  	s8 =	sadd.s32 $0x12600, s16;
	s26 =	sadd.s32 $0x18800, s16;
	s28 =	sadd.s32 $0x1EA00, s16  }
0x11: {  	s11 =	sadd.s32 $0x24C00, s16;
	s12 =	sadd.s32 $0x2AE00, s16;
	s13 =	sadd.s32 $0x31000, s16  }
0x12: {  	s17 =	sadd.s32 $0x37200, s16;
	s19 =	sadd.s32 $0x3D400, s16;
	s16 =	sadd.s32 $0x43600, s16  }
0x13: {  	s5 =	sadd.s32 s0, s24;
	s6 =	sshrl.u32 s6, $0x3;
	s7 =	sshrl.u32 s25, $0x3  }
0x14: {  	s8 =	sshrl.u32 s8, $0x3;
	s9 =	sshrl.u32 s26, $0x3;
	s10 =	sshrl.u32 s28, $0x3  }
0x15: {  	s11 =	sshrl.u32 s11, $0x3;
	s12 =	sshrl.u32 s12, $0x3;
	s13 =	sshrl.u32 s13, $0x3  }
0x16: {  	v5 =	vlaneseq.u32;
	s17 =	sshrl.u32 s17, $0x3;
	s30 =	sshrl.u32 s19, $0x3;
	s16 =	sshrl.u32 s16, $0x3  }
0x17: {  	s31 =	sadd.s32 $0x10, s23;
	s25 =	sadd.s32 $0x20, s23;
	v1 =	vor.u32 s23, v5;
	s23 =	simm.s32 $0x1880  }
0x18: {  	s24 =	simm.s32 $0x1;
	s26 =	simm.s32 $0x2;
	s6 =	sadd.s32 s0, s6  }
0x19: {  	s7 =	sadd.s32 s0, s7;
	s8 =	sadd.s32 s0, s8;
	s9 =	sadd.s32 s0, s9  }
0x1a: {  	s10 =	sadd.s32 s0, s10;
	s11 =	sadd.s32 s0, s11;
	s12 =	sadd.s32 s0, s12  }
0x1b: {  	s13 =	sadd.s32 s0, s13;
	s14 =	sadd.s32 s0, s17;
	s15 =	sadd.s32 s0, s30  }
0x1c: {  	v4 =	vimm.f32 $0.0e+00;
	v6 =	vimm.f32 $1.000000000e+00;
	vm0 =	vmmov $0xffff;
	s16 =	sadd.s32 s0, s16;
	s17 =	sadd.s32 $0x3600, s2;
	s2 =	sshll.u32 @!p0 s21, $0x6  }
0x1d: {  	s21 =	simm.s32 $0x80;
	v2 =	vor.u32 s31, v5;
	v3 =	vor.u32 s25, v5;
	s25 =	simm.s32 $0x3100;
	v5 =	vmul.u32 $0x1410, v5;
	s19 =	sor.u32 @!p0 $0x1C03, s2  }
.LBB2_1:
0x1e: {  	[spmem:s20], [sflag:s19] =	dma.local @!p0 [hbm:s4], $0x100  }
0x1f: {  	s0 =	simm.s32 @!p0 $0x3  }
0x20: {  	_ =	swait.ge @!p0 [sflag:s0], $0x100  }
0x21: {  	[sflag:s0] =	ssyncset.done @!p0 $0x0  }
0x22: {  	s2 =	simm.s32 $0x0;
	[sflag:s0] =	ssyncadd.s32 @!p0 $0xFFFFFF00;
	s0 =	simm.s32 $0x40  }
.LBB2_2:
0x23: {  	p1 =	sne.s32 s0, $0x503C0;
	[tilespmem:s2+$0x3100] =	vst v4;
	s2 =	smov.u32 s0;
	s0 =	sadd.s32 $0x40, s0  }
.Ltmp0:
0x24: {  	(pc) =	sbr.rel @p1 .LBB2_2-.Ltmp0, $2  }
0x25: {  	_ =	sdelay $0x2  }
0x26: {  	s2 =	sshra.s32 s2, $0x2  }
0x27: {  	[tilespmem:s2+$0x3100] =	vst v4;
	s0 =	simm.s32 $0x0  }
0x28: {  	[tilespmem:s0], [sflag:$0x1] =	stream.strided.gather [hbm4b:s5+s21], $0x1880, s22, s21, $0x38;
	[tilespmem:$0x19000] =	vst v63  }
0x29: {  	_ = 	snop  }
0x2a: {  	[tilespmem:s23], [sflag:$0x2] =	stream.strided.gather [hbm4b:s6+s21], $0x1880, s22, s21, $0x38;
	[tilespmem:$0x19000] =	vst v63  }
0x2b: {  	_ =	swait.ge [sflag:s24], $0x1880  }
0x2c: {  	[sflag:s24] =	ssyncset.done $0x0  }
0x2d: {  	[sflag:s24] =	ssyncadd.s32 $0xFFFFE780  }
.LBB2_4:
0x2e: {  	s2 =	sshra.s32 s0, $0x2  }
0x2f: {  	v7 =	vld [tilespmem:s2+$0x0];
	_ =	sdelay $0x4  }
0x30: {  	v7 =	vsub.s32 v7, v0  }
0x31: {  	v7 =	vmin.u32 v7, $0x1400  }
0x32: {  	v7 =	vadd.s32 v5, v7;
	_ =	sdelay $0x4  }
0x33: {  	[tilespmem:v7+s25+$0x0] =	vst.idx.add.f32.msk $0xffff, v6  }
0x34: {  	v7 =	vld [tilespmem:s2+$0x10];
	_ =	sdelay $0x4  }
0x35: {  	v7 =	vsub.s32 v7, v0  }
0x36: {  	v7 =	vmin.u32 v7, $0x1400  }
0x37: {  	v7 =	vadd.s32 v5, v7;
	_ =	sdelay $0x4  }
0x38: {  	[tilespmem:v7+s25+$0x0] =	vst.idx.add.f32.msk $0xffff, v6  }
0x39: {  	v7 =	vld [tilespmem:s2+$0x20];
	_ =	sdelay $0x4  }
0x3a: {  	v7 =	vsub.s32 v7, v0  }
0x3b: {  	v7 =	vmin.u32 v7, $0x1400  }
0x3c: {  	v7 =	vadd.s32 v5, v7;
	_ =	sdelay $0x4  }
0x3d: {  	[tilespmem:v7+s25+$0x0] =	vst.idx.add.f32.msk $0xffff, v6  }
0x3e: {  	v7 =	vld [tilespmem:s2+$0x30];
	_ =	sdelay $0x4  }
0x3f: {  	v7 =	vsub.s32 v7, v0  }
0x40: {  	v7 =	vmin.u32 v7, $0x1400  }
0x41: {  	v7 =	vadd.s32 v5, v7;
	_ =	sdelay $0x4  }
0x42: {  	[tilespmem:v7+s25+$0x0] =	vst.idx.add.f32.msk $0xffff, v6  }
0x43: {  	v7 =	vld [tilespmem:s2+$0x40];
	_ =	sdelay $0x4  }
0x44: {  	v7 =	vsub.s32 v7, v0  }
0x45: {  	v7 =	vmin.u32 v7, $0x1400  }
0x46: {  	v7 =	vadd.s32 v5, v7;
	_ =	sdelay $0x4  }
0x47: {  	[tilespmem:v7+s25+$0x0] =	vst.idx.add.f32.msk $0xffff, v6  }
0x48: {  	v7 =	vld [tilespmem:s2+$0x50];
	_ =	sdelay $0x4  }
0x49: {  	v7 =	vsub.s32 v7, v0  }
0x4a: {  	v7 =	vmin.u32 v7, $0x1400  }
0x4b: {  	v7 =	vadd.s32 v5, v7;
	_ =	sdelay $0x4  }
0x4c: {  	[tilespmem:v7+s25+$0x0] =	vst.idx.add.f32.msk $0xffff, v6  }
0x4d: {  	v7 =	vld [tilespmem:s2+$0x60];
	_ =	sdelay $0x4  }
0x4e: {  	v7 =	vsub.s32 v7, v0  }
0x4f: {  	v7 =	vmin.u32 v7, $0x1400  }
0x50: {  	v7 =	vadd.s32 v5, v7;
	_ =	sdelay $0x4  }
0x51: {  	[tilespmem:v7+s25+$0x0] =	vst.idx.add.f32.msk $0xffff, v6  }
0x52: {  	v7 =	vld [tilespmem:s2+$0x70];
	_ =	sdelay $0x4  }
0x53: {  	v7 =	vsub.s32 v7, v0  }
0x54: {  	v7 =	vmin.u32 v7, $0x1400  }
0x55: {  	p1 =	sne.s32 s0, $0x6000;
	v7 =	vadd.s32 v5, v7  }
.Ltmp1:
0x56: {  	_ = 	snop;
	(pc) =	sbr.rel @p1 .LBB2_4-.Ltmp1, $2  }
0x57: {  	_ =	sdelay $0x2  }
0x58: {  	s0 =	sadd.s32 $0x200, s0;
	[tilespmem:v7+s25+$0x0] =	vst.idx.add.f32.msk $0xffff, v6  }
0x59: {  	s0 =	simm.s32 $0x0  }
0x5a: {  	[tilespmem:s0], [sflag:$0x1] =	stream.strided.gather [hbm4b:s7+s21], $0x1880, s22, s21, $0x38;
	[tilespmem:$0x19000] =	vst v63  }
0x5b: {  	_ =	swait.ge [sflag:s26], $0x1880  }
0x5c: {  	[sflag:s26] =	ssyncset.done $0x0  }
0x5d: {  	[sflag:s26] =	ssyncadd.s32 $0xFFFFE780  }
.LBB2_6:
0x5e: {  	s2 =	sshra.s32 s0, $0x2  }
0x5f: {  	v7 =	vld [tilespmem:s2+$0x1880];
	_ =	sdelay $0x4  }
0x60: {  	v7 =	vsub.s32 v7, v0  }
0x61: {  	v7 =	vmin.u32 v7, $0x1400  }
0x62: {  	v7 =	vadd.s32 v5, v7;
	_ =	sdelay $0x4  }
0x63: {  	[tilespmem:v7+s25+$0x0] =	vst.idx.add.f32.msk $0xffff, v6  }
0x64: {  	v7 =	vld [tilespmem:s2+$0x1890];
	_ =	sdelay $0x4  }
0x65: {  	v7 =	vsub.s32 v7, v0  }
0x66: {  	v7 =	vmin.u32 v7, $0x1400  }
0x67: {  	v7 =	vadd.s32 v5, v7;
	_ =	sdelay $0x4  }
0x68: {  	[tilespmem:v7+s25+$0x0] =	vst.idx.add.f32.msk $0xffff, v6  }
0x69: {  	v7 =	vld [tilespmem:s2+$0x18A0];
	_ =	sdelay $0x4  }
0x6a: {  	v7 =	vsub.s32 v7, v0  }
0x6b: {  	v7 =	vmin.u32 v7, $0x1400  }
0x6c: {  	v7 =	vadd.s32 v5, v7;
	_ =	sdelay $0x4  }
0x6d: {  	[tilespmem:v7+s25+$0x0] =	vst.idx.add.f32.msk $0xffff, v6  }
0x6e: {  	v7 =	vld [tilespmem:s2+$0x18B0];
	_ =	sdelay $0x4  }
0x6f: {  	v7 =	vsub.s32 v7, v0  }
0x70: {  	v7 =	vmin.u32 v7, $0x1400  }
0x71: {  	v7 =	vadd.s32 v5, v7;
	_ =	sdelay $0x4  }
0x72: {  	[tilespmem:v7+s25+$0x0] =	vst.idx.add.f32.msk $0xffff, v6  }
0x73: {  	v7 =	vld [tilespmem:s2+$0x18C0];
	_ =	sdelay $0x4  }
0x74: {  	v7 =	vsub.s32 v7, v0  }
0x75: {  	v7 =	vmin.u32 v7, $0x1400  }
0x76: {  	v7 =	vadd.s32 v5, v7;
	_ =	sdelay $0x4  }
0x77: {  	[tilespmem:v7+s25+$0x0] =	vst.idx.add.f32.msk $0xffff, v6  }
0x78: {  	v7 =	vld [tilespmem:s2+$0x18D0];
	_ =	sdelay $0x4  }
0x79: {  	v7 =	vsub.s32 v7, v0  }
0x7a: {  	v7 =	vmin.u32 v7, $0x1400  }
0x7b: {  	v7 =	vadd.s32 v5, v7;
	_ =	sdelay $0x4  }
0x7c: {  	[tilespmem:v7+s25+$0x0] =	vst.idx.add.f32.msk $0xffff, v6  }
0x7d: {  	v7 =	vld [tilespmem:s2+$0x18E0];
	_ =	sdelay $0x4  }
0x7e: {  	v7 =	vsub.s32 v7, v0  }
0x7f: {  	v7 =	vmin.u32 v7, $0x1400  }
0x80: {  	v7 =	vadd.s32 v5, v7;
	_ =	sdelay $0x4  }
0x81: {  	[tilespmem:v7+s25+$0x0] =	vst.idx.add.f32.msk $0xffff, v6  }
0x82: {  	v7 =	vld [tilespmem:s2+$0x18F0];
	_ =	sdelay $0x4  }
0x83: {  	v7 =	vsub.s32 v7, v0  }
0x84: {  	v7 =	vmin.u32 v7, $0x1400  }
0x85: {  	p1 =	sne.s32 s0, $0x6000;
	v7 =	vadd.s32 v5, v7  }
.Ltmp2:
0x86: {  	_ = 	snop;
	(pc) =	sbr.rel @p1 .LBB2_6-.Ltmp2, $2  }
0x87: {  	_ =	sdelay $0x2  }
0x88: {  	s0 =	sadd.s32 $0x200, s0;
	[tilespmem:v7+s25+$0x0] =	vst.idx.add.f32.msk $0xffff, v6  }
0x89: {  	[tilespmem:s23], [sflag:$0x2] =	stream.strided.gather [hbm4b:s8+s21], $0x1880, s22, s21, $0x38;
	[tilespmem:$0x19000] =	vst v63  }
0x8a: {  	_ =	swait.ge [sflag:s24], $0x1880  }
0x8b: {  	[sflag:s24] =	ssyncset.done $0x0  }
0x8c: {  	s0 =	simm.s32 $0x0;
	[sflag:s24] =	ssyncadd.s32 $0xFFFFE780  }
.LBB2_8:
0x8d: {  	s2 =	sshra.s32 s0, $0x2  }
0x8e: {  	v7 =	vld [tilespmem:s2+$0x0];
	_ =	sdelay $0x4  }
0x8f: {  	v7 =	vsub.s32 v7, v0  }
0x90: {  	v7 =	vmin.u32 v7, $0x1400  }
0x91: {  	v7 =	vadd.s32 v5, v7;
	_ =	sdelay $0x4  }
0x92: {  	[tilespmem:v7+s25+$0x0] =	vst.idx.add.f32.msk $0xffff, v6  }
0x93: {  	v7 =	vld [tilespmem:s2+$0x10];
	_ =	sdelay $0x4  }
0x94: {  	v7 =	vsub.s32 v7, v0  }
0x95: {  	v7 =	vmin.u32 v7, $0x1400  }
0x96: {  	v7 =	vadd.s32 v5, v7;
	_ =	sdelay $0x4  }
0x97: {  	[tilespmem:v7+s25+$0x0] =	vst.idx.add.f32.msk $0xffff, v6  }
0x98: {  	v7 =	vld [tilespmem:s2+$0x20];
	_ =	sdelay $0x4  }
0x99: {  	v7 =	vsub.s32 v7, v0  }
0x9a: {  	v7 =	vmin.u32 v7, $0x1400  }
0x9b: {  	v7 =	vadd.s32 v5, v7;
	_ =	sdelay $0x4  }
0x9c: {  	[tilespmem:v7+s25+$0x0] =	vst.idx.add.f32.msk $0xffff, v6  }
0x9d: {  	v7 =	vld [tilespmem:s2+$0x30];
	_ =	sdelay $0x4  }
0x9e: {  	v7 =	vsub.s32 v7, v0  }
0x9f: {  	v7 =	vmin.u32 v7, $0x1400  }
0xa0: {  	v7 =	vadd.s32 v5, v7;
	_ =	sdelay $0x4  }
0xa1: {  	[tilespmem:v7+s25+$0x0] =	vst.idx.add.f32.msk $0xffff, v6  }
0xa2: {  	v7 =	vld [tilespmem:s2+$0x40];
	_ =	sdelay $0x4  }
0xa3: {  	v7 =	vsub.s32 v7, v0  }
0xa4: {  	v7 =	vmin.u32 v7, $0x1400  }
0xa5: {  	v7 =	vadd.s32 v5, v7;
	_ =	sdelay $0x4  }
0xa6: {  	[tilespmem:v7+s25+$0x0] =	vst.idx.add.f32.msk $0xffff, v6  }
0xa7: {  	v7 =	vld [tilespmem:s2+$0x50];
	_ =	sdelay $0x4  }
0xa8: {  	v7 =	vsub.s32 v7, v0  }
0xa9: {  	v7 =	vmin.u32 v7, $0x1400  }
0xaa: {  	v7 =	vadd.s32 v5, v7;
	_ =	sdelay $0x4  }
0xab: {  	[tilespmem:v7+s25+$0x0] =	vst.idx.add.f32.msk $0xffff, v6  }
0xac: {  	v7 =	vld [tilespmem:s2+$0x60];
	_ =	sdelay $0x4  }
0xad: {  	v7 =	vsub.s32 v7, v0  }
0xae: {  	v7 =	vmin.u32 v7, $0x1400  }
0xaf: {  	v7 =	vadd.s32 v5, v7;
	_ =	sdelay $0x4  }
0xb0: {  	[tilespmem:v7+s25+$0x0] =	vst.idx.add.f32.msk $0xffff, v6  }
0xb1: {  	v7 =	vld [tilespmem:s2+$0x70];
	_ =	sdelay $0x4  }
0xb2: {  	v7 =	vsub.s32 v7, v0  }
0xb3: {  	v7 =	vmin.u32 v7, $0x1400  }
0xb4: {  	p1 =	sne.s32 s0, $0x6000;
	v7 =	vadd.s32 v5, v7  }
.Ltmp3:
0xb5: {  	_ = 	snop;
	(pc) =	sbr.rel @p1 .LBB2_8-.Ltmp3, $2  }
0xb6: {  	_ =	sdelay $0x2  }
0xb7: {  	s0 =	sadd.s32 $0x200, s0;
	[tilespmem:v7+s25+$0x0] =	vst.idx.add.f32.msk $0xffff, v6  }
0xb8: {  	s0 =	simm.s32 $0x0  }
0xb9: {  	[tilespmem:s0], [sflag:$0x1] =	stream.strided.gather [hbm4b:s9+s21], $0x1880, s22, s21, $0x38;
	[tilespmem:$0x19000] =	vst v63  }
0xba: {  	_ =	swait.ge [sflag:s26], $0x1880  }
0xbb: {  	[sflag:s26] =	ssyncset.done $0x0  }
0xbc: {  	[sflag:s26] =	ssyncadd.s32 $0xFFFFE780  }
.LBB2_10:
0xbd: {  	s2 =	sshra.s32 s0, $0x2  }
0xbe: {  	v7 =	vld [tilespmem:s2+$0x1880];
	_ =	sdelay $0x4  }
0xbf: {  	v7 =	vsub.s32 v7, v0  }
0xc0: {  	v7 =	vmin.u32 v7, $0x1400  }
0xc1: {  	v7 =	vadd.s32 v5, v7;
	_ =	sdelay $0x4  }
0xc2: {  	[tilespmem:v7+s25+$0x0] =	vst.idx.add.f32.msk $0xffff, v6  }
0xc3: {  	v7 =	vld [tilespmem:s2+$0x1890];
	_ =	sdelay $0x4  }
0xc4: {  	v7 =	vsub.s32 v7, v0  }
0xc5: {  	v7 =	vmin.u32 v7, $0x1400  }
0xc6: {  	v7 =	vadd.s32 v5, v7;
	_ =	sdelay $0x4  }
0xc7: {  	[tilespmem:v7+s25+$0x0] =	vst.idx.add.f32.msk $0xffff, v6  }
0xc8: {  	v7 =	vld [tilespmem:s2+$0x18A0];
	_ =	sdelay $0x4  }
0xc9: {  	v7 =	vsub.s32 v7, v0  }
0xca: {  	v7 =	vmin.u32 v7, $0x1400  }
0xcb: {  	v7 =	vadd.s32 v5, v7;
	_ =	sdelay $0x4  }
0xcc: {  	[tilespmem:v7+s25+$0x0] =	vst.idx.add.f32.msk $0xffff, v6  }
0xcd: {  	v7 =	vld [tilespmem:s2+$0x18B0];
	_ =	sdelay $0x4  }
0xce: {  	v7 =	vsub.s32 v7, v0  }
0xcf: {  	v7 =	vmin.u32 v7, $0x1400  }
0xd0: {  	v7 =	vadd.s32 v5, v7;
	_ =	sdelay $0x4  }
0xd1: {  	[tilespmem:v7+s25+$0x0] =	vst.idx.add.f32.msk $0xffff, v6  }
0xd2: {  	v7 =	vld [tilespmem:s2+$0x18C0];
	_ =	sdelay $0x4  }
0xd3: {  	v7 =	vsub.s32 v7, v0  }
0xd4: {  	v7 =	vmin.u32 v7, $0x1400  }
0xd5: {  	v7 =	vadd.s32 v5, v7;
	_ =	sdelay $0x4  }
0xd6: {  	[tilespmem:v7+s25+$0x0] =	vst.idx.add.f32.msk $0xffff, v6  }
0xd7: {  	v7 =	vld [tilespmem:s2+$0x18D0];
	_ =	sdelay $0x4  }
0xd8: {  	v7 =	vsub.s32 v7, v0  }
0xd9: {  	v7 =	vmin.u32 v7, $0x1400  }
0xda: {  	v7 =	vadd.s32 v5, v7;
	_ =	sdelay $0x4  }
0xdb: {  	[tilespmem:v7+s25+$0x0] =	vst.idx.add.f32.msk $0xffff, v6  }
0xdc: {  	v7 =	vld [tilespmem:s2+$0x18E0];
	_ =	sdelay $0x4  }
0xdd: {  	v7 =	vsub.s32 v7, v0  }
0xde: {  	v7 =	vmin.u32 v7, $0x1400  }
0xdf: {  	v7 =	vadd.s32 v5, v7;
	_ =	sdelay $0x4  }
0xe0: {  	[tilespmem:v7+s25+$0x0] =	vst.idx.add.f32.msk $0xffff, v6  }
0xe1: {  	v7 =	vld [tilespmem:s2+$0x18F0];
	_ =	sdelay $0x4  }
0xe2: {  	v7 =	vsub.s32 v7, v0  }
0xe3: {  	v7 =	vmin.u32 v7, $0x1400  }
0xe4: {  	p1 =	sne.s32 s0, $0x6000;
	v7 =	vadd.s32 v5, v7  }
.Ltmp4:
0xe5: {  	_ = 	snop;
	(pc) =	sbr.rel @p1 .LBB2_10-.Ltmp4, $2  }
0xe6: {  	_ =	sdelay $0x2  }
0xe7: {  	s0 =	sadd.s32 $0x200, s0;
	[tilespmem:v7+s25+$0x0] =	vst.idx.add.f32.msk $0xffff, v6  }
0xe8: {  	[tilespmem:s23], [sflag:$0x2] =	stream.strided.gather [hbm4b:s10+s21], $0x1880, s22, s21, $0x38;
	[tilespmem:$0x19000] =	vst v63  }
0xe9: {  	_ =	swait.ge [sflag:s24], $0x1880  }
0xea: {  	[sflag:s24] =	ssyncset.done $0x0  }
0xeb: {  	s0 =	simm.s32 $0x0;
	[sflag:s24] =	ssyncadd.s32 $0xFFFFE780  }
.LBB2_12:
0xec: {  	s2 =	sshra.s32 s0, $0x2  }
0xed: {  	v7 =	vld [tilespmem:s2+$0x0];
	_ =	sdelay $0x4  }
0xee: {  	v7 =	vsub.s32 v7, v0  }
0xef: {  	v7 =	vmin.u32 v7, $0x1400  }
0xf0: {  	v7 =	vadd.s32 v5, v7;
	_ =	sdelay $0x4  }
0xf1: {  	[tilespmem:v7+s25+$0x0] =	vst.idx.add.f32.msk $0xffff, v6  }
0xf2: {  	v7 =	vld [tilespmem:s2+$0x10];
	_ =	sdelay $0x4  }
0xf3: {  	v7 =	vsub.s32 v7, v0  }
0xf4: {  	v7 =	vmin.u32 v7, $0x1400  }
0xf5: {  	v7 =	vadd.s32 v5, v7;
	_ =	sdelay $0x4  }
0xf6: {  	[tilespmem:v7+s25+$0x0] =	vst.idx.add.f32.msk $0xffff, v6  }
0xf7: {  	v7 =	vld [tilespmem:s2+$0x20];
	_ =	sdelay $0x4  }
0xf8: {  	v7 =	vsub.s32 v7, v0  }
0xf9: {  	v7 =	vmin.u32 v7, $0x1400  }
0xfa: {  	v7 =	vadd.s32 v5, v7;
	_ =	sdelay $0x4  }
0xfb: {  	[tilespmem:v7+s25+$0x0] =	vst.idx.add.f32.msk $0xffff, v6  }
0xfc: {  	v7 =	vld [tilespmem:s2+$0x30];
	_ =	sdelay $0x4  }
0xfd: {  	v7 =	vsub.s32 v7, v0  }
0xfe: {  	v7 =	vmin.u32 v7, $0x1400  }
0xff: {  	v7 =	vadd.s32 v5, v7;
	_ =	sdelay $0x4  }
0x100: {  	[tilespmem:v7+s25+$0x0] =	vst.idx.add.f32.msk $0xffff, v6  }
0x101: {  	v7 =	vld [tilespmem:s2+$0x40];
	_ =	sdelay $0x4  }
0x102: {  	v7 =	vsub.s32 v7, v0  }
0x103: {  	v7 =	vmin.u32 v7, $0x1400  }
0x104: {  	v7 =	vadd.s32 v5, v7;
	_ =	sdelay $0x4  }
0x105: {  	[tilespmem:v7+s25+$0x0] =	vst.idx.add.f32.msk $0xffff, v6  }
0x106: {  	v7 =	vld [tilespmem:s2+$0x50];
	_ =	sdelay $0x4  }
0x107: {  	v7 =	vsub.s32 v7, v0  }
0x108: {  	v7 =	vmin.u32 v7, $0x1400  }
0x109: {  	v7 =	vadd.s32 v5, v7;
	_ =	sdelay $0x4  }
0x10a: {  	[tilespmem:v7+s25+$0x0] =	vst.idx.add.f32.msk $0xffff, v6  }
0x10b: {  	v7 =	vld [tilespmem:s2+$0x60];
	_ =	sdelay $0x4  }
0x10c: {  	v7 =	vsub.s32 v7, v0  }
0x10d: {  	v7 =	vmin.u32 v7, $0x1400  }
0x10e: {  	v7 =	vadd.s32 v5, v7;
	_ =	sdelay $0x4  }
0x10f: {  	[tilespmem:v7+s25+$0x0] =	vst.idx.add.f32.msk $0xffff, v6  }
0x110: {  	v7 =	vld [tilespmem:s2+$0x70];
	_ =	sdelay $0x4  }
0x111: {  	v7 =	vsub.s32 v7, v0  }
0x112: {  	v7 =	vmin.u32 v7, $0x1400  }
0x113: {  	p1 =	sne.s32 s0, $0x6000;
	v7 =	vadd.s32 v5, v7  }
.Ltmp5:
0x114: {  	_ = 	snop;
	(pc) =	sbr.rel @p1 .LBB2_12-.Ltmp5, $2  }
0x115: {  	_ =	sdelay $0x2  }
0x116: {  	s0 =	sadd.s32 $0x200, s0;
	[tilespmem:v7+s25+$0x0] =	vst.idx.add.f32.msk $0xffff, v6  }
0x117: {  	s0 =	simm.s32 $0x0  }
0x118: {  	[tilespmem:s0], [sflag:$0x1] =	stream.strided.gather [hbm4b:s11+s21], $0x1880, s22, s21, $0x38;
	[tilespmem:$0x19000] =	vst v63  }
0x119: {  	_ =	swait.ge [sflag:s26], $0x1880  }
0x11a: {  	[sflag:s26] =	ssyncset.done $0x0  }
0x11b: {  	[sflag:s26] =	ssyncadd.s32 $0xFFFFE780  }
.LBB2_14:
0x11c: {  	s2 =	sshra.s32 s0, $0x2  }
0x11d: {  	v7 =	vld [tilespmem:s2+$0x1880];
	_ =	sdelay $0x4  }
0x11e: {  	v7 =	vsub.s32 v7, v0  }
0x11f: {  	v7 =	vmin.u32 v7, $0x1400  }
0x120: {  	v7 =	vadd.s32 v5, v7;
	_ =	sdelay $0x4  }
0x121: {  	[tilespmem:v7+s25+$0x0] =	vst.idx.add.f32.msk $0xffff, v6  }
0x122: {  	v7 =	vld [tilespmem:s2+$0x1890];
	_ =	sdelay $0x4  }
0x123: {  	v7 =	vsub.s32 v7, v0  }
0x124: {  	v7 =	vmin.u32 v7, $0x1400  }
0x125: {  	v7 =	vadd.s32 v5, v7;
	_ =	sdelay $0x4  }
0x126: {  	[tilespmem:v7+s25+$0x0] =	vst.idx.add.f32.msk $0xffff, v6  }
0x127: {  	v7 =	vld [tilespmem:s2+$0x18A0];
	_ =	sdelay $0x4  }
0x128: {  	v7 =	vsub.s32 v7, v0  }
0x129: {  	v7 =	vmin.u32 v7, $0x1400  }
0x12a: {  	v7 =	vadd.s32 v5, v7;
	_ =	sdelay $0x4  }
0x12b: {  	[tilespmem:v7+s25+$0x0] =	vst.idx.add.f32.msk $0xffff, v6  }
0x12c: {  	v7 =	vld [tilespmem:s2+$0x18B0];
	_ =	sdelay $0x4  }
0x12d: {  	v7 =	vsub.s32 v7, v0  }
0x12e: {  	v7 =	vmin.u32 v7, $0x1400  }
0x12f: {  	v7 =	vadd.s32 v5, v7;
	_ =	sdelay $0x4  }
0x130: {  	[tilespmem:v7+s25+$0x0] =	vst.idx.add.f32.msk $0xffff, v6  }
0x131: {  	v7 =	vld [tilespmem:s2+$0x18C0];
	_ =	sdelay $0x4  }
0x132: {  	v7 =	vsub.s32 v7, v0  }
0x133: {  	v7 =	vmin.u32 v7, $0x1400  }
0x134: {  	v7 =	vadd.s32 v5, v7;
	_ =	sdelay $0x4  }
0x135: {  	[tilespmem:v7+s25+$0x0] =	vst.idx.add.f32.msk $0xffff, v6  }
0x136: {  	v7 =	vld [tilespmem:s2+$0x18D0];
	_ =	sdelay $0x4  }
0x137: {  	v7 =	vsub.s32 v7, v0  }
0x138: {  	v7 =	vmin.u32 v7, $0x1400  }
0x139: {  	v7 =	vadd.s32 v5, v7;
	_ =	sdelay $0x4  }
0x13a: {  	[tilespmem:v7+s25+$0x0] =	vst.idx.add.f32.msk $0xffff, v6  }
0x13b: {  	v7 =	vld [tilespmem:s2+$0x18E0];
	_ =	sdelay $0x4  }
0x13c: {  	v7 =	vsub.s32 v7, v0  }
0x13d: {  	v7 =	vmin.u32 v7, $0x1400  }
0x13e: {  	v7 =	vadd.s32 v5, v7;
	_ =	sdelay $0x4  }
0x13f: {  	[tilespmem:v7+s25+$0x0] =	vst.idx.add.f32.msk $0xffff, v6  }
0x140: {  	v7 =	vld [tilespmem:s2+$0x18F0];
	_ =	sdelay $0x4  }
0x141: {  	v7 =	vsub.s32 v7, v0  }
0x142: {  	v7 =	vmin.u32 v7, $0x1400  }
0x143: {  	p1 =	sne.s32 s0, $0x6000;
	v7 =	vadd.s32 v5, v7  }
.Ltmp6:
0x144: {  	_ = 	snop;
	(pc) =	sbr.rel @p1 .LBB2_14-.Ltmp6, $2  }
0x145: {  	_ =	sdelay $0x2  }
0x146: {  	s0 =	sadd.s32 $0x200, s0;
	[tilespmem:v7+s25+$0x0] =	vst.idx.add.f32.msk $0xffff, v6  }
0x147: {  	[tilespmem:s23], [sflag:$0x2] =	stream.strided.gather [hbm4b:s12+s21], $0x1880, s22, s21, $0x38;
	[tilespmem:$0x19000] =	vst v63  }
0x148: {  	_ =	swait.ge [sflag:s24], $0x1880  }
0x149: {  	[sflag:s24] =	ssyncset.done $0x0  }
0x14a: {  	s0 =	simm.s32 $0x0;
	[sflag:s24] =	ssyncadd.s32 $0xFFFFE780  }
.LBB2_16:
0x14b: {  	s2 =	sshra.s32 s0, $0x2  }
0x14c: {  	v7 =	vld [tilespmem:s2+$0x0];
	_ =	sdelay $0x4  }
0x14d: {  	v7 =	vsub.s32 v7, v0  }
0x14e: {  	v7 =	vmin.u32 v7, $0x1400  }
0x14f: {  	v7 =	vadd.s32 v5, v7;
	_ =	sdelay $0x4  }
0x150: {  	[tilespmem:v7+s25+$0x0] =	vst.idx.add.f32.msk $0xffff, v6  }
0x151: {  	v7 =	vld [tilespmem:s2+$0x10];
	_ =	sdelay $0x4  }
0x152: {  	v7 =	vsub.s32 v7, v0  }
0x153: {  	v7 =	vmin.u32 v7, $0x1400  }
0x154: {  	v7 =	vadd.s32 v5, v7;
	_ =	sdelay $0x4  }
0x155: {  	[tilespmem:v7+s25+$0x0] =	vst.idx.add.f32.msk $0xffff, v6  }
0x156: {  	v7 =	vld [tilespmem:s2+$0x20];
	_ =	sdelay $0x4  }
0x157: {  	v7 =	vsub.s32 v7, v0  }
0x158: {  	v7 =	vmin.u32 v7, $0x1400  }
0x159: {  	v7 =	vadd.s32 v5, v7;
	_ =	sdelay $0x4  }
0x15a: {  	[tilespmem:v7+s25+$0x0] =	vst.idx.add.f32.msk $0xffff, v6  }
0x15b: {  	v7 =	vld [tilespmem:s2+$0x30];
	_ =	sdelay $0x4  }
0x15c: {  	v7 =	vsub.s32 v7, v0  }
0x15d: {  	v7 =	vmin.u32 v7, $0x1400  }
0x15e: {  	v7 =	vadd.s32 v5, v7;
	_ =	sdelay $0x4  }
0x15f: {  	[tilespmem:v7+s25+$0x0] =	vst.idx.add.f32.msk $0xffff, v6  }
0x160: {  	v7 =	vld [tilespmem:s2+$0x40];
	_ =	sdelay $0x4  }
0x161: {  	v7 =	vsub.s32 v7, v0  }
0x162: {  	v7 =	vmin.u32 v7, $0x1400  }
0x163: {  	v7 =	vadd.s32 v5, v7;
	_ =	sdelay $0x4  }
0x164: {  	[tilespmem:v7+s25+$0x0] =	vst.idx.add.f32.msk $0xffff, v6  }
0x165: {  	v7 =	vld [tilespmem:s2+$0x50];
	_ =	sdelay $0x4  }
0x166: {  	v7 =	vsub.s32 v7, v0  }
0x167: {  	v7 =	vmin.u32 v7, $0x1400  }
0x168: {  	v7 =	vadd.s32 v5, v7;
	_ =	sdelay $0x4  }
0x169: {  	[tilespmem:v7+s25+$0x0] =	vst.idx.add.f32.msk $0xffff, v6  }
0x16a: {  	v7 =	vld [tilespmem:s2+$0x60];
	_ =	sdelay $0x4  }
0x16b: {  	v7 =	vsub.s32 v7, v0  }
0x16c: {  	v7 =	vmin.u32 v7, $0x1400  }
0x16d: {  	v7 =	vadd.s32 v5, v7;
	_ =	sdelay $0x4  }
0x16e: {  	[tilespmem:v7+s25+$0x0] =	vst.idx.add.f32.msk $0xffff, v6  }
0x16f: {  	v7 =	vld [tilespmem:s2+$0x70];
	_ =	sdelay $0x4  }
0x170: {  	v7 =	vsub.s32 v7, v0  }
0x171: {  	v7 =	vmin.u32 v7, $0x1400  }
0x172: {  	p1 =	sne.s32 s0, $0x6000;
	v7 =	vadd.s32 v5, v7  }
.Ltmp7:
0x173: {  	_ = 	snop;
	(pc) =	sbr.rel @p1 .LBB2_16-.Ltmp7, $2  }
0x174: {  	_ =	sdelay $0x2  }
0x175: {  	s0 =	sadd.s32 $0x200, s0;
	[tilespmem:v7+s25+$0x0] =	vst.idx.add.f32.msk $0xffff, v6  }
0x176: {  	s0 =	simm.s32 $0x0  }
0x177: {  	[tilespmem:s0], [sflag:$0x1] =	stream.strided.gather [hbm4b:s13+s21], $0x1880, s22, s21, $0x38;
	[tilespmem:$0x19000] =	vst v63  }
0x178: {  	_ =	swait.ge [sflag:s26], $0x1880  }
0x179: {  	[sflag:s26] =	ssyncset.done $0x0  }
0x17a: {  	[sflag:s26] =	ssyncadd.s32 $0xFFFFE780  }
.LBB2_18:
0x17b: {  	s2 =	sshra.s32 s0, $0x2  }
0x17c: {  	v7 =	vld [tilespmem:s2+$0x1880];
	_ =	sdelay $0x4  }
0x17d: {  	v7 =	vsub.s32 v7, v0  }
0x17e: {  	v7 =	vmin.u32 v7, $0x1400  }
0x17f: {  	v7 =	vadd.s32 v5, v7;
	_ =	sdelay $0x4  }
0x180: {  	[tilespmem:v7+s25+$0x0] =	vst.idx.add.f32.msk $0xffff, v6  }
0x181: {  	v7 =	vld [tilespmem:s2+$0x1890];
	_ =	sdelay $0x4  }
0x182: {  	v7 =	vsub.s32 v7, v0  }
0x183: {  	v7 =	vmin.u32 v7, $0x1400  }
0x184: {  	v7 =	vadd.s32 v5, v7;
	_ =	sdelay $0x4  }
0x185: {  	[tilespmem:v7+s25+$0x0] =	vst.idx.add.f32.msk $0xffff, v6  }
0x186: {  	v7 =	vld [tilespmem:s2+$0x18A0];
	_ =	sdelay $0x4  }
0x187: {  	v7 =	vsub.s32 v7, v0  }
0x188: {  	v7 =	vmin.u32 v7, $0x1400  }
0x189: {  	v7 =	vadd.s32 v5, v7;
	_ =	sdelay $0x4  }
0x18a: {  	[tilespmem:v7+s25+$0x0] =	vst.idx.add.f32.msk $0xffff, v6  }
0x18b: {  	v7 =	vld [tilespmem:s2+$0x18B0];
	_ =	sdelay $0x4  }
0x18c: {  	v7 =	vsub.s32 v7, v0  }
0x18d: {  	v7 =	vmin.u32 v7, $0x1400  }
0x18e: {  	v7 =	vadd.s32 v5, v7;
	_ =	sdelay $0x4  }
0x18f: {  	[tilespmem:v7+s25+$0x0] =	vst.idx.add.f32.msk $0xffff, v6  }
0x190: {  	v7 =	vld [tilespmem:s2+$0x18C0];
	_ =	sdelay $0x4  }
0x191: {  	v7 =	vsub.s32 v7, v0  }
0x192: {  	v7 =	vmin.u32 v7, $0x1400  }
0x193: {  	v7 =	vadd.s32 v5, v7;
	_ =	sdelay $0x4  }
0x194: {  	[tilespmem:v7+s25+$0x0] =	vst.idx.add.f32.msk $0xffff, v6  }
0x195: {  	v7 =	vld [tilespmem:s2+$0x18D0];
	_ =	sdelay $0x4  }
0x196: {  	v7 =	vsub.s32 v7, v0  }
0x197: {  	v7 =	vmin.u32 v7, $0x1400  }
0x198: {  	v7 =	vadd.s32 v5, v7;
	_ =	sdelay $0x4  }
0x199: {  	[tilespmem:v7+s25+$0x0] =	vst.idx.add.f32.msk $0xffff, v6  }
0x19a: {  	v7 =	vld [tilespmem:s2+$0x18E0];
	_ =	sdelay $0x4  }
0x19b: {  	v7 =	vsub.s32 v7, v0  }
0x19c: {  	v7 =	vmin.u32 v7, $0x1400  }
0x19d: {  	v7 =	vadd.s32 v5, v7;
	_ =	sdelay $0x4  }
0x19e: {  	[tilespmem:v7+s25+$0x0] =	vst.idx.add.f32.msk $0xffff, v6  }
0x19f: {  	v7 =	vld [tilespmem:s2+$0x18F0];
	_ =	sdelay $0x4  }
0x1a0: {  	v7 =	vsub.s32 v7, v0  }
0x1a1: {  	v7 =	vmin.u32 v7, $0x1400  }
0x1a2: {  	p1 =	sne.s32 s0, $0x6000;
	v7 =	vadd.s32 v5, v7  }
.Ltmp8:
0x1a3: {  	_ = 	snop;
	(pc) =	sbr.rel @p1 .LBB2_18-.Ltmp8, $2  }
0x1a4: {  	_ =	sdelay $0x2  }
0x1a5: {  	s0 =	sadd.s32 $0x200, s0;
	[tilespmem:v7+s25+$0x0] =	vst.idx.add.f32.msk $0xffff, v6  }
0x1a6: {  	[tilespmem:s23], [sflag:$0x2] =	stream.strided.gather [hbm4b:s14+s21], $0x1880, s22, s21, $0x38;
	[tilespmem:$0x19000] =	vst v63  }
0x1a7: {  	_ =	swait.ge [sflag:s24], $0x1880  }
0x1a8: {  	[sflag:s24] =	ssyncset.done $0x0  }
0x1a9: {  	s0 =	simm.s32 $0x0;
	[sflag:s24] =	ssyncadd.s32 $0xFFFFE780  }
.LBB2_20:
0x1aa: {  	s2 =	sshra.s32 s0, $0x2  }
0x1ab: {  	v7 =	vld [tilespmem:s2+$0x0];
	_ =	sdelay $0x4  }
0x1ac: {  	v7 =	vsub.s32 v7, v0  }
0x1ad: {  	v7 =	vmin.u32 v7, $0x1400  }
0x1ae: {  	v7 =	vadd.s32 v5, v7;
	_ =	sdelay $0x4  }
0x1af: {  	[tilespmem:v7+s25+$0x0] =	vst.idx.add.f32.msk $0xffff, v6  }
0x1b0: {  	v7 =	vld [tilespmem:s2+$0x10];
	_ =	sdelay $0x4  }
0x1b1: {  	v7 =	vsub.s32 v7, v0  }
0x1b2: {  	v7 =	vmin.u32 v7, $0x1400  }
0x1b3: {  	v7 =	vadd.s32 v5, v7;
	_ =	sdelay $0x4  }
0x1b4: {  	[tilespmem:v7+s25+$0x0] =	vst.idx.add.f32.msk $0xffff, v6  }
0x1b5: {  	v7 =	vld [tilespmem:s2+$0x20];
	_ =	sdelay $0x4  }
0x1b6: {  	v7 =	vsub.s32 v7, v0  }
0x1b7: {  	v7 =	vmin.u32 v7, $0x1400  }
0x1b8: {  	v7 =	vadd.s32 v5, v7;
	_ =	sdelay $0x4  }
0x1b9: {  	[tilespmem:v7+s25+$0x0] =	vst.idx.add.f32.msk $0xffff, v6  }
0x1ba: {  	v7 =	vld [tilespmem:s2+$0x30];
	_ =	sdelay $0x4  }
0x1bb: {  	v7 =	vsub.s32 v7, v0  }
0x1bc: {  	v7 =	vmin.u32 v7, $0x1400  }
0x1bd: {  	v7 =	vadd.s32 v5, v7;
	_ =	sdelay $0x4  }
0x1be: {  	[tilespmem:v7+s25+$0x0] =	vst.idx.add.f32.msk $0xffff, v6  }
0x1bf: {  	v7 =	vld [tilespmem:s2+$0x40];
	_ =	sdelay $0x4  }
0x1c0: {  	v7 =	vsub.s32 v7, v0  }
0x1c1: {  	v7 =	vmin.u32 v7, $0x1400  }
0x1c2: {  	v7 =	vadd.s32 v5, v7;
	_ =	sdelay $0x4  }
0x1c3: {  	[tilespmem:v7+s25+$0x0] =	vst.idx.add.f32.msk $0xffff, v6  }
0x1c4: {  	v7 =	vld [tilespmem:s2+$0x50];
	_ =	sdelay $0x4  }
0x1c5: {  	v7 =	vsub.s32 v7, v0  }
0x1c6: {  	v7 =	vmin.u32 v7, $0x1400  }
0x1c7: {  	v7 =	vadd.s32 v5, v7;
	_ =	sdelay $0x4  }
0x1c8: {  	[tilespmem:v7+s25+$0x0] =	vst.idx.add.f32.msk $0xffff, v6  }
0x1c9: {  	v7 =	vld [tilespmem:s2+$0x60];
	_ =	sdelay $0x4  }
0x1ca: {  	v7 =	vsub.s32 v7, v0  }
0x1cb: {  	v7 =	vmin.u32 v7, $0x1400  }
0x1cc: {  	v7 =	vadd.s32 v5, v7;
	_ =	sdelay $0x4  }
0x1cd: {  	[tilespmem:v7+s25+$0x0] =	vst.idx.add.f32.msk $0xffff, v6  }
0x1ce: {  	v7 =	vld [tilespmem:s2+$0x70];
	_ =	sdelay $0x4  }
0x1cf: {  	v7 =	vsub.s32 v7, v0  }
0x1d0: {  	v7 =	vmin.u32 v7, $0x1400  }
0x1d1: {  	p1 =	sne.s32 s0, $0x6000;
	v7 =	vadd.s32 v5, v7  }
.Ltmp9:
0x1d2: {  	_ = 	snop;
	(pc) =	sbr.rel @p1 .LBB2_20-.Ltmp9, $2  }
0x1d3: {  	_ =	sdelay $0x2  }
0x1d4: {  	s0 =	sadd.s32 $0x200, s0;
	[tilespmem:v7+s25+$0x0] =	vst.idx.add.f32.msk $0xffff, v6  }
0x1d5: {  	s0 =	simm.s32 $0x0  }
0x1d6: {  	[tilespmem:s0], [sflag:$0x1] =	stream.strided.gather [hbm4b:s15+s21], $0x1880, s22, s21, $0x38;
	[tilespmem:$0x19000] =	vst v63  }
0x1d7: {  	_ =	swait.ge [sflag:s26], $0x1880  }
0x1d8: {  	[sflag:s26] =	ssyncset.done $0x0  }
0x1d9: {  	[sflag:s26] =	ssyncadd.s32 $0xFFFFE780  }
.LBB2_22:
0x1da: {  	s2 =	sshra.s32 s0, $0x2  }
0x1db: {  	v7 =	vld [tilespmem:s2+$0x1880];
	_ =	sdelay $0x4  }
0x1dc: {  	v7 =	vsub.s32 v7, v0  }
0x1dd: {  	v7 =	vmin.u32 v7, $0x1400  }
0x1de: {  	v7 =	vadd.s32 v5, v7;
	_ =	sdelay $0x4  }
0x1df: {  	[tilespmem:v7+s25+$0x0] =	vst.idx.add.f32.msk $0xffff, v6  }
0x1e0: {  	v7 =	vld [tilespmem:s2+$0x1890];
	_ =	sdelay $0x4  }
0x1e1: {  	v7 =	vsub.s32 v7, v0  }
0x1e2: {  	v7 =	vmin.u32 v7, $0x1400  }
0x1e3: {  	v7 =	vadd.s32 v5, v7;
	_ =	sdelay $0x4  }
0x1e4: {  	[tilespmem:v7+s25+$0x0] =	vst.idx.add.f32.msk $0xffff, v6  }
0x1e5: {  	v7 =	vld [tilespmem:s2+$0x18A0];
	_ =	sdelay $0x4  }
0x1e6: {  	v7 =	vsub.s32 v7, v0  }
0x1e7: {  	v7 =	vmin.u32 v7, $0x1400  }
0x1e8: {  	v7 =	vadd.s32 v5, v7;
	_ =	sdelay $0x4  }
0x1e9: {  	[tilespmem:v7+s25+$0x0] =	vst.idx.add.f32.msk $0xffff, v6  }
0x1ea: {  	v7 =	vld [tilespmem:s2+$0x18B0];
	_ =	sdelay $0x4  }
0x1eb: {  	v7 =	vsub.s32 v7, v0  }
0x1ec: {  	v7 =	vmin.u32 v7, $0x1400  }
0x1ed: {  	v7 =	vadd.s32 v5, v7;
	_ =	sdelay $0x4  }
0x1ee: {  	[tilespmem:v7+s25+$0x0] =	vst.idx.add.f32.msk $0xffff, v6  }
0x1ef: {  	v7 =	vld [tilespmem:s2+$0x18C0];
	_ =	sdelay $0x4  }
0x1f0: {  	v7 =	vsub.s32 v7, v0  }
0x1f1: {  	v7 =	vmin.u32 v7, $0x1400  }
0x1f2: {  	v7 =	vadd.s32 v5, v7;
	_ =	sdelay $0x4  }
0x1f3: {  	[tilespmem:v7+s25+$0x0] =	vst.idx.add.f32.msk $0xffff, v6  }
0x1f4: {  	v7 =	vld [tilespmem:s2+$0x18D0];
	_ =	sdelay $0x4  }
0x1f5: {  	v7 =	vsub.s32 v7, v0  }
0x1f6: {  	v7 =	vmin.u32 v7, $0x1400  }
0x1f7: {  	v7 =	vadd.s32 v5, v7;
	_ =	sdelay $0x4  }
0x1f8: {  	[tilespmem:v7+s25+$0x0] =	vst.idx.add.f32.msk $0xffff, v6  }
0x1f9: {  	v7 =	vld [tilespmem:s2+$0x18E0];
	_ =	sdelay $0x4  }
0x1fa: {  	v7 =	vsub.s32 v7, v0  }
0x1fb: {  	v7 =	vmin.u32 v7, $0x1400  }
0x1fc: {  	v7 =	vadd.s32 v5, v7;
	_ =	sdelay $0x4  }
0x1fd: {  	[tilespmem:v7+s25+$0x0] =	vst.idx.add.f32.msk $0xffff, v6  }
0x1fe: {  	v7 =	vld [tilespmem:s2+$0x18F0];
	_ =	sdelay $0x4  }
0x1ff: {  	v7 =	vsub.s32 v7, v0  }
0x200: {  	v7 =	vmin.u32 v7, $0x1400  }
0x201: {  	p1 =	sne.s32 s0, $0x6000;
	v7 =	vadd.s32 v5, v7  }
.Ltmp10:
0x202: {  	_ = 	snop;
	(pc) =	sbr.rel @p1 .LBB2_22-.Ltmp10, $2  }
0x203: {  	_ =	sdelay $0x2  }
0x204: {  	s0 =	sadd.s32 $0x200, s0;
	[tilespmem:v7+s25+$0x0] =	vst.idx.add.f32.msk $0xffff, v6  }
0x205: {  	[tilespmem:s23], [sflag:$0x2] =	stream.strided.gather [hbm4b:s16+s21], $0x1880, s22, s21, $0x38;
	[tilespmem:$0x19000] =	vst v63  }
0x206: {  	_ =	swait.ge [sflag:s24], $0x1880  }
0x207: {  	[sflag:s24] =	ssyncset.done $0x0  }
0x208: {  	s0 =	simm.s32 $0x0;
	[sflag:s24] =	ssyncadd.s32 $0xFFFFE780  }
.LBB2_24:
0x209: {  	s2 =	sshra.s32 s0, $0x2  }
0x20a: {  	v7 =	vld [tilespmem:s2+$0x0];
	_ =	sdelay $0x4  }
0x20b: {  	v7 =	vsub.s32 v7, v0  }
0x20c: {  	v7 =	vmin.u32 v7, $0x1400  }
0x20d: {  	v7 =	vadd.s32 v5, v7;
	_ =	sdelay $0x4  }
0x20e: {  	[tilespmem:v7+s25+$0x0] =	vst.idx.add.f32.msk $0xffff, v6  }
0x20f: {  	v7 =	vld [tilespmem:s2+$0x10];
	_ =	sdelay $0x4  }
0x210: {  	v7 =	vsub.s32 v7, v0  }
0x211: {  	v7 =	vmin.u32 v7, $0x1400  }
0x212: {  	v7 =	vadd.s32 v5, v7;
	_ =	sdelay $0x4  }
0x213: {  	[tilespmem:v7+s25+$0x0] =	vst.idx.add.f32.msk $0xffff, v6  }
0x214: {  	v7 =	vld [tilespmem:s2+$0x20];
	_ =	sdelay $0x4  }
0x215: {  	v7 =	vsub.s32 v7, v0  }
0x216: {  	v7 =	vmin.u32 v7, $0x1400  }
0x217: {  	v7 =	vadd.s32 v5, v7;
	_ =	sdelay $0x4  }
0x218: {  	[tilespmem:v7+s25+$0x0] =	vst.idx.add.f32.msk $0xffff, v6  }
0x219: {  	v7 =	vld [tilespmem:s2+$0x30];
	_ =	sdelay $0x4  }
0x21a: {  	v7 =	vsub.s32 v7, v0  }
0x21b: {  	v7 =	vmin.u32 v7, $0x1400  }
0x21c: {  	v7 =	vadd.s32 v5, v7;
	_ =	sdelay $0x4  }
0x21d: {  	[tilespmem:v7+s25+$0x0] =	vst.idx.add.f32.msk $0xffff, v6  }
0x21e: {  	v7 =	vld [tilespmem:s2+$0x40];
	_ =	sdelay $0x4  }
0x21f: {  	v7 =	vsub.s32 v7, v0  }
0x220: {  	v7 =	vmin.u32 v7, $0x1400  }
0x221: {  	v7 =	vadd.s32 v5, v7;
	_ =	sdelay $0x4  }
0x222: {  	[tilespmem:v7+s25+$0x0] =	vst.idx.add.f32.msk $0xffff, v6  }
0x223: {  	v7 =	vld [tilespmem:s2+$0x50];
	_ =	sdelay $0x4  }
0x224: {  	v7 =	vsub.s32 v7, v0  }
0x225: {  	v7 =	vmin.u32 v7, $0x1400  }
0x226: {  	v7 =	vadd.s32 v5, v7;
	_ =	sdelay $0x4  }
0x227: {  	[tilespmem:v7+s25+$0x0] =	vst.idx.add.f32.msk $0xffff, v6  }
0x228: {  	v7 =	vld [tilespmem:s2+$0x60];
	_ =	sdelay $0x4  }
0x229: {  	v7 =	vsub.s32 v7, v0  }
0x22a: {  	v7 =	vmin.u32 v7, $0x1400  }
0x22b: {  	v7 =	vadd.s32 v5, v7;
	_ =	sdelay $0x4  }
0x22c: {  	[tilespmem:v7+s25+$0x0] =	vst.idx.add.f32.msk $0xffff, v6  }
0x22d: {  	v7 =	vld [tilespmem:s2+$0x70];
	_ =	sdelay $0x4  }
0x22e: {  	v7 =	vsub.s32 v7, v0  }
0x22f: {  	v7 =	vmin.u32 v7, $0x1400  }
0x230: {  	p1 =	sne.s32 s0, $0x6000;
	v7 =	vadd.s32 v5, v7  }
.Ltmp11:
0x231: {  	_ = 	snop;
	(pc) =	sbr.rel @p1 .LBB2_24-.Ltmp11, $2  }
0x232: {  	_ =	sdelay $0x2  }
0x233: {  	s0 =	sadd.s32 $0x200, s0;
	[tilespmem:v7+s25+$0x0] =	vst.idx.add.f32.msk $0xffff, v6  }
0x234: {  	_ =	swait.ge [sflag:s26], $0x1880  }
0x235: {  	[sflag:s26] =	ssyncset.done $0x0  }
0x236: {  	s0 =	simm.s32 $0x0;
	s28 =	simm.s32 $0x0;
	[sflag:s26] =	ssyncadd.s32 $0xFFFFE780  }
.LBB2_26:
0x237: {  	s30 =	sshra.s32 s28, $0x2  }
0x238: {  	v7 =	vld [tilespmem:s30+$0x1880];
	_ =	sdelay $0x4  }
0x239: {  	v7 =	vsub.s32 v7, v0  }
0x23a: {  	v7 =	vmin.u32 v7, $0x1400  }
0x23b: {  	v7 =	vadd.s32 v5, v7;
	_ =	sdelay $0x3  }
0x23c: {  	s2 =	simm.s32 $0x3100  }
0x23d: {  	[tilespmem:v7+s2+$0x0] =	vst.idx.add.f32.msk $0xffff, v6  }
0x23e: {  	v7 =	vld [tilespmem:s30+$0x1890];
	_ =	sdelay $0x4  }
0x23f: {  	v7 =	vsub.s32 v7, v0  }
0x240: {  	v7 =	vmin.u32 v7, $0x1400  }
0x241: {  	v7 =	vadd.s32 v5, v7;
	_ =	sdelay $0x4  }
0x242: {  	[tilespmem:v7+s2+$0x0] =	vst.idx.add.f32.msk $0xffff, v6  }
0x243: {  	v7 =	vld [tilespmem:s30+$0x18A0];
	_ =	sdelay $0x4  }
0x244: {  	v7 =	vsub.s32 v7, v0  }
0x245: {  	v7 =	vmin.u32 v7, $0x1400  }
0x246: {  	v7 =	vadd.s32 v5, v7;
	_ =	sdelay $0x4  }
0x247: {  	[tilespmem:v7+s2+$0x0] =	vst.idx.add.f32.msk $0xffff, v6  }
0x248: {  	v7 =	vld [tilespmem:s30+$0x18B0];
	_ =	sdelay $0x4  }
0x249: {  	v7 =	vsub.s32 v7, v0  }
0x24a: {  	v7 =	vmin.u32 v7, $0x1400  }
0x24b: {  	v7 =	vadd.s32 v5, v7;
	_ =	sdelay $0x4  }
0x24c: {  	[tilespmem:v7+s2+$0x0] =	vst.idx.add.f32.msk $0xffff, v6  }
0x24d: {  	v7 =	vld [tilespmem:s30+$0x18C0];
	_ =	sdelay $0x4  }
0x24e: {  	v7 =	vsub.s32 v7, v0  }
0x24f: {  	v7 =	vmin.u32 v7, $0x1400  }
0x250: {  	v7 =	vadd.s32 v5, v7;
	_ =	sdelay $0x4  }
0x251: {  	[tilespmem:v7+s2+$0x0] =	vst.idx.add.f32.msk $0xffff, v6  }
0x252: {  	v7 =	vld [tilespmem:s30+$0x18D0];
	_ =	sdelay $0x4  }
0x253: {  	v7 =	vsub.s32 v7, v0  }
0x254: {  	v7 =	vmin.u32 v7, $0x1400  }
0x255: {  	v7 =	vadd.s32 v5, v7;
	_ =	sdelay $0x4  }
0x256: {  	[tilespmem:v7+s2+$0x0] =	vst.idx.add.f32.msk $0xffff, v6  }
0x257: {  	v7 =	vld [tilespmem:s30+$0x18E0];
	_ =	sdelay $0x4  }
0x258: {  	v7 =	vsub.s32 v7, v0  }
0x259: {  	v7 =	vmin.u32 v7, $0x1400  }
0x25a: {  	v7 =	vadd.s32 v5, v7;
	_ =	sdelay $0x4  }
0x25b: {  	[tilespmem:v7+s2+$0x0] =	vst.idx.add.f32.msk $0xffff, v6  }
0x25c: {  	v7 =	vld [tilespmem:s30+$0x18F0];
	_ =	sdelay $0x4  }
0x25d: {  	v7 =	vsub.s32 v7, v0  }
0x25e: {  	v7 =	vmin.u32 v7, $0x1400  }
0x25f: {  	p1 =	sne.s32 s28, $0x6000;
	v7 =	vadd.s32 v5, v7  }
.Ltmp12:
0x260: {  	_ = 	snop;
	(pc) =	sbr.rel @p1 .LBB2_26-.Ltmp12, $2  }
0x261: {  	_ =	sdelay $0x2  }
0x262: {  	s28 =	sadd.s32 $0x200, s28;
	[tilespmem:v7+s2+$0x0] =	vst.idx.add.f32.msk $0xffff, v6  }
0x263: {  	s28 =	simm.s32 $0x17200  }
.LBB2_28:
0x264: {  	v8 =	vmov s2;
	_ =	sdelay $0x3  }
0x265: {  	s30 =	simm.s32 $0x0  }
0x266: {  	v7 =	vmov s28;
	s31 =	simm.s32 $0x40;
	v9 =	vld.idx.msk [tilespmem:v8+s30+$0x1410 ss:$0x1], $0xffff  }
.LBB2_29:
0x267: {  	p1 =	sne.s32 s31, $0x1C0;
	v10 =	vld.idx.msk [tilespmem:v8+s30+$0x0 ss:$0x1], $0xffff;
	_ =	sdelay $0x1  }
0x268: {  	v11 =	vld.idx.msk [tilespmem:v8+s30+$0x2820 ss:$0x1], $0xffff;
	_ =	sdelay $0x1  }
0x269: {  	v12 =	vld.idx.msk [tilespmem:v8+s30+$0x3C30 ss:$0x1], $0xffff;
	_ =	sdelay $0x1  }
0x26a: {  	v9 =	vadd.f32 v9, v10;
	v10 =	vld.idx.msk [tilespmem:v8+s30+$0x5040 ss:$0x1], $0xffff;
	_ =	sdelay $0x1  }
0x26b: {  	v9 =	vadd.f32 v11, v9;
	v11 =	vld.idx.msk [tilespmem:v8+s30+$0x6450 ss:$0x1], $0xffff;
	_ =	sdelay $0x1  }
0x26c: {  	v9 =	vadd.f32 v12, v9;
	v12 =	vld.idx.msk [tilespmem:v8+s30+$0x7860 ss:$0x1], $0xffff;
	_ =	sdelay $0x1  }
0x26d: {  	v9 =	vadd.f32 v10, v9;
	v10 =	vld.idx.msk [tilespmem:v8+s30+$0x8C70 ss:$0x1], $0xffff;
	_ =	sdelay $0x1  }
0x26e: {  	v9 =	vadd.f32 v11, v9;
	v11 =	vld.idx.msk [tilespmem:v8+s30+$0xA080 ss:$0x1], $0xffff;
	_ =	sdelay $0x1  }
0x26f: {  	v9 =	vadd.f32 v12, v9;
	v12 =	vld.idx.msk [tilespmem:v8+s30+$0xB490 ss:$0x1], $0xffff;
	_ =	sdelay $0x1  }
0x270: {  	v9 =	vadd.f32 v10, v9;
	v10 =	vld.idx.msk [tilespmem:v8+s30+$0xC8A0 ss:$0x1], $0xffff;
	_ =	sdelay $0x1  }
0x271: {  	v9 =	vadd.f32 v11, v9;
	v11 =	vld.idx.msk [tilespmem:v8+s30+$0xDCB0 ss:$0x1], $0xffff;
	_ =	sdelay $0x1  }
0x272: {  	v9 =	vadd.f32 v12, v9;
	v12 =	vld.idx.msk [tilespmem:v8+s30+$0xF0C0 ss:$0x1], $0xffff;
	_ =	sdelay $0x1  }
0x273: {  	v9 =	vadd.f32 v10, v9;
	v10 =	vld.idx.msk [tilespmem:v8+s30+$0x104D0 ss:$0x1], $0xffff;
	_ =	sdelay $0x1  }
0x274: {  	v9 =	vadd.f32 v11, v9;
	v11 =	vld.idx.msk [tilespmem:v8+s30+$0x118E0 ss:$0x1], $0xffff;
	_ =	sdelay $0x1  }
0x275: {  	v9 =	vadd.f32 v12, v9;
	v12 =	vld.idx.msk [tilespmem:v8+s30+$0x12CF0 ss:$0x1], $0xffff;
	_ =	sdelay $0x1  }
0x276: {  	v9 =	vadd.f32 v10, v9;
	_ =	sdelay $0x1  }
0x277: {  	v9 =	vadd.f32 v11, v9  }
.Ltmp13:
0x278: {  	(pc) =	sbr.rel @p1 .LBB2_29-.Ltmp13, $3  }
0x279: {  	v9 =	vadd.f32 v12, v9;
	_ =	sdelay $0x1  }
0x27a: {  	[tilespmem:v7+s30+$0x0 ss:$0x1] =	vst.idx.msk $0xffff, v9;
	s30 =	sshra.s32 s31, $0x2  }
0x27b: {  	s31 =	sadd.s32 $0x40, s31;
	v9 =	vld.idx.msk [tilespmem:v8+s30+$0x1410 ss:$0x1], $0xffff  }
0x27c: {  	_ =	sdelay $0x3  }
0x27d: {  	v10 =	vld.idx.msk [tilespmem:v8+s30+$0x0 ss:$0x1], $0xffff;
	_ =	sdelay $0x1  }
0x27e: {  	v11 =	vld.idx.msk [tilespmem:v8+s30+$0x2820 ss:$0x1], $0xffff;
	_ =	sdelay $0x1  }
0x27f: {  	v12 =	vld.idx.msk [tilespmem:v8+s30+$0x3C30 ss:$0x1], $0xffff  }
0x280: {  	v9 =	vadd.f32 v9, v10  }
0x281: {  	v53 =	vld.idx.msk [tilespmem:v8+s30+$0x5040 ss:$0x1], $0xffff  }
0x282: {  	v9 =	vadd.f32 v11, v9  }
0x283: {  	v54 =	vld.idx.msk [tilespmem:v8+s30+$0x6450 ss:$0x1], $0xffff  }
0x284: {  	v9 =	vadd.f32 v12, v9  }
0x285: {  	v55 =	vld.idx.msk [tilespmem:v8+s30+$0x7860 ss:$0x1], $0xffff  }
0x286: {  	v9 =	vadd.f32 v53, v9  }
0x287: {  	v56 =	vld.idx.msk [tilespmem:v8+s30+$0x8C70 ss:$0x1], $0xffff  }
0x288: {  	v9 =	vadd.f32 v54, v9  }
0x289: {  	v57 =	vld.idx.msk [tilespmem:v8+s30+$0xA080 ss:$0x1], $0xffff  }
0x28a: {  	v9 =	vadd.f32 v55, v9  }
0x28b: {  	v58 =	vld.idx.msk [tilespmem:v8+s30+$0xB490 ss:$0x1], $0xffff  }
0x28c: {  	v9 =	vadd.f32 v56, v9  }
0x28d: {  	v59 =	vld.idx.msk [tilespmem:v8+s30+$0xC8A0 ss:$0x1], $0xffff  }
0x28e: {  	v9 =	vadd.f32 v57, v9  }
0x28f: {  	v60 =	vld.idx.msk [tilespmem:v8+s30+$0xDCB0 ss:$0x1], $0xffff  }
0x290: {  	v9 =	vadd.f32 v58, v9  }
0x291: {  	v61 =	vld.idx.msk [tilespmem:v8+s30+$0xF0C0 ss:$0x1], $0xffff  }
0x292: {  	v9 =	vadd.f32 v59, v9  }
0x293: {  	v62 =	vld.idx.msk [tilespmem:v8+s30+$0x104D0 ss:$0x1], $0xffff  }
0x294: {  	v9 =	vadd.f32 v60, v9  }
0x295: {  	v63 =	vld.idx.msk [tilespmem:v8+s30+$0x118E0 ss:$0x1], $0xffff  }
0x296: {  	v9 =	vadd.f32 v61, v9  }
0x297: {  	v8 =	vld.idx.msk [tilespmem:v8+s30+$0x12CF0 ss:$0x1], $0xffff  }
0x298: {  	s0 =	sadd.s32 $0x1, s0;
	v9 =	vadd.f32 v62, v9  }
0x299: {  	p1 =	sne.s32 s0, $0x28  }
.Ltmp14:
0x29a: {  	v9 =	vadd.f32 v63, v9;
	(pc) =	sbr.rel @p1 .LBB2_28-.Ltmp14, $3  }
0x29b: {  	_ = 	snop  }
0x29c: {  	v8 =	vadd.f32 v8, v9;
	_ =	sdelay $0x1  }
0x29d: {  	s28 =	sadd.s32 $0x80, s28;
	s2 =	sadd.s32 $0x80, s2;
	[tilespmem:v7+s30+$0x0 ss:$0x1] =	vst.idx.msk $0xffff, v8  }
0x29e: {  	[tilespmem:$0x18600] =	vst v4  }
0x29f: {  	[tilespmem:$0x18610] =	vst v4  }
0x2a0: {  	[tilespmem:$0x18620] =	vst v4  }
0x2a1: {  	[tilespmem:$0x18630] =	vst v4  }
0x2a2: {  	[tilespmem:$0x18640] =	vst v4  }
0x2a3: {  	[tilespmem:$0x18650] =	vst v4  }
0x2a4: {  	[tilespmem:$0x18660] =	vst v4  }
0x2a5: {  	[tilespmem:$0x18670] =	vst v4  }
0x2a6: {  	[tilespmem:$0x18680] =	vst v4  }
0x2a7: {  	[tilespmem:$0x18690] =	vst v4  }
0x2a8: {  	[tilespmem:$0x186A0] =	vst v4  }
0x2a9: {  	[tilespmem:$0x186B0] =	vst v4  }
0x2aa: {  	[tilespmem:$0x186C0] =	vst v4  }
0x2ab: {  	[tilespmem:$0x186D0] =	vst v4  }
0x2ac: {  	[tilespmem:$0x186E0] =	vst v4  }
0x2ad: {  	[tilespmem:$0x186F0] =	vst v4  }
0x2ae: {  	[tilespmem:$0x18700] =	vst v4  }
0x2af: {  	[tilespmem:$0x18710] =	vst v4  }
0x2b0: {  	[tilespmem:$0x18720] =	vst v4  }
0x2b1: {  	[tilespmem:$0x18730] =	vst v4  }
0x2b2: {  	[tilespmem:$0x18740] =	vst v4  }
0x2b3: {  	[tilespmem:$0x18750] =	vst v4  }
0x2b4: {  	[tilespmem:$0x18760] =	vst v4  }
0x2b5: {  	[tilespmem:$0x18770] =	vst v4  }
0x2b6: {  	[tilespmem:$0x18780] =	vst v4  }
0x2b7: {  	[tilespmem:$0x18790] =	vst v4  }
0x2b8: {  	[tilespmem:$0x187A0] =	vst v4  }
0x2b9: {  	[tilespmem:$0x187B0] =	vst v4  }
0x2ba: {  	[tilespmem:$0x187C0] =	vst v4  }
0x2bb: {  	[tilespmem:$0x187D0] =	vst v4  }
0x2bc: {  	[tilespmem:$0x187E0] =	vst v4  }
0x2bd: {  	[tilespmem:$0x187F0] =	vst v4  }
0x2be: {  	[tilespmem:$0x18800] =	vst v4  }
0x2bf: {  	[tilespmem:$0x18810] =	vst v4  }
0x2c0: {  	[tilespmem:$0x18820] =	vst v4  }
0x2c1: {  	[tilespmem:$0x18830] =	vst v4  }
0x2c2: {  	[tilespmem:$0x18840] =	vst v4  }
0x2c3: {  	[tilespmem:$0x18850] =	vst v4  }
0x2c4: {  	[tilespmem:$0x18860] =	vst v4  }
0x2c5: {  	[tilespmem:$0x18870] =	vst v4  }
0x2c6: {  	[tilespmem:$0x18880] =	vst v4  }
0x2c7: {  	[tilespmem:$0x18890] =	vst v4  }
0x2c8: {  	[tilespmem:$0x188A0] =	vst v4  }
0x2c9: {  	[tilespmem:$0x188B0] =	vst v4  }
0x2ca: {  	[tilespmem:$0x188C0] =	vst v4  }
0x2cb: {  	[tilespmem:$0x188D0] =	vst v4  }
0x2cc: {  	[tilespmem:$0x188E0] =	vst v4  }
0x2cd: {  	[tilespmem:$0x188F0] =	vst v4  }
0x2ce: {  	[tilespmem:$0x18900] =	vst v4  }
0x2cf: {  	[tilespmem:$0x18910] =	vst v4  }
0x2d0: {  	[tilespmem:$0x18920] =	vst v4  }
0x2d1: {  	[tilespmem:$0x18930] =	vst v4  }
0x2d2: {  	[tilespmem:$0x18940] =	vst v4  }
0x2d3: {  	[tilespmem:$0x18950] =	vst v4  }
0x2d4: {  	[tilespmem:$0x18960] =	vst v4  }
0x2d5: {  	[tilespmem:$0x18970] =	vst v4  }
0x2d6: {  	[tilespmem:$0x18980] =	vst v4  }
0x2d7: {  	[tilespmem:$0x18990] =	vst v4  }
0x2d8: {  	[tilespmem:$0x189A0] =	vst v4  }
0x2d9: {  	[tilespmem:$0x189B0] =	vst v4  }
0x2da: {  	[tilespmem:$0x189C0] =	vst v4  }
0x2db: {  	[tilespmem:$0x189D0] =	vst v4  }
0x2dc: {  	[tilespmem:$0x189E0] =	vst v4  }
0x2dd: {  	[tilespmem:$0x189F0] =	vst v4  }
0x2de: {  	s0 =	simm.s32 $0x17200;
	[bflag:$0x0] =	sbarrier.arrive $0xFFFF  }
0x2df: {  	[spmem:s1] =	stream.indirect_vreg.scatter.add.f32 [tilespmem:s0], [sflag:$0x3], $0x80, v1, vm0, $0xb8;
	[tilespmem:$0x19000] =	vst v63  }
0x2e0: {  	_ =	swait.ge [sflag:s29], $0x800  }
0x2e1: {  	[sflag:s29] =	ssyncset.done $0x0  }
0x2e2: {  	s30 =	simm.s32 $0x17A00;
	[sflag:s29] =	ssyncadd.s32 $0xFFFFF800  }
0x2e3: {  	[spmem:s1] =	stream.indirect_vreg.scatter.add.f32 [tilespmem:s30], [sflag:$0x3], $0x80, v2, vm0, $0xb8;
	[tilespmem:$0x19000] =	vst v63  }
0x2e4: {  	_ =	swait.ge [sflag:s29], $0x800  }
0x2e5: {  	[sflag:s29] =	ssyncset.done $0x0  }
0x2e6: {  	s31 =	simm.s32 $0x18200;
	[sflag:s29] =	ssyncadd.s32 $0xFFFFF800  }
0x2e7: {  	[spmem:s1] =	stream.indirect_vreg.scatter.add.f32 [tilespmem:s31], [sflag:$0x3], $0x80, v3, vm0, $0xb8;
	[tilespmem:$0x19000] =	vst v63  }
0x2e8: {  	_ =	swait.ge [sflag:s29], $0x800  }
0x2e9: {  	s3 =	sadd.s32 $0x1, s3;
	[sflag:s29] =	ssyncset.done $0x0  }
0x2ea: {  	p1 =	sne.s32 s3, s18;
	[sflag:s29] =	ssyncadd.s32 $0xFFFFF800  }
.Ltmp15:
0x2eb: {  	s0 =	simm.s32 @!p0 $0x3;
	[bflag:$0x0] =	sbarrier.arrive $0xFFFF;
	(pc) =	sbr.rel @p1 .LBB2_1-.Ltmp15, $4  }
0x2ec: {  	[hbm:s17], [sflag:s19] =	dma.local @!p0 [spmem:s20], $0x100  }
0x2ed: {  	_ =	swait.ge @!p0 [sflag:s0], $0x100  }
0x2ee: {  	[sflag:s0] =	ssyncset.done @!p0 $0x0  }
0x2ef: {  	[sflag:s0] =	ssyncadd.s32 @!p0 $0xFFFFFF00  }
0x2f0: {  	_ =	sfence.sel $0x180000  }
0x2f1: {  	[bflag:$0x0] =	sbarrier.arrive $0xFFFF  }
0x2f2: {  	_ =	strace $0x90000047  }
0x2f3: {  	s0 =	stileid.u32;
	[bflag:$0x2] =	sbarrier.arrive $0xFFFF  }
0x2f4: {  	p0 =	sne.s32 s0, $0x0;
	s0 =	rddreg [dreg:$0x3]  }
0x2f5: {  	s0 =	sadd.s32 @!p0 $0x100000, s0  }
0x2f6: {  	[sflag:s0] =	ssyncadd.tile.s32 @!p0 $0x1;
	_ =	shalt  }
.Lfunc_end2:
_tile_overlayer_lowered:
.L_overlay_start_2:
0x2f7: {  	(tag) =	ssettag $0x2  }
0x2f8: {  	s0 =	rddreg [dreg:$0x0];
	s2 =	stileid.u32  }
0x2f9: {  	s1 =	rddreg [dreg:$0x1];
	p0 =	sne.s32 s2, $0x0  }
0x2fa: {  	s3 =	rddreg [dreg:$0x2];
	[bflag:$0x3] =	sbarrier.arrive $0xFFFF;
	s2 =	simm.s32 @!p0 $0x1C03  }
0x2fb: {  	[timem:s3], [sflag:s2] =	dma.local @!p0 [hbm:s0], s1  }
0x2fc: {  	s0 =	simm.s32 @!p0 $0x3  }
0x2fd: {  	_ =	swait.ge @!p0 [sflag:s0], s1  }
0x2fe: {  	s1 =	ssub.s32 @!p0 $0x0, s1;
	[sflag:s0] =	ssyncset.done @!p0 $0x0  }
0x2ff: {  	[sflag:s0] =	ssyncadd.s32 @!p0 s1  }
0x300: {  	[bflag:$0x3] =	sbarrier.arrive $0xFFFF  }
0x301: {  	_ =	shalt  }

// kernel: kernel.9.cloned.1.call-start
scs
__scs_entry_jumppad:
0x0: {  	(pc) =	sbr.rel $0x88, $3  }
0x1: {  	(tag) =	ssettag $0x0;
	lr =	simm.s32 $0x1  }
0x2: {  	[smem:$0x3F99] =	sst lr;
	_ =	strace $0xD0000000  }
0x3: {  	_ = 	snop  }
0x4: {  	_ = 	snop  }
0x5: {  	_ = 	snop  }
0x6: {  	_ = 	snop  }
0x7: {  	_ = 	snop  }
__scs_overlays_trampoline_lowered:
0x8: {  	[smem:$0x3FA8] =	sst s0  }
0x9: {  	[smem:$0x3FA9] =	sst s1  }
0xa: {  	[smem:$0x3FAA] =	sst s2  }
0xb: {  	[smem:$0x3FAB] =	sst s3  }
0xc: {  	[smem:$0x3FAC] =	sst s4  }
0xd: {  	[smem:$0x3FAD] =	sst s5  }
0xe: {  	[smem:$0x3FAE] =	sst s6  }
0xf: {  	[smem:$0x3FAF] =	sst s7  }
0x10: {  	[smem:$0x3FB0] =	sst s8  }
0x11: {  	[smem:$0x3FB1] =	sst s9;
	s0 =	simm.s32 @!p0 $0x0  }
0x12: {  	s1 =	sld [smem:$0x3F97];
	s0 =	simm.s32 @p0 $0x1  }
0x13: {  	[smem:$0x3FB2] =	sst s0;
	s0 =	simm.s32 @!p1 $0x0  }
0x14: {  	s2 =	sld [smem:$0x3F96];
	s0 =	simm.s32 @p1 $0x1  }
0x15: {  	[smem:$0x3FB3] =	sst s0;
	s0 =	simm.s32 @!p2 $0x0  }
0x16: {  	s3 =	sld [smem:$0x3FDB];
	s0 =	simm.s32 @p2 $0x1  }
0x17: {  	s4 =	simm.s32 $0x1BF5;
	[smem:$0x3FB5] =	sst s0  }
0x18: {  	s0 =	sld [smem:$0x3F98];
	_ =	swait.ge [sflag:s4], $0x0  }
0x19: {  	s7 =	sld [smem:$0x3F99]  }
0x1a: {  	s8 =	sadd.s32 $0xFFFFE003, lr  }
0x1b: {  	s9 =	sadd.s32 $0xFFFFFEF7, lr;
	s5 =	simm.s32 $0xFFFFFFFF;
	p2 =	slt.u32 s8, $0xFFFFF086  }
0x1c: {  	p1 =	slt.u32 s9, $0xF7A;
	s5 =	simm.s32 @!p2 $0x0  }
0x1d: {  	s5 =	simm.s32 @p1 $0x1;
	p0 =	seq.s32 s7, s2  }
0x1e: {  	s7 =	smul.u32 @!p0 $0xF7A, s2;
	p2 =	seq.s32 @!p0 s5, $0x0  }
0x1f: {  	s9 =	smul.u32 $0xF7A, s1;
	s8 =	simm.s32 @!p0 $0x1BF5;
	p2 =	por !p2, p0  }
0x20: {  	[sflag:s8] =	ssyncset.s32 @!p0 $0xFFFFF086;
	s6 =	sadd.s32 @!p0 s3, s7;
	s7 =	simm.s32 @!p0 $0x108  }
0x21: {  	s3 =	sadd.s32 s3, s9;
	s6 =	sadd.s32 @!p0 $0x88, s6;
	s7 =	simm.s32 @p2 $0x1082  }
0x22: {  	[simem:s7], [sflag:s8] =	dma.local @!p0 [hbm:s6], $0xF7A  }
0x23: {  	s9 =	sor.u32 $0xD0000000, s2;
	s6 =	simm.s32 $0x108;
	_ =	swait.ge @!p0 [sflag:s8], $0x0  }
0x24: {  	s3 =	sadd.s32 $0x88, s3;
	s6 =	simm.s32 @!p1 $0x1082;
	[sflag:s4] =	ssyncset.s32 $0xFFFFF086  }
0x25: {  	[simem:s6], [sflag:s4] =	dma.local [hbm:s3], $0xF7A  }
0x26: {  	[smem:$0x3F99] =	sst s1;
	(tag) =	ssettag s2;
	_ =	strace s9  }
0x27: {  	s1 =	sld [smem:$0x3FA9]  }
0x28: {  	s2 =	sld [smem:$0x3FAA]  }
0x29: {  	s4 =	sld [smem:$0x3FAC]  }
0x2a: {  	p0 =	seq.s32 s5, $0x0;
	s5 =	sld [smem:$0x3FAD]  }
0x2b: {  	s6 =	sld [smem:$0x3FAE]  }
0x2c: {  	s7 =	sld [smem:$0x3FAF]  }
0x2d: {  	s3 =	simm.s32 $0x108;
	s8 =	sld [smem:$0x3FB0]  }
0x2e: {  	s3 =	simm.s32 @!p0 $0x1082;
	s9 =	sld [smem:$0x3FB1]  }
0x2f: {  	lr =	sadd.s32 s0, s3;
	s0 =	sld [smem:$0x3FA8]  }
0x30: {  	s3 =	sld [smem:$0x3FAB]  }
0x31: {  	[smem:$0x3FB4] =	sst s10  }
0x32: {  	s10 =	sld [smem:$0x3FB2];
	_ =	sdelay $0x3  }
0x33: {  	p0 =	seq.s32 s10, $0x1;
	s10 =	sld [smem:$0x3FB4];
	_ =	sdelay $0x3  }
0x34: {  	[smem:$0x3FB4] =	sst s10  }
0x35: {  	s10 =	sld [smem:$0x3FB3];
	_ =	sdelay $0x3  }
0x36: {  	p1 =	seq.s32 s10, $0x1;
	s10 =	sld [smem:$0x3FB4];
	_ =	sdelay $0x3  }
0x37: {  	[smem:$0x3FB4] =	sst s10  }
0x38: {  	s10 =	sld [smem:$0x3FB5]  }
0x39: {  	_ = 	snop;
	(pc) =	sbr.ind lr, $3  }
0x3a: {  	_ = 	snop  }
0x3b: {  	_ = 	snop  }
0x3c: {  	p2 =	seq.s32 s10, $0x1;
	s10 =	sld [smem:$0x3FB4]  }
0x3d: {  	_ =	shalt  }
0x3e: {  	_ =	shalt  }
0x3f: {  	_ =	shalt  }
0x40: {  	_ =	shalt  }
0x41: {  	_ =	shalt  }
0x42: {  	_ =	shalt  }
0x43: {  	_ =	shalt  }
0x44: {  	_ =	shalt  }
0x45: {  	_ =	shalt  }
0x46: {  	_ =	shalt  }
0x47: {  	_ =	shalt  }
0x48: {  	_ =	shalt  }
0x49: {  	_ =	shalt  }
0x4a: {  	_ =	shalt  }
0x4b: {  	_ =	shalt  }
0x4c: {  	_ =	shalt  }
0x4d: {  	_ =	shalt  }
0x4e: {  	_ =	shalt  }
0x4f: {  	_ =	shalt  }
0x50: {  	_ =	shalt  }
0x51: {  	_ =	shalt  }
0x52: {  	_ =	shalt  }
0x53: {  	_ =	shalt  }
0x54: {  	_ =	shalt  }
0x55: {  	_ =	shalt  }
0x56: {  	_ =	shalt  }
0x57: {  	_ =	shalt  }
0x58: {  	_ =	shalt  }
0x59: {  	_ =	shalt  }
0x5a: {  	_ =	shalt  }
0x5b: {  	_ =	shalt  }
0x5c: {  	_ =	shalt  }
0x5d: {  	_ =	shalt  }
0x5e: {  	_ =	shalt  }
0x5f: {  	_ =	shalt  }
0x60: {  	_ =	shalt  }
0x61: {  	_ =	shalt  }
0x62: {  	_ =	shalt  }
0x63: {  	_ =	shalt  }
0x64: {  	_ =	shalt  }
0x65: {  	_ =	shalt  }
0x66: {  	_ =	shalt  }
0x67: {  	_ =	shalt  }
0x68: {  	_ =	shalt  }
0x69: {  	_ =	shalt  }
0x6a: {  	_ =	shalt  }
0x6b: {  	_ =	shalt  }
0x6c: {  	_ =	shalt  }
0x6d: {  	_ =	shalt  }
0x6e: {  	_ =	shalt  }
0x6f: {  	_ =	shalt  }
0x70: {  	_ =	shalt  }
0x71: {  	_ =	shalt  }
0x72: {  	_ =	shalt  }
0x73: {  	_ =	shalt  }
0x74: {  	_ =	shalt  }
0x75: {  	_ =	shalt  }
0x76: {  	_ =	shalt  }
0x77: {  	_ =	shalt  }
0x78: {  	_ =	shalt  }
0x79: {  	_ =	shalt  }
0x7a: {  	_ =	shalt  }
0x7b: {  	_ =	shalt  }
0x7c: {  	_ =	shalt  }
0x7d: {  	_ =	shalt  }
0x7e: {  	_ =	shalt  }
0x7f: {  	_ =	shalt  }
0x80: {  	_ =	shalt  }
0x81: {  	_ =	shalt  }
0x82: {  	_ =	shalt  }
0x83: {  	_ =	shalt  }
0x84: {  	_ =	shalt  }
0x85: {  	_ =	shalt  }
0x86: {  	_ =	shalt  }
0x87: {  	_ =	shalt  }
.Lfunc_end0:
.L_simem_size_0:
called_computation.1_lowered:
.L_overlay_start_0:
0x88: {  	s2 =	sld [smem:$0x3FD9]  }
0x89: {  	s3 =	sld [smem:$0x3FFE];
	_ =	sdelay $0x1  }
0x8a: {  	s1 =	srdreg.scid  }
0x8b: {  	s0 =	sand.u32 $0x1, s1  }
0x8c: {  	s14 =	sshll.u32 s0, $0xA;
	s2 =	sadd.s32 s3, s2  }
0x8d: {  	s2 =	sadd.s32 s2, s14  }
0x8e: {  	[smem:$0x3FC0] =	sst s2  }
0x8f: {  	_ = 	snop  }
0x90: {  	s2 =	sld [smem:$0x3FD0];
	_ =	sdelay $0x2  }
0x91: {  	s15 =	simm.s32 $0xA;
	s4 =	simm.s32 $0x10  }
0x92: {  	[smem:s4], [sflag:s15] =	dma.local [hbm:s2], $0x1  }
0x93: {  	_ =	swait.eq [sflag:s15], $0x1  }
0x94: {  	[sflag:s15] =	ssyncset.done $0x0  }
0x95: {  	s16 =	sld [smem:$0x10];
	[sflag:s15] =	ssyncadd.s32 $0xFFFFFFFF  }
0x96: {  	s17 =	sld [smem:$0x11];
	(tm) =	ssettm $0x1  }
0x97: {  	s18 =	sld [smem:$0x3FFB];
	_ =	sdelay $0x3  }
0x98: {  	_ =	strace s18  }
0x99: {  	s4 =	sld [smem:$0x3FFC];
	_ =	sdelay $0x3  }
0x9a: {  	_ =	strace s4  }
0x9b: {  	s4 =	sld [smem:$0x3FFD];
	_ =	sdelay $0x3  }
0x9c: {  	_ =	strace s4  }
0x9d: {  	_ =	strace $0x8FFFFFFF  }
0x9e: {  	s19 =	sld [smem:$0x3FDB];
	_ =	sdelay $0x1  }
0x9f: {  	s5 =	simm.s32 $_scs_section_size  }
0xa0: {  	s6 =	simm.s32 $_size__tile_overlayer_lowered;
	s7 =	simm.s32 $_tile_overlayer_lowered  }
0xa1: {  	s22 =	simm.s32 $0x1BFF;
	s21 =	sshll.u32 s7, $0x1;
	s4 =	sadd.s32 s5, s19  }
0xa2: {  	s8 =	simm.s32 $0x0;
	s20 =	sshll.u32 s6, $0x1;
	s6 =	sadd.s32 s21, s4  }
0xa3: {  	[timem:s8], [sflag:s22] =	dma.local [hbm:s6], s20  }
0xa4: {  	_ =	swait.ge [sflag:s22], s20  }
0xa5: {  	s5 =	ssub.s32 $0x0, s20;
	[sflag:s22] =	ssyncset.done $0x0  }
0xa6: {  	[sflag:s22] =	ssyncadd.s32 s5;
	_ =	sdelay $0x1  }
0xa7: {  	s23 =	simm.s32 $0x1B8B  }
0xa8: {  	_ =	swait.ge [sflag:s23], $0x1  }
0xa9: {  	[sflag:s23] =	ssyncset.done $0x0  }
0xaa: {  	s25 =	simm.s32 $0x1B8E;
	s24 =	sld [smem:$0x3FFE];
	[sflag:s23] =	ssyncadd.s32 $0xFFFFFFFF  }
0xab: {  	s26 =	simm.s32 $execute0_lowered;
	[smem:$0x3FD2] =	sst s25  }
0xac: {  	s6 =	sshll.u32 s26, $0x1;
	_ =	strace $0x80000049;
	[dreg:$0x1] =	wrdreg $0xFFFFFFFF  }
0xad: {  	s28 =	simm.s32 $_size_execute0_lowered;
	s4 =	sadd.s32 s4, s6;
	[dreg:$0x0] =	wrdreg $0x0  }
0xae: {  	s6 =	sshll.u32 s28, $0x1;
	[dreg:$0x2] =	wrdreg s4  }
0xaf: {  	[dreg:$0x3] =	wrdreg s6  }
0xb0: {  	[dreg:$0x4] =	wrdreg $0xC0  }
0xb1: {  	_ =	task [dreg:s8], $0x5FFFF  }
0xb2: {  	[dreg:$0x1] =	wrdreg $0xFFFFFFFF  }
0xb3: {  	[dreg:$0x0] =	wrdreg $0x60  }
0xb4: {  	[dreg:$0x2] =	wrdreg s24  }
0xb5: {  	[dreg:$0x3] =	wrdreg s17  }
0xb6: {  	[dreg:$0x4] =	wrdreg s16  }
0xb7: {  	[dreg:$0x5] =	wrdreg $0xC6000  }
0xb8: {  	[dreg:$0x6] =	wrdreg $0x9  }
0xb9: {  	_ =	task.clear_ibuf [dreg:s8], $0x7FFFF;
	_ =	strace $0x90000049  }
0xba: {  	s29 =	simm.s32 $0x9;
	_ =	strace $0x8000004B  }
0xbb: {  	_ =	swait.ge [sflag:s29], $0x1  }
0xbc: {  	[sflag:s29] =	ssyncadd.s32 $0xFFFFFFFF  }
0xbd: {  	_ =	strace $0x9000004B  }
0xbe: {  	_ =	sfence  }
0xbf: {  	s30 =	sld [smem:$0x0];
	_ =	sdelay $0x2  }
0xc0: {  	s31 =	sshll.u32 s1, $0xD;
	s1 =	sshrl.u32 s1, $0x2  }
0xc1: {  	s3 =	sand.u32 $0x4000, s31;
	s1 =	sadd.s32 s1, s30  }
0xc2: {  	s0 =	sor.u32 s3, s0;
	s1 =	sshll.u32 s1, $0x11  }
0xc3: {  	s0 =	sor.u32 s1, s0  }
0xc4: {  	s0 =	sadd.s32 $0x8F2B, s0  }
0xc5: {  	[sflag:s0] =	ssyncadd.remote.s32 $0x1  }
0xc6: {  	_ =	sfence.sel $0xFFFF  }
0xc7: {  	[dreg:$0x0] =	wrdreg $0xFFFFFFFF;
	(pc) =	sbr.abs _section_cstart, $3  }
0xc8: {  	[dreg:$0x1] =	wrdreg $0xFFFFFFFF  }
0xc9: {  	_ =	task.clear_ibuf [dreg:s8], $0x2FFFF;
	_ =	strace $0x9FFFFFFF  }
0xca: {  	(tm) =	ssettm $0x7FFFFFFF  }
0xcb: {  	_ =	shalt  }
tec
execute0_lowered:
.L_overlay_start_1:
0x0: {  	(tag) =	ssettag $0x1  }
0x1: {  	s0 =	rddreg [dreg:$0x0]  }
0x2: {  	s1 =	rddreg [dreg:$0x1]  }
0x3: {  	s2 =	rddreg [dreg:$0x3]  }
0x4: {  	s4 =	simm.s32 $0x0;
	s3 =	srdreg.scid;
	s13 =	stileid.u32  }
0x5: {  	s16 =	simm.s32 $0x100;
	s17 =	simm.s32 $0x200;
	s28 =	simm.s32 $0x3  }
0x6: {  	s29 =	simm.s32 $0x8600;
	s30 =	simm.s32 $0x8;
	s31 =	simm.s32 $0x180  }
0x7: {  	[smem:$0x7FF] =	sst s4;
	s3 =	sand.u32 $0x1, s3;
	s7 =	smul.u32 $0x9300, s13  }
0x8: {  	s5 =	sadd.s32 $0x3400, s0;
	s0 =	sadd.s32 $0x53400, s0;
	s9 =	smul.u32 $0x4F000, s13  }
0x9: {  	s11 =	smul.u32 $0x13C00, s13;
	s12 =	sadd.s32 $0x128400, s2;
	p0 =	seq.s32 s13, $0xF  }
0xa: {  	s6 =	smul.u32 $0x93000, s3;
	_ =	strace $0x8000004A;
	s8 =	ssub.s32 $0x2, s3  }
0xb: {  	s3 =	smul.u32 $0x140000, s3;
	s10 =	sshrl.u32 s8, $0x1;
	s19 =	sshrl.u32 s9, $0x2  }
0xc: {  	s7 =	sadd.s32 s7, s6;
	s8 =	ssub.s32 s8, s10;
	s10 =	sadd.s32 s19, s2  }
0xd: {  	s22 =	sadd.s32 s11, s3;
	s3 =	sshrl.u32 s3, $0x3;
	s19 =	simm.s32 $0x1  }
0xe: {  	s20 =	sshrl.u32 s7, $0x3;
	s24 =	sadd.s32 $0x300, s7;
	s26 =	smax.u32 s8, $0x1  }
0xf: {  	s15 =	sshrl.u32 @!p0 s10, $0x3;
	s7 =	simm.s32 $0xC;
	s8 =	simm.s32 $0x0  }
0x10: {  	s21 =	sadd.s32 s1, s20;
	s25 =	sshrl.u32 s24, $0x3;
	[dreg:$0xa] =	wrdreg s26  }
0x11: {  	s20 =	simm.s32 $0x80;
	s24 =	simm.s32 $0x4600;
	s26 =	simm.s32 $0x500  }
0x12: {  	s9 =	sadd.s32 $0x20, s21;
	[dreg:$0x5] =	wrdreg s21;
	s6 =	sadd.s32 $0x40, s21  }
0x13: {  	s21 =	simm.s32 $0x600;
	[dreg:$0x6] =	wrdreg s9;
	s9 =	sshrl.u32 s22, $0x3  }
0x14: {  	[dreg:$0x7] =	wrdreg s6;
	s22 =	simm.s32 $0x400;
	s23 =	sadd.s32 s0, s9  }
.Ltmp0:
0x15: {  	s0 =	sadd.s32 s0, s3;
	s3 =	simm.s32 $0xA;
	(pc) =	sbr.rel .LBB2_1-.Ltmp0, $4  }
0x16: {  	[dreg:$0x8] =	wrdreg s23;
	s0 =	sadd.s32 $0x25080, s0;
	s23 =	simm.s32 $0x2  }
0x17: {  	[dreg:$0x9] =	wrdreg s0;
	s0 =	sadd.s32 s25, s1;
	s25 =	simm.s32 $0x7  }
0x18: {  	s1 =	simm.s32 $0xB;
	[dreg:$0xb] =	wrdreg s0;
	s0 =	sshll.u32 @!p0 s13, $0x6  }
0x19: {  	s13 =	sshrl.u32 @p0 s12, $0x3;
	s14 =	sor.u32 @!p0 $0x1C0D, s0;
	s0 =	simm.s32 $0x9  }
.LBB2_10:
0x1a: {  	_ =	swait.ge [sflag:s0], $0x4000  }
0x1b: {  	[sflag:s0] =	ssyncset.done $0x0  }
0x1c: {  	s6 =	simm.s32 $0x280;
	[sflag:s0] =	ssyncadd.s32 $0xFFFFC000  }
0x1d: {  	[spmem:s2] =	stream.indirect.scatter.add.f32 [tilespmem:s29], [sflag:$0xC], $0x80, s6, s20, $0xb8;
	[tilespmem:$0x1FF00] =	vst v63  }
0x1e: {  	_ =	swait.ge [sflag:s3], $0x4000  }
0x1f: {  	[sflag:s3] =	ssyncset.done $0x0  }
0x20: {  	[sflag:s3] =	ssyncadd.s32 $0xFFFFC000  }
0x21: {  	_ =	swait.ge [sflag:s1], $0x4000  }
0x22: {  	[sflag:s1] =	ssyncset.done $0x0  }
0x23: {  	[sflag:s1] =	ssyncadd.s32 $0xFFFFC000  }
0x24: {  	_ =	swait.ge [sflag:s7], $0x4000  }
0x25: {  	[sflag:s7] =	ssyncset.done $0x0  }
0x26: {  	[sflag:s7] =	ssyncadd.s32 $0xFFFFC000  }
0x27: {  	[bflag:$0x0] =	sbarrier.arrive $0xFFFF  }
0x28: {  	s6 =	simm.s32 @p0 $0x1FCD;
	s9 =	rddreg [dreg:$0x9]  }
0x29: {  	[hbm:s9], [sflag:s6] =	dma.local @p0 [spmem:s13], $0x2180  }
0x2a: {  	s6 =	simm.s32 @p0 $0xD  }
0x2b: {  	_ =	swait.ge @p0 [sflag:s6], $0x2180  }
0x2c: {  	[sflag:s6] =	ssyncset.done @p0 $0x0  }
0x2d: {  	[sflag:s6] =	ssyncadd.s32 @p0 $0xFFFFDE80;
	s6 =	rddreg [dreg:$0x8]  }
0x2e: {  	[hbm:s6], [sflag:s14] =	dma.local @!p0 [spmem:s15], $0x2780  }
0x2f: {  	s6 =	simm.s32 @!p0 $0xD  }
0x30: {  	_ =	swait.ge @!p0 [sflag:s6], $0x2780  }
0x31: {  	s8 =	sadd.s32 $0x1, s8;
	s18 =	rddreg [dreg:$0xa]  }
0x32: {  	p1 =	sne.s32 s8, s18  }
.Ltmp1:
0x33: {  	_ = 	snop;
	(pc) =	sbr.rel @!p1 .LBB2_11-.Ltmp1, $3  }
0x34: {  	[sflag:s6] =	ssyncset.done @!p0 $0x0  }
0x35: {  	[sflag:s6] =	ssyncadd.s32 @!p0 $0xFFFFD880  }
0x36: {  	[bflag:$0x0] =	sbarrier.arrive $0xFFFF;
	_ =	sdelay $0x1  }
.LBB2_1:
0x37: {  	s10 =	simm.s32 @p0 $0x1FCD;
	s6 =	rddreg [dreg:$0x2]  }
0x38: {  	[spmem:s13], [sflag:s10] =	dma.local @p0 [hbm:s6], $0x2180  }
0x39: {  	s10 =	simm.s32 @p0 $0xD  }
0x3a: {  	_ =	swait.ge @p0 [sflag:s10], $0x2180  }
0x3b: {  	[sflag:s10] =	ssyncset.done @p0 $0x0  }
0x3c: {  	[sflag:s10] =	ssyncadd.s32 @p0 $0xFFFFDE80;
	s10 =	simm.s32 @!p0 $0xD  }
0x3d: {  	[spmem:s15], [sflag:s14] =	dma.local @!p0 [hbm:s6], $0x2780  }
0x3e: {  	_ =	swait.ge @!p0 [sflag:s10], $0x2780  }
0x3f: {  	[sflag:s10] =	ssyncset.done @!p0 $0x0  }
0x40: {  	[sflag:s10] =	ssyncadd.s32 @!p0 $0xFFFFD880  }
0x41: {  	[bflag:$0x0] =	sbarrier.arrive $0xFFFF  }
0x42: {  	s11 =	rddreg [dreg:$0x5]  }
0x43: {  	[tilespmem:s4], [sflag:$0x1] =	stream.linear.gather [hbm4b:s11+s4], $0x100, $0x38;
	[tilespmem:$0x1FF00] =	vst v63  }
.Ltmp2:
0x44: {  	s12 =	rddreg [dreg:$0x6];
	(pc) =	sbr.rel .LBB2_2-.Ltmp2, $4  }
0x45: {  	s18 =	rddreg [dreg:$0x7]  }
0x46: {  	[tilespmem:s16], [sflag:$0x2] =	stream.linear.gather [hbm4b:s12+s4], $0x100, $0x38;
	[tilespmem:$0x1FF00] =	vst v63  }
0x47: {  	s10 =	simm.s32 $0x0;
	s12 =	rddreg [dreg:$0xb]  }
0x48: {  	[tilespmem:s17], [sflag:$0x3] =	stream.linear.gather [hbm4b:s18+s4], $0x100, $0x38;
	[tilespmem:$0x1FF00] =	vst v63  }
.LBB2_6:
0x49: {  	p1 =	seq.s32 s11, $0x3  }
0x4a: {  	s6 =	simm.s32 @p1 $0xA  }
0x4b: {  	p2 =	sgt.u32 @p1 s10, $0x8F;
	_ =	swait.ge @p1 [sflag:s6], $0x4000  }
0x4c: {  	p2 =	por p2, !p1;
	[sflag:s6] =	ssyncset.done @p1 $0x0  }
0x4d: {  	[sflag:s6] =	ssyncadd.s32 @p1 $0xFFFFC000;
	s6 =	simm.s32 @!p2 $0x0  }
0x4e: {  	[tilespmem:s6], [sflag:$0x1] =	stream.linear.gather @!p2 [hbm4b:s12+s6], $0x100, $0x38;
	[tilespmem:$0x1FF00] =	vst v63  }
0x4f: {  	s6 =	simm.s32 @p1 $0x4  }
0x50: {  	_ =	swait.ge @p1 [sflag:s6], $0x100  }
0x51: {  	s9 =	simm.s32 @p1 $0x300;
	[sflag:s6] =	ssyncset.done @p1 $0x0  }
0x52: {  	s18 =	simm.s32 @p1 $0x600;
	[sflag:s6] =	ssyncadd.s32 @p1 $0xFFFFFF00;
	s6 =	simm.s32 @p1 $0x80  }
0x53: {  	[tilespmem:s18], [sflag:$0x7] =	stream.indirect.gather @p1 [hbm4b:s5+s6], $0x80, s9, s6, $0xb8;
	[tilespmem:$0x1FF00] =	vst v63  }
0x54: {  	s9 =	simm.s32 @p1 $0x9  }
0x55: {  	p2 =	seq.s32 @!p1 s11, $0x4;
	_ =	swait.ge @p1 [sflag:s9], $0x4000  }
0x56: {  	p3 =	por !p2, p1;
	[sflag:s9] =	ssyncset.done @p1 $0x0  }
0x57: {  	s18 =	simm.s32 @p1 $0x8600;
	[sflag:s9] =	ssyncadd.s32 @p1 $0xFFFFC000;
	s9 =	simm.s32 @p1 $0x280  }
0x58: {  	[spmem:s2] =	stream.indirect.scatter.add.f32 @p1 [tilespmem:s18], [sflag:$0xC], $0x80, s9, s6, $0xb8;
	[tilespmem:$0x1FF00] =	vst v63  }
0x59: {  	p4 =	sgt.u32 @!p3 s10, $0x8F;
	s6 =	simm.s32 @!p3 $0xB  }
0x5a: {  	p4 =	por @!p1 p4, !p2;
	_ =	swait.ge @!p3 [sflag:s6], $0x4000  }
0x5b: {  	p4 =	por p4, p1;
	[sflag:s6] =	ssyncset.done @!p3 $0x0  }
0x5c: {  	s9 =	simm.s32 @!p4 $0x100;
	[sflag:s6] =	ssyncadd.s32 @!p3 $0xFFFFC000;
	s6 =	simm.s32 @!p4 $0x0  }
0x5d: {  	[tilespmem:s9], [sflag:$0x2] =	stream.linear.gather @!p4 [hbm4b:s12+s6], $0x100, $0x38;
	[tilespmem:$0x1FF00] =	vst v63  }
0x5e: {  	s6 =	simm.s32 @!p3 $0x5  }
0x5f: {  	_ =	swait.ge @!p3 [sflag:s6], $0x100  }
0x60: {  	s11 =	simm.s32 @!p3 $0x4600;
	[sflag:s6] =	ssyncset.done @!p3 $0x0  }
0x61: {  	s9 =	simm.s32 @!p3 $0x400;
	[sflag:s6] =	ssyncadd.s32 @!p3 $0xFFFFFF00;
	s6 =	simm.s32 @!p3 $0x80  }
0x62: {  	[tilespmem:s11], [sflag:$0x8] =	stream.indirect.gather @!p3 [hbm4b:s5+s6], $0x80, s9, s6, $0xb8;
	[tilespmem:$0x1FF00] =	vst v63  }
0x63: {  	s9 =	simm.s32 @!p3 $0x7  }
0x64: {  	_ =	swait.ge @!p3 [sflag:s9], $0x4000  }
0x65: {  	[sflag:s9] =	ssyncset.done @!p3 $0x0  }
0x66: {  	s11 =	simm.s32 @!p3 $0x600;
	[sflag:s9] =	ssyncadd.s32 @!p3 $0xFFFFC000;
	s9 =	simm.s32 @!p3 $0x380  }
0x67: {  	[spmem:s2] =	stream.indirect.scatter.add.f32 @!p3 [tilespmem:s11], [sflag:$0xA], $0x80, s9, s6, $0xb8;
	[tilespmem:$0x1FF00] =	vst v63  }
0x68: {  	p3 =	por p2, p1  }
0x69: {  	s6 =	simm.s32 @!p3 $0xC;
	p4 =	sgt.u32 @!p3 s10, $0x8F  }
0x6a: {  	_ =	swait.ge @!p3 [sflag:s6], $0x4000;
	p2 =	por @!p1 p4, p2  }
0x6b: {  	[sflag:s6] =	ssyncset.done @!p3 $0x0;
	p1 =	por p2, p1  }
0x6c: {  	[sflag:s6] =	ssyncadd.s32 @!p3 $0xFFFFC000;
	s6 =	simm.s32 @!p1 $0x0;
	s9 =	simm.s32 @!p1 $0x200  }
0x6d: {  	[tilespmem:s9], [sflag:$0x3] =	stream.linear.gather @!p1 [hbm4b:s12+s6], $0x100, $0x38;
	[tilespmem:$0x1FF00] =	vst v63  }
0x6e: {  	s6 =	simm.s32 @!p3 $0x6  }
0x6f: {  	_ =	swait.ge @!p3 [sflag:s6], $0x100  }
0x70: {  	s11 =	simm.s32 @!p3 $0x8600;
	[sflag:s6] =	ssyncset.done @!p3 $0x0  }
0x71: {  	s9 =	simm.s32 @!p3 $0x500;
	[sflag:s6] =	ssyncadd.s32 @!p3 $0xFFFFFF00;
	s6 =	simm.s32 @!p3 $0x80  }
0x72: {  	[tilespmem:s11], [sflag:$0x9] =	stream.indirect.gather @!p3 [hbm4b:s5+s6], $0x80, s9, s6, $0xb8;
	[tilespmem:$0x1FF00] =	vst v63  }
0x73: {  	s9 =	simm.s32 @!p3 $0x8  }
0x74: {  	_ =	swait.ge @!p3 [sflag:s9], $0x4000  }
0x75: {  	[sflag:s9] =	ssyncset.done @!p3 $0x0  }
0x76: {  	s11 =	simm.s32 @!p3 $0x4600;
	[sflag:s9] =	ssyncadd.s32 @!p3 $0xFFFFC000;
	s9 =	simm.s32 @!p3 $0x480  }
0x77: {  	[spmem:s2] =	stream.indirect.scatter.add.f32 @!p3 [tilespmem:s11], [sflag:$0xB], $0x80, s9, s6, $0xb8;
	[tilespmem:$0x1FF00] =	vst v63  }
.LBB2_9:
0x78: {  	s10 =	sadd.s32 $0x1, s10  }
0x79: {  	p1 =	sne.s32 s10, $0x93  }
.Ltmp3:
0x7a: {  	_ = 	snop;
	(pc) =	sbr.rel @!p1 .LBB2_10-.Ltmp3, $2  }
0x7b: {  	_ =	sdelay $0x2  }
0x7c: {  	s12 =	sadd.s32 $0x20, s12  }
.LBB2_2:
0x7d: {  	s11 =	smul.u32 $0xAB, s10;
	_ =	sdelay $0x1  }
0x7e: {  	s11 =	sshrl.u32 s11, $0xA  }
0x7f: {  	s11 =	sand.u32 $0x3F, s11  }
0x80: {  	s11 =	smul.u32 $0x6, s11;
	_ =	sdelay $0x1  }
0x81: {  	s11 =	ssub.s32 s10, s11  }
0x82: {  	s11 =	sand.u32 $0xFF, s11  }
0x83: {  	p1 =	sgt.s32 s11, $0x2  }
.Ltmp4:
0x84: {  	_ = 	snop;
	(pc) =	sbr.rel @p1 .LBB2_6-.Ltmp4, $1  }
0x85: {  	_ =	sdelay $0x3  }
0x86: {  	p3 =	seq.s32 s11, $0x0  }
.Ltmp5:
0x87: {  	_ = 	snop;
	(pc) =	sbr.rel @p3 .LBB2_7-.Ltmp5, $3  }
0x88: {  	_ =	sdelay $0x1  }
0x89: {  	p1 =	slt.u32 s10, $0x3  }
0x8a: {  	p2 =	sgt.u32 @!p1 s10, $0x8F  }
0x8b: {  	p3 =	seq.s32 s11, $0x1  }
.Ltmp6:
0x8c: {  	_ = 	snop;
	(pc) =	sbr.rel @!p3 .LBB2_8-.Ltmp6, $1  }
0x8d: {  	_ =	sdelay $0x3  }
0x8e: {  	s6 =	simm.s32 @!p1 $0xB  }
0x8f: {  	_ =	swait.ge @!p1 [sflag:s6], $0x4000  }
0x90: {  	[sflag:s6] =	ssyncset.done @!p1 $0x0  }
0x91: {  	p2 =	por p1, !p2;
	[sflag:s6] =	ssyncadd.s32 @!p1 $0xFFFFC000  }
0x92: {  	[tilespmem:s22], [sflag:$0x5] =	stream.linear.gather @p2 [hbm4b:s12+s4], $0x100, $0x38;
	[tilespmem:$0x1FF00] =	vst v63  }
0x93: {  	_ =	swait.ge [sflag:s23], $0x100  }
0x94: {  	[sflag:s23] =	ssyncset.done $0x0  }
0x95: {  	[sflag:s23] =	ssyncadd.s32 $0xFFFFFF00  }
0x96: {  	[tilespmem:s24], [sflag:$0x8] =	stream.indirect.gather [hbm4b:s5+s20], $0x80, s16, s20, $0xb8;
	[tilespmem:$0x1FF00] =	vst v63  }
.Ltmp7:
0x97: {  	_ = 	snop;
	(pc) =	sbr.rel .LBB2_9-.Ltmp7, $4  }
0x98: {  	_ =	swait.ge [sflag:s25], $0x4000  }
0x99: {  	[sflag:s25] =	ssyncset.done $0x0  }
0x9a: {  	[sflag:s25] =	ssyncadd.s32 $0xFFFFC000  }
0x9b: {  	[spmem:s2] =	stream.indirect.scatter.add.f32 [tilespmem:s21], [sflag:$0xA], $0x80, s20, s20, $0xb8;
	[tilespmem:$0x1FF00] =	vst v63  }
.LBB2_7:
0x9c: {  	s6 =	simm.s32 @!p1 $0xA  }
0x9d: {  	_ =	swait.ge @!p1 [sflag:s6], $0x4000  }
0x9e: {  	p2 =	por p1, !p2;
	[sflag:s6] =	ssyncset.done @!p1 $0x0  }
0x9f: {  	[sflag:s6] =	ssyncadd.s32 @!p1 $0xFFFFC000;
	s6 =	simm.s32 @p2 $0x300  }
0xa0: {  	[tilespmem:s6], [sflag:$0x4] =	stream.linear.gather @p2 [hbm4b:s12+s4], $0x100, $0x38;
	[tilespmem:$0x1FF00] =	vst v63  }
0xa1: {  	_ =	swait.ge [sflag:s19], $0x100  }
0xa2: {  	[sflag:s19] =	ssyncset.done $0x0  }
0xa3: {  	p1 =	seq.s32 s10, $0x0;
	[sflag:s19] =	ssyncadd.s32 $0xFFFFFF00  }
0xa4: {  	[tilespmem:s21], [sflag:$0x7] =	stream.indirect.gather [hbm4b:s5+s20], $0x80, s4, s20, $0xb8;
	[tilespmem:$0x1FF00] =	vst v63  }
.Ltmp8:
0xa5: {  	s6 =	simm.s32 @!p1 $0x9;
	(pc) =	sbr.rel .LBB2_9-.Ltmp8, $4  }
0xa6: {  	_ =	swait.ge @!p1 [sflag:s6], $0x4000  }
0xa7: {  	s9 =	simm.s32 @!p1 $0x580;
	[sflag:s6] =	ssyncset.done @!p1 $0x0  }
0xa8: {  	s11 =	simm.s32 @!p1 $0x8600;
	[sflag:s6] =	ssyncadd.s32 @!p1 $0xFFFFC000;
	s6 =	simm.s32 @!p1 $0x80  }
0xa9: {  	[spmem:s2] =	stream.indirect.scatter.add.f32 @!p1 [tilespmem:s11], [sflag:$0xC], $0x80, s9, s6, $0xb8;
	[tilespmem:$0x1FF00] =	vst v63  }
.LBB2_8:
0xaa: {  	s6 =	simm.s32 @!p1 $0xC  }
0xab: {  	_ =	swait.ge @!p1 [sflag:s6], $0x4000  }
0xac: {  	[sflag:s6] =	ssyncset.done @!p1 $0x0  }
0xad: {  	p2 =	por p1, !p2;
	[sflag:s6] =	ssyncadd.s32 @!p1 $0xFFFFC000  }
0xae: {  	[tilespmem:s26], [sflag:$0x6] =	stream.linear.gather @p2 [hbm4b:s12+s4], $0x100, $0x38;
	[tilespmem:$0x1FF00] =	vst v63  }
0xaf: {  	_ =	swait.ge [sflag:s28], $0x100  }
0xb0: {  	[sflag:s28] =	ssyncset.done $0x0  }
0xb1: {  	[sflag:s28] =	ssyncadd.s32 $0xFFFFFF00  }
0xb2: {  	[tilespmem:s29], [sflag:$0x9] =	stream.indirect.gather [hbm4b:s5+s20], $0x80, s17, s20, $0xb8;
	[tilespmem:$0x1FF00] =	vst v63  }
.Ltmp9:
0xb3: {  	_ = 	snop;
	(pc) =	sbr.rel .LBB2_9-.Ltmp9, $4  }
0xb4: {  	_ =	swait.ge [sflag:s30], $0x4000  }
0xb5: {  	[sflag:s30] =	ssyncset.done $0x0  }
0xb6: {  	[sflag:s30] =	ssyncadd.s32 $0xFFFFC000  }
0xb7: {  	[spmem:s2] =	stream.indirect.scatter.add.f32 [tilespmem:s24], [sflag:$0xB], $0x80, s31, s20, $0xb8;
	[tilespmem:$0x1FF00] =	vst v63  }
.LBB2_11:
0xb8: {  	_ =	sfence.sel $0x180000  }
0xb9: {  	[bflag:$0x0] =	sbarrier.arrive $0xFFFF  }
0xba: {  	_ =	strace $0x9000004A  }
0xbb: {  	s0 =	stileid.u32;
	[bflag:$0x2] =	sbarrier.arrive $0xFFFF  }
0xbc: {  	p0 =	sne.s32 s0, $0x0;
	s0 =	rddreg [dreg:$0x4]  }
0xbd: {  	s0 =	sadd.s32 @!p0 $0x100000, s0  }
0xbe: {  	[sflag:s0] =	ssyncadd.tile.s32 @!p0 $0x1;
	_ =	shalt  }
.Lfunc_end2:
_tile_overlayer_lowered:
.L_overlay_start_2:
0xbf: {  	(tag) =	ssettag $0x2  }
0xc0: {  	s0 =	rddreg [dreg:$0x0];
	s2 =	stileid.u32  }
0xc1: {  	s1 =	rddreg [dreg:$0x1];
	p0 =	sne.s32 s2, $0x0  }
0xc2: {  	s3 =	rddreg [dreg:$0x2];
	[bflag:$0x3] =	sbarrier.arrive $0xFFFF;
	s2 =	simm.s32 @!p0 $0x1C0D  }
0xc3: {  	[timem:s3], [sflag:s2] =	dma.local @!p0 [hbm:s0], s1  }
0xc4: {  	s0 =	simm.s32 @!p0 $0xD  }
0xc5: {  	_ =	swait.ge @!p0 [sflag:s0], s1  }
0xc6: {  	s1 =	ssub.s32 @!p0 $0x0, s1;
	[sflag:s0] =	ssyncset.done @!p0 $0x0  }
0xc7: {  	[sflag:s0] =	ssyncadd.s32 @!p0 s1  }
0xc8: {  	[bflag:$0x3] =	sbarrier.arrive $0xFFFF  }
0xc9: {  	_ =	shalt  }

</sc_bundles>
